<compile_context>
chip_gen: v7x
topology: tpu7x:2x2x1
jax: 0.10.2.dev20260603
libtpu: 0.0.44.dev20260713+nightly
codegen_flags: <defaults>
</compile_context>

<pallas_src>
import functools

import jax
import jax.numpy as jnp
from jax import lax
from jax.experimental import pallas as pl
from jax.experimental.pallas import tpu as pltpu
from jax.experimental.pallas import tpu_sc as plsc

_D = 64
_NW = 32
_NBUF = 2


def _body(nb, seq, idx_hbm, expr_hbm, table_hbm, out_hbm, idx_v, expr_v,
          g0, g1, s0, s1, gsem0, gsem1, ssem0, ssem1):
  nc = plsc.get_sparse_core_info().num_cores
  wid = lax.axis_index("s") * nc + lax.axis_index("c")
  base = wid * nb

  gbuf = (g0, g1)
  sbuf = (s0, s1)
  gsem = (gsem0, gsem1)
  ssem = (ssem0, ssem1)

  pltpu.sync_copy(idx_hbm.at[pl.ds(base * seq, nb * seq)], idx_v)
  pltpu.sync_copy(expr_hbm.at[pl.ds(base, nb)], expr_v)

  _SP = 104
  def gathers(i, b):
    return (
        pltpu.make_async_copy(table_hbm.at[idx_v.at[pl.ds(i * seq, _SP)]],
                              gbuf[b].at[pl.ds(0, _SP)], gsem[b]),
        pltpu.make_async_copy(
            table_hbm.at[idx_v.at[pl.ds(i * seq + _SP, seq - _SP)]],
            gbuf[b].at[pl.ds(_SP, seq - _SP)], gsem[b]),
    )

  def scatter(i, b):
    return pltpu.make_async_copy(sbuf[b], out_hbm.at[base + i], ssem[b])

  def start_gathers(i, b):
    for c in gathers(i, b):
      c.start()

  def wait_gathers(i, b):
    for c in gathers(i, b):
      c.wait()

  for b in range(_NBUF):
    start_gathers(b, b)

  n_full = seq // 16
  tail = seq - n_full * 16
  tail_base = seq - 16

  def pack_rows(i, b):
    def group_body(g, _):
      ev = expr_v[i, pl.ds(g * 16, 16)]
      for r in range(16):
        e = ev[r]
        rr = g * 16 + r
        dr = g * 8 + r // 2
        for k in range(_D // 16):
          dl = pl.ds((r % 2) * _D + k * 16, 16)
          sbuf[b][dr, dl] = gbuf[b][rr, pl.ds(k * 16, 16)] * e
      return 0

    lax.fori_loop(0, n_full, group_body, 0)

    ev = expr_v[i, pl.ds(tail_base, 16)]
    for r in range(16 - tail, 16):
      e = ev[r]
      rr = tail_base + r
      dr = rr // 2
      for k in range(_D // 16):
        dl = pl.ds((r % 2) * _D + k * 16, 16)
        sbuf[b][dr, dl] = gbuf[b][rr, pl.ds(k * 16, 16)] * e

  def outer(io):
    for b in range(_NBUF):
      i = io + b
      wait_gathers(i, b)

      @pl.when(i >= _NBUF)
      def _():
        scatter(i - _NBUF, b).wait()

      pack_rows(i, b)
      scatter(i, b).start()

      @pl.when(i + _NBUF < nb)
      def _():
        start_gathers(i + _NBUF, b)

  pl.loop(0, nb, step=_NBUF)(outer)

  for b in range(_NBUF):
    scatter(nb - _NBUF + b, b).wait()


def kernel(gene_indices, expression_values, embedding_table):
  bsz, seq = gene_indices.shape
  assert bsz % _NW == 0 and seq == 200
  nb = bsz // _NW

  mesh = plsc.VectorSubcoreMesh(core_axis_name="c", subcore_axis_name="s")
  inter = pl.kernel(
      functools.partial(_body, nb, seq),
      out_type=jax.ShapeDtypeStruct((bsz, seq // 2, 2 * _D), jnp.float32),
      mesh=mesh,
      compiler_params=pltpu.CompilerParams(use_tc_tiling_on_sc=False),
      scratch_types=[
          pltpu.VMEM((nb * seq,), jnp.int32),
          pltpu.VMEM((nb, seq), jnp.float32),
      ] + [pltpu.VMEM((seq, _D), jnp.float32)] * _NBUF
        + [pltpu.VMEM((seq // 2, 2 * _D), jnp.float32)] * _NBUF
        + [pltpu.SemaphoreType.DMA] * (2 * _NBUF),
  )(gene_indices.astype(jnp.int32).reshape(-1), expression_values,
    embedding_table)

  return inter.reshape(bsz, seq, _D)

# --- scband reference (transcript-rebuilt; emitter-appended) ---
"""Pipeline reference for scband-gene-embedding-layer-2559800508631 (READ-ONLY COPY).

The authoritative reference and input builder live on the scoring server;
editing this copy changes nothing except your own understanding.
"""

import jax, jax.numpy as jnp
import numpy as np

N_GENES = 100000
D_EMBED = 64
BATCH = 4096
SEQ = 200


def setup_inputs(seed: int = 0) -> dict:
    key = jax.random.key(seed)
    k1, k2, k3 = jax.random.split(key, 3)
    gene_indices = jax.random.randint(k1, (BATCH, SEQ), 0, N_GENES, dtype=jnp.int64 if jax.config.read('jax_enable_x64') else jnp.int32)
    expression_values = jax.random.uniform(k2, (BATCH, SEQ), dtype=jnp.float32)
    # embedding table parameter (nn.Embedding default init ~ N(0,1))
    embedding_table = jax.random.normal(k3, (N_GENES, D_EMBED), dtype=jnp.float32)
    return {
        'gene_indices': gene_indices,
        'expression_values': expression_values,
        'embedding_table': embedding_table,
    }


def reference(gene_indices, expression_values, embedding_table):
    # embedding lookup (gather)
    gene_embeddings = jnp.take(embedding_table, gene_indices, axis=0)  # [B, S, D]
    # modulate by scalar expression per gene
    modulated = gene_embeddings * expression_values[..., None]
    return modulated

if __name__ == "__main__":
    import jax
    _d = setup_inputs()
    print(jax.jit(kernel)(*tuple(_d.values())))

</pallas_src>

<mosaic_0001>
#map = affine_map<(d0, d1) -> (0)>
#map1 = affine_map<(d0, d1) -> (0, 0)>
#map2 = affine_map<(d0, d1) -> (0, 0, 0)>
module attributes {stable_mosaic.version = 14 : i64} {
  func.func @_body(%arg0: i32, %arg1: i32, %arg2: memref<819200xi32, #tpu.memory_space<hbm>>, %arg3: memref<4096x200xf32, #tpu.memory_space<hbm>>, %arg4: memref<100000x64xf32, #tpu.memory_space<hbm>>, %arg5: memref<4096x100x128xf32, #tpu.memory_space<hbm>>, %arg6: memref<25600xi32, #tpu.memory_space<vmem>>, %arg7: memref<128x200xf32, #tpu.memory_space<vmem>>, %arg8: memref<200x64xf32, #tpu.memory_space<vmem>>, %arg9: memref<200x64xf32, #tpu.memory_space<vmem>>, %arg10: memref<100x128xf32, #tpu.memory_space<vmem>>, %arg11: memref<100x128xf32, #tpu.memory_space<vmem>>, %arg12: memref<!tpu.dma_semaphore, #tpu.memory_space<semaphore_mem>>, %arg13: memref<!tpu.dma_semaphore, #tpu.memory_space<semaphore_mem>>, %arg14: memref<!tpu.dma_semaphore, #tpu.memory_space<semaphore_mem>>, %arg15: memref<!tpu.dma_semaphore, #tpu.memory_space<semaphore_mem>>) attributes {dimension_semantics = [#tpu.dimension_semantics<core_parallel>, #tpu.dimension_semantics<subcore_parallel>], iteration_bounds = array<i64: 2, 16>, scalar_prefetch = 0 : i64, scratch_operands = 10 : i64, tpu.core_type = #tpu.core_type<sc_vector_subcore>, window_params = [{transform_indices = #map}, {transform_indices = #map1}, {transform_indices = #map1}, {transform_indices = #map2}]} {
    %mul3A = arith.constant 2 : i32
    %mul3A_0 = arith.muli %arg1, %mul3A : i32
    %add3A = arith.addi %mul3A_0, %arg0 : i32
    %mul3A_1 = arith.constant 128 : i32
    %mul3A_2 = arith.muli %add3A, %mul3A_1 : i32
    %mul3A_3 = arith.constant 200 : i32
    %mul3A_4 = arith.muli %mul3A_2, %mul3A_3 : i32
    "tpu.region"() ({
      %run_scoped3A = tpu.sem_alloc : memref<!tpu.dma_semaphore, #tpu.memory_space<semaphore_mem>>
      %dma_start3A_59 = tpu.memref_slice %arg2[%mul3A_4] : memref<819200xi32, #tpu.memory_space<hbm>> -> memref<25600xi32, #tpu.memory_space<hbm>>
      %dma_start3A_60 = tpu.memref_slice %arg2[%mul3A_4] : memref<819200xi32, #tpu.memory_space<hbm>> -> memref<25600xi32, #tpu.memory_space<hbm>>
      tpu.enqueue_dma source(%dma_start3A_60 : memref<25600xi32, #tpu.memory_space<hbm>>) target(%arg6 : memref<25600xi32, #tpu.memory_space<vmem>>) target_semaphore(%run_scoped3A : memref<!tpu.dma_semaphore, #tpu.memory_space<semaphore_mem>>)
      %dma_wait3A_61 = tpu.memref_slice %arg2[%mul3A_4] : memref<819200xi32, #tpu.memory_space<hbm>> -> memref<25600xi32, #tpu.memory_space<hbm>>
      %dma_wait3A_62 = tpu.memref_slice %arg2[%mul3A_4] : memref<819200xi32, #tpu.memory_space<hbm>> -> memref<25600xi32, #tpu.memory_space<hbm>>
      tpu.wait_dma2 semaphore(%run_scoped3A : memref<!tpu.dma_semaphore, #tpu.memory_space<semaphore_mem>>) src(%dma_wait3A_62 : memref<25600xi32, #tpu.memory_space<hbm>>) dst(%arg6 : memref<25600xi32, #tpu.memory_space<vmem>>)
      tpu.yield
    }) : () -> ()
    "tpu.region"() ({
      %run_scoped3A = tpu.sem_alloc : memref<!tpu.dma_semaphore, #tpu.memory_space<semaphore_mem>>
      %dma_start3A_59 = arith.constant 0 : i32
      %dma_start3A_60 = tpu.memref_slice %arg3[%mul3A_2, %dma_start3A_59] : memref<4096x200xf32, #tpu.memory_space<hbm>> -> memref<128x200xf32, #tpu.memory_space<hbm>>
      %dma_start3A_61 = arith.constant 0 : i32
      %dma_start3A_62 = tpu.memref_slice %arg3[%mul3A_2, %dma_start3A_61] : memref<4096x200xf32, #tpu.memory_space<hbm>> -> memref<128x200xf32, #tpu.memory_space<hbm>>
      tpu.enqueue_dma source(%dma_start3A_62 : memref<128x200xf32, #tpu.memory_space<hbm>>) target(%arg7 : memref<128x200xf32, #tpu.memory_space<vmem>>) target_semaphore(%run_scoped3A : memref<!tpu.dma_semaphore, #tpu.memory_space<semaphore_mem>>)
      %dma_wait3A_63 = arith.constant 0 : i32
      %dma_wait3A_64 = tpu.memref_slice %arg3[%mul3A_2, %dma_wait3A_63] : memref<4096x200xf32, #tpu.memory_space<hbm>> -> memref<128x200xf32, #tpu.memory_space<hbm>>
      %dma_wait3A_65 = arith.constant 0 : i32
      %dma_wait3A_66 = tpu.memref_slice %arg3[%mul3A_2, %dma_wait3A_65] : memref<4096x200xf32, #tpu.memory_space<hbm>> -> memref<128x200xf32, #tpu.memory_space<hbm>>
      tpu.wait_dma2 semaphore(%run_scoped3A : memref<!tpu.dma_semaphore, #tpu.memory_space<semaphore_mem>>) src(%dma_wait3A_66 : memref<128x200xf32, #tpu.memory_space<hbm>>) dst(%arg7 : memref<128x200xf32, #tpu.memory_space<vmem>>)
      tpu.yield
    }) : () -> ()
    %dma_start3A = arith.constant 0 : i32
    %dma_start3A_5 = arith.constant 0 : i32
    %dma_start3A_6 = tpu.memref_slice %arg8[%dma_start3A, %dma_start3A_5] : memref<200x64xf32, #tpu.memory_space<vmem>> -> memref<104x64xf32, #tpu.memory_space<vmem>>
    %dma_start3A_7 = arith.constant 0 : i32
    %dma_start3A_8 = tpu.memref_slice %arg6[%dma_start3A_7] : memref<25600xi32, #tpu.memory_space<vmem>> -> memref<104xi32, #tpu.memory_space<vmem>>
    %dma_start3A_9 = arith.constant 0 : i32
    %dma_start3A_10 = arith.constant 0 : i32
    %dma_start3A_11 = tpu.memref_slice %arg4[%dma_start3A_9, %dma_start3A_10] : memref<100000x64xf32, #tpu.memory_space<hbm>> -> memref<100000x64xf32, #tpu.memory_space<hbm>>
    tpu.enqueue_indirect_dma source(%dma_start3A_11 : memref<100000x64xf32, #tpu.memory_space<hbm>>) target(%dma_start3A_6 : memref<104x64xf32, #tpu.memory_space<vmem>>) offsets(%dma_start3A_8 : memref<104xi32, #tpu.memory_space<vmem>>) semaphore(%arg12 : memref<!tpu.dma_semaphore, #tpu.memory_space<semaphore_mem>>)
    %dma_start3A_12 = arith.constant 104 : i32
    %dma_start3A_13 = arith.constant 0 : i32
    %dma_start3A_14 = tpu.memref_slice %arg8[%dma_start3A_12, %dma_start3A_13] : memref<200x64xf32, #tpu.memory_space<vmem>> -> memref<96x64xf32, #tpu.memory_space<vmem>>
    %dma_start3A_15 = arith.constant 104 : i32
    %dma_start3A_16 = tpu.memref_slice %arg6[%dma_start3A_15] : memref<25600xi32, #tpu.memory_space<vmem>> -> memref<96xi32, #tpu.memory_space<vmem>>
    %dma_start3A_17 = arith.constant 0 : i32
    %dma_start3A_18 = arith.constant 0 : i32
    %dma_start3A_19 = tpu.memref_slice %arg4[%dma_start3A_17, %dma_start3A_18] : memref<100000x64xf32, #tpu.memory_space<hbm>> -> memref<100000x64xf32, #tpu.memory_space<hbm>>
    tpu.enqueue_indirect_dma source(%dma_start3A_19 : memref<100000x64xf32, #tpu.memory_space<hbm>>) target(%dma_start3A_14 : memref<96x64xf32, #tpu.memory_space<vmem>>) offsets(%dma_start3A_16 : memref<96xi32, #tpu.memory_space<vmem>>) semaphore(%arg12 : memref<!tpu.dma_semaphore, #tpu.memory_space<semaphore_mem>>)
    %dma_start3A_20 = arith.constant 0 : i32
    %dma_start3A_21 = arith.constant 0 : i32
    %dma_start3A_22 = tpu.memref_slice %arg9[%dma_start3A_20, %dma_start3A_21] : memref<200x64xf32, #tpu.memory_space<vmem>> -> memref<104x64xf32, #tpu.memory_space<vmem>>
    %dma_start3A_23 = arith.constant 200 : i32
    %dma_start3A_24 = tpu.memref_slice %arg6[%dma_start3A_23] : memref<25600xi32, #tpu.memory_space<vmem>> -> memref<104xi32, #tpu.memory_space<vmem>>
    %dma_start3A_25 = arith.constant 0 : i32
    %dma_start3A_26 = arith.constant 0 : i32
    %dma_start3A_27 = tpu.memref_slice %arg4[%dma_start3A_25, %dma_start3A_26] : memref<100000x64xf32, #tpu.memory_space<hbm>> -> memref<100000x64xf32, #tpu.memory_space<hbm>>
    tpu.enqueue_indirect_dma source(%dma_start3A_27 : memref<100000x64xf32, #tpu.memory_space<hbm>>) target(%dma_start3A_22 : memref<104x64xf32, #tpu.memory_space<vmem>>) offsets(%dma_start3A_24 : memref<104xi32, #tpu.memory_space<vmem>>) semaphore(%arg13 : memref<!tpu.dma_semaphore, #tpu.memory_space<semaphore_mem>>)
    %dma_start3A_28 = arith.constant 104 : i32
    %dma_start3A_29 = arith.constant 0 : i32
    %dma_start3A_30 = tpu.memref_slice %arg9[%dma_start3A_28, %dma_start3A_29] : memref<200x64xf32, #tpu.memory_space<vmem>> -> memref<96x64xf32, #tpu.memory_space<vmem>>
    %dma_start3A_31 = arith.constant 304 : i32
    %dma_start3A_32 = tpu.memref_slice %arg6[%dma_start3A_31] : memref<25600xi32, #tpu.memory_space<vmem>> -> memref<96xi32, #tpu.memory_space<vmem>>
    %dma_start3A_33 = arith.constant 0 : i32
    %dma_start3A_34 = arith.constant 0 : i32
    %dma_start3A_35 = tpu.memref_slice %arg4[%dma_start3A_33, %dma_start3A_34] : memref<100000x64xf32, #tpu.memory_space<hbm>> -> memref<100000x64xf32, #tpu.memory_space<hbm>>
    tpu.enqueue_indirect_dma source(%dma_start3A_35 : memref<100000x64xf32, #tpu.memory_space<hbm>>) target(%dma_start3A_30 : memref<96x64xf32, #tpu.memory_space<vmem>>) offsets(%dma_start3A_32 : memref<96xi32, #tpu.memory_space<vmem>>) semaphore(%arg13 : memref<!tpu.dma_semaphore, #tpu.memory_space<semaphore_mem>>)
    %scan3A = arith.constant 0 : i32
    %scan3A_36 = arith.constant 64 : i32
    %scan3A_37 = arith.addi %scan3A, %scan3A_36 : i32
    %scan3A_38 = arith.constant 1 : i32
    scf.for %scan3A_59 = %scan3A to %scan3A_37 step %scan3A_38  : i32 {
      %mul3A_60 = arith.constant 2 : i32
      %mul3A_61 = arith.muli %scan3A_59, %mul3A_60 : i32
      %add3A_62 = arith.constant 0 : i32
      %add3A_63 = arith.addi %add3A_62, %mul3A_61 : i32
      %add3A_64 = arith.constant 0 : i32
      %add3A_65 = arith.addi %add3A_63, %add3A_64 : i32
      %mul3A_66 = arith.constant 200 : i32
      %mul3A_67 = arith.muli %add3A_65, %mul3A_66 : i32
      %mul3A_68 = arith.constant 200 : i32
      %mul3A_69 = arith.muli %add3A_65, %mul3A_68 : i32
      %add3A_70 = arith.constant 104 : i32
      %add3A_71 = arith.addi %mul3A_69, %add3A_70 : i32
      %dma_wait3A_72 = arith.constant 0 : i32
      %dma_wait3A_73 = arith.constant 0 : i32
      %dma_wait3A_74 = tpu.memref_slice %arg8[%dma_wait3A_72, %dma_wait3A_73] : memref<200x64xf32, #tpu.memory_space<vmem>> -> memref<104x64xf32, #tpu.memory_space<vmem>>
      %dma_wait3A_75 = tpu.memref_slice %arg6[%mul3A_67] : memref<25600xi32, #tpu.memory_space<vmem>> -> memref<104xi32, #tpu.memory_space<vmem>>
      %dma_wait3A_76 = arith.constant 0 : i32
      %dma_wait3A_77 = arith.constant 0 : i32
      %dma_wait3A_78 = tpu.memref_slice %arg4[%dma_wait3A_76, %dma_wait3A_77] : memref<100000x64xf32, #tpu.memory_space<hbm>> -> memref<100000x64xf32, #tpu.memory_space<hbm>>
      tpu.wait_indirect_dma semaphore(%arg12 : memref<!tpu.dma_semaphore, #tpu.memory_space<semaphore_mem>>) src(%dma_wait3A_78 : memref<100000x64xf32, #tpu.memory_space<hbm>>) dst(%dma_wait3A_74 : memref<104x64xf32, #tpu.memory_space<vmem>>)
      %dma_wait3A_79 = arith.constant 104 : i32
      %dma_wait3A_80 = arith.constant 0 : i32
      %dma_wait3A_81 = tpu.memref_slice %arg8[%dma_wait3A_79, %dma_wait3A_80] : memref<200x64xf32, #tpu.memory_space<vmem>> -> memref<96x64xf32, #tpu.memory_space<vmem>>
      %dma_wait3A_82 = tpu.memref_slice %arg6[%add3A_71] : memref<25600xi32, #tpu.memory_space<vmem>> -> memref<96xi32, #tpu.memory_space<vmem>>
      %dma_wait3A_83 = arith.constant 0 : i32
      %dma_wait3A_84 = arith.constant 0 : i32
      %dma_wait3A_85 = tpu.memref_slice %arg4[%dma_wait3A_83, %dma_wait3A_84] : memref<100000x64xf32, #tpu.memory_space<hbm>> -> memref<100000x64xf32, #tpu.memory_space<hbm>>
      tpu.wait_indirect_dma semaphore(%arg12 : memref<!tpu.dma_semaphore, #tpu.memory_space<semaphore_mem>>) src(%dma_wait3A_85 : memref<100000x64xf32, #tpu.memory_space<hbm>>) dst(%dma_wait3A_81 : memref<96x64xf32, #tpu.memory_space<vmem>>)
      %ge3A = arith.constant 2 : i32
      %ge3A_86 = arith.cmpi sge, %add3A_65, %ge3A : i32
      %convert_element_type3A = arith.extui %ge3A_86 : i1 to i32
      %cond3A = arith.constant 0 : i32
      %cond3A_87 = arith.cmpi ne, %convert_element_type3A, %cond3A : i32
      scf.if %cond3A_87 {
        %sub3A = arith.constant 2 : i32
        %sub3A_1028 = arith.subi %add3A_65, %sub3A : i32
        %add3A_1029 = arith.addi %mul3A_2, %sub3A_1028 : i32
        %dma_wait3A_1030 = arith.constant 0 : i32
        %dma_wait3A_1031 = arith.constant 0 : i32
        %dma_wait3A_1032 = tpu.memref_slice %arg5[%add3A_1029, %dma_wait3A_1030, %dma_wait3A_1031] : memref<4096x100x128xf32, #tpu.memory_space<hbm>> -> memref<1x100x128xf32, #tpu.memory_space<hbm>>
        %dma_wait3A_1033 = tpu.memref_squeeze %dma_wait3A_1032 : memref<1x100x128xf32, #tpu.memory_space<hbm>> -> memref<100x128xf32, #tpu.memory_space<hbm>>
        %dma_wait3A_1034 = arith.constant 0 : i32
        %dma_wait3A_1035 = arith.constant 0 : i32
        %dma_wait3A_1036 = tpu.memref_slice %arg5[%add3A_1029, %dma_wait3A_1034, %dma_wait3A_1035] : memref<4096x100x128xf32, #tpu.memory_space<hbm>> -> memref<1x100x128xf32, #tpu.memory_space<hbm>>
        %dma_wait3A_1037 = tpu.memref_squeeze %dma_wait3A_1036 : memref<1x100x128xf32, #tpu.memory_space<hbm>> -> memref<100x128xf32, #tpu.memory_space<hbm>>
        tpu.wait_dma2 semaphore(%arg14 : memref<!tpu.dma_semaphore, #tpu.memory_space<semaphore_mem>>) src(%arg10 : memref<100x128xf32, #tpu.memory_space<vmem>>) dst(%dma_wait3A_1037 : memref<100x128xf32, #tpu.memory_space<hbm>>)
      } else {
      }
      %scan3A_88 = arith.constant 0 : i32
      %scan3A_89 = arith.constant 0 : i32
      %scan3A_90 = arith.constant 12 : i32
      %scan3A_91 = arith.addi %scan3A_89, %scan3A_90 : i32
      %scan3A_92 = arith.constant 1 : i32
      %scan3A_93 = scf.for %scan3A_1028 = %scan3A_89 to %scan3A_91 step %scan3A_92 iter_args(%scan3A_1029 = %scan3A_88) -> (i32)  : i32 {
        %mul3A_1030 = arith.constant 16 : i32
        %mul3A_1031 = arith.muli %scan3A_1028, %mul3A_1030 : i32
        %get3A_1032 = arith.index_cast %add3A_65 : i32 to index
        %get3A_1033 = arith.index_cast %mul3A_1031 : i32 to index
        %get3A_1034 = tpu.vector_load %arg7[%get3A_1032, %get3A_1033] {strides = array<i32>} : memref<128x200xf32, #tpu.memory_space<vmem>>, vector<1x16xf32>,
        %get3A_1035 = vector.shape_cast %get3A_1034 : vector<1x16xf32> to vector<16xf32>
        %slice3A_1036 = vector.extract_strided_slice %get3A_1035 {offsets = [0], sizes = [1], strides = [1]} : vector<16xf32> to vector<1xf32>
        %squeeze3A_1037 = vector.extract %slice3A_1036[0] : f32 from vector<1xf32>
        %mul3A_1038 = arith.constant 16 : i32
        %mul3A_1039 = arith.muli %scan3A_1028, %mul3A_1038 : i32
        %add3A_1040 = arith.constant 0 : i32
        %add3A_1041 = arith.addi %mul3A_1039, %add3A_1040 : i32
        %mul3A_1042 = arith.constant 8 : i32
        %mul3A_1043 = arith.muli %scan3A_1028, %mul3A_1042 : i32
        %add3A_1044 = arith.constant 0 : i32
        %add3A_1045 = arith.addi %mul3A_1043, %add3A_1044 : i32
        %get3A_1046 = arith.index_cast %add3A_1041 : i32 to index
        %get3A_1047 = arith.constant 0 : index
        %get3A_1048 = tpu.vector_load %arg8[%get3A_1046, %get3A_1047] {strides = array<i32>} : memref<200x64xf32, #tpu.memory_space<vmem>>, vector<1x16xf32>,
        %get3A_1049 = vector.shape_cast %get3A_1048 : vector<1x16xf32> to vector<16xf32>
        %mul3A_1050 = vector.broadcast %squeeze3A_1037 : f32 to vector<16xf32>
        %mul3A_1051 = arith.mulf %get3A_1049, %mul3A_1050 : vector<16xf32>
        %swap3A_1052 = arith.index_cast %add3A_1045 : i32 to index
        %swap3A_1053 = arith.constant 0 : index
        %swap3A_1054 = tpu.vector_load %arg10[%swap3A_1052, %swap3A_1053] {strides = array<i32>} : memref<100x128xf32, #tpu.memory_space<vmem>>, vector<1x16xf32>,
        %swap3A_1055 = vector.shape_cast %swap3A_1054 : vector<1x16xf32> to vector<16xf32>
        %swap3A_1056 = vector.shape_cast %mul3A_1051 : vector<16xf32> to vector<1x16xf32>
        tpu.vector_store %arg10[%swap3A_1052, %swap3A_1053], %swap3A_1056 {strides = array<i32>} : memref<100x128xf32, #tpu.memory_space<vmem>>, vector<1x16xf32>,
        %get3A_1057 = arith.index_cast %add3A_1041 : i32 to index
        %get3A_1058 = arith.constant 16 : index
        %get3A_1059 = tpu.vector_load %arg8[%get3A_1057, %get3A_1058] {strides = array<i32>} : memref<200x64xf32, #tpu.memory_space<vmem>>, vector<1x16xf32>,
        %get3A_1060 = vector.shape_cast %get3A_1059 : vector<1x16xf32> to vector<16xf32>
        %mul3A_1061 = vector.broadcast %squeeze3A_1037 : f32 to vector<16xf32>
        %mul3A_1062 = arith.mulf %get3A_1060, %mul3A_1061 : vector<16xf32>
        %swap3A_1063 = arith.index_cast %add3A_1045 : i32 to index
        %swap3A_1064 = arith.constant 16 : index
        %swap3A_1065 = tpu.vector_load %arg10[%swap3A_1063, %swap3A_1064] {strides = array<i32>} : memref<100x128xf32, #tpu.memory_space<vmem>>, vector<1x16xf32>,
        %swap3A_1066 = vector.shape_cast %swap3A_1065 : vector<1x16xf32> to vector<16xf32>
        %swap3A_1067 = vector.shape_cast %mul3A_1062 : vector<16xf32> to vector<1x16xf32>
        tpu.vector_store %arg10[%swap3A_1063, %swap3A_1064], %swap3A_1067 {strides = array<i32>} : memref<100x128xf32, #tpu.memory_space<vmem>>, vector<1x16xf32>,
        %get3A_1068 = arith.index_cast %add3A_1041 : i32 to index
        %get3A_1069 = arith.constant 32 : index
        %get3A_1070 = tpu.vector_load %arg8[%get3A_1068, %get3A_1069] {strides = array<i32>} : memref<200x64xf32, #tpu.memory_space<vmem>>, vector<1x16xf32>,
        %get3A_1071 = vector.shape_cast %get3A_1070 : vector<1x16xf32> to vector<16xf32>
        %mul3A_1072 = vector.broadcast %squeeze3A_1037 : f32 to vector<16xf32>
        %mul3A_1073 = arith.mulf %get3A_1071, %mul3A_1072 : vector<16xf32>
        %swap3A_1074 = arith.index_cast %add3A_1045 : i32 to index
        %swap3A_1075 = arith.constant 32 : index
        %swap3A_1076 = tpu.vector_load %arg10[%swap3A_1074, %swap3A_1075] {strides = array<i32>} : memref<100x128xf32, #tpu.memory_space<vmem>>, vector<1x16xf32>,
        %swap3A_1077 = vector.shape_cast %swap3A_1076 : vector<1x16xf32> to vector<16xf32>
        %swap3A_1078 = vector.shape_cast %mul3A_1073 : vector<16xf32> to vector<1x16xf32>
        tpu.vector_store %arg10[%swap3A_1074, %swap3A_1075], %swap3A_1078 {strides = array<i32>} : memref<100x128xf32, #tpu.memory_space<vmem>>, vector<1x16xf32>,
        %get3A_1079 = arith.index_cast %add3A_1041 : i32 to index
        %get3A_1080 = arith.constant 48 : index
        %get3A_1081 = tpu.vector_load %arg8[%get3A_1079, %get3A_1080] {strides = array<i32>} : memref<200x64xf32, #tpu.memory_space<vmem>>, vector<1x16xf32>,
        %get3A_1082 = vector.shape_cast %get3A_1081 : vector<1x16xf32> to vector<16xf32>
        %mul3A_1083 = vector.broadcast %squeeze3A_1037 : f32 to vector<16xf32>
        %mul3A_1084 = arith.mulf %get3A_1082, %mul3A_1083 : vector<16xf32>
        %swap3A_1085 = arith.index_cast %add3A_1045 : i32 to index
        %swap3A_1086 = arith.constant 48 : index
        %swap3A_1087 = tpu.vector_load %arg10[%swap3A_1085, %swap3A_1086] {strides = array<i32>} : memref<100x128xf32, #tpu.memory_space<vmem>>, vector<1x16xf32>,
        %swap3A_1088 = vector.shape_cast %swap3A_1087 : vector<1x16xf32> to vector<16xf32>
        %swap3A_1089 = vector.shape_cast %mul3A_1084 : vector<16xf32> to vector<1x16xf32>
        tpu.vector_store %arg10[%swap3A_1085, %swap3A_1086], %swap3A_1089 {strides = array<i32>} : memref<100x128xf32, #tpu.memory_space<vmem>>, vector<1x16xf32>,
        %slice3A_1090 = vector.extract_strided_slice %get3A_1035 {offsets = [1], sizes = [1], strides = [1]} : vector<16xf32> to vector<1xf32>
        %squeeze3A_1091 = vector.extract %slice3A_1090[0] : f32 from vector<1xf32>
        %mul3A_1092 = arith.constant 16 : i32
        %mul3A_1093 = arith.muli %scan3A_1028, %mul3A_1092 : i32
        %add3A_1094 = arith.constant 1 : i32
        %add3A_1095 = arith.addi %mul3A_1093, %add3A_1094 : i32
        %mul3A_1096 = arith.constant 8 : i32
        %mul3A_1097 = arith.muli %scan3A_1028, %mul3A_1096 : i32
        %add3A_1098 = arith.constant 0 : i32
        %add3A_1099 = arith.addi %mul3A_1097, %add3A_1098 : i32
        %get3A_1100 = arith.index_cast %add3A_1095 : i32 to index
        %get3A_1101 = arith.constant 0 : index
        %get3A_1102 = tpu.vector_load %arg8[%get3A_1100, %get3A_1101] {strides = array<i32>} : memref<200x64xf32, #tpu.memory_space<vmem>>, vector<1x16xf32>,
        %get3A_1103 = vector.shape_cast %get3A_1102 : vector<1x16xf32> to vector<16xf32>
        %mul3A_1104 = vector.broadcast %squeeze3A_1091 : f32 to vector<16xf32>
        %mul3A_1105 = arith.mulf %get3A_1103, %mul3A_1104 : vector<16xf32>
        %swap3A_1106 = arith.index_cast %add3A_1099 : i32 to index
        %swap3A_1107 = arith.constant 64 : index
        %swap3A_1108 = tpu.vector_load %arg10[%swap3A_1106, %swap3A_1107] {strides = array<i32>} : memref<100x128xf32, #tpu.memory_space<vmem>>, vector<1x16xf32>,
        %swap3A_1109 = vector.shape_cast %swap3A_1108 : vector<1x16xf32> to vector<16xf32>
        %swap3A_1110 = vector.shape_cast %mul3A_1105 : vector<16xf32> to vector<1x16xf32>
        tpu.vector_store %arg10[%swap3A_1106, %swap3A_1107], %swap3A_1110 {strides = array<i32>} : memref<100x128xf32, #tpu.memory_space<vmem>>, vector<1x16xf32>,
        %get3A_1111 = arith.index_cast %add3A_1095 : i32 to index
        %get3A_1112 = arith.constant 16 : index
        %get3A_1113 = tpu.vector_load %arg8[%get3A_1111, %get3A_1112] {strides = array<i32>} : memref<200x64xf32, #tpu.memory_space<vmem>>, vector<1x16xf32>,
        %get3A_1114 = vector.shape_cast %get3A_1113 : vector<1x16xf32> to vector<16xf32>
        %mul3A_1115 = vector.broadcast %squeeze3A_1091 : f32 to vector<16xf32>
        %mul3A_1116 = arith.mulf %get3A_1114, %mul3A_1115 : vector<16xf32>
        %swap3A_1117 = arith.index_cast %add3A_1099 : i32 to index
        %swap3A_1118 = arith.constant 80 : index
        %swap3A_1119 = tpu.vector_load %arg10[%swap3A_1117, %swap3A_1118] {strides = array<i32>} : memref<100x128xf32, #tpu.memory_space<vmem>>, vector<1x16xf32>,
        %swap3A_1120 = vector.shape_cast %swap3A_1119 : vector<1x16xf32> to vector<16xf32>
        %swap3A_1121 = vector.shape_cast %mul3A_1116 : vector<16xf32> to vector<1x16xf32>
        tpu.vector_store %arg10[%swap3A_1117, %swap3A_1118], %swap3A_1121 {strides = array<i32>} : memref<100x128xf32, #tpu.memory_space<vmem>>, vector<1x16xf32>,
        %get3A_1122 = arith.index_cast %add3A_1095 : i32 to index
        %get3A_1123 = arith.constant 32 : index
        %get3A_1124 = tpu.vector_load %arg8[%get3A_1122, %get3A_1123] {strides = array<i32>} : memref<200x64xf32, #tpu.memory_space<vmem>>, vector<1x16xf32>,
        %get3A_1125 = vector.shape_cast %get3A_1124 : vector<1x16xf32> to vector<16xf32>
        %mul3A_1126 = vector.broadcast %squeeze3A_1091 : f32 to vector<16xf32>
        %mul3A_1127 = arith.mulf %get3A_1125, %mul3A_1126 : vector<16xf32>
        %swap3A_1128 = arith.index_cast %add3A_1099 : i32 to index
        %swap3A_1129 = arith.constant 96 : index
        %swap3A_1130 = tpu.vector_load %arg10[%swap3A_1128, %swap3A_1129] {strides = array<i32>} : memref<100x128xf32, #tpu.memory_space<vmem>>, vector<1x16xf32>,
        %swap3A_1131 = vector.shape_cast %swap3A_1130 : vector<1x16xf32> to vector<16xf32>
        %swap3A_1132 = vector.shape_cast %mul3A_1127 : vector<16xf32> to vector<1x16xf32>
        tpu.vector_store %arg10[%swap3A_1128, %swap3A_1129], %swap3A_1132 {strides = array<i32>} : memref<100x128xf32, #tpu.memory_space<vmem>>, vector<1x16xf32>,
        %get3A_1133 = arith.index_cast %add3A_1095 : i32 to index
        %get3A_1134 = arith.constant 48 : index
        %get3A_1135 = tpu.vector_load %arg8[%get3A_1133, %get3A_1134] {strides = array<i32>} : memref<200x64xf32, #tpu.memory_space<vmem>>, vector<1x16xf32>,
        %get3A_1136 = vector.shape_cast %get3A_1135 : vector<1x16xf32> to vector<16xf32>
        %mul3A_1137 = vector.broadcast %squeeze3A_1091 : f32 to vector<16xf32>
        %mul3A_1138 = arith.mulf %get3A_1136, %mul3A_1137 : vector<16xf32>
        %swap3A_1139 = arith.index_cast %add3A_1099 : i32 to index
        %swap3A_1140 = arith.constant 112 : index
        %swap3A_1141 = tpu.vector_load %arg10[%swap3A_1139, %swap3A_1140] {strides = array<i32>} : memref<100x128xf32, #tpu.memory_space<vmem>>, vector<1x16xf32>,
        %swap3A_1142 = vector.shape_cast %swap3A_1141 : vector<1x16xf32> to vector<16xf32>
        %swap3A_1143 = vector.shape_cast %mul3A_1138 : vector<16xf32> to vector<1x16xf32>
        tpu.vector_store %arg10[%swap3A_1139, %swap3A_1140], %swap3A_1143 {strides = array<i32>} : memref<100x128xf32, #tpu.memory_space<vmem>>, vector<1x16xf32>,
        %slice3A_1144 = vector.extract_strided_slice %get3A_1035 {offsets = [2], sizes = [1], strides = [1]} : vector<16xf32> to vector<1xf32>
        %squeeze3A_1145 = vector.extract %slice3A_1144[0] : f32 from vector<1xf32>
        %mul3A_1146 = arith.constant 16 : i32
        %mul3A_1147 = arith.muli %scan3A_1028, %mul3A_1146 : i32
        %add3A_1148 = arith.constant 2 : i32
        %add3A_1149 = arith.addi %mul3A_1147, %add3A_1148 : i32
        %mul3A_1150 = arith.constant 8 : i32
        %mul3A_1151 = arith.muli %scan3A_1028, %mul3A_1150 : i32
        %add3A_1152 = arith.constant 1 : i32
        %add3A_1153 = arith.addi %mul3A_1151, %add3A_1152 : i32
        %get3A_1154 = arith.index_cast %add3A_1149 : i32 to index
        %get3A_1155 = arith.constant 0 : index
        %get3A_1156 = tpu.vector_load %arg8[%get3A_1154, %get3A_1155] {strides = array<i32>} : memref<200x64xf32, #tpu.memory_space<vmem>>, vector<1x16xf32>,
        %get3A_1157 = vector.shape_cast %get3A_1156 : vector<1x16xf32> to vector<16xf32>
        %mul3A_1158 = vector.broadcast %squeeze3A_1145 : f32 to vector<16xf32>
        %mul3A_1159 = arith.mulf %get3A_1157, %mul3A_1158 : vector<16xf32>
        %swap3A_1160 = arith.index_cast %add3A_1153 : i32 to index
        %swap3A_1161 = arith.constant 0 : index
        %swap3A_1162 = tpu.vector_load %arg10[%swap3A_1160, %swap3A_1161] {strides = array<i32>} : memref<100x128xf32, #tpu.memory_space<vmem>>, vector<1x16xf32>,
        %swap3A_1163 = vector.shape_cast %swap3A_1162 : vector<1x16xf32> to vector<16xf32>
        %swap3A_1164 = vector.shape_cast %mul3A_1159 : vector<16xf32> to vector<1x16xf32>
        tpu.vector_store %arg10[%swap3A_1160, %swap3A_1161], %swap3A_1164 {strides = array<i32>} : memref<100x128xf32, #tpu.memory_space<vmem>>, vector<1x16xf32>,
        %get3A_1165 = arith.index_cast %add3A_1149 : i32 to index
        %get3A_1166 = arith.constant 16 : index
        %get3A_1167 = tpu.vector_load %arg8[%get3A_1165, %get3A_1166] {strides = array<i32>} : memref<200x64xf32, #tpu.memory_space<vmem>>, vector<1x16xf32>,
        %get3A_1168 = vector.shape_cast %get3A_1167 : vector<1x16xf32> to vector<16xf32>
        %mul3A_1169 = vector.broadcast %squeeze3A_1145 : f32 to vector<16xf32>
        %mul3A_1170 = arith.mulf %get3A_1168, %mul3A_1169 : vector<16xf32>
        %swap3A_1171 = arith.index_cast %add3A_1153 : i32 to index
        %swap3A_1172 = arith.constant 16 : index
        %swap3A_1173 = tpu.vector_load %arg10[%swap3A_1171, %swap3A_1172] {strides = array<i32>} : memref<100x128xf32, #tpu.memory_space<vmem>>, vector<1x16xf32>,
        %swap3A_1174 = vector.shape_cast %swap3A_1173 : vector<1x16xf32> to vector<16xf32>
        %swap3A_1175 = vector.shape_cast %mul3A_1170 : vector<16xf32> to vector<1x16xf32>
        tpu.vector_store %arg10[%swap3A_1171, %swap3A_1172], %swap3A_1175 {strides = array<i32>} : memref<100x128xf32, #tpu.memory_space<vmem>>, vector<1x16xf32>,
        %get3A_1176 = arith.index_cast %add3A_1149 : i32 to index
        %get3A_1177 = arith.constant 32 : index
        %get3A_1178 = tpu.vector_load %arg8[%get3A_1176, %get3A_1177] {strides = array<i32>} : memref<200x64xf32, #tpu.memory_space<vmem>>, vector<1x16xf32>,
        %get3A_1179 = vector.shape_cast %get3A_1178 : vector<1x16xf32> to vector<16xf32>
        %mul3A_1180 = vector.broadcast %squeeze3A_1145 : f32 to vector<16xf32>
        %mul3A_1181 = arith.mulf %get3A_1179, %mul3A_1180 : vector<16xf32>
        %swap3A_1182 = arith.index_cast %add3A_1153 : i32 to index
        %swap3A_1183 = arith.constant 32 : index
        %swap3A_1184 = tpu.vector_load %arg10[%swap3A_1182, %swap3A_1183] {strides = array<i32>} : memref<100x128xf32, #tpu.memory_space<vmem>>, vector<1x16xf32>,
        %swap3A_1185 = vector.shape_cast %swap3A_1184 : vector<1x16xf32> to vector<16xf32>
        %swap3A_1186 = vector.shape_cast %mul3A_1181 : vector<16xf32> to vector<1x16xf32>
        tpu.vector_store %arg10[%swap3A_1182, %swap3A_1183], %swap3A_1186 {strides = array<i32>} : memref<100x128xf32, #tpu.memory_space<vmem>>, vector<1x16xf32>,
        %get3A_1187 = arith.index_cast %add3A_1149 : i32 to index
        %get3A_1188 = arith.constant 48 : index
        %get3A_1189 = tpu.vector_load %arg8[%get3A_1187, %get3A_1188] {strides = array<i32>} : memref<200x64xf32, #tpu.memory_space<vmem>>, vector<1x16xf32>,
        %get3A_1190 = vector.shape_cast %get3A_1189 : vector<1x16xf32> to vector<16xf32>
        %mul3A_1191 = vector.broadcast %squeeze3A_1145 : f32 to vector<16xf32>
        %mul3A_1192 = arith.mulf %get3A_1190, %mul3A_1191 : vector<16xf32>
        %swap3A_1193 = arith.index_cast %add3A_1153 : i32 to index
        %swap3A_1194 = arith.constant 48 : index
        %swap3A_1195 = tpu.vector_load %arg10[%swap3A_1193, %swap3A_1194] {strides = array<i32>} : memref<100x128xf32, #tpu.memory_space<vmem>>, vector<1x16xf32>,
        %swap3A_1196 = vector.shape_cast %swap3A_1195 : vector<1x16xf32> to vector<16xf32>
        %swap3A_1197 = vector.shape_cast %mul3A_1192 : vector<16xf32> to vector<1x16xf32>
        tpu.vector_store %arg10[%swap3A_1193, %swap3A_1194], %swap3A_1197 {strides = array<i32>} : memref<100x128xf32, #tpu.memory_space<vmem>>, vector<1x16xf32>,
        %slice3A_1198 = vector.extract_strided_slice %get3A_1035 {offsets = [3], sizes = [1], strides = [1]} : vector<16xf32> to vector<1xf32>
        %squeeze3A_1199 = vector.extract %slice3A_1198[0] : f32 from vector<1xf32>
        %mul3A_1200 = arith.constant 16 : i32
        %mul3A_1201 = arith.muli %scan3A_1028, %mul3A_1200 : i32
        %add3A_1202 = arith.constant 3 : i32
        %add3A_1203 = arith.addi %mul3A_1201, %add3A_1202 : i32
        %mul3A_1204 = arith.constant 8 : i32
        %mul3A_1205 = arith.muli %scan3A_1028, %mul3A_1204 : i32
        %add3A_1206 = arith.constant 1 : i32
        %add3A_1207 = arith.addi %mul3A_1205, %add3A_1206 : i32
        %get3A_1208 = arith.index_cast %add3A_1203 : i32 to index
        %get3A_1209 = arith.constant 0 : index
        %get3A_1210 = tpu.vector_load %arg8[%get3A_1208, %get3A_1209] {strides = array<i32>} : memref<200x64xf32, #tpu.memory_space<vmem>>, vector<1x16xf32>,
        %get3A_1211 = vector.shape_cast %get3A_1210 : vector<1x16xf32> to vector<16xf32>
        %mul3A_1212 = vector.broadcast %squeeze3A_1199 : f32 to vector<16xf32>
        %mul3A_1213 = arith.mulf %get3A_1211, %mul3A_1212 : vector<16xf32>
        %swap3A_1214 = arith.index_cast %add3A_1207 : i32 to index
        %swap3A_1215 = arith.constant 64 : index
        %swap3A_1216 = tpu.vector_load %arg10[%swap3A_1214, %swap3A_1215] {strides = array<i32>} : memref<100x128xf32, #tpu.memory_space<vmem>>, vector<1x16xf32>,
        %swap3A_1217 = vector.shape_cast %swap3A_1216 : vector<1x16xf32> to vector<16xf32>
        %swap3A_1218 = vector.shape_cast %mul3A_1213 : vector<16xf32> to vector<1x16xf32>
        tpu.vector_store %arg10[%swap3A_1214, %swap3A_1215], %swap3A_1218 {strides = array<i32>} : memref<100x128xf32, #tpu.memory_space<vmem>>, vector<1x16xf32>,
        %get3A_1219 = arith.index_cast %add3A_1203 : i32 to index
        %get3A_1220 = arith.constant 16 : index
        %get3A_1221 = tpu.vector_load %arg8[%get3A_1219, %get3A_1220] {strides = array<i32>} : memref<200x64xf32, #tpu.memory_space<vmem>>, vector<1x16xf32>,
        %get3A_1222 = vector.shape_cast %get3A_1221 : vector<1x16xf32> to vector<16xf32>
        %mul3A_1223 = vector.broadcast %squeeze3A_1199 : f32 to vector<16xf32>
        %mul3A_1224 = arith.mulf %get3A_1222, %mul3A_1223 : vector<16xf32>
        %swap3A_1225 = arith.index_cast %add3A_1207 : i32 to index
        %swap3A_1226 = arith.constant 80 : index
        %swap3A_1227 = tpu.vector_load %arg10[%swap3A_1225, %swap3A_1226] {strides = array<i32>} : memref<100x128xf32, #tpu.memory_space<vmem>>, vector<1x16xf32>,
        %swap3A_1228 = vector.shape_cast %swap3A_1227 : vector<1x16xf32> to vector<16xf32>
        %swap3A_1229 = vector.shape_cast %mul3A_1224 : vector<16xf32> to vector<1x16xf32>
        tpu.vector_store %arg10[%swap3A_1225, %swap3A_1226], %swap3A_1229 {strides = array<i32>} : memref<100x128xf32, #tpu.memory_space<vmem>>, vector<1x16xf32>,
        %get3A_1230 = arith.index_cast %add3A_1203 : i32 to index
        %get3A_1231 = arith.constant 32 : index
        %get3A_1232 = tpu.vector_load %arg8[%get3A_1230, %get3A_1231] {strides = array<i32>} : memref<200x64xf32, #tpu.memory_space<vmem>>, vector<1x16xf32>,
        %get3A_1233 = vector.shape_cast %get3A_1232 : vector<1x16xf32> to vector<16xf32>
        %mul3A_1234 = vector.broadcast %squeeze3A_1199 : f32 to vector<16xf32>
        %mul3A_1235 = arith.mulf %get3A_1233, %mul3A_1234 : vector<16xf32>
        %swap3A_1236 = arith.index_cast %add3A_1207 : i32 to index
        %swap3A_1237 = arith.constant 96 : index
        %swap3A_1238 = tpu.vector_load %arg10[%swap3A_1236, %swap3A_1237] {strides = array<i32>} : memref<100x128xf32, #tpu.memory_space<vmem>>, vector<1x16xf32>,
        %swap3A_1239 = vector.shape_cast %swap3A_1238 : vector<1x16xf32> to vector<16xf32>
        %swap3A_1240 = vector.shape_cast %mul3A_1235 : vector<16xf32> to vector<1x16xf32>
        tpu.vector_store %arg10[%swap3A_1236, %swap3A_1237], %swap3A_1240 {strides = array<i32>} : memref<100x128xf32, #tpu.memory_space<vmem>>, vector<1x16xf32>,
        %get3A_1241 = arith.index_cast %add3A_1203 : i32 to index
        %get3A_1242 = arith.constant 48 : index
        %get3A_1243 = tpu.vector_load %arg8[%get3A_1241, %get3A_1242] {strides = array<i32>} : memref<200x64xf32, #tpu.memory_space<vmem>>, vector<1x16xf32>,
        %get3A_1244 = vector.shape_cast %get3A_1243 : vector<1x16xf32> to vector<16xf32>
        %mul3A_1245 = vector.broadcast %squeeze3A_1199 : f32 to vector<16xf32>
        %mul3A_1246 = arith.mulf %get3A_1244, %mul3A_1245 : vector<16xf32>
        %swap3A_1247 = arith.index_cast %add3A_1207 : i32 to index
        %swap3A_1248 = arith.constant 112 : index
        %swap3A_1249 = tpu.vector_load %arg10[%swap3A_1247, %swap3A_1248] {strides = array<i32>} : memref<100x128xf32, #tpu.memory_space<vmem>>, vector<1x16xf32>,
        %swap3A_1250 = vector.shape_cast %swap3A_1249 : vector<1x16xf32> to vector<16xf32>
        %swap3A_1251 = vector.shape_cast %mul3A_1246 : vector<16xf32> to vector<1x16xf32>
        tpu.vector_store %arg10[%swap3A_1247, %swap3A_1248], %swap3A_1251 {strides = array<i32>} : memref<100x128xf32, #tpu.memory_space<vmem>>, vector<1x16xf32>,
        %slice3A_1252 = vector.extract_strided_slice %get3A_1035 {offsets = [4], sizes = [1], strides = [1]} : vector<16xf32> to vector<1xf32>
        %squeeze3A_1253 = vector.extract %slice3A_1252[0] : f32 from vector<1xf32>
        %mul3A_1254 = arith.constant 16 : i32
        %mul3A_1255 = arith.muli %scan3A_1028, %mul3A_1254 : i32
        %add3A_1256 = arith.constant 4 : i32
        %add3A_1257 = arith.addi %mul3A_1255, %add3A_1256 : i32
        %mul3A_1258 = arith.constant 8 : i32
        %mul3A_1259 = arith.muli %scan3A_1028, %mul3A_1258 : i32
        %add3A_1260 = arith.constant 2 : i32
        %add3A_1261 = arith.addi %mul3A_1259, %add3A_1260 : i32
        %get3A_1262 = arith.index_cast %add3A_1257 : i32 to index
        %get3A_1263 = arith.constant 0 : index
        %get3A_1264 = tpu.vector_load %arg8[%get3A_1262, %get3A_1263] {strides = array<i32>} : memref<200x64xf32, #tpu.memory_space<vmem>>, vector<1x16xf32>,
        %get3A_1265 = vector.shape_cast %get3A_1264 : vector<1x16xf32> to vector<16xf32>
        %mul3A_1266 = vector.broadcast %squeeze3A_1253 : f32 to vector<16xf32>
        %mul3A_1267 = arith.mulf %get3A_1265, %mul3A_1266 : vector<16xf32>
        %swap3A_1268 = arith.index_cast %add3A_1261 : i32 to index
        %swap3A_1269 = arith.constant 0 : index
        %swap3A_1270 = tpu.vector_load %arg10[%swap3A_1268, %swap3A_1269] {strides = array<i32>} : memref<100x128xf32, #tpu.memory_space<vmem>>, vector<1x16xf32>,
        %swap3A_1271 = vector.shape_cast %swap3A_1270 : vector<1x16xf32> to vector<16xf32>
        %swap3A_1272 = vector.shape_cast %mul3A_1267 : vector<16xf32> to vector<1x16xf32>
        tpu.vector_store %arg10[%swap3A_1268, %swap3A_1269], %swap3A_1272 {strides = array<i32>} : memref<100x128xf32, #tpu.memory_space<vmem>>, vector<1x16xf32>,
        %get3A_1273 = arith.index_cast %add3A_1257 : i32 to index
        %get3A_1274 = arith.constant 16 : index
        %get3A_1275 = tpu.vector_load %arg8[%get3A_1273, %get3A_1274] {strides = array<i32>} : memref<200x64xf32, #tpu.memory_space<vmem>>, vector<1x16xf32>,
        %get3A_1276 = vector.shape_cast %get3A_1275 : vector<1x16xf32> to vector<16xf32>
        %mul3A_1277 = vector.broadcast %squeeze3A_1253 : f32 to vector<16xf32>
        %mul3A_1278 = arith.mulf %get3A_1276, %mul3A_1277 : vector<16xf32>
        %swap3A_1279 = arith.index_cast %add3A_1261 : i32 to index
        %swap3A_1280 = arith.constant 16 : index
        %swap3A_1281 = tpu.vector_load %arg10[%swap3A_1279, %swap3A_1280] {strides = array<i32>} : memref<100x128xf32, #tpu.memory_space<vmem>>, vector<1x16xf32>,
        %swap3A_1282 = vector.shape_cast %swap3A_1281 : vector<1x16xf32> to vector<16xf32>
        %swap3A_1283 = vector.shape_cast %mul3A_1278 : vector<16xf32> to vector<1x16xf32>
        tpu.vector_store %arg10[%swap3A_1279, %swap3A_1280], %swap3A_1283 {strides = array<i32>} : memref<100x128xf32, #tpu.memory_space<vmem>>, vector<1x16xf32>,
        %get3A_1284 = arith.index_cast %add3A_1257 : i32 to index
        %get3A_1285 = arith.constant 32 : index
        %get3A_1286 = tpu.vector_load %arg8[%get3A_1284, %get3A_1285] {strides = array<i32>} : memref<200x64xf32, #tpu.memory_space<vmem>>, vector<1x16xf32>,
        %get3A_1287 = vector.shape_cast %get3A_1286 : vector<1x16xf32> to vector<16xf32>
        %mul3A_1288 = vector.broadcast %squeeze3A_1253 : f32 to vector<16xf32>
        %mul3A_1289 = arith.mulf %get3A_1287, %mul3A_1288 : vector<16xf32>
        %swap3A_1290 = arith.index_cast %add3A_1261 : i32 to index
        %swap3A_1291 = arith.constant 32 : index
        %swap3A_1292 = tpu.vector_load %arg10[%swap3A_1290, %swap3A_1291] {strides = array<i32>} : memref<100x128xf32, #tpu.memory_space<vmem>>, vector<1x16xf32>,
        %swap3A_1293 = vector.shape_cast %swap3A_1292 : vector<1x16xf32> to vector<16xf32>
        %swap3A_1294 = vector.shape_cast %mul3A_1289 : vector<16xf32> to vector<1x16xf32>
        tpu.vector_store %arg10[%swap3A_1290, %swap3A_1291], %swap3A_1294 {strides = array<i32>} : memref<100x128xf32, #tpu.memory_space<vmem>>, vector<1x16xf32>,
        %get3A_1295 = arith.index_cast %add3A_1257 : i32 to index
        %get3A_1296 = arith.constant 48 : index
        %get3A_1297 = tpu.vector_load %arg8[%get3A_1295, %get3A_1296] {strides = array<i32>} : memref<200x64xf32, #tpu.memory_space<vmem>>, vector<1x16xf32>,
        %get3A_1298 = vector.shape_cast %get3A_1297 : vector<1x16xf32> to vector<16xf32>
        %mul3A_1299 = vector.broadcast %squeeze3A_1253 : f32 to vector<16xf32>
        %mul3A_1300 = arith.mulf %get3A_1298, %mul3A_1299 : vector<16xf32>
        %swap3A_1301 = arith.index_cast %add3A_1261 : i32 to index
        %swap3A_1302 = arith.constant 48 : index
        %swap3A_1303 = tpu.vector_load %arg10[%swap3A_1301, %swap3A_1302] {strides = array<i32>} : memref<100x128xf32, #tpu.memory_space<vmem>>, vector<1x16xf32>,
        %swap3A_1304 = vector.shape_cast %swap3A_1303 : vector<1x16xf32> to vector<16xf32>
        %swap3A_1305 = vector.shape_cast %mul3A_1300 : vector<16xf32> to vector<1x16xf32>
        tpu.vector_store %arg10[%swap3A_1301, %swap3A_1302], %swap3A_1305 {strides = array<i32>} : memref<100x128xf32, #tpu.memory_space<vmem>>, vector<1x16xf32>,
        %slice3A_1306 = vector.extract_strided_slice %get3A_1035 {offsets = [5], sizes = [1], strides = [1]} : vector<16xf32> to vector<1xf32>
        %squeeze3A_1307 = vector.extract %slice3A_1306[0] : f32 from vector<1xf32>
        %mul3A_1308 = arith.constant 16 : i32
        %mul3A_1309 = arith.muli %scan3A_1028, %mul3A_1308 : i32
        %add3A_1310 = arith.constant 5 : i32
        %add3A_1311 = arith.addi %mul3A_1309, %add3A_1310 : i32
        %mul3A_1312 = arith.constant 8 : i32
        %mul3A_1313 = arith.muli %scan3A_1028, %mul3A_1312 : i32
        %add3A_1314 = arith.constant 2 : i32
        %add3A_1315 = arith.addi %mul3A_1313, %add3A_1314 : i32
        %get3A_1316 = arith.index_cast %add3A_1311 : i32 to index
        %get3A_1317 = arith.constant 0 : index
        %get3A_1318 = tpu.vector_load %arg8[%get3A_1316, %get3A_1317] {strides = array<i32>} : memref<200x64xf32, #tpu.memory_space<vmem>>, vector<1x16xf32>,
        %get3A_1319 = vector.shape_cast %get3A_1318 : vector<1x16xf32> to vector<16xf32>
        %mul3A_1320 = vector.broadcast %squeeze3A_1307 : f32 to vector<16xf32>
        %mul3A_1321 = arith.mulf %get3A_1319, %mul3A_1320 : vector<16xf32>
        %swap3A_1322 = arith.index_cast %add3A_1315 : i32 to index
        %swap3A_1323 = arith.constant 64 : index
        %swap3A_1324 = tpu.vector_load %arg10[%swap3A_1322, %swap3A_1323] {strides = array<i32>} : memref<100x128xf32, #tpu.memory_space<vmem>>, vector<1x16xf32>,
        %swap3A_1325 = vector.shape_cast %swap3A_1324 : vector<1x16xf32> to vector<16xf32>
        %swap3A_1326 = vector.shape_cast %mul3A_1321 : vector<16xf32> to vector<1x16xf32>
        tpu.vector_store %arg10[%swap3A_1322, %swap3A_1323], %swap3A_1326 {strides = array<i32>} : memref<100x128xf32, #tpu.memory_space<vmem>>, vector<1x16xf32>,
        %get3A_1327 = arith.index_cast %add3A_1311 : i32 to index
        %get3A_1328 = arith.constant 16 : index
        %get3A_1329 = tpu.vector_load %arg8[%get3A_1327, %get3A_1328] {strides = array<i32>} : memref<200x64xf32, #tpu.memory_space<vmem>>, vector<1x16xf32>,
        %get3A_1330 = vector.shape_cast %get3A_1329 : vector<1x16xf32> to vector<16xf32>
        %mul3A_1331 = vector.broadcast %squeeze3A_1307 : f32 to vector<16xf32>
        %mul3A_1332 = arith.mulf %get3A_1330, %mul3A_1331 : vector<16xf32>
        %swap3A_1333 = arith.index_cast %add3A_1315 : i32 to index
        %swap3A_1334 = arith.constant 80 : index
        %swap3A_1335 = tpu.vector_load %arg10[%swap3A_1333, %swap3A_1334] {strides = array<i32>} : memref<100x128xf32, #tpu.memory_space<vmem>>, vector<1x16xf32>,
        %swap3A_1336 = vector.shape_cast %swap3A_1335 : vector<1x16xf32> to vector<16xf32>
        %swap3A_1337 = vector.shape_cast %mul3A_1332 : vector<16xf32> to vector<1x16xf32>
        tpu.vector_store %arg10[%swap3A_1333, %swap3A_1334], %swap3A_1337 {strides = array<i32>} : memref<100x128xf32, #tpu.memory_space<vmem>>, vector<1x16xf32>,
        %get3A_1338 = arith.index_cast %add3A_1311 : i32 to index
        %get3A_1339 = arith.constant 32 : index
        %get3A_1340 = tpu.vector_load %arg8[%get3A_1338, %get3A_1339] {strides = array<i32>} : memref<200x64xf32, #tpu.memory_space<vmem>>, vector<1x16xf32>,
        %get3A_1341 = vector.shape_cast %get3A_1340 : vector<1x16xf32> to vector<16xf32>
        %mul3A_1342 = vector.broadcast %squeeze3A_1307 : f32 to vector<16xf32>
        %mul3A_1343 = arith.mulf %get3A_1341, %mul3A_1342 : vector<16xf32>
        %swap3A_1344 = arith.index_cast %add3A_1315 : i32 to index
        %swap3A_1345 = arith.constant 96 : index
        %swap3A_1346 = tpu.vector_load %arg10[%swap3A_1344, %swap3A_1345] {strides = array<i32>} : memref<100x128xf32, #tpu.memory_space<vmem>>, vector<1x16xf32>,
        %swap3A_1347 = vector.shape_cast %swap3A_1346 : vector<1x16xf32> to vector<16xf32>
        %swap3A_1348 = vector.shape_cast %mul3A_1343 : vector<16xf32> to vector<1x16xf32>
        tpu.vector_store %arg10[%swap3A_1344, %swap3A_1345], %swap3A_1348 {strides = array<i32>} : memref<100x128xf32, #tpu.memory_space<vmem>>, vector<1x16xf32>,
        %get3A_1349 = arith.index_cast %add3A_1311 : i32 to index
        %get3A_1350 = arith.constant 48 : index
        %get3A_1351 = tpu.vector_load %arg8[%get3A_1349, %get3A_1350] {strides = array<i32>} : memref<200x64xf32, #tpu.memory_space<vmem>>, vector<1x16xf32>,
        %get3A_1352 = vector.shape_cast %get3A_1351 : vector<1x16xf32> to vector<16xf32>
        %mul3A_1353 = vector.broadcast %squeeze3A_1307 : f32 to vector<16xf32>
        %mul3A_1354 = arith.mulf %get3A_1352, %mul3A_1353 : vector<16xf32>
        %swap3A_1355 = arith.index_cast %add3A_1315 : i32 to index
        %swap3A_1356 = arith.constant 112 : index
        %swap3A_1357 = tpu.vector_load %arg10[%swap3A_1355, %swap3A_1356] {strides = array<i32>} : memref<100x128xf32, #tpu.memory_space<vmem>>, vector<1x16xf32>,
        %swap3A_1358 = vector.shape_cast %swap3A_1357 : vector<1x16xf32> to vector<16xf32>
        %swap3A_1359 = vector.shape_cast %mul3A_1354 : vector<16xf32> to vector<1x16xf32>
        tpu.vector_store %arg10[%swap3A_1355, %swap3A_1356], %swap3A_1359 {strides = array<i32>} : memref<100x128xf32, #tpu.memory_space<vmem>>, vector<1x16xf32>,
        %slice3A_1360 = vector.extract_strided_slice %get3A_1035 {offsets = [6], sizes = [1], strides = [1]} : vector<16xf32> to vector<1xf32>
        %squeeze3A_1361 = vector.extract %slice3A_1360[0] : f32 from vector<1xf32>
        %mul3A_1362 = arith.constant 16 : i32
        %mul3A_1363 = arith.muli %scan3A_1028, %mul3A_1362 : i32
        %add3A_1364 = arith.constant 6 : i32
        %add3A_1365 = arith.addi %mul3A_1363, %add3A_1364 : i32
        %mul3A_1366 = arith.constant 8 : i32
        %mul3A_1367 = arith.muli %scan3A_1028, %mul3A_1366 : i32
        %add3A_1368 = arith.constant 3 : i32
        %add3A_1369 = arith.addi %mul3A_1367, %add3A_1368 : i32
        %get3A_1370 = arith.index_cast %add3A_1365 : i32 to index
        %get3A_1371 = arith.constant 0 : index
        %get3A_1372 = tpu.vector_load %arg8[%get3A_1370, %get3A_1371] {strides = array<i32>} : memref<200x64xf32, #tpu.memory_space<vmem>>, vector<1x16xf32>,
        %get3A_1373 = vector.shape_cast %get3A_1372 : vector<1x16xf32> to vector<16xf32>
        %mul3A_1374 = vector.broadcast %squeeze3A_1361 : f32 to vector<16xf32>
        %mul3A_1375 = arith.mulf %get3A_1373, %mul3A_1374 : vector<16xf32>
        %swap3A_1376 = arith.index_cast %add3A_1369 : i32 to index
        %swap3A_1377 = arith.constant 0 : index
        %swap3A_1378 = tpu.vector_load %arg10[%swap3A_1376, %swap3A_1377] {strides = array<i32>} : memref<100x128xf32, #tpu.memory_space<vmem>>, vector<1x16xf32>,
        %swap3A_1379 = vector.shape_cast %swap3A_1378 : vector<1x16xf32> to vector<16xf32>
        %swap3A_1380 = vector.shape_cast %mul3A_1375 : vector<16xf32> to vector<1x16xf32>
        tpu.vector_store %arg10[%swap3A_1376, %swap3A_1377], %swap3A_1380 {strides = array<i32>} : memref<100x128xf32, #tpu.memory_space<vmem>>, vector<1x16xf32>,
        %get3A_1381 = arith.index_cast %add3A_1365 : i32 to index
        %get3A_1382 = arith.constant 16 : index
        %get3A_1383 = tpu.vector_load %arg8[%get3A_1381, %get3A_1382] {strides = array<i32>} : memref<200x64xf32, #tpu.memory_space<vmem>>, vector<1x16xf32>,
        %get3A_1384 = vector.shape_cast %get3A_1383 : vector<1x16xf32> to vector<16xf32>
        %mul3A_1385 = vector.broadcast %squeeze3A_1361 : f32 to vector<16xf32>
        %mul3A_1386 = arith.mulf %get3A_1384, %mul3A_1385 : vector<16xf32>
        %swap3A_1387 = arith.index_cast %add3A_1369 : i32 to index
        %swap3A_1388 = arith.constant 16 : index
        %swap3A_1389 = tpu.vector_load %arg10[%swap3A_1387, %swap3A_1388] {strides = array<i32>} : memref<100x128xf32, #tpu.memory_space<vmem>>, vector<1x16xf32>,
        %swap3A_1390 = vector.shape_cast %swap3A_1389 : vector<1x16xf32> to vector<16xf32>
        %swap3A_1391 = vector.shape_cast %mul3A_1386 : vector<16xf32> to vector<1x16xf32>
        tpu.vector_store %arg10[%swap3A_1387, %swap3A_1388], %swap3A_1391 {strides = array<i32>} : memref<100x128xf32, #tpu.memory_space<vmem>>, vector<1x16xf32>,
        %get3A_1392 = arith.index_cast %add3A_1365 : i32 to index
        %get3A_1393 = arith.constant 32 : index
        %get3A_1394 = tpu.vector_load %arg8[%get3A_1392, %get3A_1393] {strides = array<i32>} : memref<200x64xf32, #tpu.memory_space<vmem>>, vector<1x16xf32>,
        %get3A_1395 = vector.shape_cast %get3A_1394 : vector<1x16xf32> to vector<16xf32>
        %mul3A_1396 = vector.broadcast %squeeze3A_1361 : f32 to vector<16xf32>
        %mul3A_1397 = arith.mulf %get3A_1395, %mul3A_1396 : vector<16xf32>
        %swap3A_1398 = arith.index_cast %add3A_1369 : i32 to index
        %swap3A_1399 = arith.constant 32 : index
        %swap3A_1400 = tpu.vector_load %arg10[%swap3A_1398, %swap3A_1399] {strides = array<i32>} : memref<100x128xf32, #tpu.memory_space<vmem>>, vector<1x16xf32>,
        %swap3A_1401 = vector.shape_cast %swap3A_1400 : vector<1x16xf32> to vector<16xf32>
        %swap3A_1402 = vector.shape_cast %mul3A_1397 : vector<16xf32> to vector<1x16xf32>
        tpu.vector_store %arg10[%swap3A_1398, %swap3A_1399], %swap3A_1402 {strides = array<i32>} : memref<100x128xf32, #tpu.memory_space<vmem>>, vector<1x16xf32>,
        %get3A_1403 = arith.index_cast %add3A_1365 : i32 to index
        %get3A_1404 = arith.constant 48 : index
        %get3A_1405 = tpu.vector_load %arg8[%get3A_1403, %get3A_1404] {strides = array<i32>} : memref<200x64xf32, #tpu.memory_space<vmem>>, vector<1x16xf32>,
        %get3A_1406 = vector.shape_cast %get3A_1405 : vector<1x16xf32> to vector<16xf32>
        %mul3A_1407 = vector.broadcast %squeeze3A_1361 : f32 to vector<16xf32>
        %mul3A_1408 = arith.mulf %get3A_1406, %mul3A_1407 : vector<16xf32>
        %swap3A_1409 = arith.index_cast %add3A_1369 : i32 to index
        %swap3A_1410 = arith.constant 48 : index
        %swap3A_1411 = tpu.vector_load %arg10[%swap3A_1409, %swap3A_1410] {strides = array<i32>} : memref<100x128xf32, #tpu.memory_space<vmem>>, vector<1x16xf32>,
        %swap3A_1412 = vector.shape_cast %swap3A_1411 : vector<1x16xf32> to vector<16xf32>
        %swap3A_1413 = vector.shape_cast %mul3A_1408 : vector<16xf32> to vector<1x16xf32>
        tpu.vector_store %arg10[%swap3A_1409, %swap3A_1410], %swap3A_1413 {strides = array<i32>} : memref<100x128xf32, #tpu.memory_space<vmem>>, vector<1x16xf32>,
        %slice3A_1414 = vector.extract_strided_slice %get3A_1035 {offsets = [7], sizes = [1], strides = [1]} : vector<16xf32> to vector<1xf32>
        %squeeze3A_1415 = vector.extract %slice3A_1414[0] : f32 from vector<1xf32>
        %mul3A_1416 = arith.constant 16 : i32
        %mul3A_1417 = arith.muli %scan3A_1028, %mul3A_1416 : i32
        %add3A_1418 = arith.constant 7 : i32
        %add3A_1419 = arith.addi %mul3A_1417, %add3A_1418 : i32
        %mul3A_1420 = arith.constant 8 : i32
        %mul3A_1421 = arith.muli %scan3A_1028, %mul3A_1420 : i32
        %add3A_1422 = arith.constant 3 : i32
        %add3A_1423 = arith.addi %mul3A_1421, %add3A_1422 : i32
        %get3A_1424 = arith.index_cast %add3A_1419 : i32 to index
        %get3A_1425 = arith.constant 0 : index
        %get3A_1426 = tpu.vector_load %arg8[%get3A_1424, %get3A_1425] {strides = array<i32>} : memref<200x64xf32, #tpu.memory_space<vmem>>, vector<1x16xf32>,
        %get3A_1427 = vector.shape_cast %get3A_1426 : vector<1x16xf32> to vector<16xf32>
        %mul3A_1428 = vector.broadcast %squeeze3A_1415 : f32 to vector<16xf32>
        %mul3A_1429 = arith.mulf %get3A_1427, %mul3A_1428 : vector<16xf32>
        %swap3A_1430 = arith.index_cast %add3A_1423 : i32 to index
        %swap3A_1431 = arith.constant 64 : index
        %swap3A_1432 = tpu.vector_load %arg10[%swap3A_1430, %swap3A_1431] {strides = array<i32>} : memref<100x128xf32, #tpu.memory_space<vmem>>, vector<1x16xf32>,
        %swap3A_1433 = vector.shape_cast %swap3A_1432 : vector<1x16xf32> to vector<16xf32>
        %swap3A_1434 = vector.shape_cast %mul3A_1429 : vector<16xf32> to vector<1x16xf32>
        tpu.vector_store %arg10[%swap3A_1430, %swap3A_1431], %swap3A_1434 {strides = array<i32>} : memref<100x128xf32, #tpu.memory_space<vmem>>, vector<1x16xf32>,
        %get3A_1435 = arith.index_cast %add3A_1419 : i32 to index
        %get3A_1436 = arith.constant 16 : index
        %get3A_1437 = tpu.vector_load %arg8[%get3A_1435, %get3A_1436] {strides = array<i32>} : memref<200x64xf32, #tpu.memory_space<vmem>>, vector<1x16xf32>,
        %get3A_1438 = vector.shape_cast %get3A_1437 : vector<1x16xf32> to vector<16xf32>
        %mul3A_1439 = vector.broadcast %squeeze3A_1415 : f32 to vector<16xf32>
        %mul3A_1440 = arith.mulf %get3A_1438, %mul3A_1439 : vector<16xf32>
        %swap3A_1441 = arith.index_cast %add3A_1423 : i32 to index
        %swap3A_1442 = arith.constant 80 : index
        %swap3A_1443 = tpu.vector_load %arg10[%swap3A_1441, %swap3A_1442] {strides = array<i32>} : memref<100x128xf32, #tpu.memory_space<vmem>>, vector<1x16xf32>,
        %swap3A_1444 = vector.shape_cast %swap3A_1443 : vector<1x16xf32> to vector<16xf32>
        %swap3A_1445 = vector.shape_cast %mul3A_1440 : vector<16xf32> to vector<1x16xf32>
        tpu.vector_store %arg10[%swap3A_1441, %swap3A_1442], %swap3A_1445 {strides = array<i32>} : memref<100x128xf32, #tpu.memory_space<vmem>>, vector<1x16xf32>,
        %get3A_1446 = arith.index_cast %add3A_1419 : i32 to index
        %get3A_1447 = arith.constant 32 : index
        %get3A_1448 = tpu.vector_load %arg8[%get3A_1446, %get3A_1447] {strides = array<i32>} : memref<200x64xf32, #tpu.memory_space<vmem>>, vector<1x16xf32>,
        %get3A_1449 = vector.shape_cast %get3A_1448 : vector<1x16xf32> to vector<16xf32>
        %mul3A_1450 = vector.broadcast %squeeze3A_1415 : f32 to vector<16xf32>
        %mul3A_1451 = arith.mulf %get3A_1449, %mul3A_1450 : vector<16xf32>
        %swap3A_1452 = arith.index_cast %add3A_1423 : i32 to index
        %swap3A_1453 = arith.constant 96 : index
        %swap3A_1454 = tpu.vector_load %arg10[%swap3A_1452, %swap3A_1453] {strides = array<i32>} : memref<100x128xf32, #tpu.memory_space<vmem>>, vector<1x16xf32>,
        %swap3A_1455 = vector.shape_cast %swap3A_1454 : vector<1x16xf32> to vector<16xf32>
        %swap3A_1456 = vector.shape_cast %mul3A_1451 : vector<16xf32> to vector<1x16xf32>
        tpu.vector_store %arg10[%swap3A_1452, %swap3A_1453], %swap3A_1456 {strides = array<i32>} : memref<100x128xf32, #tpu.memory_space<vmem>>, vector<1x16xf32>,
        %get3A_1457 = arith.index_cast %add3A_1419 : i32 to index
        %get3A_1458 = arith.constant 48 : index
        %get3A_1459 = tpu.vector_load %arg8[%get3A_1457, %get3A_1458] {strides = array<i32>} : memref<200x64xf32, #tpu.memory_space<vmem>>, vector<1x16xf32>,
        %get3A_1460 = vector.shape_cast %get3A_1459 : vector<1x16xf32> to vector<16xf32>
        %mul3A_1461 = vector.broadcast %squeeze3A_1415 : f32 to vector<16xf32>
        %mul3A_1462 = arith.mulf %get3A_1460, %mul3A_1461 : vector<16xf32>
        %swap3A_1463 = arith.index_cast %add3A_1423 : i32 to index
        %swap3A_1464 = arith.constant 112 : index
        %swap3A_1465 = tpu.vector_load %arg10[%swap3A_1463, %swap3A_1464] {strides = array<i32>} : memref<100x128xf32, #tpu.memory_space<vmem>>, vector<1x16xf32>,
        %swap3A_1466 = vector.shape_cast %swap3A_1465 : vector<1x16xf32> to vector<16xf32>
        %swap3A_1467 = vector.shape_cast %mul3A_1462 : vector<16xf32> to vector<1x16xf32>
        tpu.vector_store %arg10[%swap3A_1463, %swap3A_1464], %swap3A_1467 {strides = array<i32>} : memref<100x128xf32, #tpu.memory_space<vmem>>, vector<1x16xf32>,
        %slice3A_1468 = vector.extract_strided_slice %get3A_1035 {offsets = [8], sizes = [1], strides = [1]} : vector<16xf32> to vector<1xf32>
        %squeeze3A_1469 = vector.extract %slice3A_1468[0] : f32 from vector<1xf32>
        %mul3A_1470 = arith.constant 16 : i32
        %mul3A_1471 = arith.muli %scan3A_1028, %mul3A_1470 : i32
        %add3A_1472 = arith.constant 8 : i32
        %add3A_1473 = arith.addi %mul3A_1471, %add3A_1472 : i32
        %mul3A_1474 = arith.constant 8 : i32
        %mul3A_1475 = arith.muli %scan3A_1028, %mul3A_1474 : i32
        %add3A_1476 = arith.constant 4 : i32
        %add3A_1477 = arith.addi %mul3A_1475, %add3A_1476 : i32
        %get3A_1478 = arith.index_cast %add3A_1473 : i32 to index
        %get3A_1479 = arith.constant 0 : index
        %get3A_1480 = tpu.vector_load %arg8[%get3A_1478, %get3A_1479] {strides = array<i32>} : memref<200x64xf32, #tpu.memory_space<vmem>>, vector<1x16xf32>,
        %get3A_1481 = vector.shape_cast %get3A_1480 : vector<1x16xf32> to vector<16xf32>
        %mul3A_1482 = vector.broadcast %squeeze3A_1469 : f32 to vector<16xf32>
        %mul3A_1483 = arith.mulf %get3A_1481, %mul3A_1482 : vector<16xf32>
        %swap3A_1484 = arith.index_cast %add3A_1477 : i32 to index
        %swap3A_1485 = arith.constant 0 : index
        %swap3A_1486 = tpu.vector_load %arg10[%swap3A_1484, %swap3A_1485] {strides = array<i32>} : memref<100x128xf32, #tpu.memory_space<vmem>>, vector<1x16xf32>,
        %swap3A_1487 = vector.shape_cast %swap3A_1486 : vector<1x16xf32> to vector<16xf32>
        %swap3A_1488 = vector.shape_cast %mul3A_1483 : vector<16xf32> to vector<1x16xf32>
        tpu.vector_store %arg10[%swap3A_1484, %swap3A_1485], %swap3A_1488 {strides = array<i32>} : memref<100x128xf32, #tpu.memory_space<vmem>>, vector<1x16xf32>,
        %get3A_1489 = arith.index_cast %add3A_1473 : i32 to index
        %get3A_1490 = arith.constant 16 : index
        %get3A_1491 = tpu.vector_load %arg8[%get3A_1489, %get3A_1490] {strides = array<i32>} : memref<200x64xf32, #tpu.memory_space<vmem>>, vector<1x16xf32>,
        %get3A_1492 = vector.shape_cast %get3A_1491 : vector<1x16xf32> to vector<16xf32>
        %mul3A_1493 = vector.broadcast %squeeze3A_1469 : f32 to vector<16xf32>
        %mul3A_1494 = arith.mulf %get3A_1492, %mul3A_1493 : vector<16xf32>
        %swap3A_1495 = arith.index_cast %add3A_1477 : i32 to index
        %swap3A_1496 = arith.constant 16 : index
        %swap3A_1497 = tpu.vector_load %arg10[%swap3A_1495, %swap3A_1496] {strides = array<i32>} : memref<100x128xf32, #tpu.memory_space<vmem>>, vector<1x16xf32>,
        %swap3A_1498 = vector.shape_cast %swap3A_1497 : vector<1x16xf32> to vector<16xf32>
        %swap3A_1499 = vector.shape_cast %mul3A_1494 : vector<16xf32> to vector<1x16xf32>
        tpu.vector_store %arg10[%swap3A_1495, %swap3A_1496], %swap3A_1499 {strides = array<i32>} : memref<100x128xf32, #tpu.memory_space<vmem>>, vector<1x16xf32>,
        %get3A_1500 = arith.index_cast %add3A_1473 : i32 to index
        %get3A_1501 = arith.constant 32 : index
        %get3A_1502 = tpu.vector_load %arg8[%get3A_1500, %get3A_1501] {strides = array<i32>} : memref<200x64xf32, #tpu.memory_space<vmem>>, vector<1x16xf32>,
        %get3A_1503 = vector.shape_cast %get3A_1502 : vector<1x16xf32> to vector<16xf32>
        %mul3A_1504 = vector.broadcast %squeeze3A_1469 : f32 to vector<16xf32>
        %mul3A_1505 = arith.mulf %get3A_1503, %mul3A_1504 : vector<16xf32>
        %swap3A_1506 = arith.index_cast %add3A_1477 : i32 to index
        %swap3A_1507 = arith.constant 32 : index
        %swap3A_1508 = tpu.vector_load %arg10[%swap3A_1506, %swap3A_1507] {strides = array<i32>} : memref<100x128xf32, #tpu.memory_space<vmem>>, vector<1x16xf32>,
        %swap3A_1509 = vector.shape_cast %swap3A_1508 : vector<1x16xf32> to vector<16xf32>
        %swap3A_1510 = vector.shape_cast %mul3A_1505 : vector<16xf32> to vector<1x16xf32>
        tpu.vector_store %arg10[%swap3A_1506, %swap3A_1507], %swap3A_1510 {strides = array<i32>} : memref<100x128xf32, #tpu.memory_space<vmem>>, vector<1x16xf32>,
        %get3A_1511 = arith.index_cast %add3A_1473 : i32 to index
        %get3A_1512 = arith.constant 48 : index
        %get3A_1513 = tpu.vector_load %arg8[%get3A_1511, %get3A_1512] {strides = array<i32>} : memref<200x64xf32, #tpu.memory_space<vmem>>, vector<1x16xf32>,
        %get3A_1514 = vector.shape_cast %get3A_1513 : vector<1x16xf32> to vector<16xf32>
        %mul3A_1515 = vector.broadcast %squeeze3A_1469 : f32 to vector<16xf32>
        %mul3A_1516 = arith.mulf %get3A_1514, %mul3A_1515 : vector<16xf32>
        %swap3A_1517 = arith.index_cast %add3A_1477 : i32 to index
        %swap3A_1518 = arith.constant 48 : index
        %swap3A_1519 = tpu.vector_load %arg10[%swap3A_1517, %swap3A_1518] {strides = array<i32>} : memref<100x128xf32, #tpu.memory_space<vmem>>, vector<1x16xf32>,
        %swap3A_1520 = vector.shape_cast %swap3A_1519 : vector<1x16xf32> to vector<16xf32>
        %swap3A_1521 = vector.shape_cast %mul3A_1516 : vector<16xf32> to vector<1x16xf32>
        tpu.vector_store %arg10[%swap3A_1517, %swap3A_1518], %swap3A_1521 {strides = array<i32>} : memref<100x128xf32, #tpu.memory_space<vmem>>, vector<1x16xf32>,
        %slice3A_1522 = vector.extract_strided_slice %get3A_1035 {offsets = [9], sizes = [1], strides = [1]} : vector<16xf32> to vector<1xf32>
        %squeeze3A_1523 = vector.extract %slice3A_1522[0] : f32 from vector<1xf32>
        %mul3A_1524 = arith.constant 16 : i32
        %mul3A_1525 = arith.muli %scan3A_1028, %mul3A_1524 : i32
        %add3A_1526 = arith.constant 9 : i32
        %add3A_1527 = arith.addi %mul3A_1525, %add3A_1526 : i32
        %mul3A_1528 = arith.constant 8 : i32
        %mul3A_1529 = arith.muli %scan3A_1028, %mul3A_1528 : i32
        %add3A_1530 = arith.constant 4 : i32
        %add3A_1531 = arith.addi %mul3A_1529, %add3A_1530 : i32
        %get3A_1532 = arith.index_cast %add3A_1527 : i32 to index
        %get3A_1533 = arith.constant 0 : index
        %get3A_1534 = tpu.vector_load %arg8[%get3A_1532, %get3A_1533] {strides = array<i32>} : memref<200x64xf32, #tpu.memory_space<vmem>>, vector<1x16xf32>,
        %get3A_1535 = vector.shape_cast %get3A_1534 : vector<1x16xf32> to vector<16xf32>
        %mul3A_1536 = vector.broadcast %squeeze3A_1523 : f32 to vector<16xf32>
        %mul3A_1537 = arith.mulf %get3A_1535, %mul3A_1536 : vector<16xf32>
        %swap3A_1538 = arith.index_cast %add3A_1531 : i32 to index
        %swap3A_1539 = arith.constant 64 : index
        %swap3A_1540 = tpu.vector_load %arg10[%swap3A_1538, %swap3A_1539] {strides = array<i32>} : memref<100x128xf32, #tpu.memory_space<vmem>>, vector<1x16xf32>,
        %swap3A_1541 = vector.shape_cast %swap3A_1540 : vector<1x16xf32> to vector<16xf32>
        %swap3A_1542 = vector.shape_cast %mul3A_1537 : vector<16xf32> to vector<1x16xf32>
        tpu.vector_store %arg10[%swap3A_1538, %swap3A_1539], %swap3A_1542 {strides = array<i32>} : memref<100x128xf32, #tpu.memory_space<vmem>>, vector<1x16xf32>,
        %get3A_1543 = arith.index_cast %add3A_1527 : i32 to index
        %get3A_1544 = arith.constant 16 : index
        %get3A_1545 = tpu.vector_load %arg8[%get3A_1543, %get3A_1544] {strides = array<i32>} : memref<200x64xf32, #tpu.memory_space<vmem>>, vector<1x16xf32>,
        %get3A_1546 = vector.shape_cast %get3A_1545 : vector<1x16xf32> to vector<16xf32>
        %mul3A_1547 = vector.broadcast %squeeze3A_1523 : f32 to vector<16xf32>
        %mul3A_1548 = arith.mulf %get3A_1546, %mul3A_1547 : vector<16xf32>
        %swap3A_1549 = arith.index_cast %add3A_1531 : i32 to index
        %swap3A_1550 = arith.constant 80 : index
        %swap3A_1551 = tpu.vector_load %arg10[%swap3A_1549, %swap3A_1550] {strides = array<i32>} : memref<100x128xf32, #tpu.memory_space<vmem>>, vector<1x16xf32>,
        %swap3A_1552 = vector.shape_cast %swap3A_1551 : vector<1x16xf32> to vector<16xf32>
        %swap3A_1553 = vector.shape_cast %mul3A_1548 : vector<16xf32> to vector<1x16xf32>
        tpu.vector_store %arg10[%swap3A_1549, %swap3A_1550], %swap3A_1553 {strides = array<i32>} : memref<100x128xf32, #tpu.memory_space<vmem>>, vector<1x16xf32>,
        %get3A_1554 = arith.index_cast %add3A_1527 : i32 to index
        %get3A_1555 = arith.constant 32 : index
        %get3A_1556 = tpu.vector_load %arg8[%get3A_1554, %get3A_1555] {strides = array<i32>} : memref<200x64xf32, #tpu.memory_space<vmem>>, vector<1x16xf32>,
        %get3A_1557 = vector.shape_cast %get3A_1556 : vector<1x16xf32> to vector<16xf32>
        %mul3A_1558 = vector.broadcast %squeeze3A_1523 : f32 to vector<16xf32>
        %mul3A_1559 = arith.mulf %get3A_1557, %mul3A_1558 : vector<16xf32>
        %swap3A_1560 = arith.index_cast %add3A_1531 : i32 to index
        %swap3A_1561 = arith.constant 96 : index
        %swap3A_1562 = tpu.vector_load %arg10[%swap3A_1560, %swap3A_1561] {strides = array<i32>} : memref<100x128xf32, #tpu.memory_space<vmem>>, vector<1x16xf32>,
        %swap3A_1563 = vector.shape_cast %swap3A_1562 : vector<1x16xf32> to vector<16xf32>
        %swap3A_1564 = vector.shape_cast %mul3A_1559 : vector<16xf32> to vector<1x16xf32>
        tpu.vector_store %arg10[%swap3A_1560, %swap3A_1561], %swap3A_1564 {strides = array<i32>} : memref<100x128xf32, #tpu.memory_space<vmem>>, vector<1x16xf32>,
        %get3A_1565 = arith.index_cast %add3A_1527 : i32 to index
        %get3A_1566 = arith.constant 48 : index
        %get3A_1567 = tpu.vector_load %arg8[%get3A_1565, %get3A_1566] {strides = array<i32>} : memref<200x64xf32, #tpu.memory_space<vmem>>, vector<1x16xf32>,
        %get3A_1568 = vector.shape_cast %get3A_1567 : vector<1x16xf32> to vector<16xf32>
        %mul3A_1569 = vector.broadcast %squeeze3A_1523 : f32 to vector<16xf32>
        %mul3A_1570 = arith.mulf %get3A_1568, %mul3A_1569 : vector<16xf32>
        %swap3A_1571 = arith.index_cast %add3A_1531 : i32 to index
        %swap3A_1572 = arith.constant 112 : index
        %swap3A_1573 = tpu.vector_load %arg10[%swap3A_1571, %swap3A_1572] {strides = array<i32>} : memref<100x128xf32, #tpu.memory_space<vmem>>, vector<1x16xf32>,
        %swap3A_1574 = vector.shape_cast %swap3A_1573 : vector<1x16xf32> to vector<16xf32>
        %swap3A_1575 = vector.shape_cast %mul3A_1570 : vector<16xf32> to vector<1x16xf32>
        tpu.vector_store %arg10[%swap3A_1571, %swap3A_1572], %swap3A_1575 {strides = array<i32>} : memref<100x128xf32, #tpu.memory_space<vmem>>, vector<1x16xf32>,
        %slice3A_1576 = vector.extract_strided_slice %get3A_1035 {offsets = [10], sizes = [1], strides = [1]} : vector<16xf32> to vector<1xf32>
        %squeeze3A_1577 = vector.extract %slice3A_1576[0] : f32 from vector<1xf32>
        %mul3A_1578 = arith.constant 16 : i32
        %mul3A_1579 = arith.muli %scan3A_1028, %mul3A_1578 : i32
        %add3A_1580 = arith.constant 10 : i32
        %add3A_1581 = arith.addi %mul3A_1579, %add3A_1580 : i32
        %mul3A_1582 = arith.constant 8 : i32
        %mul3A_1583 = arith.muli %scan3A_1028, %mul3A_1582 : i32
        %add3A_1584 = arith.constant 5 : i32
        %add3A_1585 = arith.addi %mul3A_1583, %add3A_1584 : i32
        %get3A_1586 = arith.index_cast %add3A_1581 : i32 to index
        %get3A_1587 = arith.constant 0 : index
        %get3A_1588 = tpu.vector_load %arg8[%get3A_1586, %get3A_1587] {strides = array<i32>} : memref<200x64xf32, #tpu.memory_space<vmem>>, vector<1x16xf32>,
        %get3A_1589 = vector.shape_cast %get3A_1588 : vector<1x16xf32> to vector<16xf32>
        %mul3A_1590 = vector.broadcast %squeeze3A_1577 : f32 to vector<16xf32>
        %mul3A_1591 = arith.mulf %get3A_1589, %mul3A_1590 : vector<16xf32>
        %swap3A_1592 = arith.index_cast %add3A_1585 : i32 to index
        %swap3A_1593 = arith.constant 0 : index
        %swap3A_1594 = tpu.vector_load %arg10[%swap3A_1592, %swap3A_1593] {strides = array<i32>} : memref<100x128xf32, #tpu.memory_space<vmem>>, vector<1x16xf32>,
        %swap3A_1595 = vector.shape_cast %swap3A_1594 : vector<1x16xf32> to vector<16xf32>
        %swap3A_1596 = vector.shape_cast %mul3A_1591 : vector<16xf32> to vector<1x16xf32>
        tpu.vector_store %arg10[%swap3A_1592, %swap3A_1593], %swap3A_1596 {strides = array<i32>} : memref<100x128xf32, #tpu.memory_space<vmem>>, vector<1x16xf32>,
        %get3A_1597 = arith.index_cast %add3A_1581 : i32 to index
        %get3A_1598 = arith.constant 16 : index
        %get3A_1599 = tpu.vector_load %arg8[%get3A_1597, %get3A_1598] {strides = array<i32>} : memref<200x64xf32, #tpu.memory_space<vmem>>, vector<1x16xf32>,
        %get3A_1600 = vector.shape_cast %get3A_1599 : vector<1x16xf32> to vector<16xf32>
        %mul3A_1601 = vector.broadcast %squeeze3A_1577 : f32 to vector<16xf32>
        %mul3A_1602 = arith.mulf %get3A_1600, %mul3A_1601 : vector<16xf32>
        %swap3A_1603 = arith.index_cast %add3A_1585 : i32 to index
        %swap3A_1604 = arith.constant 16 : index
        %swap3A_1605 = tpu.vector_load %arg10[%swap3A_1603, %swap3A_1604] {strides = array<i32>} : memref<100x128xf32, #tpu.memory_space<vmem>>, vector<1x16xf32>,
        %swap3A_1606 = vector.shape_cast %swap3A_1605 : vector<1x16xf32> to vector<16xf32>
        %swap3A_1607 = vector.shape_cast %mul3A_1602 : vector<16xf32> to vector<1x16xf32>
        tpu.vector_store %arg10[%swap3A_1603, %swap3A_1604], %swap3A_1607 {strides = array<i32>} : memref<100x128xf32, #tpu.memory_space<vmem>>, vector<1x16xf32>,
        %get3A_1608 = arith.index_cast %add3A_1581 : i32 to index
        %get3A_1609 = arith.constant 32 : index
        %get3A_1610 = tpu.vector_load %arg8[%get3A_1608, %get3A_1609] {strides = array<i32>} : memref<200x64xf32, #tpu.memory_space<vmem>>, vector<1x16xf32>,
        %get3A_1611 = vector.shape_cast %get3A_1610 : vector<1x16xf32> to vector<16xf32>
        %mul3A_1612 = vector.broadcast %squeeze3A_1577 : f32 to vector<16xf32>
        %mul3A_1613 = arith.mulf %get3A_1611, %mul3A_1612 : vector<16xf32>
        %swap3A_1614 = arith.index_cast %add3A_1585 : i32 to index
        %swap3A_1615 = arith.constant 32 : index
        %swap3A_1616 = tpu.vector_load %arg10[%swap3A_1614, %swap3A_1615] {strides = array<i32>} : memref<100x128xf32, #tpu.memory_space<vmem>>, vector<1x16xf32>,
        %swap3A_1617 = vector.shape_cast %swap3A_1616 : vector<1x16xf32> to vector<16xf32>
        %swap3A_1618 = vector.shape_cast %mul3A_1613 : vector<16xf32> to vector<1x16xf32>
        tpu.vector_store %arg10[%swap3A_1614, %swap3A_1615], %swap3A_1618 {strides = array<i32>} : memref<100x128xf32, #tpu.memory_space<vmem>>, vector<1x16xf32>,
        %get3A_1619 = arith.index_cast %add3A_1581 : i32 to index
        %get3A_1620 = arith.constant 48 : index
        %get3A_1621 = tpu.vector_load %arg8[%get3A_1619, %get3A_1620] {strides = array<i32>} : memref<200x64xf32, #tpu.memory_space<vmem>>, vector<1x16xf32>,
        %get3A_1622 = vector.shape_cast %get3A_1621 : vector<1x16xf32> to vector<16xf32>
        %mul3A_1623 = vector.broadcast %squeeze3A_1577 : f32 to vector<16xf32>
        %mul3A_1624 = arith.mulf %get3A_1622, %mul3A_1623 : vector<16xf32>
        %swap3A_1625 = arith.index_cast %add3A_1585 : i32 to index
        %swap3A_1626 = arith.constant 48 : index
        %swap3A_1627 = tpu.vector_load %arg10[%swap3A_1625, %swap3A_1626] {strides = array<i32>} : memref<100x128xf32, #tpu.memory_space<vmem>>, vector<1x16xf32>,
        %swap3A_1628 = vector.shape_cast %swap3A_1627 : vector<1x16xf32> to vector<16xf32>
        %swap3A_1629 = vector.shape_cast %mul3A_1624 : vector<16xf32> to vector<1x16xf32>
        tpu.vector_store %arg10[%swap3A_1625, %swap3A_1626], %swap3A_1629 {strides = array<i32>} : memref<100x128xf32, #tpu.memory_space<vmem>>, vector<1x16xf32>,
        %slice3A_1630 = vector.extract_strided_slice %get3A_1035 {offsets = [11], sizes = [1], strides = [1]} : vector<16xf32> to vector<1xf32>
        %squeeze3A_1631 = vector.extract %slice3A_1630[0] : f32 from vector<1xf32>
        %mul3A_1632 = arith.constant 16 : i32
        %mul3A_1633 = arith.muli %scan3A_1028, %mul3A_1632 : i32
        %add3A_1634 = arith.constant 11 : i32
        %add3A_1635 = arith.addi %mul3A_1633, %add3A_1634 : i32
        %mul3A_1636 = arith.constant 8 : i32
        %mul3A_1637 = arith.muli %scan3A_1028, %mul3A_1636 : i32
        %add3A_1638 = arith.constant 5 : i32
        %add3A_1639 = arith.addi %mul3A_1637, %add3A_1638 : i32
        %get3A_1640 = arith.index_cast %add3A_1635 : i32 to index
        %get3A_1641 = arith.constant 0 : index
        %get3A_1642 = tpu.vector_load %arg8[%get3A_1640, %get3A_1641] {strides = array<i32>} : memref<200x64xf32, #tpu.memory_space<vmem>>, vector<1x16xf32>,
        %get3A_1643 = vector.shape_cast %get3A_1642 : vector<1x16xf32> to vector<16xf32>
        %mul3A_1644 = vector.broadcast %squeeze3A_1631 : f32 to vector<16xf32>
        %mul3A_1645 = arith.mulf %get3A_1643, %mul3A_1644 : vector<16xf32>
        %swap3A_1646 = arith.index_cast %add3A_1639 : i32 to index
        %swap3A_1647 = arith.constant 64 : index
        %swap3A_1648 = tpu.vector_load %arg10[%swap3A_1646, %swap3A_1647] {strides = array<i32>} : memref<100x128xf32, #tpu.memory_space<vmem>>, vector<1x16xf32>,
        %swap3A_1649 = vector.shape_cast %swap3A_1648 : vector<1x16xf32> to vector<16xf32>
        %swap3A_1650 = vector.shape_cast %mul3A_1645 : vector<16xf32> to vector<1x16xf32>
        tpu.vector_store %arg10[%swap3A_1646, %swap3A_1647], %swap3A_1650 {strides = array<i32>} : memref<100x128xf32, #tpu.memory_space<vmem>>, vector<1x16xf32>,
        %get3A_1651 = arith.index_cast %add3A_1635 : i32 to index
        %get3A_1652 = arith.constant 16 : index
        %get3A_1653 = tpu.vector_load %arg8[%get3A_1651, %get3A_1652] {strides = array<i32>} : memref<200x64xf32, #tpu.memory_space<vmem>>, vector<1x16xf32>,
        %get3A_1654 = vector.shape_cast %get3A_1653 : vector<1x16xf32> to vector<16xf32>
        %mul3A_1655 = vector.broadcast %squeeze3A_1631 : f32 to vector<16xf32>
        %mul3A_1656 = arith.mulf %get3A_1654, %mul3A_1655 : vector<16xf32>
        %swap3A_1657 = arith.index_cast %add3A_1639 : i32 to index
        %swap3A_1658 = arith.constant 80 : index
        %swap3A_1659 = tpu.vector_load %arg10[%swap3A_1657, %swap3A_1658] {strides = array<i32>} : memref<100x128xf32, #tpu.memory_space<vmem>>, vector<1x16xf32>,
        %swap3A_1660 = vector.shape_cast %swap3A_1659 : vector<1x16xf32> to vector<16xf32>
        %swap3A_1661 = vector.shape_cast %mul3A_1656 : vector<16xf32> to vector<1x16xf32>
        tpu.vector_store %arg10[%swap3A_1657, %swap3A_1658], %swap3A_1661 {strides = array<i32>} : memref<100x128xf32, #tpu.memory_space<vmem>>, vector<1x16xf32>,
        %get3A_1662 = arith.index_cast %add3A_1635 : i32 to index
        %get3A_1663 = arith.constant 32 : index
        %get3A_1664 = tpu.vector_load %arg8[%get3A_1662, %get3A_1663] {strides = array<i32>} : memref<200x64xf32, #tpu.memory_space<vmem>>, vector<1x16xf32>,
        %get3A_1665 = vector.shape_cast %get3A_1664 : vector<1x16xf32> to vector<16xf32>
        %mul3A_1666 = vector.broadcast %squeeze3A_1631 : f32 to vector<16xf32>
        %mul3A_1667 = arith.mulf %get3A_1665, %mul3A_1666 : vector<16xf32>
        %swap3A_1668 = arith.index_cast %add3A_1639 : i32 to index
        %swap3A_1669 = arith.constant 96 : index
        %swap3A_1670 = tpu.vector_load %arg10[%swap3A_1668, %swap3A_1669] {strides = array<i32>} : memref<100x128xf32, #tpu.memory_space<vmem>>, vector<1x16xf32>,
        %swap3A_1671 = vector.shape_cast %swap3A_1670 : vector<1x16xf32> to vector<16xf32>
        %swap3A_1672 = vector.shape_cast %mul3A_1667 : vector<16xf32> to vector<1x16xf32>
        tpu.vector_store %arg10[%swap3A_1668, %swap3A_1669], %swap3A_1672 {strides = array<i32>} : memref<100x128xf32, #tpu.memory_space<vmem>>, vector<1x16xf32>,
        %get3A_1673 = arith.index_cast %add3A_1635 : i32 to index
        %get3A_1674 = arith.constant 48 : index
        %get3A_1675 = tpu.vector_load %arg8[%get3A_1673, %get3A_1674] {strides = array<i32>} : memref<200x64xf32, #tpu.memory_space<vmem>>, vector<1x16xf32>,
        %get3A_1676 = vector.shape_cast %get3A_1675 : vector<1x16xf32> to vector<16xf32>
        %mul3A_1677 = vector.broadcast %squeeze3A_1631 : f32 to vector<16xf32>
        %mul3A_1678 = arith.mulf %get3A_1676, %mul3A_1677 : vector<16xf32>
        %swap3A_1679 = arith.index_cast %add3A_1639 : i32 to index
        %swap3A_1680 = arith.constant 112 : index
        %swap3A_1681 = tpu.vector_load %arg10[%swap3A_1679, %swap3A_1680] {strides = array<i32>} : memref<100x128xf32, #tpu.memory_space<vmem>>, vector<1x16xf32>,
        %swap3A_1682 = vector.shape_cast %swap3A_1681 : vector<1x16xf32> to vector<16xf32>
        %swap3A_1683 = vector.shape_cast %mul3A_1678 : vector<16xf32> to vector<1x16xf32>
        tpu.vector_store %arg10[%swap3A_1679, %swap3A_1680], %swap3A_1683 {strides = array<i32>} : memref<100x128xf32, #tpu.memory_space<vmem>>, vector<1x16xf32>,
        %slice3A_1684 = vector.extract_strided_slice %get3A_1035 {offsets = [12], sizes = [1], strides = [1]} : vector<16xf32> to vector<1xf32>
        %squeeze3A_1685 = vector.extract %slice3A_1684[0] : f32 from vector<1xf32>
        %mul3A_1686 = arith.constant 16 : i32
        %mul3A_1687 = arith.muli %scan3A_1028, %mul3A_1686 : i32
        %add3A_1688 = arith.constant 12 : i32
        %add3A_1689 = arith.addi %mul3A_1687, %add3A_1688 : i32
        %mul3A_1690 = arith.constant 8 : i32
        %mul3A_1691 = arith.muli %scan3A_1028, %mul3A_1690 : i32
        %add3A_1692 = arith.constant 6 : i32
        %add3A_1693 = arith.addi %mul3A_1691, %add3A_1692 : i32
        %get3A_1694 = arith.index_cast %add3A_1689 : i32 to index
        %get3A_1695 = arith.constant 0 : index
        %get3A_1696 = tpu.vector_load %arg8[%get3A_1694, %get3A_1695] {strides = array<i32>} : memref<200x64xf32, #tpu.memory_space<vmem>>, vector<1x16xf32>,
        %get3A_1697 = vector.shape_cast %get3A_1696 : vector<1x16xf32> to vector<16xf32>
        %mul3A_1698 = vector.broadcast %squeeze3A_1685 : f32 to vector<16xf32>
        %mul3A_1699 = arith.mulf %get3A_1697, %mul3A_1698 : vector<16xf32>
        %swap3A_1700 = arith.index_cast %add3A_1693 : i32 to index
        %swap3A_1701 = arith.constant 0 : index
        %swap3A_1702 = tpu.vector_load %arg10[%swap3A_1700, %swap3A_1701] {strides = array<i32>} : memref<100x128xf32, #tpu.memory_space<vmem>>, vector<1x16xf32>,
        %swap3A_1703 = vector.shape_cast %swap3A_1702 : vector<1x16xf32> to vector<16xf32>
        %swap3A_1704 = vector.shape_cast %mul3A_1699 : vector<16xf32> to vector<1x16xf32>
        tpu.vector_store %arg10[%swap3A_1700, %swap3A_1701], %swap3A_1704 {strides = array<i32>} : memref<100x128xf32, #tpu.memory_space<vmem>>, vector<1x16xf32>,
        %get3A_1705 = arith.index_cast %add3A_1689 : i32 to index
        %get3A_1706 = arith.constant 16 : index
        %get3A_1707 = tpu.vector_load %arg8[%get3A_1705, %get3A_1706] {strides = array<i32>} : memref<200x64xf32, #tpu.memory_space<vmem>>, vector<1x16xf32>,
        %get3A_1708 = vector.shape_cast %get3A_1707 : vector<1x16xf32> to vector<16xf32>
        %mul3A_1709 = vector.broadcast %squeeze3A_1685 : f32 to vector<16xf32>
        %mul3A_1710 = arith.mulf %get3A_1708, %mul3A_1709 : vector<16xf32>
        %swap3A_1711 = arith.index_cast %add3A_1693 : i32 to index
        %swap3A_1712 = arith.constant 16 : index
        %swap3A_1713 = tpu.vector_load %arg10[%swap3A_1711, %swap3A_1712] {strides = array<i32>} : memref<100x128xf32, #tpu.memory_space<vmem>>, vector<1x16xf32>,
        %swap3A_1714 = vector.shape_cast %swap3A_1713 : vector<1x16xf32> to vector<16xf32>
        %swap3A_1715 = vector.shape_cast %mul3A_1710 : vector<16xf32> to vector<1x16xf32>
        tpu.vector_store %arg10[%swap3A_1711, %swap3A_1712], %swap3A_1715 {strides = array<i32>} : memref<100x128xf32, #tpu.memory_space<vmem>>, vector<1x16xf32>,
        %get3A_1716 = arith.index_cast %add3A_1689 : i32 to index
        %get3A_1717 = arith.constant 32 : index
        %get3A_1718 = tpu.vector_load %arg8[%get3A_1716, %get3A_1717] {strides = array<i32>} : memref<200x64xf32, #tpu.memory_space<vmem>>, vector<1x16xf32>,
        %get3A_1719 = vector.shape_cast %get3A_1718 : vector<1x16xf32> to vector<16xf32>
        %mul3A_1720 = vector.broadcast %squeeze3A_1685 : f32 to vector<16xf32>
        %mul3A_1721 = arith.mulf %get3A_1719, %mul3A_1720 : vector<16xf32>
        %swap3A_1722 = arith.index_cast %add3A_1693 : i32 to index
        %swap3A_1723 = arith.constant 32 : index
        %swap3A_1724 = tpu.vector_load %arg10[%swap3A_1722, %swap3A_1723] {strides = array<i32>} : memref<100x128xf32, #tpu.memory_space<vmem>>, vector<1x16xf32>,
        %swap3A_1725 = vector.shape_cast %swap3A_1724 : vector<1x16xf32> to vector<16xf32>
        %swap3A_1726 = vector.shape_cast %mul3A_1721 : vector<16xf32> to vector<1x16xf32>
        tpu.vector_store %arg10[%swap3A_1722, %swap3A_1723], %swap3A_1726 {strides = array<i32>} : memref<100x128xf32, #tpu.memory_space<vmem>>, vector<1x16xf32>,
        %get3A_1727 = arith.index_cast %add3A_1689 : i32 to index
        %get3A_1728 = arith.constant 48 : index
        %get3A_1729 = tpu.vector_load %arg8[%get3A_1727, %get3A_1728] {strides = array<i32>} : memref<200x64xf32, #tpu.memory_space<vmem>>, vector<1x16xf32>,
        %get3A_1730 = vector.shape_cast %get3A_1729 : vector<1x16xf32> to vector<16xf32>
        %mul3A_1731 = vector.broadcast %squeeze3A_1685 : f32 to vector<16xf32>
        %mul3A_1732 = arith.mulf %get3A_1730, %mul3A_1731 : vector<16xf32>
        %swap3A_1733 = arith.index_cast %add3A_1693 : i32 to index
        %swap3A_1734 = arith.constant 48 : index
        %swap3A_1735 = tpu.vector_load %arg10[%swap3A_1733, %swap3A_1734] {strides = array<i32>} : memref<100x128xf32, #tpu.memory_space<vmem>>, vector<1x16xf32>,
        %swap3A_1736 = vector.shape_cast %swap3A_1735 : vector<1x16xf32> to vector<16xf32>
        %swap3A_1737 = vector.shape_cast %mul3A_1732 : vector<16xf32> to vector<1x16xf32>
        tpu.vector_store %arg10[%swap3A_1733, %swap3A_1734], %swap3A_1737 {strides = array<i32>} : memref<100x128xf32, #tpu.memory_space<vmem>>, vector<1x16xf32>,
        %slice3A_1738 = vector.extract_strided_slice %get3A_1035 {offsets = [13], sizes = [1], strides = [1]} : vector<16xf32> to vector<1xf32>
        %squeeze3A_1739 = vector.extract %slice3A_1738[0] : f32 from vector<1xf32>
        %mul3A_1740 = arith.constant 16 : i32
        %mul3A_1741 = arith.muli %scan3A_1028, %mul3A_1740 : i32
        %add3A_1742 = arith.constant 13 : i32
        %add3A_1743 = arith.addi %mul3A_1741, %add3A_1742 : i32
        %mul3A_1744 = arith.constant 8 : i32
        %mul3A_1745 = arith.muli %scan3A_1028, %mul3A_1744 : i32
        %add3A_1746 = arith.constant 6 : i32
        %add3A_1747 = arith.addi %mul3A_1745, %add3A_1746 : i32
        %get3A_1748 = arith.index_cast %add3A_1743 : i32 to index
        %get3A_1749 = arith.constant 0 : index
        %get3A_1750 = tpu.vector_load %arg8[%get3A_1748, %get3A_1749] {strides = array<i32>} : memref<200x64xf32, #tpu.memory_space<vmem>>, vector<1x16xf32>,
        %get3A_1751 = vector.shape_cast %get3A_1750 : vector<1x16xf32> to vector<16xf32>
        %mul3A_1752 = vector.broadcast %squeeze3A_1739 : f32 to vector<16xf32>
        %mul3A_1753 = arith.mulf %get3A_1751, %mul3A_1752 : vector<16xf32>
        %swap3A_1754 = arith.index_cast %add3A_1747 : i32 to index
        %swap3A_1755 = arith.constant 64 : index
        %swap3A_1756 = tpu.vector_load %arg10[%swap3A_1754, %swap3A_1755] {strides = array<i32>} : memref<100x128xf32, #tpu.memory_space<vmem>>, vector<1x16xf32>,
        %swap3A_1757 = vector.shape_cast %swap3A_1756 : vector<1x16xf32> to vector<16xf32>
        %swap3A_1758 = vector.shape_cast %mul3A_1753 : vector<16xf32> to vector<1x16xf32>
        tpu.vector_store %arg10[%swap3A_1754, %swap3A_1755], %swap3A_1758 {strides = array<i32>} : memref<100x128xf32, #tpu.memory_space<vmem>>, vector<1x16xf32>,
        %get3A_1759 = arith.index_cast %add3A_1743 : i32 to index
        %get3A_1760 = arith.constant 16 : index
        %get3A_1761 = tpu.vector_load %arg8[%get3A_1759, %get3A_1760] {strides = array<i32>} : memref<200x64xf32, #tpu.memory_space<vmem>>, vector<1x16xf32>,
        %get3A_1762 = vector.shape_cast %get3A_1761 : vector<1x16xf32> to vector<16xf32>
        %mul3A_1763 = vector.broadcast %squeeze3A_1739 : f32 to vector<16xf32>
        %mul3A_1764 = arith.mulf %get3A_1762, %mul3A_1763 : vector<16xf32>
        %swap3A_1765 = arith.index_cast %add3A_1747 : i32 to index
        %swap3A_1766 = arith.constant 80 : index
        %swap3A_1767 = tpu.vector_load %arg10[%swap3A_1765, %swap3A_1766] {strides = array<i32>} : memref<100x128xf32, #tpu.memory_space<vmem>>, vector<1x16xf32>,
        %swap3A_1768 = vector.shape_cast %swap3A_1767 : vector<1x16xf32> to vector<16xf32>
        %swap3A_1769 = vector.shape_cast %mul3A_1764 : vector<16xf32> to vector<1x16xf32>
        tpu.vector_store %arg10[%swap3A_1765, %swap3A_1766], %swap3A_1769 {strides = array<i32>} : memref<100x128xf32, #tpu.memory_space<vmem>>, vector<1x16xf32>,
        %get3A_1770 = arith.index_cast %add3A_1743 : i32 to index
        %get3A_1771 = arith.constant 32 : index
        %get3A_1772 = tpu.vector_load %arg8[%get3A_1770, %get3A_1771] {strides = array<i32>} : memref<200x64xf32, #tpu.memory_space<vmem>>, vector<1x16xf32>,
        %get3A_1773 = vector.shape_cast %get3A_1772 : vector<1x16xf32> to vector<16xf32>
        %mul3A_1774 = vector.broadcast %squeeze3A_1739 : f32 to vector<16xf32>
        %mul3A_1775 = arith.mulf %get3A_1773, %mul3A_1774 : vector<16xf32>
        %swap3A_1776 = arith.index_cast %add3A_1747 : i32 to index
        %swap3A_1777 = arith.constant 96 : index
        %swap3A_1778 = tpu.vector_load %arg10[%swap3A_1776, %swap3A_1777] {strides = array<i32>} : memref<100x128xf32, #tpu.memory_space<vmem>>, vector<1x16xf32>,
        %swap3A_1779 = vector.shape_cast %swap3A_1778 : vector<1x16xf32> to vector<16xf32>
        %swap3A_1780 = vector.shape_cast %mul3A_1775 : vector<16xf32> to vector<1x16xf32>
        tpu.vector_store %arg10[%swap3A_1776, %swap3A_1777], %swap3A_1780 {strides = array<i32>} : memref<100x128xf32, #tpu.memory_space<vmem>>, vector<1x16xf32>,
        %get3A_1781 = arith.index_cast %add3A_1743 : i32 to index
        %get3A_1782 = arith.constant 48 : index
        %get3A_1783 = tpu.vector_load %arg8[%get3A_1781, %get3A_1782] {strides = array<i32>} : memref<200x64xf32, #tpu.memory_space<vmem>>, vector<1x16xf32>,
        %get3A_1784 = vector.shape_cast %get3A_1783 : vector<1x16xf32> to vector<16xf32>
        %mul3A_1785 = vector.broadcast %squeeze3A_1739 : f32 to vector<16xf32>
        %mul3A_1786 = arith.mulf %get3A_1784, %mul3A_1785 : vector<16xf32>
        %swap3A_1787 = arith.index_cast %add3A_1747 : i32 to index
        %swap3A_1788 = arith.constant 112 : index
        %swap3A_1789 = tpu.vector_load %arg10[%swap3A_1787, %swap3A_1788] {strides = array<i32>} : memref<100x128xf32, #tpu.memory_space<vmem>>, vector<1x16xf32>,
        %swap3A_1790 = vector.shape_cast %swap3A_1789 : vector<1x16xf32> to vector<16xf32>
        %swap3A_1791 = vector.shape_cast %mul3A_1786 : vector<16xf32> to vector<1x16xf32>
        tpu.vector_store %arg10[%swap3A_1787, %swap3A_1788], %swap3A_1791 {strides = array<i32>} : memref<100x128xf32, #tpu.memory_space<vmem>>, vector<1x16xf32>,
        %slice3A_1792 = vector.extract_strided_slice %get3A_1035 {offsets = [14], sizes = [1], strides = [1]} : vector<16xf32> to vector<1xf32>
        %squeeze3A_1793 = vector.extract %slice3A_1792[0] : f32 from vector<1xf32>
        %mul3A_1794 = arith.constant 16 : i32
        %mul3A_1795 = arith.muli %scan3A_1028, %mul3A_1794 : i32
        %add3A_1796 = arith.constant 14 : i32
        %add3A_1797 = arith.addi %mul3A_1795, %add3A_1796 : i32
        %mul3A_1798 = arith.constant 8 : i32
        %mul3A_1799 = arith.muli %scan3A_1028, %mul3A_1798 : i32
        %add3A_1800 = arith.constant 7 : i32
        %add3A_1801 = arith.addi %mul3A_1799, %add3A_1800 : i32
        %get3A_1802 = arith.index_cast %add3A_1797 : i32 to index
        %get3A_1803 = arith.constant 0 : index
        %get3A_1804 = tpu.vector_load %arg8[%get3A_1802, %get3A_1803] {strides = array<i32>} : memref<200x64xf32, #tpu.memory_space<vmem>>, vector<1x16xf32>,
        %get3A_1805 = vector.shape_cast %get3A_1804 : vector<1x16xf32> to vector<16xf32>
        %mul3A_1806 = vector.broadcast %squeeze3A_1793 : f32 to vector<16xf32>
        %mul3A_1807 = arith.mulf %get3A_1805, %mul3A_1806 : vector<16xf32>
        %swap3A_1808 = arith.index_cast %add3A_1801 : i32 to index
        %swap3A_1809 = arith.constant 0 : index
        %swap3A_1810 = tpu.vector_load %arg10[%swap3A_1808, %swap3A_1809] {strides = array<i32>} : memref<100x128xf32, #tpu.memory_space<vmem>>, vector<1x16xf32>,
        %swap3A_1811 = vector.shape_cast %swap3A_1810 : vector<1x16xf32> to vector<16xf32>
        %swap3A_1812 = vector.shape_cast %mul3A_1807 : vector<16xf32> to vector<1x16xf32>
        tpu.vector_store %arg10[%swap3A_1808, %swap3A_1809], %swap3A_1812 {strides = array<i32>} : memref<100x128xf32, #tpu.memory_space<vmem>>, vector<1x16xf32>,
        %get3A_1813 = arith.index_cast %add3A_1797 : i32 to index
        %get3A_1814 = arith.constant 16 : index
        %get3A_1815 = tpu.vector_load %arg8[%get3A_1813, %get3A_1814] {strides = array<i32>} : memref<200x64xf32, #tpu.memory_space<vmem>>, vector<1x16xf32>,
        %get3A_1816 = vector.shape_cast %get3A_1815 : vector<1x16xf32> to vector<16xf32>
        %mul3A_1817 = vector.broadcast %squeeze3A_1793 : f32 to vector<16xf32>
        %mul3A_1818 = arith.mulf %get3A_1816, %mul3A_1817 : vector<16xf32>
        %swap3A_1819 = arith.index_cast %add3A_1801 : i32 to index
        %swap3A_1820 = arith.constant 16 : index
        %swap3A_1821 = tpu.vector_load %arg10[%swap3A_1819, %swap3A_1820] {strides = array<i32>} : memref<100x128xf32, #tpu.memory_space<vmem>>, vector<1x16xf32>,
        %swap3A_1822 = vector.shape_cast %swap3A_1821 : vector<1x16xf32> to vector<16xf32>
        %swap3A_1823 = vector.shape_cast %mul3A_1818 : vector<16xf32> to vector<1x16xf32>
        tpu.vector_store %arg10[%swap3A_1819, %swap3A_1820], %swap3A_1823 {strides = array<i32>} : memref<100x128xf32, #tpu.memory_space<vmem>>, vector<1x16xf32>,
        %get3A_1824 = arith.index_cast %add3A_1797 : i32 to index
        %get3A_1825 = arith.constant 32 : index
        %get3A_1826 = tpu.vector_load %arg8[%get3A_1824, %get3A_1825] {strides = array<i32>} : memref<200x64xf32, #tpu.memory_space<vmem>>, vector<1x16xf32>,
        %get3A_1827 = vector.shape_cast %get3A_1826 : vector<1x16xf32> to vector<16xf32>
        %mul3A_1828 = vector.broadcast %squeeze3A_1793 : f32 to vector<16xf32>
        %mul3A_1829 = arith.mulf %get3A_1827, %mul3A_1828 : vector<16xf32>
        %swap3A_1830 = arith.index_cast %add3A_1801 : i32 to index
        %swap3A_1831 = arith.constant 32 : index
        %swap3A_1832 = tpu.vector_load %arg10[%swap3A_1830, %swap3A_1831] {strides = array<i32>} : memref<100x128xf32, #tpu.memory_space<vmem>>, vector<1x16xf32>,
        %swap3A_1833 = vector.shape_cast %swap3A_1832 : vector<1x16xf32> to vector<16xf32>
        %swap3A_1834 = vector.shape_cast %mul3A_1829 : vector<16xf32> to vector<1x16xf32>
        tpu.vector_store %arg10[%swap3A_1830, %swap3A_1831], %swap3A_1834 {strides = array<i32>} : memref<100x128xf32, #tpu.memory_space<vmem>>, vector<1x16xf32>,
        %get3A_1835 = arith.index_cast %add3A_1797 : i32 to index
        %get3A_1836 = arith.constant 48 : index
        %get3A_1837 = tpu.vector_load %arg8[%get3A_1835, %get3A_1836] {strides = array<i32>} : memref<200x64xf32, #tpu.memory_space<vmem>>, vector<1x16xf32>,
        %get3A_1838 = vector.shape_cast %get3A_1837 : vector<1x16xf32> to vector<16xf32>
        %mul3A_1839 = vector.broadcast %squeeze3A_1793 : f32 to vector<16xf32>
        %mul3A_1840 = arith.mulf %get3A_1838, %mul3A_1839 : vector<16xf32>
        %swap3A_1841 = arith.index_cast %add3A_1801 : i32 to index
        %swap3A_1842 = arith.constant 48 : index
        %swap3A_1843 = tpu.vector_load %arg10[%swap3A_1841, %swap3A_1842] {strides = array<i32>} : memref<100x128xf32, #tpu.memory_space<vmem>>, vector<1x16xf32>,
        %swap3A_1844 = vector.shape_cast %swap3A_1843 : vector<1x16xf32> to vector<16xf32>
        %swap3A_1845 = vector.shape_cast %mul3A_1840 : vector<16xf32> to vector<1x16xf32>
        tpu.vector_store %arg10[%swap3A_1841, %swap3A_1842], %swap3A_1845 {strides = array<i32>} : memref<100x128xf32, #tpu.memory_space<vmem>>, vector<1x16xf32>,
        %slice3A_1846 = vector.extract_strided_slice %get3A_1035 {offsets = [15], sizes = [1], strides = [1]} : vector<16xf32> to vector<1xf32>
        %squeeze3A_1847 = vector.extract %slice3A_1846[0] : f32 from vector<1xf32>
        %mul3A_1848 = arith.constant 16 : i32
        %mul3A_1849 = arith.muli %scan3A_1028, %mul3A_1848 : i32
        %add3A_1850 = arith.constant 15 : i32
        %add3A_1851 = arith.addi %mul3A_1849, %add3A_1850 : i32
        %mul3A_1852 = arith.constant 8 : i32
        %mul3A_1853 = arith.muli %scan3A_1028, %mul3A_1852 : i32
        %add3A_1854 = arith.constant 7 : i32
        %add3A_1855 = arith.addi %mul3A_1853, %add3A_1854 : i32
        %get3A_1856 = arith.index_cast %add3A_1851 : i32 to index
        %get3A_1857 = arith.constant 0 : index
        %get3A_1858 = tpu.vector_load %arg8[%get3A_1856, %get3A_1857] {strides = array<i32>} : memref<200x64xf32, #tpu.memory_space<vmem>>, vector<1x16xf32>,
        %get3A_1859 = vector.shape_cast %get3A_1858 : vector<1x16xf32> to vector<16xf32>
        %mul3A_1860 = vector.broadcast %squeeze3A_1847 : f32 to vector<16xf32>
        %mul3A_1861 = arith.mulf %get3A_1859, %mul3A_1860 : vector<16xf32>
        %swap3A_1862 = arith.index_cast %add3A_1855 : i32 to index
        %swap3A_1863 = arith.constant 64 : index
        %swap3A_1864 = tpu.vector_load %arg10[%swap3A_1862, %swap3A_1863] {strides = array<i32>} : memref<100x128xf32, #tpu.memory_space<vmem>>, vector<1x16xf32>,
        %swap3A_1865 = vector.shape_cast %swap3A_1864 : vector<1x16xf32> to vector<16xf32>
        %swap3A_1866 = vector.shape_cast %mul3A_1861 : vector<16xf32> to vector<1x16xf32>
        tpu.vector_store %arg10[%swap3A_1862, %swap3A_1863], %swap3A_1866 {strides = array<i32>} : memref<100x128xf32, #tpu.memory_space<vmem>>, vector<1x16xf32>,
        %get3A_1867 = arith.index_cast %add3A_1851 : i32 to index
        %get3A_1868 = arith.constant 16 : index
        %get3A_1869 = tpu.vector_load %arg8[%get3A_1867, %get3A_1868] {strides = array<i32>} : memref<200x64xf32, #tpu.memory_space<vmem>>, vector<1x16xf32>,
        %get3A_1870 = vector.shape_cast %get3A_1869 : vector<1x16xf32> to vector<16xf32>
        %mul3A_1871 = vector.broadcast %squeeze3A_1847 : f32 to vector<16xf32>
        %mul3A_1872 = arith.mulf %get3A_1870, %mul3A_1871 : vector<16xf32>
        %swap3A_1873 = arith.index_cast %add3A_1855 : i32 to index
        %swap3A_1874 = arith.constant 80 : index
        %swap3A_1875 = tpu.vector_load %arg10[%swap3A_1873, %swap3A_1874] {strides = array<i32>} : memref<100x128xf32, #tpu.memory_space<vmem>>, vector<1x16xf32>,
        %swap3A_1876 = vector.shape_cast %swap3A_1875 : vector<1x16xf32> to vector<16xf32>
        %swap3A_1877 = vector.shape_cast %mul3A_1872 : vector<16xf32> to vector<1x16xf32>
        tpu.vector_store %arg10[%swap3A_1873, %swap3A_1874], %swap3A_1877 {strides = array<i32>} : memref<100x128xf32, #tpu.memory_space<vmem>>, vector<1x16xf32>,
        %get3A_1878 = arith.index_cast %add3A_1851 : i32 to index
        %get3A_1879 = arith.constant 32 : index
        %get3A_1880 = tpu.vector_load %arg8[%get3A_1878, %get3A_1879] {strides = array<i32>} : memref<200x64xf32, #tpu.memory_space<vmem>>, vector<1x16xf32>,
        %get3A_1881 = vector.shape_cast %get3A_1880 : vector<1x16xf32> to vector<16xf32>
        %mul3A_1882 = vector.broadcast %squeeze3A_1847 : f32 to vector<16xf32>
        %mul3A_1883 = arith.mulf %get3A_1881, %mul3A_1882 : vector<16xf32>
        %swap3A_1884 = arith.index_cast %add3A_1855 : i32 to index
        %swap3A_1885 = arith.constant 96 : index
        %swap3A_1886 = tpu.vector_load %arg10[%swap3A_1884, %swap3A_1885] {strides = array<i32>} : memref<100x128xf32, #tpu.memory_space<vmem>>, vector<1x16xf32>,
        %swap3A_1887 = vector.shape_cast %swap3A_1886 : vector<1x16xf32> to vector<16xf32>
        %swap3A_1888 = vector.shape_cast %mul3A_1883 : vector<16xf32> to vector<1x16xf32>
        tpu.vector_store %arg10[%swap3A_1884, %swap3A_1885], %swap3A_1888 {strides = array<i32>} : memref<100x128xf32, #tpu.memory_space<vmem>>, vector<1x16xf32>,
        %get3A_1889 = arith.index_cast %add3A_1851 : i32 to index
        %get3A_1890 = arith.constant 48 : index
        %get3A_1891 = tpu.vector_load %arg8[%get3A_1889, %get3A_1890] {strides = array<i32>} : memref<200x64xf32, #tpu.memory_space<vmem>>, vector<1x16xf32>,
        %get3A_1892 = vector.shape_cast %get3A_1891 : vector<1x16xf32> to vector<16xf32>
        %mul3A_1893 = vector.broadcast %squeeze3A_1847 : f32 to vector<16xf32>
        %mul3A_1894 = arith.mulf %get3A_1892, %mul3A_1893 : vector<16xf32>
        %swap3A_1895 = arith.index_cast %add3A_1855 : i32 to index
        %swap3A_1896 = arith.constant 112 : index
        %swap3A_1897 = tpu.vector_load %arg10[%swap3A_1895, %swap3A_1896] {strides = array<i32>} : memref<100x128xf32, #tpu.memory_space<vmem>>, vector<1x16xf32>,
        %swap3A_1898 = vector.shape_cast %swap3A_1897 : vector<1x16xf32> to vector<16xf32>
        %swap3A_1899 = vector.shape_cast %mul3A_1894 : vector<16xf32> to vector<1x16xf32>
        tpu.vector_store %arg10[%swap3A_1895, %swap3A_1896], %swap3A_1899 {strides = array<i32>} : memref<100x128xf32, #tpu.memory_space<vmem>>, vector<1x16xf32>,
        %scan3A_1900 = arith.constant 0 : i32
        scf.yield %scan3A_1900 : i32
      }
      %scan3A_94 = arith.constant 12 : i32
      %get3A = arith.index_cast %add3A_65 : i32 to index
      %get3A_95 = arith.constant 184 : index
      %get3A_96 = tpu.vector_load %arg7[%get3A, %get3A_95] {strides = array<i32>} : memref<128x200xf32, #tpu.memory_space<vmem>>, vector<1x16xf32>,
      %get3A_97 = vector.shape_cast %get3A_96 : vector<1x16xf32> to vector<16xf32>
      %slice3A = vector.extract_strided_slice %get3A_97 {offsets = [8], sizes = [1], strides = [1]} : vector<16xf32> to vector<1xf32>
      %squeeze3A = vector.extract %slice3A[0] : f32 from vector<1xf32>
      %get3A_98 = arith.constant 192 : i32
      %get3A_99 = arith.index_cast %get3A_98 : i32 to index
      %get3A_100 = arith.constant 0 : index
      %get3A_101 = tpu.vector_load %arg8[%get3A_99, %get3A_100] {strides = array<i32>} : memref<200x64xf32, #tpu.memory_space<vmem>>, vector<1x16xf32>,
      %get3A_102 = vector.shape_cast %get3A_101 : vector<1x16xf32> to vector<16xf32>
      %mul3A_103 = vector.broadcast %squeeze3A : f32 to vector<16xf32>
      %mul3A_104 = arith.mulf %get3A_102, %mul3A_103 : vector<16xf32>
      %swap3A = arith.constant 96 : i32
      %swap3A_105 = arith.index_cast %swap3A : i32 to index
      %swap3A_106 = arith.constant 0 : index
      %swap3A_107 = tpu.vector_load %arg10[%swap3A_105, %swap3A_106] {strides = array<i32>} : memref<100x128xf32, #tpu.memory_space<vmem>>, vector<1x16xf32>,
      %swap3A_108 = vector.shape_cast %swap3A_107 : vector<1x16xf32> to vector<16xf32>
      %swap3A_109 = vector.shape_cast %mul3A_104 : vector<16xf32> to vector<1x16xf32>
      tpu.vector_store %arg10[%swap3A_105, %swap3A_106], %swap3A_109 {strides = array<i32>} : memref<100x128xf32, #tpu.memory_space<vmem>>, vector<1x16xf32>,
      %get3A_110 = arith.constant 192 : i32
      %get3A_111 = arith.index_cast %get3A_110 : i32 to index
      %get3A_112 = arith.constant 16 : index
      %get3A_113 = tpu.vector_load %arg8[%get3A_111, %get3A_112] {strides = array<i32>} : memref<200x64xf32, #tpu.memory_space<vmem>>, vector<1x16xf32>,
      %get3A_114 = vector.shape_cast %get3A_113 : vector<1x16xf32> to vector<16xf32>
      %mul3A_115 = vector.broadcast %squeeze3A : f32 to vector<16xf32>
      %mul3A_116 = arith.mulf %get3A_114, %mul3A_115 : vector<16xf32>
      %swap3A_117 = arith.constant 96 : i32
      %swap3A_118 = arith.index_cast %swap3A_117 : i32 to index
      %swap3A_119 = arith.constant 16 : index
      %swap3A_120 = tpu.vector_load %arg10[%swap3A_118, %swap3A_119] {strides = array<i32>} : memref<100x128xf32, #tpu.memory_space<vmem>>, vector<1x16xf32>,
      %swap3A_121 = vector.shape_cast %swap3A_120 : vector<1x16xf32> to vector<16xf32>
      %swap3A_122 = vector.shape_cast %mul3A_116 : vector<16xf32> to vector<1x16xf32>
      tpu.vector_store %arg10[%swap3A_118, %swap3A_119], %swap3A_122 {strides = array<i32>} : memref<100x128xf32, #tpu.memory_space<vmem>>, vector<1x16xf32>,
      %get3A_123 = arith.constant 192 : i32
      %get3A_124 = arith.index_cast %get3A_123 : i32 to index
      %get3A_125 = arith.constant 32 : index
      %get3A_126 = tpu.vector_load %arg8[%get3A_124, %get3A_125] {strides = array<i32>} : memref<200x64xf32, #tpu.memory_space<vmem>>, vector<1x16xf32>,
      %get3A_127 = vector.shape_cast %get3A_126 : vector<1x16xf32> to vector<16xf32>
      %mul3A_128 = vector.broadcast %squeeze3A : f32 to vector<16xf32>
      %mul3A_129 = arith.mulf %get3A_127, %mul3A_128 : vector<16xf32>
      %swap3A_130 = arith.constant 96 : i32
      %swap3A_131 = arith.index_cast %swap3A_130 : i32 to index
      %swap3A_132 = arith.constant 32 : index
      %swap3A_133 = tpu.vector_load %arg10[%swap3A_131, %swap3A_132] {strides = array<i32>} : memref<100x128xf32, #tpu.memory_space<vmem>>, vector<1x16xf32>,
      %swap3A_134 = vector.shape_cast %swap3A_133 : vector<1x16xf32> to vector<16xf32>
      %swap3A_135 = vector.shape_cast %mul3A_129 : vector<16xf32> to vector<1x16xf32>
      tpu.vector_store %arg10[%swap3A_131, %swap3A_132], %swap3A_135 {strides = array<i32>} : memref<100x128xf32, #tpu.memory_space<vmem>>, vector<1x16xf32>,
      %get3A_136 = arith.constant 192 : i32
      %get3A_137 = arith.index_cast %get3A_136 : i32 to index
      %get3A_138 = arith.constant 48 : index
      %get3A_139 = tpu.vector_load %arg8[%get3A_137, %get3A_138] {strides = array<i32>} : memref<200x64xf32, #tpu.memory_space<vmem>>, vector<1x16xf32>,
      %get3A_140 = vector.shape_cast %get3A_139 : vector<1x16xf32> to vector<16xf32>
      %mul3A_141 = vector.broadcast %squeeze3A : f32 to vector<16xf32>
      %mul3A_142 = arith.mulf %get3A_140, %mul3A_141 : vector<16xf32>
      %swap3A_143 = arith.constant 96 : i32
      %swap3A_144 = arith.index_cast %swap3A_143 : i32 to index
      %swap3A_145 = arith.constant 48 : index
      %swap3A_146 = tpu.vector_load %arg10[%swap3A_144, %swap3A_145] {strides = array<i32>} : memref<100x128xf32, #tpu.memory_space<vmem>>, vector<1x16xf32>,
      %swap3A_147 = vector.shape_cast %swap3A_146 : vector<1x16xf32> to vector<16xf32>
      %swap3A_148 = vector.shape_cast %mul3A_142 : vector<16xf32> to vector<1x16xf32>
      tpu.vector_store %arg10[%swap3A_144, %swap3A_145], %swap3A_148 {strides = array<i32>} : memref<100x128xf32, #tpu.memory_space<vmem>>, vector<1x16xf32>,
      %slice3A_149 = vector.extract_strided_slice %get3A_97 {offsets = [9], sizes = [1], strides = [1]} : vector<16xf32> to vector<1xf32>
      %squeeze3A_150 = vector.extract %slice3A_149[0] : f32 from vector<1xf32>
      %get3A_151 = arith.constant 193 : i32
      %get3A_152 = arith.index_cast %get3A_151 : i32 to index
      %get3A_153 = arith.constant 0 : index
      %get3A_154 = tpu.vector_load %arg8[%get3A_152, %get3A_153] {strides = array<i32>} : memref<200x64xf32, #tpu.memory_space<vmem>>, vector<1x16xf32>,
      %get3A_155 = vector.shape_cast %get3A_154 : vector<1x16xf32> to vector<16xf32>
      %mul3A_156 = vector.broadcast %squeeze3A_150 : f32 to vector<16xf32>
      %mul3A_157 = arith.mulf %get3A_155, %mul3A_156 : vector<16xf32>
      %swap3A_158 = arith.constant 96 : i32
      %swap3A_159 = arith.index_cast %swap3A_158 : i32 to index
      %swap3A_160 = arith.constant 64 : index
      %swap3A_161 = tpu.vector_load %arg10[%swap3A_159, %swap3A_160] {strides = array<i32>} : memref<100x128xf32, #tpu.memory_space<vmem>>, vector<1x16xf32>,
      %swap3A_162 = vector.shape_cast %swap3A_161 : vector<1x16xf32> to vector<16xf32>
      %swap3A_163 = vector.shape_cast %mul3A_157 : vector<16xf32> to vector<1x16xf32>
      tpu.vector_store %arg10[%swap3A_159, %swap3A_160], %swap3A_163 {strides = array<i32>} : memref<100x128xf32, #tpu.memory_space<vmem>>, vector<1x16xf32>,
      %get3A_164 = arith.constant 193 : i32
      %get3A_165 = arith.index_cast %get3A_164 : i32 to index
      %get3A_166 = arith.constant 16 : index
      %get3A_167 = tpu.vector_load %arg8[%get3A_165, %get3A_166] {strides = array<i32>} : memref<200x64xf32, #tpu.memory_space<vmem>>, vector<1x16xf32>,
      %get3A_168 = vector.shape_cast %get3A_167 : vector<1x16xf32> to vector<16xf32>
      %mul3A_169 = vector.broadcast %squeeze3A_150 : f32 to vector<16xf32>
      %mul3A_170 = arith.mulf %get3A_168, %mul3A_169 : vector<16xf32>
      %swap3A_171 = arith.constant 96 : i32
      %swap3A_172 = arith.index_cast %swap3A_171 : i32 to index
      %swap3A_173 = arith.constant 80 : index
      %swap3A_174 = tpu.vector_load %arg10[%swap3A_172, %swap3A_173] {strides = array<i32>} : memref<100x128xf32, #tpu.memory_space<vmem>>, vector<1x16xf32>,
      %swap3A_175 = vector.shape_cast %swap3A_174 : vector<1x16xf32> to vector<16xf32>
      %swap3A_176 = vector.shape_cast %mul3A_170 : vector<16xf32> to vector<1x16xf32>
      tpu.vector_store %arg10[%swap3A_172, %swap3A_173], %swap3A_176 {strides = array<i32>} : memref<100x128xf32, #tpu.memory_space<vmem>>, vector<1x16xf32>,
      %get3A_177 = arith.constant 193 : i32
      %get3A_178 = arith.index_cast %get3A_177 : i32 to index
      %get3A_179 = arith.constant 32 : index
      %get3A_180 = tpu.vector_load %arg8[%get3A_178, %get3A_179] {strides = array<i32>} : memref<200x64xf32, #tpu.memory_space<vmem>>, vector<1x16xf32>,
      %get3A_181 = vector.shape_cast %get3A_180 : vector<1x16xf32> to vector<16xf32>
      %mul3A_182 = vector.broadcast %squeeze3A_150 : f32 to vector<16xf32>
      %mul3A_183 = arith.mulf %get3A_181, %mul3A_182 : vector<16xf32>
      %swap3A_184 = arith.constant 96 : i32
      %swap3A_185 = arith.index_cast %swap3A_184 : i32 to index
      %swap3A_186 = arith.constant 96 : index
      %swap3A_187 = tpu.vector_load %arg10[%swap3A_185, %swap3A_186] {strides = array<i32>} : memref<100x128xf32, #tpu.memory_space<vmem>>, vector<1x16xf32>,
      %swap3A_188 = vector.shape_cast %swap3A_187 : vector<1x16xf32> to vector<16xf32>
      %swap3A_189 = vector.shape_cast %mul3A_183 : vector<16xf32> to vector<1x16xf32>
      tpu.vector_store %arg10[%swap3A_185, %swap3A_186], %swap3A_189 {strides = array<i32>} : memref<100x128xf32, #tpu.memory_space<vmem>>, vector<1x16xf32>,
      %get3A_190 = arith.constant 193 : i32
      %get3A_191 = arith.index_cast %get3A_190 : i32 to index
      %get3A_192 = arith.constant 48 : index
      %get3A_193 = tpu.vector_load %arg8[%get3A_191, %get3A_192] {strides = array<i32>} : memref<200x64xf32, #tpu.memory_space<vmem>>, vector<1x16xf32>,
      %get3A_194 = vector.shape_cast %get3A_193 : vector<1x16xf32> to vector<16xf32>
      %mul3A_195 = vector.broadcast %squeeze3A_150 : f32 to vector<16xf32>
      %mul3A_196 = arith.mulf %get3A_194, %mul3A_195 : vector<16xf32>
      %swap3A_197 = arith.constant 96 : i32
      %swap3A_198 = arith.index_cast %swap3A_197 : i32 to index
      %swap3A_199 = arith.constant 112 : index
      %swap3A_200 = tpu.vector_load %arg10[%swap3A_198, %swap3A_199] {strides = array<i32>} : memref<100x128xf32, #tpu.memory_space<vmem>>, vector<1x16xf32>,
      %swap3A_201 = vector.shape_cast %swap3A_200 : vector<1x16xf32> to vector<16xf32>
      %swap3A_202 = vector.shape_cast %mul3A_196 : vector<16xf32> to vector<1x16xf32>
      tpu.vector_store %arg10[%swap3A_198, %swap3A_199], %swap3A_202 {strides = array<i32>} : memref<100x128xf32, #tpu.memory_space<vmem>>, vector<1x16xf32>,
      %slice3A_203 = vector.extract_strided_slice %get3A_97 {offsets = [10], sizes = [1], strides = [1]} : vector<16xf32> to vector<1xf32>
      %squeeze3A_204 = vector.extract %slice3A_203[0] : f32 from vector<1xf32>
      %get3A_205 = arith.constant 194 : i32
      %get3A_206 = arith.index_cast %get3A_205 : i32 to index
      %get3A_207 = arith.constant 0 : index
      %get3A_208 = tpu.vector_load %arg8[%get3A_206, %get3A_207] {strides = array<i32>} : memref<200x64xf32, #tpu.memory_space<vmem>>, vector<1x16xf32>,
      %get3A_209 = vector.shape_cast %get3A_208 : vector<1x16xf32> to vector<16xf32>
      %mul3A_210 = vector.broadcast %squeeze3A_204 : f32 to vector<16xf32>
      %mul3A_211 = arith.mulf %get3A_209, %mul3A_210 : vector<16xf32>
      %swap3A_212 = arith.constant 97 : i32
      %swap3A_213 = arith.index_cast %swap3A_212 : i32 to index
      %swap3A_214 = arith.constant 0 : index
      %swap3A_215 = tpu.vector_load %arg10[%swap3A_213, %swap3A_214] {strides = array<i32>} : memref<100x128xf32, #tpu.memory_space<vmem>>, vector<1x16xf32>,
      %swap3A_216 = vector.shape_cast %swap3A_215 : vector<1x16xf32> to vector<16xf32>
      %swap3A_217 = vector.shape_cast %mul3A_211 : vector<16xf32> to vector<1x16xf32>
      tpu.vector_store %arg10[%swap3A_213, %swap3A_214], %swap3A_217 {strides = array<i32>} : memref<100x128xf32, #tpu.memory_space<vmem>>, vector<1x16xf32>,
      %get3A_218 = arith.constant 194 : i32
      %get3A_219 = arith.index_cast %get3A_218 : i32 to index
      %get3A_220 = arith.constant 16 : index
      %get3A_221 = tpu.vector_load %arg8[%get3A_219, %get3A_220] {strides = array<i32>} : memref<200x64xf32, #tpu.memory_space<vmem>>, vector<1x16xf32>,
      %get3A_222 = vector.shape_cast %get3A_221 : vector<1x16xf32> to vector<16xf32>
      %mul3A_223 = vector.broadcast %squeeze3A_204 : f32 to vector<16xf32>
      %mul3A_224 = arith.mulf %get3A_222, %mul3A_223 : vector<16xf32>
      %swap3A_225 = arith.constant 97 : i32
      %swap3A_226 = arith.index_cast %swap3A_225 : i32 to index
      %swap3A_227 = arith.constant 16 : index
      %swap3A_228 = tpu.vector_load %arg10[%swap3A_226, %swap3A_227] {strides = array<i32>} : memref<100x128xf32, #tpu.memory_space<vmem>>, vector<1x16xf32>,
      %swap3A_229 = vector.shape_cast %swap3A_228 : vector<1x16xf32> to vector<16xf32>
      %swap3A_230 = vector.shape_cast %mul3A_224 : vector<16xf32> to vector<1x16xf32>
      tpu.vector_store %arg10[%swap3A_226, %swap3A_227], %swap3A_230 {strides = array<i32>} : memref<100x128xf32, #tpu.memory_space<vmem>>, vector<1x16xf32>,
      %get3A_231 = arith.constant 194 : i32
      %get3A_232 = arith.index_cast %get3A_231 : i32 to index
      %get3A_233 = arith.constant 32 : index
      %get3A_234 = tpu.vector_load %arg8[%get3A_232, %get3A_233] {strides = array<i32>} : memref<200x64xf32, #tpu.memory_space<vmem>>, vector<1x16xf32>,
      %get3A_235 = vector.shape_cast %get3A_234 : vector<1x16xf32> to vector<16xf32>
      %mul3A_236 = vector.broadcast %squeeze3A_204 : f32 to vector<16xf32>
      %mul3A_237 = arith.mulf %get3A_235, %mul3A_236 : vector<16xf32>
      %swap3A_238 = arith.constant 97 : i32
      %swap3A_239 = arith.index_cast %swap3A_238 : i32 to index
      %swap3A_240 = arith.constant 32 : index
      %swap3A_241 = tpu.vector_load %arg10[%swap3A_239, %swap3A_240] {strides = array<i32>} : memref<100x128xf32, #tpu.memory_space<vmem>>, vector<1x16xf32>,
      %swap3A_242 = vector.shape_cast %swap3A_241 : vector<1x16xf32> to vector<16xf32>
      %swap3A_243 = vector.shape_cast %mul3A_237 : vector<16xf32> to vector<1x16xf32>
      tpu.vector_store %arg10[%swap3A_239, %swap3A_240], %swap3A_243 {strides = array<i32>} : memref<100x128xf32, #tpu.memory_space<vmem>>, vector<1x16xf32>,
      %get3A_244 = arith.constant 194 : i32
      %get3A_245 = arith.index_cast %get3A_244 : i32 to index
      %get3A_246 = arith.constant 48 : index
      %get3A_247 = tpu.vector_load %arg8[%get3A_245, %get3A_246] {strides = array<i32>} : memref<200x64xf32, #tpu.memory_space<vmem>>, vector<1x16xf32>,
      %get3A_248 = vector.shape_cast %get3A_247 : vector<1x16xf32> to vector<16xf32>
      %mul3A_249 = vector.broadcast %squeeze3A_204 : f32 to vector<16xf32>
      %mul3A_250 = arith.mulf %get3A_248, %mul3A_249 : vector<16xf32>
      %swap3A_251 = arith.constant 97 : i32
      %swap3A_252 = arith.index_cast %swap3A_251 : i32 to index
      %swap3A_253 = arith.constant 48 : index
      %swap3A_254 = tpu.vector_load %arg10[%swap3A_252, %swap3A_253] {strides = array<i32>} : memref<100x128xf32, #tpu.memory_space<vmem>>, vector<1x16xf32>,
      %swap3A_255 = vector.shape_cast %swap3A_254 : vector<1x16xf32> to vector<16xf32>
      %swap3A_256 = vector.shape_cast %mul3A_250 : vector<16xf32> to vector<1x16xf32>
      tpu.vector_store %arg10[%swap3A_252, %swap3A_253], %swap3A_256 {strides = array<i32>} : memref<100x128xf32, #tpu.memory_space<vmem>>, vector<1x16xf32>,
      %slice3A_257 = vector.extract_strided_slice %get3A_97 {offsets = [11], sizes = [1], strides = [1]} : vector<16xf32> to vector<1xf32>
      %squeeze3A_258 = vector.extract %slice3A_257[0] : f32 from vector<1xf32>
      %get3A_259 = arith.constant 195 : i32
      %get3A_260 = arith.index_cast %get3A_259 : i32 to index
      %get3A_261 = arith.constant 0 : index
      %get3A_262 = tpu.vector_load %arg8[%get3A_260, %get3A_261] {strides = array<i32>} : memref<200x64xf32, #tpu.memory_space<vmem>>, vector<1x16xf32>,
      %get3A_263 = vector.shape_cast %get3A_262 : vector<1x16xf32> to vector<16xf32>
      %mul3A_264 = vector.broadcast %squeeze3A_258 : f32 to vector<16xf32>
      %mul3A_265 = arith.mulf %get3A_263, %mul3A_264 : vector<16xf32>
      %swap3A_266 = arith.constant 97 : i32
      %swap3A_267 = arith.index_cast %swap3A_266 : i32 to index
      %swap3A_268 = arith.constant 64 : index
      %swap3A_269 = tpu.vector_load %arg10[%swap3A_267, %swap3A_268] {strides = array<i32>} : memref<100x128xf32, #tpu.memory_space<vmem>>, vector<1x16xf32>,
      %swap3A_270 = vector.shape_cast %swap3A_269 : vector<1x16xf32> to vector<16xf32>
      %swap3A_271 = vector.shape_cast %mul3A_265 : vector<16xf32> to vector<1x16xf32>
      tpu.vector_store %arg10[%swap3A_267, %swap3A_268], %swap3A_271 {strides = array<i32>} : memref<100x128xf32, #tpu.memory_space<vmem>>, vector<1x16xf32>,
      %get3A_272 = arith.constant 195 : i32
      %get3A_273 = arith.index_cast %get3A_272 : i32 to index
      %get3A_274 = arith.constant 16 : index
      %get3A_275 = tpu.vector_load %arg8[%get3A_273, %get3A_274] {strides = array<i32>} : memref<200x64xf32, #tpu.memory_space<vmem>>, vector<1x16xf32>,
      %get3A_276 = vector.shape_cast %get3A_275 : vector<1x16xf32> to vector<16xf32>
      %mul3A_277 = vector.broadcast %squeeze3A_258 : f32 to vector<16xf32>
      %mul3A_278 = arith.mulf %get3A_276, %mul3A_277 : vector<16xf32>
      %swap3A_279 = arith.constant 97 : i32
      %swap3A_280 = arith.index_cast %swap3A_279 : i32 to index
      %swap3A_281 = arith.constant 80 : index
      %swap3A_282 = tpu.vector_load %arg10[%swap3A_280, %swap3A_281] {strides = array<i32>} : memref<100x128xf32, #tpu.memory_space<vmem>>, vector<1x16xf32>,
      %swap3A_283 = vector.shape_cast %swap3A_282 : vector<1x16xf32> to vector<16xf32>
      %swap3A_284 = vector.shape_cast %mul3A_278 : vector<16xf32> to vector<1x16xf32>
      tpu.vector_store %arg10[%swap3A_280, %swap3A_281], %swap3A_284 {strides = array<i32>} : memref<100x128xf32, #tpu.memory_space<vmem>>, vector<1x16xf32>,
      %get3A_285 = arith.constant 195 : i32
      %get3A_286 = arith.index_cast %get3A_285 : i32 to index
      %get3A_287 = arith.constant 32 : index
      %get3A_288 = tpu.vector_load %arg8[%get3A_286, %get3A_287] {strides = array<i32>} : memref<200x64xf32, #tpu.memory_space<vmem>>, vector<1x16xf32>,
      %get3A_289 = vector.shape_cast %get3A_288 : vector<1x16xf32> to vector<16xf32>
      %mul3A_290 = vector.broadcast %squeeze3A_258 : f32 to vector<16xf32>
      %mul3A_291 = arith.mulf %get3A_289, %mul3A_290 : vector<16xf32>
      %swap3A_292 = arith.constant 97 : i32
      %swap3A_293 = arith.index_cast %swap3A_292 : i32 to index
      %swap3A_294 = arith.constant 96 : index
      %swap3A_295 = tpu.vector_load %arg10[%swap3A_293, %swap3A_294] {strides = array<i32>} : memref<100x128xf32, #tpu.memory_space<vmem>>, vector<1x16xf32>,
      %swap3A_296 = vector.shape_cast %swap3A_295 : vector<1x16xf32> to vector<16xf32>
      %swap3A_297 = vector.shape_cast %mul3A_291 : vector<16xf32> to vector<1x16xf32>
      tpu.vector_store %arg10[%swap3A_293, %swap3A_294], %swap3A_297 {strides = array<i32>} : memref<100x128xf32, #tpu.memory_space<vmem>>, vector<1x16xf32>,
      %get3A_298 = arith.constant 195 : i32
      %get3A_299 = arith.index_cast %get3A_298 : i32 to index
      %get3A_300 = arith.constant 48 : index
      %get3A_301 = tpu.vector_load %arg8[%get3A_299, %get3A_300] {strides = array<i32>} : memref<200x64xf32, #tpu.memory_space<vmem>>, vector<1x16xf32>,
      %get3A_302 = vector.shape_cast %get3A_301 : vector<1x16xf32> to vector<16xf32>
      %mul3A_303 = vector.broadcast %squeeze3A_258 : f32 to vector<16xf32>
      %mul3A_304 = arith.mulf %get3A_302, %mul3A_303 : vector<16xf32>
      %swap3A_305 = arith.constant 97 : i32
      %swap3A_306 = arith.index_cast %swap3A_305 : i32 to index
      %swap3A_307 = arith.constant 112 : index
      %swap3A_308 = tpu.vector_load %arg10[%swap3A_306, %swap3A_307] {strides = array<i32>} : memref<100x128xf32, #tpu.memory_space<vmem>>, vector<1x16xf32>,
      %swap3A_309 = vector.shape_cast %swap3A_308 : vector<1x16xf32> to vector<16xf32>
      %swap3A_310 = vector.shape_cast %mul3A_304 : vector<16xf32> to vector<1x16xf32>
      tpu.vector_store %arg10[%swap3A_306, %swap3A_307], %swap3A_310 {strides = array<i32>} : memref<100x128xf32, #tpu.memory_space<vmem>>, vector<1x16xf32>,
      %slice3A_311 = vector.extract_strided_slice %get3A_97 {offsets = [12], sizes = [1], strides = [1]} : vector<16xf32> to vector<1xf32>
      %squeeze3A_312 = vector.extract %slice3A_311[0] : f32 from vector<1xf32>
      %get3A_313 = arith.constant 196 : i32
      %get3A_314 = arith.index_cast %get3A_313 : i32 to index
      %get3A_315 = arith.constant 0 : index
      %get3A_316 = tpu.vector_load %arg8[%get3A_314, %get3A_315] {strides = array<i32>} : memref<200x64xf32, #tpu.memory_space<vmem>>, vector<1x16xf32>,
      %get3A_317 = vector.shape_cast %get3A_316 : vector<1x16xf32> to vector<16xf32>
      %mul3A_318 = vector.broadcast %squeeze3A_312 : f32 to vector<16xf32>
      %mul3A_319 = arith.mulf %get3A_317, %mul3A_318 : vector<16xf32>
      %swap3A_320 = arith.constant 98 : i32
      %swap3A_321 = arith.index_cast %swap3A_320 : i32 to index
      %swap3A_322 = arith.constant 0 : index
      %swap3A_323 = tpu.vector_load %arg10[%swap3A_321, %swap3A_322] {strides = array<i32>} : memref<100x128xf32, #tpu.memory_space<vmem>>, vector<1x16xf32>,
      %swap3A_324 = vector.shape_cast %swap3A_323 : vector<1x16xf32> to vector<16xf32>
      %swap3A_325 = vector.shape_cast %mul3A_319 : vector<16xf32> to vector<1x16xf32>
      tpu.vector_store %arg10[%swap3A_321, %swap3A_322], %swap3A_325 {strides = array<i32>} : memref<100x128xf32, #tpu.memory_space<vmem>>, vector<1x16xf32>,
      %get3A_326 = arith.constant 196 : i32
      %get3A_327 = arith.index_cast %get3A_326 : i32 to index
      %get3A_328 = arith.constant 16 : index
      %get3A_329 = tpu.vector_load %arg8[%get3A_327, %get3A_328] {strides = array<i32>} : memref<200x64xf32, #tpu.memory_space<vmem>>, vector<1x16xf32>,
      %get3A_330 = vector.shape_cast %get3A_329 : vector<1x16xf32> to vector<16xf32>
      %mul3A_331 = vector.broadcast %squeeze3A_312 : f32 to vector<16xf32>
      %mul3A_332 = arith.mulf %get3A_330, %mul3A_331 : vector<16xf32>
      %swap3A_333 = arith.constant 98 : i32
      %swap3A_334 = arith.index_cast %swap3A_333 : i32 to index
      %swap3A_335 = arith.constant 16 : index
      %swap3A_336 = tpu.vector_load %arg10[%swap3A_334, %swap3A_335] {strides = array<i32>} : memref<100x128xf32, #tpu.memory_space<vmem>>, vector<1x16xf32>,
      %swap3A_337 = vector.shape_cast %swap3A_336 : vector<1x16xf32> to vector<16xf32>
      %swap3A_338 = vector.shape_cast %mul3A_332 : vector<16xf32> to vector<1x16xf32>
      tpu.vector_store %arg10[%swap3A_334, %swap3A_335], %swap3A_338 {strides = array<i32>} : memref<100x128xf32, #tpu.memory_space<vmem>>, vector<1x16xf32>,
      %get3A_339 = arith.constant 196 : i32
      %get3A_340 = arith.index_cast %get3A_339 : i32 to index
      %get3A_341 = arith.constant 32 : index
      %get3A_342 = tpu.vector_load %arg8[%get3A_340, %get3A_341] {strides = array<i32>} : memref<200x64xf32, #tpu.memory_space<vmem>>, vector<1x16xf32>,
      %get3A_343 = vector.shape_cast %get3A_342 : vector<1x16xf32> to vector<16xf32>
      %mul3A_344 = vector.broadcast %squeeze3A_312 : f32 to vector<16xf32>
      %mul3A_345 = arith.mulf %get3A_343, %mul3A_344 : vector<16xf32>
      %swap3A_346 = arith.constant 98 : i32
      %swap3A_347 = arith.index_cast %swap3A_346 : i32 to index
      %swap3A_348 = arith.constant 32 : index
      %swap3A_349 = tpu.vector_load %arg10[%swap3A_347, %swap3A_348] {strides = array<i32>} : memref<100x128xf32, #tpu.memory_space<vmem>>, vector<1x16xf32>,
      %swap3A_350 = vector.shape_cast %swap3A_349 : vector<1x16xf32> to vector<16xf32>
      %swap3A_351 = vector.shape_cast %mul3A_345 : vector<16xf32> to vector<1x16xf32>
      tpu.vector_store %arg10[%swap3A_347, %swap3A_348], %swap3A_351 {strides = array<i32>} : memref<100x128xf32, #tpu.memory_space<vmem>>, vector<1x16xf32>,
      %get3A_352 = arith.constant 196 : i32
      %get3A_353 = arith.index_cast %get3A_352 : i32 to index
      %get3A_354 = arith.constant 48 : index
      %get3A_355 = tpu.vector_load %arg8[%get3A_353, %get3A_354] {strides = array<i32>} : memref<200x64xf32, #tpu.memory_space<vmem>>, vector<1x16xf32>,
      %get3A_356 = vector.shape_cast %get3A_355 : vector<1x16xf32> to vector<16xf32>
      %mul3A_357 = vector.broadcast %squeeze3A_312 : f32 to vector<16xf32>
      %mul3A_358 = arith.mulf %get3A_356, %mul3A_357 : vector<16xf32>
      %swap3A_359 = arith.constant 98 : i32
      %swap3A_360 = arith.index_cast %swap3A_359 : i32 to index
      %swap3A_361 = arith.constant 48 : index
      %swap3A_362 = tpu.vector_load %arg10[%swap3A_360, %swap3A_361] {strides = array<i32>} : memref<100x128xf32, #tpu.memory_space<vmem>>, vector<1x16xf32>,
      %swap3A_363 = vector.shape_cast %swap3A_362 : vector<1x16xf32> to vector<16xf32>
      %swap3A_364 = vector.shape_cast %mul3A_358 : vector<16xf32> to vector<1x16xf32>
      tpu.vector_store %arg10[%swap3A_360, %swap3A_361], %swap3A_364 {strides = array<i32>} : memref<100x128xf32, #tpu.memory_space<vmem>>, vector<1x16xf32>,
      %slice3A_365 = vector.extract_strided_slice %get3A_97 {offsets = [13], sizes = [1], strides = [1]} : vector<16xf32> to vector<1xf32>
      %squeeze3A_366 = vector.extract %slice3A_365[0] : f32 from vector<1xf32>
      %get3A_367 = arith.constant 197 : i32
      %get3A_368 = arith.index_cast %get3A_367 : i32 to index
      %get3A_369 = arith.constant 0 : index
      %get3A_370 = tpu.vector_load %arg8[%get3A_368, %get3A_369] {strides = array<i32>} : memref<200x64xf32, #tpu.memory_space<vmem>>, vector<1x16xf32>,
      %get3A_371 = vector.shape_cast %get3A_370 : vector<1x16xf32> to vector<16xf32>
      %mul3A_372 = vector.broadcast %squeeze3A_366 : f32 to vector<16xf32>
      %mul3A_373 = arith.mulf %get3A_371, %mul3A_372 : vector<16xf32>
      %swap3A_374 = arith.constant 98 : i32
      %swap3A_375 = arith.index_cast %swap3A_374 : i32 to index
      %swap3A_376 = arith.constant 64 : index
      %swap3A_377 = tpu.vector_load %arg10[%swap3A_375, %swap3A_376] {strides = array<i32>} : memref<100x128xf32, #tpu.memory_space<vmem>>, vector<1x16xf32>,
      %swap3A_378 = vector.shape_cast %swap3A_377 : vector<1x16xf32> to vector<16xf32>
      %swap3A_379 = vector.shape_cast %mul3A_373 : vector<16xf32> to vector<1x16xf32>
      tpu.vector_store %arg10[%swap3A_375, %swap3A_376], %swap3A_379 {strides = array<i32>} : memref<100x128xf32, #tpu.memory_space<vmem>>, vector<1x16xf32>,
      %get3A_380 = arith.constant 197 : i32
      %get3A_381 = arith.index_cast %get3A_380 : i32 to index
      %get3A_382 = arith.constant 16 : index
      %get3A_383 = tpu.vector_load %arg8[%get3A_381, %get3A_382] {strides = array<i32>} : memref<200x64xf32, #tpu.memory_space<vmem>>, vector<1x16xf32>,
      %get3A_384 = vector.shape_cast %get3A_383 : vector<1x16xf32> to vector<16xf32>
      %mul3A_385 = vector.broadcast %squeeze3A_366 : f32 to vector<16xf32>
      %mul3A_386 = arith.mulf %get3A_384, %mul3A_385 : vector<16xf32>
      %swap3A_387 = arith.constant 98 : i32
      %swap3A_388 = arith.index_cast %swap3A_387 : i32 to index
      %swap3A_389 = arith.constant 80 : index
      %swap3A_390 = tpu.vector_load %arg10[%swap3A_388, %swap3A_389] {strides = array<i32>} : memref<100x128xf32, #tpu.memory_space<vmem>>, vector<1x16xf32>,
      %swap3A_391 = vector.shape_cast %swap3A_390 : vector<1x16xf32> to vector<16xf32>
      %swap3A_392 = vector.shape_cast %mul3A_386 : vector<16xf32> to vector<1x16xf32>
      tpu.vector_store %arg10[%swap3A_388, %swap3A_389], %swap3A_392 {strides = array<i32>} : memref<100x128xf32, #tpu.memory_space<vmem>>, vector<1x16xf32>,
      %get3A_393 = arith.constant 197 : i32
      %get3A_394 = arith.index_cast %get3A_393 : i32 to index
      %get3A_395 = arith.constant 32 : index
      %get3A_396 = tpu.vector_load %arg8[%get3A_394, %get3A_395] {strides = array<i32>} : memref<200x64xf32, #tpu.memory_space<vmem>>, vector<1x16xf32>,
      %get3A_397 = vector.shape_cast %get3A_396 : vector<1x16xf32> to vector<16xf32>
      %mul3A_398 = vector.broadcast %squeeze3A_366 : f32 to vector<16xf32>
      %mul3A_399 = arith.mulf %get3A_397, %mul3A_398 : vector<16xf32>
      %swap3A_400 = arith.constant 98 : i32
      %swap3A_401 = arith.index_cast %swap3A_400 : i32 to index
      %swap3A_402 = arith.constant 96 : index
      %swap3A_403 = tpu.vector_load %arg10[%swap3A_401, %swap3A_402] {strides = array<i32>} : memref<100x128xf32, #tpu.memory_space<vmem>>, vector<1x16xf32>,
      %swap3A_404 = vector.shape_cast %swap3A_403 : vector<1x16xf32> to vector<16xf32>
      %swap3A_405 = vector.shape_cast %mul3A_399 : vector<16xf32> to vector<1x16xf32>
      tpu.vector_store %arg10[%swap3A_401, %swap3A_402], %swap3A_405 {strides = array<i32>} : memref<100x128xf32, #tpu.memory_space<vmem>>, vector<1x16xf32>,
      %get3A_406 = arith.constant 197 : i32
      %get3A_407 = arith.index_cast %get3A_406 : i32 to index
      %get3A_408 = arith.constant 48 : index
      %get3A_409 = tpu.vector_load %arg8[%get3A_407, %get3A_408] {strides = array<i32>} : memref<200x64xf32, #tpu.memory_space<vmem>>, vector<1x16xf32>,
      %get3A_410 = vector.shape_cast %get3A_409 : vector<1x16xf32> to vector<16xf32>
      %mul3A_411 = vector.broadcast %squeeze3A_366 : f32 to vector<16xf32>
      %mul3A_412 = arith.mulf %get3A_410, %mul3A_411 : vector<16xf32>
      %swap3A_413 = arith.constant 98 : i32
      %swap3A_414 = arith.index_cast %swap3A_413 : i32 to index
      %swap3A_415 = arith.constant 112 : index
      %swap3A_416 = tpu.vector_load %arg10[%swap3A_414, %swap3A_415] {strides = array<i32>} : memref<100x128xf32, #tpu.memory_space<vmem>>, vector<1x16xf32>,
      %swap3A_417 = vector.shape_cast %swap3A_416 : vector<1x16xf32> to vector<16xf32>
      %swap3A_418 = vector.shape_cast %mul3A_412 : vector<16xf32> to vector<1x16xf32>
      tpu.vector_store %arg10[%swap3A_414, %swap3A_415], %swap3A_418 {strides = array<i32>} : memref<100x128xf32, #tpu.memory_space<vmem>>, vector<1x16xf32>,
      %slice3A_419 = vector.extract_strided_slice %get3A_97 {offsets = [14], sizes = [1], strides = [1]} : vector<16xf32> to vector<1xf32>
      %squeeze3A_420 = vector.extract %slice3A_419[0] : f32 from vector<1xf32>
      %get3A_421 = arith.constant 198 : i32
      %get3A_422 = arith.index_cast %get3A_421 : i32 to index
      %get3A_423 = arith.constant 0 : index
      %get3A_424 = tpu.vector_load %arg8[%get3A_422, %get3A_423] {strides = array<i32>} : memref<200x64xf32, #tpu.memory_space<vmem>>, vector<1x16xf32>,
      %get3A_425 = vector.shape_cast %get3A_424 : vector<1x16xf32> to vector<16xf32>
      %mul3A_426 = vector.broadcast %squeeze3A_420 : f32 to vector<16xf32>
      %mul3A_427 = arith.mulf %get3A_425, %mul3A_426 : vector<16xf32>
      %swap3A_428 = arith.constant 99 : i32
      %swap3A_429 = arith.index_cast %swap3A_428 : i32 to index
      %swap3A_430 = arith.constant 0 : index
      %swap3A_431 = tpu.vector_load %arg10[%swap3A_429, %swap3A_430] {strides = array<i32>} : memref<100x128xf32, #tpu.memory_space<vmem>>, vector<1x16xf32>,
      %swap3A_432 = vector.shape_cast %swap3A_431 : vector<1x16xf32> to vector<16xf32>
      %swap3A_433 = vector.shape_cast %mul3A_427 : vector<16xf32> to vector<1x16xf32>
      tpu.vector_store %arg10[%swap3A_429, %swap3A_430], %swap3A_433 {strides = array<i32>} : memref<100x128xf32, #tpu.memory_space<vmem>>, vector<1x16xf32>,
      %get3A_434 = arith.constant 198 : i32
      %get3A_435 = arith.index_cast %get3A_434 : i32 to index
      %get3A_436 = arith.constant 16 : index
      %get3A_437 = tpu.vector_load %arg8[%get3A_435, %get3A_436] {strides = array<i32>} : memref<200x64xf32, #tpu.memory_space<vmem>>, vector<1x16xf32>,
      %get3A_438 = vector.shape_cast %get3A_437 : vector<1x16xf32> to vector<16xf32>
      %mul3A_439 = vector.broadcast %squeeze3A_420 : f32 to vector<16xf32>
      %mul3A_440 = arith.mulf %get3A_438, %mul3A_439 : vector<16xf32>
      %swap3A_441 = arith.constant 99 : i32
      %swap3A_442 = arith.index_cast %swap3A_441 : i32 to index
      %swap3A_443 = arith.constant 16 : index
      %swap3A_444 = tpu.vector_load %arg10[%swap3A_442, %swap3A_443] {strides = array<i32>} : memref<100x128xf32, #tpu.memory_space<vmem>>, vector<1x16xf32>,
      %swap3A_445 = vector.shape_cast %swap3A_444 : vector<1x16xf32> to vector<16xf32>
      %swap3A_446 = vector.shape_cast %mul3A_440 : vector<16xf32> to vector<1x16xf32>
      tpu.vector_store %arg10[%swap3A_442, %swap3A_443], %swap3A_446 {strides = array<i32>} : memref<100x128xf32, #tpu.memory_space<vmem>>, vector<1x16xf32>,
      %get3A_447 = arith.constant 198 : i32
      %get3A_448 = arith.index_cast %get3A_447 : i32 to index
      %get3A_449 = arith.constant 32 : index
      %get3A_450 = tpu.vector_load %arg8[%get3A_448, %get3A_449] {strides = array<i32>} : memref<200x64xf32, #tpu.memory_space<vmem>>, vector<1x16xf32>,
      %get3A_451 = vector.shape_cast %get3A_450 : vector<1x16xf32> to vector<16xf32>
      %mul3A_452 = vector.broadcast %squeeze3A_420 : f32 to vector<16xf32>
      %mul3A_453 = arith.mulf %get3A_451, %mul3A_452 : vector<16xf32>
      %swap3A_454 = arith.constant 99 : i32
      %swap3A_455 = arith.index_cast %swap3A_454 : i32 to index
      %swap3A_456 = arith.constant 32 : index
      %swap3A_457 = tpu.vector_load %arg10[%swap3A_455, %swap3A_456] {strides = array<i32>} : memref<100x128xf32, #tpu.memory_space<vmem>>, vector<1x16xf32>,
      %swap3A_458 = vector.shape_cast %swap3A_457 : vector<1x16xf32> to vector<16xf32>
      %swap3A_459 = vector.shape_cast %mul3A_453 : vector<16xf32> to vector<1x16xf32>
      tpu.vector_store %arg10[%swap3A_455, %swap3A_456], %swap3A_459 {strides = array<i32>} : memref<100x128xf32, #tpu.memory_space<vmem>>, vector<1x16xf32>,
      %get3A_460 = arith.constant 198 : i32
      %get3A_461 = arith.index_cast %get3A_460 : i32 to index
      %get3A_462 = arith.constant 48 : index
      %get3A_463 = tpu.vector_load %arg8[%get3A_461, %get3A_462] {strides = array<i32>} : memref<200x64xf32, #tpu.memory_space<vmem>>, vector<1x16xf32>,
      %get3A_464 = vector.shape_cast %get3A_463 : vector<1x16xf32> to vector<16xf32>
      %mul3A_465 = vector.broadcast %squeeze3A_420 : f32 to vector<16xf32>
      %mul3A_466 = arith.mulf %get3A_464, %mul3A_465 : vector<16xf32>
      %swap3A_467 = arith.constant 99 : i32
      %swap3A_468 = arith.index_cast %swap3A_467 : i32 to index
      %swap3A_469 = arith.constant 48 : index
      %swap3A_470 = tpu.vector_load %arg10[%swap3A_468, %swap3A_469] {strides = array<i32>} : memref<100x128xf32, #tpu.memory_space<vmem>>, vector<1x16xf32>,
      %swap3A_471 = vector.shape_cast %swap3A_470 : vector<1x16xf32> to vector<16xf32>
      %swap3A_472 = vector.shape_cast %mul3A_466 : vector<16xf32> to vector<1x16xf32>
      tpu.vector_store %arg10[%swap3A_468, %swap3A_469], %swap3A_472 {strides = array<i32>} : memref<100x128xf32, #tpu.memory_space<vmem>>, vector<1x16xf32>,
      %slice3A_473 = vector.extract_strided_slice %get3A_97 {offsets = [15], sizes = [1], strides = [1]} : vector<16xf32> to vector<1xf32>
      %squeeze3A_474 = vector.extract %slice3A_473[0] : f32 from vector<1xf32>
      %get3A_475 = arith.constant 199 : i32
      %get3A_476 = arith.index_cast %get3A_475 : i32 to index
      %get3A_477 = arith.constant 0 : index
      %get3A_478 = tpu.vector_load %arg8[%get3A_476, %get3A_477] {strides = array<i32>} : memref<200x64xf32, #tpu.memory_space<vmem>>, vector<1x16xf32>,
      %get3A_479 = vector.shape_cast %get3A_478 : vector<1x16xf32> to vector<16xf32>
      %mul3A_480 = vector.broadcast %squeeze3A_474 : f32 to vector<16xf32>
      %mul3A_481 = arith.mulf %get3A_479, %mul3A_480 : vector<16xf32>
      %swap3A_482 = arith.constant 99 : i32
      %swap3A_483 = arith.index_cast %swap3A_482 : i32 to index
      %swap3A_484 = arith.constant 64 : index
      %swap3A_485 = tpu.vector_load %arg10[%swap3A_483, %swap3A_484] {strides = array<i32>} : memref<100x128xf32, #tpu.memory_space<vmem>>, vector<1x16xf32>,
      %swap3A_486 = vector.shape_cast %swap3A_485 : vector<1x16xf32> to vector<16xf32>
      %swap3A_487 = vector.shape_cast %mul3A_481 : vector<16xf32> to vector<1x16xf32>
      tpu.vector_store %arg10[%swap3A_483, %swap3A_484], %swap3A_487 {strides = array<i32>} : memref<100x128xf32, #tpu.memory_space<vmem>>, vector<1x16xf32>,
      %get3A_488 = arith.constant 199 : i32
      %get3A_489 = arith.index_cast %get3A_488 : i32 to index
      %get3A_490 = arith.constant 16 : index
      %get3A_491 = tpu.vector_load %arg8[%get3A_489, %get3A_490] {strides = array<i32>} : memref<200x64xf32, #tpu.memory_space<vmem>>, vector<1x16xf32>,
      %get3A_492 = vector.shape_cast %get3A_491 : vector<1x16xf32> to vector<16xf32>
      %mul3A_493 = vector.broadcast %squeeze3A_474 : f32 to vector<16xf32>
      %mul3A_494 = arith.mulf %get3A_492, %mul3A_493 : vector<16xf32>
      %swap3A_495 = arith.constant 99 : i32
      %swap3A_496 = arith.index_cast %swap3A_495 : i32 to index
      %swap3A_497 = arith.constant 80 : index
      %swap3A_498 = tpu.vector_load %arg10[%swap3A_496, %swap3A_497] {strides = array<i32>} : memref<100x128xf32, #tpu.memory_space<vmem>>, vector<1x16xf32>,
      %swap3A_499 = vector.shape_cast %swap3A_498 : vector<1x16xf32> to vector<16xf32>
      %swap3A_500 = vector.shape_cast %mul3A_494 : vector<16xf32> to vector<1x16xf32>
      tpu.vector_store %arg10[%swap3A_496, %swap3A_497], %swap3A_500 {strides = array<i32>} : memref<100x128xf32, #tpu.memory_space<vmem>>, vector<1x16xf32>,
      %get3A_501 = arith.constant 199 : i32
      %get3A_502 = arith.index_cast %get3A_501 : i32 to index
      %get3A_503 = arith.constant 32 : index
      %get3A_504 = tpu.vector_load %arg8[%get3A_502, %get3A_503] {strides = array<i32>} : memref<200x64xf32, #tpu.memory_space<vmem>>, vector<1x16xf32>,
      %get3A_505 = vector.shape_cast %get3A_504 : vector<1x16xf32> to vector<16xf32>
      %mul3A_506 = vector.broadcast %squeeze3A_474 : f32 to vector<16xf32>
      %mul3A_507 = arith.mulf %get3A_505, %mul3A_506 : vector<16xf32>
      %swap3A_508 = arith.constant 99 : i32
      %swap3A_509 = arith.index_cast %swap3A_508 : i32 to index
      %swap3A_510 = arith.constant 96 : index
      %swap3A_511 = tpu.vector_load %arg10[%swap3A_509, %swap3A_510] {strides = array<i32>} : memref<100x128xf32, #tpu.memory_space<vmem>>, vector<1x16xf32>,
      %swap3A_512 = vector.shape_cast %swap3A_511 : vector<1x16xf32> to vector<16xf32>
      %swap3A_513 = vector.shape_cast %mul3A_507 : vector<16xf32> to vector<1x16xf32>
      tpu.vector_store %arg10[%swap3A_509, %swap3A_510], %swap3A_513 {strides = array<i32>} : memref<100x128xf32, #tpu.memory_space<vmem>>, vector<1x16xf32>,
      %get3A_514 = arith.constant 199 : i32
      %get3A_515 = arith.index_cast %get3A_514 : i32 to index
      %get3A_516 = arith.constant 48 : index
      %get3A_517 = tpu.vector_load %arg8[%get3A_515, %get3A_516] {strides = array<i32>} : memref<200x64xf32, #tpu.memory_space<vmem>>, vector<1x16xf32>,
      %get3A_518 = vector.shape_cast %get3A_517 : vector<1x16xf32> to vector<16xf32>
      %mul3A_519 = vector.broadcast %squeeze3A_474 : f32 to vector<16xf32>
      %mul3A_520 = arith.mulf %get3A_518, %mul3A_519 : vector<16xf32>
      %swap3A_521 = arith.constant 99 : i32
      %swap3A_522 = arith.index_cast %swap3A_521 : i32 to index
      %swap3A_523 = arith.constant 112 : index
      %swap3A_524 = tpu.vector_load %arg10[%swap3A_522, %swap3A_523] {strides = array<i32>} : memref<100x128xf32, #tpu.memory_space<vmem>>, vector<1x16xf32>,
      %swap3A_525 = vector.shape_cast %swap3A_524 : vector<1x16xf32> to vector<16xf32>
      %swap3A_526 = vector.shape_cast %mul3A_520 : vector<16xf32> to vector<1x16xf32>
      tpu.vector_store %arg10[%swap3A_522, %swap3A_523], %swap3A_526 {strides = array<i32>} : memref<100x128xf32, #tpu.memory_space<vmem>>, vector<1x16xf32>,
      %add3A_527 = arith.addi %mul3A_2, %add3A_65 : i32
      %dma_start3A_528 = arith.constant 0 : i32
      %dma_start3A_529 = arith.constant 0 : i32
      %dma_start3A_530 = tpu.memref_slice %arg5[%add3A_527, %dma_start3A_528, %dma_start3A_529] : memref<4096x100x128xf32, #tpu.memory_space<hbm>> -> memref<1x100x128xf32, #tpu.memory_space<hbm>>
      %dma_start3A_531 = tpu.memref_squeeze %dma_start3A_530 : memref<1x100x128xf32, #tpu.memory_space<hbm>> -> memref<100x128xf32, #tpu.memory_space<hbm>>
      %dma_start3A_532 = arith.constant 0 : i32
      %dma_start3A_533 = arith.constant 0 : i32
      %dma_start3A_534 = tpu.memref_slice %arg5[%add3A_527, %dma_start3A_532, %dma_start3A_533] : memref<4096x100x128xf32, #tpu.memory_space<hbm>> -> memref<1x100x128xf32, #tpu.memory_space<hbm>>
      %dma_start3A_535 = tpu.memref_squeeze %dma_start3A_534 : memref<1x100x128xf32, #tpu.memory_space<hbm>> -> memref<100x128xf32, #tpu.memory_space<hbm>>
      tpu.enqueue_dma source(%arg10 : memref<100x128xf32, #tpu.memory_space<vmem>>) target(%dma_start3A_535 : memref<100x128xf32, #tpu.memory_space<hbm>>) target_semaphore(%arg14 : memref<!tpu.dma_semaphore, #tpu.memory_space<semaphore_mem>>)
      %add3A_536 = arith.constant 2 : i32
      %add3A_537 = arith.addi %add3A_65, %add3A_536 : i32
      %lt3A = arith.constant 128 : i32
      %lt3A_538 = arith.cmpi slt, %add3A_537, %lt3A : i32
      %convert_element_type3A_539 = arith.extui %lt3A_538 : i1 to i32
      %cond3A_540 = arith.constant 0 : i32
      %cond3A_541 = arith.cmpi ne, %convert_element_type3A_539, %cond3A_540 : i32
      scf.if %cond3A_541 {
        %add3A_1028 = arith.constant 2 : i32
        %add3A_1029 = arith.addi %add3A_65, %add3A_1028 : i32
        %mul3A_1030 = arith.constant 200 : i32
        %mul3A_1031 = arith.muli %add3A_1029, %mul3A_1030 : i32
        %mul3A_1032 = arith.constant 200 : i32
        %mul3A_1033 = arith.muli %add3A_1029, %mul3A_1032 : i32
        %add3A_1034 = arith.constant 104 : i32
        %add3A_1035 = arith.addi %mul3A_1033, %add3A_1034 : i32
        %dma_start3A_1036 = arith.constant 0 : i32
        %dma_start3A_1037 = arith.constant 0 : i32
        %dma_start3A_1038 = tpu.memref_slice %arg8[%dma_start3A_1036, %dma_start3A_1037] : memref<200x64xf32, #tpu.memory_space<vmem>> -> memref<104x64xf32, #tpu.memory_space<vmem>>
        %dma_start3A_1039 = tpu.memref_slice %arg6[%mul3A_1031] : memref<25600xi32, #tpu.memory_space<vmem>> -> memref<104xi32, #tpu.memory_space<vmem>>
        %dma_start3A_1040 = arith.constant 0 : i32
        %dma_start3A_1041 = arith.constant 0 : i32
        %dma_start3A_1042 = tpu.memref_slice %arg4[%dma_start3A_1040, %dma_start3A_1041] : memref<100000x64xf32, #tpu.memory_space<hbm>> -> memref<100000x64xf32, #tpu.memory_space<hbm>>
        tpu.enqueue_indirect_dma source(%dma_start3A_1042 : memref<100000x64xf32, #tpu.memory_space<hbm>>) target(%dma_start3A_1038 : memref<104x64xf32, #tpu.memory_space<vmem>>) offsets(%dma_start3A_1039 : memref<104xi32, #tpu.memory_space<vmem>>) semaphore(%arg12 : memref<!tpu.dma_semaphore, #tpu.memory_space<semaphore_mem>>)
        %dma_start3A_1043 = arith.constant 104 : i32
        %dma_start3A_1044 = arith.constant 0 : i32
        %dma_start3A_1045 = tpu.memref_slice %arg8[%dma_start3A_1043, %dma_start3A_1044] : memref<200x64xf32, #tpu.memory_space<vmem>> -> memref<96x64xf32, #tpu.memory_space<vmem>>
        %dma_start3A_1046 = tpu.memref_slice %arg6[%add3A_1035] : memref<25600xi32, #tpu.memory_space<vmem>> -> memref<96xi32, #tpu.memory_space<vmem>>
        %dma_start3A_1047 = arith.constant 0 : i32
        %dma_start3A_1048 = arith.constant 0 : i32
        %dma_start3A_1049 = tpu.memref_slice %arg4[%dma_start3A_1047, %dma_start3A_1048] : memref<100000x64xf32, #tpu.memory_space<hbm>> -> memref<100000x64xf32, #tpu.memory_space<hbm>>
        tpu.enqueue_indirect_dma source(%dma_start3A_1049 : memref<100000x64xf32, #tpu.memory_space<hbm>>) target(%dma_start3A_1045 : memref<96x64xf32, #tpu.memory_space<vmem>>) offsets(%dma_start3A_1046 : memref<96xi32, #tpu.memory_space<vmem>>) semaphore(%arg12 : memref<!tpu.dma_semaphore, #tpu.memory_space<semaphore_mem>>)
      } else {
      }
      %add3A_542 = arith.constant 1 : i32
      %add3A_543 = arith.addi %add3A_63, %add3A_542 : i32
      %mul3A_544 = arith.constant 200 : i32
      %mul3A_545 = arith.muli %add3A_543, %mul3A_544 : i32
      %mul3A_546 = arith.constant 200 : i32
      %mul3A_547 = arith.muli %add3A_543, %mul3A_546 : i32
      %add3A_548 = arith.constant 104 : i32
      %add3A_549 = arith.addi %mul3A_547, %add3A_548 : i32
      %dma_wait3A_550 = arith.constant 0 : i32
      %dma_wait3A_551 = arith.constant 0 : i32
      %dma_wait3A_552 = tpu.memref_slice %arg9[%dma_wait3A_550, %dma_wait3A_551] : memref<200x64xf32, #tpu.memory_space<vmem>> -> memref<104x64xf32, #tpu.memory_space<vmem>>
      %dma_wait3A_553 = tpu.memref_slice %arg6[%mul3A_545] : memref<25600xi32, #tpu.memory_space<vmem>> -> memref<104xi32, #tpu.memory_space<vmem>>
      %dma_wait3A_554 = arith.constant 0 : i32
      %dma_wait3A_555 = arith.constant 0 : i32
      %dma_wait3A_556 = tpu.memref_slice %arg4[%dma_wait3A_554, %dma_wait3A_555] : memref<100000x64xf32, #tpu.memory_space<hbm>> -> memref<100000x64xf32, #tpu.memory_space<hbm>>
      tpu.wait_indirect_dma semaphore(%arg13 : memref<!tpu.dma_semaphore, #tpu.memory_space<semaphore_mem>>) src(%dma_wait3A_556 : memref<100000x64xf32, #tpu.memory_space<hbm>>) dst(%dma_wait3A_552 : memref<104x64xf32, #tpu.memory_space<vmem>>)
      %dma_wait3A_557 = arith.constant 104 : i32
      %dma_wait3A_558 = arith.constant 0 : i32
      %dma_wait3A_559 = tpu.memref_slice %arg9[%dma_wait3A_557, %dma_wait3A_558] : memref<200x64xf32, #tpu.memory_space<vmem>> -> memref<96x64xf32, #tpu.memory_space<vmem>>
      %dma_wait3A_560 = tpu.memref_slice %arg6[%add3A_549] : memref<25600xi32, #tpu.memory_space<vmem>> -> memref<96xi32, #tpu.memory_space<vmem>>
      %dma_wait3A_561 = arith.constant 0 : i32
      %dma_wait3A_562 = arith.constant 0 : i32
      %dma_wait3A_563 = tpu.memref_slice %arg4[%dma_wait3A_561, %dma_wait3A_562] : memref<100000x64xf32, #tpu.memory_space<hbm>> -> memref<100000x64xf32, #tpu.memory_space<hbm>>
      tpu.wait_indirect_dma semaphore(%arg13 : memref<!tpu.dma_semaphore, #tpu.memory_space<semaphore_mem>>) src(%dma_wait3A_563 : memref<100000x64xf32, #tpu.memory_space<hbm>>) dst(%dma_wait3A_559 : memref<96x64xf32, #tpu.memory_space<vmem>>)
      %ge3A_564 = arith.constant 2 : i32
      %ge3A_565 = arith.cmpi sge, %add3A_543, %ge3A_564 : i32
      %convert_element_type3A_566 = arith.extui %ge3A_565 : i1 to i32
      %cond3A_567 = arith.constant 0 : i32
      %cond3A_568 = arith.cmpi ne, %convert_element_type3A_566, %cond3A_567 : i32
      scf.if %cond3A_568 {
        %sub3A = arith.constant 2 : i32
        %sub3A_1028 = arith.subi %add3A_543, %sub3A : i32
        %add3A_1029 = arith.addi %mul3A_2, %sub3A_1028 : i32
        %dma_wait3A_1030 = arith.constant 0 : i32
        %dma_wait3A_1031 = arith.constant 0 : i32
        %dma_wait3A_1032 = tpu.memref_slice %arg5[%add3A_1029, %dma_wait3A_1030, %dma_wait3A_1031] : memref<4096x100x128xf32, #tpu.memory_space<hbm>> -> memref<1x100x128xf32, #tpu.memory_space<hbm>>
        %dma_wait3A_1033 = tpu.memref_squeeze %dma_wait3A_1032 : memref<1x100x128xf32, #tpu.memory_space<hbm>> -> memref<100x128xf32, #tpu.memory_space<hbm>>
        %dma_wait3A_1034 = arith.constant 0 : i32
        %dma_wait3A_1035 = arith.constant 0 : i32
        %dma_wait3A_1036 = tpu.memref_slice %arg5[%add3A_1029, %dma_wait3A_1034, %dma_wait3A_1035] : memref<4096x100x128xf32, #tpu.memory_space<hbm>> -> memref<1x100x128xf32, #tpu.memory_space<hbm>>
        %dma_wait3A_1037 = tpu.memref_squeeze %dma_wait3A_1036 : memref<1x100x128xf32, #tpu.memory_space<hbm>> -> memref<100x128xf32, #tpu.memory_space<hbm>>
        tpu.wait_dma2 semaphore(%arg15 : memref<!tpu.dma_semaphore, #tpu.memory_space<semaphore_mem>>) src(%arg11 : memref<100x128xf32, #tpu.memory_space<vmem>>) dst(%dma_wait3A_1037 : memref<100x128xf32, #tpu.memory_space<hbm>>)
      } else {
      }
      %scan3A_569 = arith.constant 0 : i32
      %scan3A_570 = arith.constant 0 : i32
      %scan3A_571 = arith.constant 12 : i32
      %scan3A_572 = arith.addi %scan3A_570, %scan3A_571 : i32
      %scan3A_573 = arith.constant 1 : i32
      %scan3A_574 = scf.for %scan3A_1028 = %scan3A_570 to %scan3A_572 step %scan3A_573 iter_args(%scan3A_1029 = %scan3A_569) -> (i32)  : i32 {
        %mul3A_1030 = arith.constant 16 : i32
        %mul3A_1031 = arith.muli %scan3A_1028, %mul3A_1030 : i32
        %get3A_1032 = arith.index_cast %add3A_543 : i32 to index
        %get3A_1033 = arith.index_cast %mul3A_1031 : i32 to index
        %get3A_1034 = tpu.vector_load %arg7[%get3A_1032, %get3A_1033] {strides = array<i32>} : memref<128x200xf32, #tpu.memory_space<vmem>>, vector<1x16xf32>,
        %get3A_1035 = vector.shape_cast %get3A_1034 : vector<1x16xf32> to vector<16xf32>
        %slice3A_1036 = vector.extract_strided_slice %get3A_1035 {offsets = [0], sizes = [1], strides = [1]} : vector<16xf32> to vector<1xf32>
        %squeeze3A_1037 = vector.extract %slice3A_1036[0] : f32 from vector<1xf32>
        %mul3A_1038 = arith.constant 16 : i32
        %mul3A_1039 = arith.muli %scan3A_1028, %mul3A_1038 : i32
        %add3A_1040 = arith.constant 0 : i32
        %add3A_1041 = arith.addi %mul3A_1039, %add3A_1040 : i32
        %mul3A_1042 = arith.constant 8 : i32
        %mul3A_1043 = arith.muli %scan3A_1028, %mul3A_1042 : i32
        %add3A_1044 = arith.constant 0 : i32
        %add3A_1045 = arith.addi %mul3A_1043, %add3A_1044 : i32
        %get3A_1046 = arith.index_cast %add3A_1041 : i32 to index
        %get3A_1047 = arith.constant 0 : index
        %get3A_1048 = tpu.vector_load %arg9[%get3A_1046, %get3A_1047] {strides = array<i32>} : memref<200x64xf32, #tpu.memory_space<vmem>>, vector<1x16xf32>,
        %get3A_1049 = vector.shape_cast %get3A_1048 : vector<1x16xf32> to vector<16xf32>
        %mul3A_1050 = vector.broadcast %squeeze3A_1037 : f32 to vector<16xf32>
        %mul3A_1051 = arith.mulf %get3A_1049, %mul3A_1050 : vector<16xf32>
        %swap3A_1052 = arith.index_cast %add3A_1045 : i32 to index
        %swap3A_1053 = arith.constant 0 : index
        %swap3A_1054 = tpu.vector_load %arg11[%swap3A_1052, %swap3A_1053] {strides = array<i32>} : memref<100x128xf32, #tpu.memory_space<vmem>>, vector<1x16xf32>,
        %swap3A_1055 = vector.shape_cast %swap3A_1054 : vector<1x16xf32> to vector<16xf32>
        %swap3A_1056 = vector.shape_cast %mul3A_1051 : vector<16xf32> to vector<1x16xf32>
        tpu.vector_store %arg11[%swap3A_1052, %swap3A_1053], %swap3A_1056 {strides = array<i32>} : memref<100x128xf32, #tpu.memory_space<vmem>>, vector<1x16xf32>,
        %get3A_1057 = arith.index_cast %add3A_1041 : i32 to index
        %get3A_1058 = arith.constant 16 : index
        %get3A_1059 = tpu.vector_load %arg9[%get3A_1057, %get3A_1058] {strides = array<i32>} : memref<200x64xf32, #tpu.memory_space<vmem>>, vector<1x16xf32>,
        %get3A_1060 = vector.shape_cast %get3A_1059 : vector<1x16xf32> to vector<16xf32>
        %mul3A_1061 = vector.broadcast %squeeze3A_1037 : f32 to vector<16xf32>
        %mul3A_1062 = arith.mulf %get3A_1060, %mul3A_1061 : vector<16xf32>
        %swap3A_1063 = arith.index_cast %add3A_1045 : i32 to index
        %swap3A_1064 = arith.constant 16 : index
        %swap3A_1065 = tpu.vector_load %arg11[%swap3A_1063, %swap3A_1064] {strides = array<i32>} : memref<100x128xf32, #tpu.memory_space<vmem>>, vector<1x16xf32>,
        %swap3A_1066 = vector.shape_cast %swap3A_1065 : vector<1x16xf32> to vector<16xf32>
        %swap3A_1067 = vector.shape_cast %mul3A_1062 : vector<16xf32> to vector<1x16xf32>
        tpu.vector_store %arg11[%swap3A_1063, %swap3A_1064], %swap3A_1067 {strides = array<i32>} : memref<100x128xf32, #tpu.memory_space<vmem>>, vector<1x16xf32>,
        %get3A_1068 = arith.index_cast %add3A_1041 : i32 to index
        %get3A_1069 = arith.constant 32 : index
        %get3A_1070 = tpu.vector_load %arg9[%get3A_1068, %get3A_1069] {strides = array<i32>} : memref<200x64xf32, #tpu.memory_space<vmem>>, vector<1x16xf32>,
        %get3A_1071 = vector.shape_cast %get3A_1070 : vector<1x16xf32> to vector<16xf32>
        %mul3A_1072 = vector.broadcast %squeeze3A_1037 : f32 to vector<16xf32>
        %mul3A_1073 = arith.mulf %get3A_1071, %mul3A_1072 : vector<16xf32>
        %swap3A_1074 = arith.index_cast %add3A_1045 : i32 to index
        %swap3A_1075 = arith.constant 32 : index
        %swap3A_1076 = tpu.vector_load %arg11[%swap3A_1074, %swap3A_1075] {strides = array<i32>} : memref<100x128xf32, #tpu.memory_space<vmem>>, vector<1x16xf32>,
        %swap3A_1077 = vector.shape_cast %swap3A_1076 : vector<1x16xf32> to vector<16xf32>
        %swap3A_1078 = vector.shape_cast %mul3A_1073 : vector<16xf32> to vector<1x16xf32>
        tpu.vector_store %arg11[%swap3A_1074, %swap3A_1075], %swap3A_1078 {strides = array<i32>} : memref<100x128xf32, #tpu.memory_space<vmem>>, vector<1x16xf32>,
        %get3A_1079 = arith.index_cast %add3A_1041 : i32 to index
        %get3A_1080 = arith.constant 48 : index
        %get3A_1081 = tpu.vector_load %arg9[%get3A_1079, %get3A_1080] {strides = array<i32>} : memref<200x64xf32, #tpu.memory_space<vmem>>, vector<1x16xf32>,
        %get3A_1082 = vector.shape_cast %get3A_1081 : vector<1x16xf32> to vector<16xf32>
        %mul3A_1083 = vector.broadcast %squeeze3A_1037 : f32 to vector<16xf32>
        %mul3A_1084 = arith.mulf %get3A_1082, %mul3A_1083 : vector<16xf32>
        %swap3A_1085 = arith.index_cast %add3A_1045 : i32 to index
        %swap3A_1086 = arith.constant 48 : index
        %swap3A_1087 = tpu.vector_load %arg11[%swap3A_1085, %swap3A_1086] {strides = array<i32>} : memref<100x128xf32, #tpu.memory_space<vmem>>, vector<1x16xf32>,
        %swap3A_1088 = vector.shape_cast %swap3A_1087 : vector<1x16xf32> to vector<16xf32>
        %swap3A_1089 = vector.shape_cast %mul3A_1084 : vector<16xf32> to vector<1x16xf32>
        tpu.vector_store %arg11[%swap3A_1085, %swap3A_1086], %swap3A_1089 {strides = array<i32>} : memref<100x128xf32, #tpu.memory_space<vmem>>, vector<1x16xf32>,
        %slice3A_1090 = vector.extract_strided_slice %get3A_1035 {offsets = [1], sizes = [1], strides = [1]} : vector<16xf32> to vector<1xf32>
        %squeeze3A_1091 = vector.extract %slice3A_1090[0] : f32 from vector<1xf32>
        %mul3A_1092 = arith.constant 16 : i32
        %mul3A_1093 = arith.muli %scan3A_1028, %mul3A_1092 : i32
        %add3A_1094 = arith.constant 1 : i32
        %add3A_1095 = arith.addi %mul3A_1093, %add3A_1094 : i32
        %mul3A_1096 = arith.constant 8 : i32
        %mul3A_1097 = arith.muli %scan3A_1028, %mul3A_1096 : i32
        %add3A_1098 = arith.constant 0 : i32
        %add3A_1099 = arith.addi %mul3A_1097, %add3A_1098 : i32
        %get3A_1100 = arith.index_cast %add3A_1095 : i32 to index
        %get3A_1101 = arith.constant 0 : index
        %get3A_1102 = tpu.vector_load %arg9[%get3A_1100, %get3A_1101] {strides = array<i32>} : memref<200x64xf32, #tpu.memory_space<vmem>>, vector<1x16xf32>,
        %get3A_1103 = vector.shape_cast %get3A_1102 : vector<1x16xf32> to vector<16xf32>
        %mul3A_1104 = vector.broadcast %squeeze3A_1091 : f32 to vector<16xf32>
        %mul3A_1105 = arith.mulf %get3A_1103, %mul3A_1104 : vector<16xf32>
        %swap3A_1106 = arith.index_cast %add3A_1099 : i32 to index
        %swap3A_1107 = arith.constant 64 : index
        %swap3A_1108 = tpu.vector_load %arg11[%swap3A_1106, %swap3A_1107] {strides = array<i32>} : memref<100x128xf32, #tpu.memory_space<vmem>>, vector<1x16xf32>,
        %swap3A_1109 = vector.shape_cast %swap3A_1108 : vector<1x16xf32> to vector<16xf32>
        %swap3A_1110 = vector.shape_cast %mul3A_1105 : vector<16xf32> to vector<1x16xf32>
        tpu.vector_store %arg11[%swap3A_1106, %swap3A_1107], %swap3A_1110 {strides = array<i32>} : memref<100x128xf32, #tpu.memory_space<vmem>>, vector<1x16xf32>,
        %get3A_1111 = arith.index_cast %add3A_1095 : i32 to index
        %get3A_1112 = arith.constant 16 : index
        %get3A_1113 = tpu.vector_load %arg9[%get3A_1111, %get3A_1112] {strides = array<i32>} : memref<200x64xf32, #tpu.memory_space<vmem>>, vector<1x16xf32>,
        %get3A_1114 = vector.shape_cast %get3A_1113 : vector<1x16xf32> to vector<16xf32>
        %mul3A_1115 = vector.broadcast %squeeze3A_1091 : f32 to vector<16xf32>
        %mul3A_1116 = arith.mulf %get3A_1114, %mul3A_1115 : vector<16xf32>
        %swap3A_1117 = arith.index_cast %add3A_1099 : i32 to index
        %swap3A_1118 = arith.constant 80 : index
        %swap3A_1119 = tpu.vector_load %arg11[%swap3A_1117, %swap3A_1118] {strides = array<i32>} : memref<100x128xf32, #tpu.memory_space<vmem>>, vector<1x16xf32>,
        %swap3A_1120 = vector.shape_cast %swap3A_1119 : vector<1x16xf32> to vector<16xf32>
        %swap3A_1121 = vector.shape_cast %mul3A_1116 : vector<16xf32> to vector<1x16xf32>
        tpu.vector_store %arg11[%swap3A_1117, %swap3A_1118], %swap3A_1121 {strides = array<i32>} : memref<100x128xf32, #tpu.memory_space<vmem>>, vector<1x16xf32>,
        %get3A_1122 = arith.index_cast %add3A_1095 : i32 to index
        %get3A_1123 = arith.constant 32 : index
        %get3A_1124 = tpu.vector_load %arg9[%get3A_1122, %get3A_1123] {strides = array<i32>} : memref<200x64xf32, #tpu.memory_space<vmem>>, vector<1x16xf32>,
        %get3A_1125 = vector.shape_cast %get3A_1124 : vector<1x16xf32> to vector<16xf32>
        %mul3A_1126 = vector.broadcast %squeeze3A_1091 : f32 to vector<16xf32>
        %mul3A_1127 = arith.mulf %get3A_1125, %mul3A_1126 : vector<16xf32>
        %swap3A_1128 = arith.index_cast %add3A_1099 : i32 to index
        %swap3A_1129 = arith.constant 96 : index
        %swap3A_1130 = tpu.vector_load %arg11[%swap3A_1128, %swap3A_1129] {strides = array<i32>} : memref<100x128xf32, #tpu.memory_space<vmem>>, vector<1x16xf32>,
        %swap3A_1131 = vector.shape_cast %swap3A_1130 : vector<1x16xf32> to vector<16xf32>
        %swap3A_1132 = vector.shape_cast %mul3A_1127 : vector<16xf32> to vector<1x16xf32>
        tpu.vector_store %arg11[%swap3A_1128, %swap3A_1129], %swap3A_1132 {strides = array<i32>} : memref<100x128xf32, #tpu.memory_space<vmem>>, vector<1x16xf32>,
        %get3A_1133 = arith.index_cast %add3A_1095 : i32 to index
        %get3A_1134 = arith.constant 48 : index
        %get3A_1135 = tpu.vector_load %arg9[%get3A_1133, %get3A_1134] {strides = array<i32>} : memref<200x64xf32, #tpu.memory_space<vmem>>, vector<1x16xf32>,
        %get3A_1136 = vector.shape_cast %get3A_1135 : vector<1x16xf32> to vector<16xf32>
        %mul3A_1137 = vector.broadcast %squeeze3A_1091 : f32 to vector<16xf32>
        %mul3A_1138 = arith.mulf %get3A_1136, %mul3A_1137 : vector<16xf32>
        %swap3A_1139 = arith.index_cast %add3A_1099 : i32 to index
        %swap3A_1140 = arith.constant 112 : index
        %swap3A_1141 = tpu.vector_load %arg11[%swap3A_1139, %swap3A_1140] {strides = array<i32>} : memref<100x128xf32, #tpu.memory_space<vmem>>, vector<1x16xf32>,
        %swap3A_1142 = vector.shape_cast %swap3A_1141 : vector<1x16xf32> to vector<16xf32>
        %swap3A_1143 = vector.shape_cast %mul3A_1138 : vector<16xf32> to vector<1x16xf32>
        tpu.vector_store %arg11[%swap3A_1139, %swap3A_1140], %swap3A_1143 {strides = array<i32>} : memref<100x128xf32, #tpu.memory_space<vmem>>, vector<1x16xf32>,
        %slice3A_1144 = vector.extract_strided_slice %get3A_1035 {offsets = [2], sizes = [1], strides = [1]} : vector<16xf32> to vector<1xf32>
        %squeeze3A_1145 = vector.extract %slice3A_1144[0] : f32 from vector<1xf32>
        %mul3A_1146 = arith.constant 16 : i32
        %mul3A_1147 = arith.muli %scan3A_1028, %mul3A_1146 : i32
        %add3A_1148 = arith.constant 2 : i32
        %add3A_1149 = arith.addi %mul3A_1147, %add3A_1148 : i32
        %mul3A_1150 = arith.constant 8 : i32
        %mul3A_1151 = arith.muli %scan3A_1028, %mul3A_1150 : i32
        %add3A_1152 = arith.constant 1 : i32
        %add3A_1153 = arith.addi %mul3A_1151, %add3A_1152 : i32
        %get3A_1154 = arith.index_cast %add3A_1149 : i32 to index
        %get3A_1155 = arith.constant 0 : index
        %get3A_1156 = tpu.vector_load %arg9[%get3A_1154, %get3A_1155] {strides = array<i32>} : memref<200x64xf32, #tpu.memory_space<vmem>>, vector<1x16xf32>,
        %get3A_1157 = vector.shape_cast %get3A_1156 : vector<1x16xf32> to vector<16xf32>
        %mul3A_1158 = vector.broadcast %squeeze3A_1145 : f32 to vector<16xf32>
        %mul3A_1159 = arith.mulf %get3A_1157, %mul3A_1158 : vector<16xf32>
        %swap3A_1160 = arith.index_cast %add3A_1153 : i32 to index
        %swap3A_1161 = arith.constant 0 : index
        %swap3A_1162 = tpu.vector_load %arg11[%swap3A_1160, %swap3A_1161] {strides = array<i32>} : memref<100x128xf32, #tpu.memory_space<vmem>>, vector<1x16xf32>,
        %swap3A_1163 = vector.shape_cast %swap3A_1162 : vector<1x16xf32> to vector<16xf32>
        %swap3A_1164 = vector.shape_cast %mul3A_1159 : vector<16xf32> to vector<1x16xf32>
        tpu.vector_store %arg11[%swap3A_1160, %swap3A_1161], %swap3A_1164 {strides = array<i32>} : memref<100x128xf32, #tpu.memory_space<vmem>>, vector<1x16xf32>,
        %get3A_1165 = arith.index_cast %add3A_1149 : i32 to index
        %get3A_1166 = arith.constant 16 : index
        %get3A_1167 = tpu.vector_load %arg9[%get3A_1165, %get3A_1166] {strides = array<i32>} : memref<200x64xf32, #tpu.memory_space<vmem>>, vector<1x16xf32>,
        %get3A_1168 = vector.shape_cast %get3A_1167 : vector<1x16xf32> to vector<16xf32>
        %mul3A_1169 = vector.broadcast %squeeze3A_1145 : f32 to vector<16xf32>
        %mul3A_1170 = arith.mulf %get3A_1168, %mul3A_1169 : vector<16xf32>
        %swap3A_1171 = arith.index_cast %add3A_1153 : i32 to index
        %swap3A_1172 = arith.constant 16 : index
        %swap3A_1173 = tpu.vector_load %arg11[%swap3A_1171, %swap3A_1172] {strides = array<i32>} : memref<100x128xf32, #tpu.memory_space<vmem>>, vector<1x16xf32>,
        %swap3A_1174 = vector.shape_cast %swap3A_1173 : vector<1x16xf32> to vector<16xf32>
        %swap3A_1175 = vector.shape_cast %mul3A_1170 : vector<16xf32> to vector<1x16xf32>
        tpu.vector_store %arg11[%swap3A_1171, %swap3A_1172], %swap3A_1175 {strides = array<i32>} : memref<100x128xf32, #tpu.memory_space<vmem>>, vector<1x16xf32>,
        %get3A_1176 = arith.index_cast %add3A_1149 : i32 to index
        %get3A_1177 = arith.constant 32 : index
        %get3A_1178 = tpu.vector_load %arg9[%get3A_1176, %get3A_1177] {strides = array<i32>} : memref<200x64xf32, #tpu.memory_space<vmem>>, vector<1x16xf32>,
        %get3A_1179 = vector.shape_cast %get3A_1178 : vector<1x16xf32> to vector<16xf32>
        %mul3A_1180 = vector.broadcast %squeeze3A_1145 : f32 to vector<16xf32>
        %mul3A_1181 = arith.mulf %get3A_1179, %mul3A_1180 : vector<16xf32>
        %swap3A_1182 = arith.index_cast %add3A_1153 : i32 to index
        %swap3A_1183 = arith.constant 32 : index
        %swap3A_1184 = tpu.vector_load %arg11[%swap3A_1182, %swap3A_1183] {strides = array<i32>} : memref<100x128xf32, #tpu.memory_space<vmem>>, vector<1x16xf32>,
        %swap3A_1185 = vector.shape_cast %swap3A_1184 : vector<1x16xf32> to vector<16xf32>
        %swap3A_1186 = vector.shape_cast %mul3A_1181 : vector<16xf32> to vector<1x16xf32>
        tpu.vector_store %arg11[%swap3A_1182, %swap3A_1183], %swap3A_1186 {strides = array<i32>} : memref<100x128xf32, #tpu.memory_space<vmem>>, vector<1x16xf32>,
        %get3A_1187 = arith.index_cast %add3A_1149 : i32 to index
        %get3A_1188 = arith.constant 48 : index
        %get3A_1189 = tpu.vector_load %arg9[%get3A_1187, %get3A_1188] {strides = array<i32>} : memref<200x64xf32, #tpu.memory_space<vmem>>, vector<1x16xf32>,
        %get3A_1190 = vector.shape_cast %get3A_1189 : vector<1x16xf32> to vector<16xf32>
        %mul3A_1191 = vector.broadcast %squeeze3A_1145 : f32 to vector<16xf32>
        %mul3A_1192 = arith.mulf %get3A_1190, %mul3A_1191 : vector<16xf32>
        %swap3A_1193 = arith.index_cast %add3A_1153 : i32 to index
        %swap3A_1194 = arith.constant 48 : index
        %swap3A_1195 = tpu.vector_load %arg11[%swap3A_1193, %swap3A_1194] {strides = array<i32>} : memref<100x128xf32, #tpu.memory_space<vmem>>, vector<1x16xf32>,
        %swap3A_1196 = vector.shape_cast %swap3A_1195 : vector<1x16xf32> to vector<16xf32>
        %swap3A_1197 = vector.shape_cast %mul3A_1192 : vector<16xf32> to vector<1x16xf32>
        tpu.vector_store %arg11[%swap3A_1193, %swap3A_1194], %swap3A_1197 {strides = array<i32>} : memref<100x128xf32, #tpu.memory_space<vmem>>, vector<1x16xf32>,
        %slice3A_1198 = vector.extract_strided_slice %get3A_1035 {offsets = [3], sizes = [1], strides = [1]} : vector<16xf32> to vector<1xf32>
        %squeeze3A_1199 = vector.extract %slice3A_1198[0] : f32 from vector<1xf32>
        %mul3A_1200 = arith.constant 16 : i32
        %mul3A_1201 = arith.muli %scan3A_1028, %mul3A_1200 : i32
        %add3A_1202 = arith.constant 3 : i32
        %add3A_1203 = arith.addi %mul3A_1201, %add3A_1202 : i32
        %mul3A_1204 = arith.constant 8 : i32
        %mul3A_1205 = arith.muli %scan3A_1028, %mul3A_1204 : i32
        %add3A_1206 = arith.constant 1 : i32
        %add3A_1207 = arith.addi %mul3A_1205, %add3A_1206 : i32
        %get3A_1208 = arith.index_cast %add3A_1203 : i32 to index
        %get3A_1209 = arith.constant 0 : index
        %get3A_1210 = tpu.vector_load %arg9[%get3A_1208, %get3A_1209] {strides = array<i32>} : memref<200x64xf32, #tpu.memory_space<vmem>>, vector<1x16xf32>,
        %get3A_1211 = vector.shape_cast %get3A_1210 : vector<1x16xf32> to vector<16xf32>
        %mul3A_1212 = vector.broadcast %squeeze3A_1199 : f32 to vector<16xf32>
        %mul3A_1213 = arith.mulf %get3A_1211, %mul3A_1212 : vector<16xf32>
        %swap3A_1214 = arith.index_cast %add3A_1207 : i32 to index
        %swap3A_1215 = arith.constant 64 : index
        %swap3A_1216 = tpu.vector_load %arg11[%swap3A_1214, %swap3A_1215] {strides = array<i32>} : memref<100x128xf32, #tpu.memory_space<vmem>>, vector<1x16xf32>,
        %swap3A_1217 = vector.shape_cast %swap3A_1216 : vector<1x16xf32> to vector<16xf32>
        %swap3A_1218 = vector.shape_cast %mul3A_1213 : vector<16xf32> to vector<1x16xf32>
        tpu.vector_store %arg11[%swap3A_1214, %swap3A_1215], %swap3A_1218 {strides = array<i32>} : memref<100x128xf32, #tpu.memory_space<vmem>>, vector<1x16xf32>,
        %get3A_1219 = arith.index_cast %add3A_1203 : i32 to index
        %get3A_1220 = arith.constant 16 : index
        %get3A_1221 = tpu.vector_load %arg9[%get3A_1219, %get3A_1220] {strides = array<i32>} : memref<200x64xf32, #tpu.memory_space<vmem>>, vector<1x16xf32>,
        %get3A_1222 = vector.shape_cast %get3A_1221 : vector<1x16xf32> to vector<16xf32>
        %mul3A_1223 = vector.broadcast %squeeze3A_1199 : f32 to vector<16xf32>
        %mul3A_1224 = arith.mulf %get3A_1222, %mul3A_1223 : vector<16xf32>
        %swap3A_1225 = arith.index_cast %add3A_1207 : i32 to index
        %swap3A_1226 = arith.constant 80 : index
        %swap3A_1227 = tpu.vector_load %arg11[%swap3A_1225, %swap3A_1226] {strides = array<i32>} : memref<100x128xf32, #tpu.memory_space<vmem>>, vector<1x16xf32>,
        %swap3A_1228 = vector.shape_cast %swap3A_1227 : vector<1x16xf32> to vector<16xf32>
        %swap3A_1229 = vector.shape_cast %mul3A_1224 : vector<16xf32> to vector<1x16xf32>
        tpu.vector_store %arg11[%swap3A_1225, %swap3A_1226], %swap3A_1229 {strides = array<i32>} : memref<100x128xf32, #tpu.memory_space<vmem>>, vector<1x16xf32>,
        %get3A_1230 = arith.index_cast %add3A_1203 : i32 to index
        %get3A_1231 = arith.constant 32 : index
        %get3A_1232 = tpu.vector_load %arg9[%get3A_1230, %get3A_1231] {strides = array<i32>} : memref<200x64xf32, #tpu.memory_space<vmem>>, vector<1x16xf32>,
        %get3A_1233 = vector.shape_cast %get3A_1232 : vector<1x16xf32> to vector<16xf32>
        %mul3A_1234 = vector.broadcast %squeeze3A_1199 : f32 to vector<16xf32>
        %mul3A_1235 = arith.mulf %get3A_1233, %mul3A_1234 : vector<16xf32>
        %swap3A_1236 = arith.index_cast %add3A_1207 : i32 to index
        %swap3A_1237 = arith.constant 96 : index
        %swap3A_1238 = tpu.vector_load %arg11[%swap3A_1236, %swap3A_1237] {strides = array<i32>} : memref<100x128xf32, #tpu.memory_space<vmem>>, vector<1x16xf32>,
        %swap3A_1239 = vector.shape_cast %swap3A_1238 : vector<1x16xf32> to vector<16xf32>
        %swap3A_1240 = vector.shape_cast %mul3A_1235 : vector<16xf32> to vector<1x16xf32>
        tpu.vector_store %arg11[%swap3A_1236, %swap3A_1237], %swap3A_1240 {strides = array<i32>} : memref<100x128xf32, #tpu.memory_space<vmem>>, vector<1x16xf32>,
        %get3A_1241 = arith.index_cast %add3A_1203 : i32 to index
        %get3A_1242 = arith.constant 48 : index
        %get3A_1243 = tpu.vector_load %arg9[%get3A_1241, %get3A_1242] {strides = array<i32>} : memref<200x64xf32, #tpu.memory_space<vmem>>, vector<1x16xf32>,
        %get3A_1244 = vector.shape_cast %get3A_1243 : vector<1x16xf32> to vector<16xf32>
        %mul3A_1245 = vector.broadcast %squeeze3A_1199 : f32 to vector<16xf32>
        %mul3A_1246 = arith.mulf %get3A_1244, %mul3A_1245 : vector<16xf32>
        %swap3A_1247 = arith.index_cast %add3A_1207 : i32 to index
        %swap3A_1248 = arith.constant 112 : index
        %swap3A_1249 = tpu.vector_load %arg11[%swap3A_1247, %swap3A_1248] {strides = array<i32>} : memref<100x128xf32, #tpu.memory_space<vmem>>, vector<1x16xf32>,
        %swap3A_1250 = vector.shape_cast %swap3A_1249 : vector<1x16xf32> to vector<16xf32>
        %swap3A_1251 = vector.shape_cast %mul3A_1246 : vector<16xf32> to vector<1x16xf32>
        tpu.vector_store %arg11[%swap3A_1247, %swap3A_1248], %swap3A_1251 {strides = array<i32>} : memref<100x128xf32, #tpu.memory_space<vmem>>, vector<1x16xf32>,
        %slice3A_1252 = vector.extract_strided_slice %get3A_1035 {offsets = [4], sizes = [1], strides = [1]} : vector<16xf32> to vector<1xf32>
        %squeeze3A_1253 = vector.extract %slice3A_1252[0] : f32 from vector<1xf32>
        %mul3A_1254 = arith.constant 16 : i32
        %mul3A_1255 = arith.muli %scan3A_1028, %mul3A_1254 : i32
        %add3A_1256 = arith.constant 4 : i32
        %add3A_1257 = arith.addi %mul3A_1255, %add3A_1256 : i32
        %mul3A_1258 = arith.constant 8 : i32
        %mul3A_1259 = arith.muli %scan3A_1028, %mul3A_1258 : i32
        %add3A_1260 = arith.constant 2 : i32
        %add3A_1261 = arith.addi %mul3A_1259, %add3A_1260 : i32
        %get3A_1262 = arith.index_cast %add3A_1257 : i32 to index
        %get3A_1263 = arith.constant 0 : index
        %get3A_1264 = tpu.vector_load %arg9[%get3A_1262, %get3A_1263] {strides = array<i32>} : memref<200x64xf32, #tpu.memory_space<vmem>>, vector<1x16xf32>,
        %get3A_1265 = vector.shape_cast %get3A_1264 : vector<1x16xf32> to vector<16xf32>
        %mul3A_1266 = vector.broadcast %squeeze3A_1253 : f32 to vector<16xf32>
        %mul3A_1267 = arith.mulf %get3A_1265, %mul3A_1266 : vector<16xf32>
        %swap3A_1268 = arith.index_cast %add3A_1261 : i32 to index
        %swap3A_1269 = arith.constant 0 : index
        %swap3A_1270 = tpu.vector_load %arg11[%swap3A_1268, %swap3A_1269] {strides = array<i32>} : memref<100x128xf32, #tpu.memory_space<vmem>>, vector<1x16xf32>,
        %swap3A_1271 = vector.shape_cast %swap3A_1270 : vector<1x16xf32> to vector<16xf32>
        %swap3A_1272 = vector.shape_cast %mul3A_1267 : vector<16xf32> to vector<1x16xf32>
        tpu.vector_store %arg11[%swap3A_1268, %swap3A_1269], %swap3A_1272 {strides = array<i32>} : memref<100x128xf32, #tpu.memory_space<vmem>>, vector<1x16xf32>,
        %get3A_1273 = arith.index_cast %add3A_1257 : i32 to index
        %get3A_1274 = arith.constant 16 : index
        %get3A_1275 = tpu.vector_load %arg9[%get3A_1273, %get3A_1274] {strides = array<i32>} : memref<200x64xf32, #tpu.memory_space<vmem>>, vector<1x16xf32>,
        %get3A_1276 = vector.shape_cast %get3A_1275 : vector<1x16xf32> to vector<16xf32>
        %mul3A_1277 = vector.broadcast %squeeze3A_1253 : f32 to vector<16xf32>
        %mul3A_1278 = arith.mulf %get3A_1276, %mul3A_1277 : vector<16xf32>
        %swap3A_1279 = arith.index_cast %add3A_1261 : i32 to index
        %swap3A_1280 = arith.constant 16 : index
        %swap3A_1281 = tpu.vector_load %arg11[%swap3A_1279, %swap3A_1280] {strides = array<i32>} : memref<100x128xf32, #tpu.memory_space<vmem>>, vector<1x16xf32>,
        %swap3A_1282 = vector.shape_cast %swap3A_1281 : vector<1x16xf32> to vector<16xf32>
        %swap3A_1283 = vector.shape_cast %mul3A_1278 : vector<16xf32> to vector<1x16xf32>
        tpu.vector_store %arg11[%swap3A_1279, %swap3A_1280], %swap3A_1283 {strides = array<i32>} : memref<100x128xf32, #tpu.memory_space<vmem>>, vector<1x16xf32>,
        %get3A_1284 = arith.index_cast %add3A_1257 : i32 to index
        %get3A_1285 = arith.constant 32 : index
        %get3A_1286 = tpu.vector_load %arg9[%get3A_1284, %get3A_1285] {strides = array<i32>} : memref<200x64xf32, #tpu.memory_space<vmem>>, vector<1x16xf32>,
        %get3A_1287 = vector.shape_cast %get3A_1286 : vector<1x16xf32> to vector<16xf32>
        %mul3A_1288 = vector.broadcast %squeeze3A_1253 : f32 to vector<16xf32>
        %mul3A_1289 = arith.mulf %get3A_1287, %mul3A_1288 : vector<16xf32>
        %swap3A_1290 = arith.index_cast %add3A_1261 : i32 to index
        %swap3A_1291 = arith.constant 32 : index
        %swap3A_1292 = tpu.vector_load %arg11[%swap3A_1290, %swap3A_1291] {strides = array<i32>} : memref<100x128xf32, #tpu.memory_space<vmem>>, vector<1x16xf32>,
        %swap3A_1293 = vector.shape_cast %swap3A_1292 : vector<1x16xf32> to vector<16xf32>
        %swap3A_1294 = vector.shape_cast %mul3A_1289 : vector<16xf32> to vector<1x16xf32>
        tpu.vector_store %arg11[%swap3A_1290, %swap3A_1291], %swap3A_1294 {strides = array<i32>} : memref<100x128xf32, #tpu.memory_space<vmem>>, vector<1x16xf32>,
        %get3A_1295 = arith.index_cast %add3A_1257 : i32 to index
        %get3A_1296 = arith.constant 48 : index
        %get3A_1297 = tpu.vector_load %arg9[%get3A_1295, %get3A_1296] {strides = array<i32>} : memref<200x64xf32, #tpu.memory_space<vmem>>, vector<1x16xf32>,
        %get3A_1298 = vector.shape_cast %get3A_1297 : vector<1x16xf32> to vector<16xf32>
        %mul3A_1299 = vector.broadcast %squeeze3A_1253 : f32 to vector<16xf32>
        %mul3A_1300 = arith.mulf %get3A_1298, %mul3A_1299 : vector<16xf32>
        %swap3A_1301 = arith.index_cast %add3A_1261 : i32 to index
        %swap3A_1302 = arith.constant 48 : index
        %swap3A_1303 = tpu.vector_load %arg11[%swap3A_1301, %swap3A_1302] {strides = array<i32>} : memref<100x128xf32, #tpu.memory_space<vmem>>, vector<1x16xf32>,
        %swap3A_1304 = vector.shape_cast %swap3A_1303 : vector<1x16xf32> to vector<16xf32>
        %swap3A_1305 = vector.shape_cast %mul3A_1300 : vector<16xf32> to vector<1x16xf32>
        tpu.vector_store %arg11[%swap3A_1301, %swap3A_1302], %swap3A_1305 {strides = array<i32>} : memref<100x128xf32, #tpu.memory_space<vmem>>, vector<1x16xf32>,
        %slice3A_1306 = vector.extract_strided_slice %get3A_1035 {offsets = [5], sizes = [1], strides = [1]} : vector<16xf32> to vector<1xf32>
        %squeeze3A_1307 = vector.extract %slice3A_1306[0] : f32 from vector<1xf32>
        %mul3A_1308 = arith.constant 16 : i32
        %mul3A_1309 = arith.muli %scan3A_1028, %mul3A_1308 : i32
        %add3A_1310 = arith.constant 5 : i32
        %add3A_1311 = arith.addi %mul3A_1309, %add3A_1310 : i32
        %mul3A_1312 = arith.constant 8 : i32
        %mul3A_1313 = arith.muli %scan3A_1028, %mul3A_1312 : i32
        %add3A_1314 = arith.constant 2 : i32
        %add3A_1315 = arith.addi %mul3A_1313, %add3A_1314 : i32
        %get3A_1316 = arith.index_cast %add3A_1311 : i32 to index
        %get3A_1317 = arith.constant 0 : index
        %get3A_1318 = tpu.vector_load %arg9[%get3A_1316, %get3A_1317] {strides = array<i32>} : memref<200x64xf32, #tpu.memory_space<vmem>>, vector<1x16xf32>,
        %get3A_1319 = vector.shape_cast %get3A_1318 : vector<1x16xf32> to vector<16xf32>
        %mul3A_1320 = vector.broadcast %squeeze3A_1307 : f32 to vector<16xf32>
        %mul3A_1321 = arith.mulf %get3A_1319, %mul3A_1320 : vector<16xf32>
        %swap3A_1322 = arith.index_cast %add3A_1315 : i32 to index
        %swap3A_1323 = arith.constant 64 : index
        %swap3A_1324 = tpu.vector_load %arg11[%swap3A_1322, %swap3A_1323] {strides = array<i32>} : memref<100x128xf32, #tpu.memory_space<vmem>>, vector<1x16xf32>,
        %swap3A_1325 = vector.shape_cast %swap3A_1324 : vector<1x16xf32> to vector<16xf32>
        %swap3A_1326 = vector.shape_cast %mul3A_1321 : vector<16xf32> to vector<1x16xf32>
        tpu.vector_store %arg11[%swap3A_1322, %swap3A_1323], %swap3A_1326 {strides = array<i32>} : memref<100x128xf32, #tpu.memory_space<vmem>>, vector<1x16xf32>,
        %get3A_1327 = arith.index_cast %add3A_1311 : i32 to index
        %get3A_1328 = arith.constant 16 : index
        %get3A_1329 = tpu.vector_load %arg9[%get3A_1327, %get3A_1328] {strides = array<i32>} : memref<200x64xf32, #tpu.memory_space<vmem>>, vector<1x16xf32>,
        %get3A_1330 = vector.shape_cast %get3A_1329 : vector<1x16xf32> to vector<16xf32>
        %mul3A_1331 = vector.broadcast %squeeze3A_1307 : f32 to vector<16xf32>
        %mul3A_1332 = arith.mulf %get3A_1330, %mul3A_1331 : vector<16xf32>
        %swap3A_1333 = arith.index_cast %add3A_1315 : i32 to index
        %swap3A_1334 = arith.constant 80 : index
        %swap3A_1335 = tpu.vector_load %arg11[%swap3A_1333, %swap3A_1334] {strides = array<i32>} : memref<100x128xf32, #tpu.memory_space<vmem>>, vector<1x16xf32>,
        %swap3A_1336 = vector.shape_cast %swap3A_1335 : vector<1x16xf32> to vector<16xf32>
        %swap3A_1337 = vector.shape_cast %mul3A_1332 : vector<16xf32> to vector<1x16xf32>
        tpu.vector_store %arg11[%swap3A_1333, %swap3A_1334], %swap3A_1337 {strides = array<i32>} : memref<100x128xf32, #tpu.memory_space<vmem>>, vector<1x16xf32>,
        %get3A_1338 = arith.index_cast %add3A_1311 : i32 to index
        %get3A_1339 = arith.constant 32 : index
        %get3A_1340 = tpu.vector_load %arg9[%get3A_1338, %get3A_1339] {strides = array<i32>} : memref<200x64xf32, #tpu.memory_space<vmem>>, vector<1x16xf32>,
        %get3A_1341 = vector.shape_cast %get3A_1340 : vector<1x16xf32> to vector<16xf32>
        %mul3A_1342 = vector.broadcast %squeeze3A_1307 : f32 to vector<16xf32>
        %mul3A_1343 = arith.mulf %get3A_1341, %mul3A_1342 : vector<16xf32>
        %swap3A_1344 = arith.index_cast %add3A_1315 : i32 to index
        %swap3A_1345 = arith.constant 96 : index
        %swap3A_1346 = tpu.vector_load %arg11[%swap3A_1344, %swap3A_1345] {strides = array<i32>} : memref<100x128xf32, #tpu.memory_space<vmem>>, vector<1x16xf32>,
        %swap3A_1347 = vector.shape_cast %swap3A_1346 : vector<1x16xf32> to vector<16xf32>
        %swap3A_1348 = vector.shape_cast %mul3A_1343 : vector<16xf32> to vector<1x16xf32>
        tpu.vector_store %arg11[%swap3A_1344, %swap3A_1345], %swap3A_1348 {strides = array<i32>} : memref<100x128xf32, #tpu.memory_space<vmem>>, vector<1x16xf32>,
        %get3A_1349 = arith.index_cast %add3A_1311 : i32 to index
        %get3A_1350 = arith.constant 48 : index
        %get3A_1351 = tpu.vector_load %arg9[%get3A_1349, %get3A_1350] {strides = array<i32>} : memref<200x64xf32, #tpu.memory_space<vmem>>, vector<1x16xf32>,
        %get3A_1352 = vector.shape_cast %get3A_1351 : vector<1x16xf32> to vector<16xf32>
        %mul3A_1353 = vector.broadcast %squeeze3A_1307 : f32 to vector<16xf32>
        %mul3A_1354 = arith.mulf %get3A_1352, %mul3A_1353 : vector<16xf32>
        %swap3A_1355 = arith.index_cast %add3A_1315 : i32 to index
        %swap3A_1356 = arith.constant 112 : index
        %swap3A_1357 = tpu.vector_load %arg11[%swap3A_1355, %swap3A_1356] {strides = array<i32>} : memref<100x128xf32, #tpu.memory_space<vmem>>, vector<1x16xf32>,
        %swap3A_1358 = vector.shape_cast %swap3A_1357 : vector<1x16xf32> to vector<16xf32>
        %swap3A_1359 = vector.shape_cast %mul3A_1354 : vector<16xf32> to vector<1x16xf32>
        tpu.vector_store %arg11[%swap3A_1355, %swap3A_1356], %swap3A_1359 {strides = array<i32>} : memref<100x128xf32, #tpu.memory_space<vmem>>, vector<1x16xf32>,
        %slice3A_1360 = vector.extract_strided_slice %get3A_1035 {offsets = [6], sizes = [1], strides = [1]} : vector<16xf32> to vector<1xf32>
        %squeeze3A_1361 = vector.extract %slice3A_1360[0] : f32 from vector<1xf32>
        %mul3A_1362 = arith.constant 16 : i32
        %mul3A_1363 = arith.muli %scan3A_1028, %mul3A_1362 : i32
        %add3A_1364 = arith.constant 6 : i32
        %add3A_1365 = arith.addi %mul3A_1363, %add3A_1364 : i32
        %mul3A_1366 = arith.constant 8 : i32
        %mul3A_1367 = arith.muli %scan3A_1028, %mul3A_1366 : i32
        %add3A_1368 = arith.constant 3 : i32
        %add3A_1369 = arith.addi %mul3A_1367, %add3A_1368 : i32
        %get3A_1370 = arith.index_cast %add3A_1365 : i32 to index
        %get3A_1371 = arith.constant 0 : index
        %get3A_1372 = tpu.vector_load %arg9[%get3A_1370, %get3A_1371] {strides = array<i32>} : memref<200x64xf32, #tpu.memory_space<vmem>>, vector<1x16xf32>,
        %get3A_1373 = vector.shape_cast %get3A_1372 : vector<1x16xf32> to vector<16xf32>
        %mul3A_1374 = vector.broadcast %squeeze3A_1361 : f32 to vector<16xf32>
        %mul3A_1375 = arith.mulf %get3A_1373, %mul3A_1374 : vector<16xf32>
        %swap3A_1376 = arith.index_cast %add3A_1369 : i32 to index
        %swap3A_1377 = arith.constant 0 : index
        %swap3A_1378 = tpu.vector_load %arg11[%swap3A_1376, %swap3A_1377] {strides = array<i32>} : memref<100x128xf32, #tpu.memory_space<vmem>>, vector<1x16xf32>,
        %swap3A_1379 = vector.shape_cast %swap3A_1378 : vector<1x16xf32> to vector<16xf32>
        %swap3A_1380 = vector.shape_cast %mul3A_1375 : vector<16xf32> to vector<1x16xf32>
        tpu.vector_store %arg11[%swap3A_1376, %swap3A_1377], %swap3A_1380 {strides = array<i32>} : memref<100x128xf32, #tpu.memory_space<vmem>>, vector<1x16xf32>,
        %get3A_1381 = arith.index_cast %add3A_1365 : i32 to index
        %get3A_1382 = arith.constant 16 : index
        %get3A_1383 = tpu.vector_load %arg9[%get3A_1381, %get3A_1382] {strides = array<i32>} : memref<200x64xf32, #tpu.memory_space<vmem>>, vector<1x16xf32>,
        %get3A_1384 = vector.shape_cast %get3A_1383 : vector<1x16xf32> to vector<16xf32>
        %mul3A_1385 = vector.broadcast %squeeze3A_1361 : f32 to vector<16xf32>
        %mul3A_1386 = arith.mulf %get3A_1384, %mul3A_1385 : vector<16xf32>
        %swap3A_1387 = arith.index_cast %add3A_1369 : i32 to index
        %swap3A_1388 = arith.constant 16 : index
        %swap3A_1389 = tpu.vector_load %arg11[%swap3A_1387, %swap3A_1388] {strides = array<i32>} : memref<100x128xf32, #tpu.memory_space<vmem>>, vector<1x16xf32>,
        %swap3A_1390 = vector.shape_cast %swap3A_1389 : vector<1x16xf32> to vector<16xf32>
        %swap3A_1391 = vector.shape_cast %mul3A_1386 : vector<16xf32> to vector<1x16xf32>
        tpu.vector_store %arg11[%swap3A_1387, %swap3A_1388], %swap3A_1391 {strides = array<i32>} : memref<100x128xf32, #tpu.memory_space<vmem>>, vector<1x16xf32>,
        %get3A_1392 = arith.index_cast %add3A_1365 : i32 to index
        %get3A_1393 = arith.constant 32 : index
        %get3A_1394 = tpu.vector_load %arg9[%get3A_1392, %get3A_1393] {strides = array<i32>} : memref<200x64xf32, #tpu.memory_space<vmem>>, vector<1x16xf32>,
        %get3A_1395 = vector.shape_cast %get3A_1394 : vector<1x16xf32> to vector<16xf32>
        %mul3A_1396 = vector.broadcast %squeeze3A_1361 : f32 to vector<16xf32>
        %mul3A_1397 = arith.mulf %get3A_1395, %mul3A_1396 : vector<16xf32>
        %swap3A_1398 = arith.index_cast %add3A_1369 : i32 to index
        %swap3A_1399 = arith.constant 32 : index
        %swap3A_1400 = tpu.vector_load %arg11[%swap3A_1398, %swap3A_1399] {strides = array<i32>} : memref<100x128xf32, #tpu.memory_space<vmem>>, vector<1x16xf32>,
        %swap3A_1401 = vector.shape_cast %swap3A_1400 : vector<1x16xf32> to vector<16xf32>
        %swap3A_1402 = vector.shape_cast %mul3A_1397 : vector<16xf32> to vector<1x16xf32>
        tpu.vector_store %arg11[%swap3A_1398, %swap3A_1399], %swap3A_1402 {strides = array<i32>} : memref<100x128xf32, #tpu.memory_space<vmem>>, vector<1x16xf32>,
        %get3A_1403 = arith.index_cast %add3A_1365 : i32 to index
        %get3A_1404 = arith.constant 48 : index
        %get3A_1405 = tpu.vector_load %arg9[%get3A_1403, %get3A_1404] {strides = array<i32>} : memref<200x64xf32, #tpu.memory_space<vmem>>, vector<1x16xf32>,
        %get3A_1406 = vector.shape_cast %get3A_1405 : vector<1x16xf32> to vector<16xf32>
        %mul3A_1407 = vector.broadcast %squeeze3A_1361 : f32 to vector<16xf32>
        %mul3A_1408 = arith.mulf %get3A_1406, %mul3A_1407 : vector<16xf32>
        %swap3A_1409 = arith.index_cast %add3A_1369 : i32 to index
        %swap3A_1410 = arith.constant 48 : index
        %swap3A_1411 = tpu.vector_load %arg11[%swap3A_1409, %swap3A_1410] {strides = array<i32>} : memref<100x128xf32, #tpu.memory_space<vmem>>, vector<1x16xf32>,
        %swap3A_1412 = vector.shape_cast %swap3A_1411 : vector<1x16xf32> to vector<16xf32>
        %swap3A_1413 = vector.shape_cast %mul3A_1408 : vector<16xf32> to vector<1x16xf32>
        tpu.vector_store %arg11[%swap3A_1409, %swap3A_1410], %swap3A_1413 {strides = array<i32>} : memref<100x128xf32, #tpu.memory_space<vmem>>, vector<1x16xf32>,
        %slice3A_1414 = vector.extract_strided_slice %get3A_1035 {offsets = [7], sizes = [1], strides = [1]} : vector<16xf32> to vector<1xf32>
        %squeeze3A_1415 = vector.extract %slice3A_1414[0] : f32 from vector<1xf32>
        %mul3A_1416 = arith.constant 16 : i32
        %mul3A_1417 = arith.muli %scan3A_1028, %mul3A_1416 : i32
        %add3A_1418 = arith.constant 7 : i32
        %add3A_1419 = arith.addi %mul3A_1417, %add3A_1418 : i32
        %mul3A_1420 = arith.constant 8 : i32
        %mul3A_1421 = arith.muli %scan3A_1028, %mul3A_1420 : i32
        %add3A_1422 = arith.constant 3 : i32
        %add3A_1423 = arith.addi %mul3A_1421, %add3A_1422 : i32
        %get3A_1424 = arith.index_cast %add3A_1419 : i32 to index
        %get3A_1425 = arith.constant 0 : index
        %get3A_1426 = tpu.vector_load %arg9[%get3A_1424, %get3A_1425] {strides = array<i32>} : memref<200x64xf32, #tpu.memory_space<vmem>>, vector<1x16xf32>,
        %get3A_1427 = vector.shape_cast %get3A_1426 : vector<1x16xf32> to vector<16xf32>
        %mul3A_1428 = vector.broadcast %squeeze3A_1415 : f32 to vector<16xf32>
        %mul3A_1429 = arith.mulf %get3A_1427, %mul3A_1428 : vector<16xf32>
        %swap3A_1430 = arith.index_cast %add3A_1423 : i32 to index
        %swap3A_1431 = arith.constant 64 : index
        %swap3A_1432 = tpu.vector_load %arg11[%swap3A_1430, %swap3A_1431] {strides = array<i32>} : memref<100x128xf32, #tpu.memory_space<vmem>>, vector<1x16xf32>,
        %swap3A_1433 = vector.shape_cast %swap3A_1432 : vector<1x16xf32> to vector<16xf32>
        %swap3A_1434 = vector.shape_cast %mul3A_1429 : vector<16xf32> to vector<1x16xf32>
        tpu.vector_store %arg11[%swap3A_1430, %swap3A_1431], %swap3A_1434 {strides = array<i32>} : memref<100x128xf32, #tpu.memory_space<vmem>>, vector<1x16xf32>,
        %get3A_1435 = arith.index_cast %add3A_1419 : i32 to index
        %get3A_1436 = arith.constant 16 : index
        %get3A_1437 = tpu.vector_load %arg9[%get3A_1435, %get3A_1436] {strides = array<i32>} : memref<200x64xf32, #tpu.memory_space<vmem>>, vector<1x16xf32>,
        %get3A_1438 = vector.shape_cast %get3A_1437 : vector<1x16xf32> to vector<16xf32>
        %mul3A_1439 = vector.broadcast %squeeze3A_1415 : f32 to vector<16xf32>
        %mul3A_1440 = arith.mulf %get3A_1438, %mul3A_1439 : vector<16xf32>
        %swap3A_1441 = arith.index_cast %add3A_1423 : i32 to index
        %swap3A_1442 = arith.constant 80 : index
        %swap3A_1443 = tpu.vector_load %arg11[%swap3A_1441, %swap3A_1442] {strides = array<i32>} : memref<100x128xf32, #tpu.memory_space<vmem>>, vector<1x16xf32>,
        %swap3A_1444 = vector.shape_cast %swap3A_1443 : vector<1x16xf32> to vector<16xf32>
        %swap3A_1445 = vector.shape_cast %mul3A_1440 : vector<16xf32> to vector<1x16xf32>
        tpu.vector_store %arg11[%swap3A_1441, %swap3A_1442], %swap3A_1445 {strides = array<i32>} : memref<100x128xf32, #tpu.memory_space<vmem>>, vector<1x16xf32>,
        %get3A_1446 = arith.index_cast %add3A_1419 : i32 to index
        %get3A_1447 = arith.constant 32 : index
        %get3A_1448 = tpu.vector_load %arg9[%get3A_1446, %get3A_1447] {strides = array<i32>} : memref<200x64xf32, #tpu.memory_space<vmem>>, vector<1x16xf32>,
        %get3A_1449 = vector.shape_cast %get3A_1448 : vector<1x16xf32> to vector<16xf32>
        %mul3A_1450 = vector.broadcast %squeeze3A_1415 : f32 to vector<16xf32>
        %mul3A_1451 = arith.mulf %get3A_1449, %mul3A_1450 : vector<16xf32>
        %swap3A_1452 = arith.index_cast %add3A_1423 : i32 to index
        %swap3A_1453 = arith.constant 96 : index
        %swap3A_1454 = tpu.vector_load %arg11[%swap3A_1452, %swap3A_1453] {strides = array<i32>} : memref<100x128xf32, #tpu.memory_space<vmem>>, vector<1x16xf32>,
        %swap3A_1455 = vector.shape_cast %swap3A_1454 : vector<1x16xf32> to vector<16xf32>
        %swap3A_1456 = vector.shape_cast %mul3A_1451 : vector<16xf32> to vector<1x16xf32>
        tpu.vector_store %arg11[%swap3A_1452, %swap3A_1453], %swap3A_1456 {strides = array<i32>} : memref<100x128xf32, #tpu.memory_space<vmem>>, vector<1x16xf32>,
        %get3A_1457 = arith.index_cast %add3A_1419 : i32 to index
        %get3A_1458 = arith.constant 48 : index
        %get3A_1459 = tpu.vector_load %arg9[%get3A_1457, %get3A_1458] {strides = array<i32>} : memref<200x64xf32, #tpu.memory_space<vmem>>, vector<1x16xf32>,
        %get3A_1460 = vector.shape_cast %get3A_1459 : vector<1x16xf32> to vector<16xf32>
        %mul3A_1461 = vector.broadcast %squeeze3A_1415 : f32 to vector<16xf32>
        %mul3A_1462 = arith.mulf %get3A_1460, %mul3A_1461 : vector<16xf32>
        %swap3A_1463 = arith.index_cast %add3A_1423 : i32 to index
        %swap3A_1464 = arith.constant 112 : index
        %swap3A_1465 = tpu.vector_load %arg11[%swap3A_1463, %swap3A_1464] {strides = array<i32>} : memref<100x128xf32, #tpu.memory_space<vmem>>, vector<1x16xf32>,
        %swap3A_1466 = vector.shape_cast %swap3A_1465 : vector<1x16xf32> to vector<16xf32>
        %swap3A_1467 = vector.shape_cast %mul3A_1462 : vector<16xf32> to vector<1x16xf32>
        tpu.vector_store %arg11[%swap3A_1463, %swap3A_1464], %swap3A_1467 {strides = array<i32>} : memref<100x128xf32, #tpu.memory_space<vmem>>, vector<1x16xf32>,
        %slice3A_1468 = vector.extract_strided_slice %get3A_1035 {offsets = [8], sizes = [1], strides = [1]} : vector<16xf32> to vector<1xf32>
        %squeeze3A_1469 = vector.extract %slice3A_1468[0] : f32 from vector<1xf32>
        %mul3A_1470 = arith.constant 16 : i32
        %mul3A_1471 = arith.muli %scan3A_1028, %mul3A_1470 : i32
        %add3A_1472 = arith.constant 8 : i32
        %add3A_1473 = arith.addi %mul3A_1471, %add3A_1472 : i32
        %mul3A_1474 = arith.constant 8 : i32
        %mul3A_1475 = arith.muli %scan3A_1028, %mul3A_1474 : i32
        %add3A_1476 = arith.constant 4 : i32
        %add3A_1477 = arith.addi %mul3A_1475, %add3A_1476 : i32
        %get3A_1478 = arith.index_cast %add3A_1473 : i32 to index
        %get3A_1479 = arith.constant 0 : index
        %get3A_1480 = tpu.vector_load %arg9[%get3A_1478, %get3A_1479] {strides = array<i32>} : memref<200x64xf32, #tpu.memory_space<vmem>>, vector<1x16xf32>,
        %get3A_1481 = vector.shape_cast %get3A_1480 : vector<1x16xf32> to vector<16xf32>
        %mul3A_1482 = vector.broadcast %squeeze3A_1469 : f32 to vector<16xf32>
        %mul3A_1483 = arith.mulf %get3A_1481, %mul3A_1482 : vector<16xf32>
        %swap3A_1484 = arith.index_cast %add3A_1477 : i32 to index
        %swap3A_1485 = arith.constant 0 : index
        %swap3A_1486 = tpu.vector_load %arg11[%swap3A_1484, %swap3A_1485] {strides = array<i32>} : memref<100x128xf32, #tpu.memory_space<vmem>>, vector<1x16xf32>,
        %swap3A_1487 = vector.shape_cast %swap3A_1486 : vector<1x16xf32> to vector<16xf32>
        %swap3A_1488 = vector.shape_cast %mul3A_1483 : vector<16xf32> to vector<1x16xf32>
        tpu.vector_store %arg11[%swap3A_1484, %swap3A_1485], %swap3A_1488 {strides = array<i32>} : memref<100x128xf32, #tpu.memory_space<vmem>>, vector<1x16xf32>,
        %get3A_1489 = arith.index_cast %add3A_1473 : i32 to index
        %get3A_1490 = arith.constant 16 : index
        %get3A_1491 = tpu.vector_load %arg9[%get3A_1489, %get3A_1490] {strides = array<i32>} : memref<200x64xf32, #tpu.memory_space<vmem>>, vector<1x16xf32>,
        %get3A_1492 = vector.shape_cast %get3A_1491 : vector<1x16xf32> to vector<16xf32>
        %mul3A_1493 = vector.broadcast %squeeze3A_1469 : f32 to vector<16xf32>
        %mul3A_1494 = arith.mulf %get3A_1492, %mul3A_1493 : vector<16xf32>
        %swap3A_1495 = arith.index_cast %add3A_1477 : i32 to index
        %swap3A_1496 = arith.constant 16 : index
        %swap3A_1497 = tpu.vector_load %arg11[%swap3A_1495, %swap3A_1496] {strides = array<i32>} : memref<100x128xf32, #tpu.memory_space<vmem>>, vector<1x16xf32>,
        %swap3A_1498 = vector.shape_cast %swap3A_1497 : vector<1x16xf32> to vector<16xf32>
        %swap3A_1499 = vector.shape_cast %mul3A_1494 : vector<16xf32> to vector<1x16xf32>
        tpu.vector_store %arg11[%swap3A_1495, %swap3A_1496], %swap3A_1499 {strides = array<i32>} : memref<100x128xf32, #tpu.memory_space<vmem>>, vector<1x16xf32>,
        %get3A_1500 = arith.index_cast %add3A_1473 : i32 to index
        %get3A_1501 = arith.constant 32 : index
        %get3A_1502 = tpu.vector_load %arg9[%get3A_1500, %get3A_1501] {strides = array<i32>} : memref<200x64xf32, #tpu.memory_space<vmem>>, vector<1x16xf32>,
        %get3A_1503 = vector.shape_cast %get3A_1502 : vector<1x16xf32> to vector<16xf32>
        %mul3A_1504 = vector.broadcast %squeeze3A_1469 : f32 to vector<16xf32>
        %mul3A_1505 = arith.mulf %get3A_1503, %mul3A_1504 : vector<16xf32>
        %swap3A_1506 = arith.index_cast %add3A_1477 : i32 to index
        %swap3A_1507 = arith.constant 32 : index
        %swap3A_1508 = tpu.vector_load %arg11[%swap3A_1506, %swap3A_1507] {strides = array<i32>} : memref<100x128xf32, #tpu.memory_space<vmem>>, vector<1x16xf32>,
        %swap3A_1509 = vector.shape_cast %swap3A_1508 : vector<1x16xf32> to vector<16xf32>
        %swap3A_1510 = vector.shape_cast %mul3A_1505 : vector<16xf32> to vector<1x16xf32>
        tpu.vector_store %arg11[%swap3A_1506, %swap3A_1507], %swap3A_1510 {strides = array<i32>} : memref<100x128xf32, #tpu.memory_space<vmem>>, vector<1x16xf32>,
        %get3A_1511 = arith.index_cast %add3A_1473 : i32 to index
        %get3A_1512 = arith.constant 48 : index
        %get3A_1513 = tpu.vector_load %arg9[%get3A_1511, %get3A_1512] {strides = array<i32>} : memref<200x64xf32, #tpu.memory_space<vmem>>, vector<1x16xf32>,
        %get3A_1514 = vector.shape_cast %get3A_1513 : vector<1x16xf32> to vector<16xf32>
        %mul3A_1515 = vector.broadcast %squeeze3A_1469 : f32 to vector<16xf32>
        %mul3A_1516 = arith.mulf %get3A_1514, %mul3A_1515 : vector<16xf32>
        %swap3A_1517 = arith.index_cast %add3A_1477 : i32 to index
        %swap3A_1518 = arith.constant 48 : index
        %swap3A_1519 = tpu.vector_load %arg11[%swap3A_1517, %swap3A_1518] {strides = array<i32>} : memref<100x128xf32, #tpu.memory_space<vmem>>, vector<1x16xf32>,
        %swap3A_1520 = vector.shape_cast %swap3A_1519 : vector<1x16xf32> to vector<16xf32>
        %swap3A_1521 = vector.shape_cast %mul3A_1516 : vector<16xf32> to vector<1x16xf32>
        tpu.vector_store %arg11[%swap3A_1517, %swap3A_1518], %swap3A_1521 {strides = array<i32>} : memref<100x128xf32, #tpu.memory_space<vmem>>, vector<1x16xf32>,
        %slice3A_1522 = vector.extract_strided_slice %get3A_1035 {offsets = [9], sizes = [1], strides = [1]} : vector<16xf32> to vector<1xf32>
        %squeeze3A_1523 = vector.extract %slice3A_1522[0] : f32 from vector<1xf32>
        %mul3A_1524 = arith.constant 16 : i32
        %mul3A_1525 = arith.muli %scan3A_1028, %mul3A_1524 : i32
        %add3A_1526 = arith.constant 9 : i32
        %add3A_1527 = arith.addi %mul3A_1525, %add3A_1526 : i32
        %mul3A_1528 = arith.constant 8 : i32
        %mul3A_1529 = arith.muli %scan3A_1028, %mul3A_1528 : i32
        %add3A_1530 = arith.constant 4 : i32
        %add3A_1531 = arith.addi %mul3A_1529, %add3A_1530 : i32
        %get3A_1532 = arith.index_cast %add3A_1527 : i32 to index
        %get3A_1533 = arith.constant 0 : index
        %get3A_1534 = tpu.vector_load %arg9[%get3A_1532, %get3A_1533] {strides = array<i32>} : memref<200x64xf32, #tpu.memory_space<vmem>>, vector<1x16xf32>,
        %get3A_1535 = vector.shape_cast %get3A_1534 : vector<1x16xf32> to vector<16xf32>
        %mul3A_1536 = vector.broadcast %squeeze3A_1523 : f32 to vector<16xf32>
        %mul3A_1537 = arith.mulf %get3A_1535, %mul3A_1536 : vector<16xf32>
        %swap3A_1538 = arith.index_cast %add3A_1531 : i32 to index
        %swap3A_1539 = arith.constant 64 : index
        %swap3A_1540 = tpu.vector_load %arg11[%swap3A_1538, %swap3A_1539] {strides = array<i32>} : memref<100x128xf32, #tpu.memory_space<vmem>>, vector<1x16xf32>,
        %swap3A_1541 = vector.shape_cast %swap3A_1540 : vector<1x16xf32> to vector<16xf32>
        %swap3A_1542 = vector.shape_cast %mul3A_1537 : vector<16xf32> to vector<1x16xf32>
        tpu.vector_store %arg11[%swap3A_1538, %swap3A_1539], %swap3A_1542 {strides = array<i32>} : memref<100x128xf32, #tpu.memory_space<vmem>>, vector<1x16xf32>,
        %get3A_1543 = arith.index_cast %add3A_1527 : i32 to index
        %get3A_1544 = arith.constant 16 : index
        %get3A_1545 = tpu.vector_load %arg9[%get3A_1543, %get3A_1544] {strides = array<i32>} : memref<200x64xf32, #tpu.memory_space<vmem>>, vector<1x16xf32>,
        %get3A_1546 = vector.shape_cast %get3A_1545 : vector<1x16xf32> to vector<16xf32>
        %mul3A_1547 = vector.broadcast %squeeze3A_1523 : f32 to vector<16xf32>
        %mul3A_1548 = arith.mulf %get3A_1546, %mul3A_1547 : vector<16xf32>
        %swap3A_1549 = arith.index_cast %add3A_1531 : i32 to index
        %swap3A_1550 = arith.constant 80 : index
        %swap3A_1551 = tpu.vector_load %arg11[%swap3A_1549, %swap3A_1550] {strides = array<i32>} : memref<100x128xf32, #tpu.memory_space<vmem>>, vector<1x16xf32>,
        %swap3A_1552 = vector.shape_cast %swap3A_1551 : vector<1x16xf32> to vector<16xf32>
        %swap3A_1553 = vector.shape_cast %mul3A_1548 : vector<16xf32> to vector<1x16xf32>
        tpu.vector_store %arg11[%swap3A_1549, %swap3A_1550], %swap3A_1553 {strides = array<i32>} : memref<100x128xf32, #tpu.memory_space<vmem>>, vector<1x16xf32>,
        %get3A_1554 = arith.index_cast %add3A_1527 : i32 to index
        %get3A_1555 = arith.constant 32 : index
        %get3A_1556 = tpu.vector_load %arg9[%get3A_1554, %get3A_1555] {strides = array<i32>} : memref<200x64xf32, #tpu.memory_space<vmem>>, vector<1x16xf32>,
        %get3A_1557 = vector.shape_cast %get3A_1556 : vector<1x16xf32> to vector<16xf32>
        %mul3A_1558 = vector.broadcast %squeeze3A_1523 : f32 to vector<16xf32>
        %mul3A_1559 = arith.mulf %get3A_1557, %mul3A_1558 : vector<16xf32>
        %swap3A_1560 = arith.index_cast %add3A_1531 : i32 to index
        %swap3A_1561 = arith.constant 96 : index
        %swap3A_1562 = tpu.vector_load %arg11[%swap3A_1560, %swap3A_1561] {strides = array<i32>} : memref<100x128xf32, #tpu.memory_space<vmem>>, vector<1x16xf32>,
        %swap3A_1563 = vector.shape_cast %swap3A_1562 : vector<1x16xf32> to vector<16xf32>
        %swap3A_1564 = vector.shape_cast %mul3A_1559 : vector<16xf32> to vector<1x16xf32>
        tpu.vector_store %arg11[%swap3A_1560, %swap3A_1561], %swap3A_1564 {strides = array<i32>} : memref<100x128xf32, #tpu.memory_space<vmem>>, vector<1x16xf32>,
        %get3A_1565 = arith.index_cast %add3A_1527 : i32 to index
        %get3A_1566 = arith.constant 48 : index
        %get3A_1567 = tpu.vector_load %arg9[%get3A_1565, %get3A_1566] {strides = array<i32>} : memref<200x64xf32, #tpu.memory_space<vmem>>, vector<1x16xf32>,
        %get3A_1568 = vector.shape_cast %get3A_1567 : vector<1x16xf32> to vector<16xf32>
        %mul3A_1569 = vector.broadcast %squeeze3A_1523 : f32 to vector<16xf32>
        %mul3A_1570 = arith.mulf %get3A_1568, %mul3A_1569 : vector<16xf32>
        %swap3A_1571 = arith.index_cast %add3A_1531 : i32 to index
        %swap3A_1572 = arith.constant 112 : index
        %swap3A_1573 = tpu.vector_load %arg11[%swap3A_1571, %swap3A_1572] {strides = array<i32>} : memref<100x128xf32, #tpu.memory_space<vmem>>, vector<1x16xf32>,
        %swap3A_1574 = vector.shape_cast %swap3A_1573 : vector<1x16xf32> to vector<16xf32>
        %swap3A_1575 = vector.shape_cast %mul3A_1570 : vector<16xf32> to vector<1x16xf32>
        tpu.vector_store %arg11[%swap3A_1571, %swap3A_1572], %swap3A_1575 {strides = array<i32>} : memref<100x128xf32, #tpu.memory_space<vmem>>, vector<1x16xf32>,
        %slice3A_1576 = vector.extract_strided_slice %get3A_1035 {offsets = [10], sizes = [1], strides = [1]} : vector<16xf32> to vector<1xf32>
        %squeeze3A_1577 = vector.extract %slice3A_1576[0] : f32 from vector<1xf32>
        %mul3A_1578 = arith.constant 16 : i32
        %mul3A_1579 = arith.muli %scan3A_1028, %mul3A_1578 : i32
        %add3A_1580 = arith.constant 10 : i32
        %add3A_1581 = arith.addi %mul3A_1579, %add3A_1580 : i32
        %mul3A_1582 = arith.constant 8 : i32
        %mul3A_1583 = arith.muli %scan3A_1028, %mul3A_1582 : i32
        %add3A_1584 = arith.constant 5 : i32
        %add3A_1585 = arith.addi %mul3A_1583, %add3A_1584 : i32
        %get3A_1586 = arith.index_cast %add3A_1581 : i32 to index
        %get3A_1587 = arith.constant 0 : index
        %get3A_1588 = tpu.vector_load %arg9[%get3A_1586, %get3A_1587] {strides = array<i32>} : memref<200x64xf32, #tpu.memory_space<vmem>>, vector<1x16xf32>,
        %get3A_1589 = vector.shape_cast %get3A_1588 : vector<1x16xf32> to vector<16xf32>
        %mul3A_1590 = vector.broadcast %squeeze3A_1577 : f32 to vector<16xf32>
        %mul3A_1591 = arith.mulf %get3A_1589, %mul3A_1590 : vector<16xf32>
        %swap3A_1592 = arith.index_cast %add3A_1585 : i32 to index
        %swap3A_1593 = arith.constant 0 : index
        %swap3A_1594 = tpu.vector_load %arg11[%swap3A_1592, %swap3A_1593] {strides = array<i32>} : memref<100x128xf32, #tpu.memory_space<vmem>>, vector<1x16xf32>,
        %swap3A_1595 = vector.shape_cast %swap3A_1594 : vector<1x16xf32> to vector<16xf32>
        %swap3A_1596 = vector.shape_cast %mul3A_1591 : vector<16xf32> to vector<1x16xf32>
        tpu.vector_store %arg11[%swap3A_1592, %swap3A_1593], %swap3A_1596 {strides = array<i32>} : memref<100x128xf32, #tpu.memory_space<vmem>>, vector<1x16xf32>,
        %get3A_1597 = arith.index_cast %add3A_1581 : i32 to index
        %get3A_1598 = arith.constant 16 : index
        %get3A_1599 = tpu.vector_load %arg9[%get3A_1597, %get3A_1598] {strides = array<i32>} : memref<200x64xf32, #tpu.memory_space<vmem>>, vector<1x16xf32>,
        %get3A_1600 = vector.shape_cast %get3A_1599 : vector<1x16xf32> to vector<16xf32>
        %mul3A_1601 = vector.broadcast %squeeze3A_1577 : f32 to vector<16xf32>
        %mul3A_1602 = arith.mulf %get3A_1600, %mul3A_1601 : vector<16xf32>
        %swap3A_1603 = arith.index_cast %add3A_1585 : i32 to index
        %swap3A_1604 = arith.constant 16 : index
        %swap3A_1605 = tpu.vector_load %arg11[%swap3A_1603, %swap3A_1604] {strides = array<i32>} : memref<100x128xf32, #tpu.memory_space<vmem>>, vector<1x16xf32>,
        %swap3A_1606 = vector.shape_cast %swap3A_1605 : vector<1x16xf32> to vector<16xf32>
        %swap3A_1607 = vector.shape_cast %mul3A_1602 : vector<16xf32> to vector<1x16xf32>
        tpu.vector_store %arg11[%swap3A_1603, %swap3A_1604], %swap3A_1607 {strides = array<i32>} : memref<100x128xf32, #tpu.memory_space<vmem>>, vector<1x16xf32>,
        %get3A_1608 = arith.index_cast %add3A_1581 : i32 to index
        %get3A_1609 = arith.constant 32 : index
        %get3A_1610 = tpu.vector_load %arg9[%get3A_1608, %get3A_1609] {strides = array<i32>} : memref<200x64xf32, #tpu.memory_space<vmem>>, vector<1x16xf32>,
        %get3A_1611 = vector.shape_cast %get3A_1610 : vector<1x16xf32> to vector<16xf32>
        %mul3A_1612 = vector.broadcast %squeeze3A_1577 : f32 to vector<16xf32>
        %mul3A_1613 = arith.mulf %get3A_1611, %mul3A_1612 : vector<16xf32>
        %swap3A_1614 = arith.index_cast %add3A_1585 : i32 to index
        %swap3A_1615 = arith.constant 32 : index
        %swap3A_1616 = tpu.vector_load %arg11[%swap3A_1614, %swap3A_1615] {strides = array<i32>} : memref<100x128xf32, #tpu.memory_space<vmem>>, vector<1x16xf32>,
        %swap3A_1617 = vector.shape_cast %swap3A_1616 : vector<1x16xf32> to vector<16xf32>
        %swap3A_1618 = vector.shape_cast %mul3A_1613 : vector<16xf32> to vector<1x16xf32>
        tpu.vector_store %arg11[%swap3A_1614, %swap3A_1615], %swap3A_1618 {strides = array<i32>} : memref<100x128xf32, #tpu.memory_space<vmem>>, vector<1x16xf32>,
        %get3A_1619 = arith.index_cast %add3A_1581 : i32 to index
        %get3A_1620 = arith.constant 48 : index
        %get3A_1621 = tpu.vector_load %arg9[%get3A_1619, %get3A_1620] {strides = array<i32>} : memref<200x64xf32, #tpu.memory_space<vmem>>, vector<1x16xf32>,
        %get3A_1622 = vector.shape_cast %get3A_1621 : vector<1x16xf32> to vector<16xf32>
        %mul3A_1623 = vector.broadcast %squeeze3A_1577 : f32 to vector<16xf32>
        %mul3A_1624 = arith.mulf %get3A_1622, %mul3A_1623 : vector<16xf32>
        %swap3A_1625 = arith.index_cast %add3A_1585 : i32 to index
        %swap3A_1626 = arith.constant 48 : index
        %swap3A_1627 = tpu.vector_load %arg11[%swap3A_1625, %swap3A_1626] {strides = array<i32>} : memref<100x128xf32, #tpu.memory_space<vmem>>, vector<1x16xf32>,
        %swap3A_1628 = vector.shape_cast %swap3A_1627 : vector<1x16xf32> to vector<16xf32>
        %swap3A_1629 = vector.shape_cast %mul3A_1624 : vector<16xf32> to vector<1x16xf32>
        tpu.vector_store %arg11[%swap3A_1625, %swap3A_1626], %swap3A_1629 {strides = array<i32>} : memref<100x128xf32, #tpu.memory_space<vmem>>, vector<1x16xf32>,
        %slice3A_1630 = vector.extract_strided_slice %get3A_1035 {offsets = [11], sizes = [1], strides = [1]} : vector<16xf32> to vector<1xf32>
        %squeeze3A_1631 = vector.extract %slice3A_1630[0] : f32 from vector<1xf32>
        %mul3A_1632 = arith.constant 16 : i32
        %mul3A_1633 = arith.muli %scan3A_1028, %mul3A_1632 : i32
        %add3A_1634 = arith.constant 11 : i32
        %add3A_1635 = arith.addi %mul3A_1633, %add3A_1634 : i32
        %mul3A_1636 = arith.constant 8 : i32
        %mul3A_1637 = arith.muli %scan3A_1028, %mul3A_1636 : i32
        %add3A_1638 = arith.constant 5 : i32
        %add3A_1639 = arith.addi %mul3A_1637, %add3A_1638 : i32
        %get3A_1640 = arith.index_cast %add3A_1635 : i32 to index
        %get3A_1641 = arith.constant 0 : index
        %get3A_1642 = tpu.vector_load %arg9[%get3A_1640, %get3A_1641] {strides = array<i32>} : memref<200x64xf32, #tpu.memory_space<vmem>>, vector<1x16xf32>,
        %get3A_1643 = vector.shape_cast %get3A_1642 : vector<1x16xf32> to vector<16xf32>
        %mul3A_1644 = vector.broadcast %squeeze3A_1631 : f32 to vector<16xf32>
        %mul3A_1645 = arith.mulf %get3A_1643, %mul3A_1644 : vector<16xf32>
        %swap3A_1646 = arith.index_cast %add3A_1639 : i32 to index
        %swap3A_1647 = arith.constant 64 : index
        %swap3A_1648 = tpu.vector_load %arg11[%swap3A_1646, %swap3A_1647] {strides = array<i32>} : memref<100x128xf32, #tpu.memory_space<vmem>>, vector<1x16xf32>,
        %swap3A_1649 = vector.shape_cast %swap3A_1648 : vector<1x16xf32> to vector<16xf32>
        %swap3A_1650 = vector.shape_cast %mul3A_1645 : vector<16xf32> to vector<1x16xf32>
        tpu.vector_store %arg11[%swap3A_1646, %swap3A_1647], %swap3A_1650 {strides = array<i32>} : memref<100x128xf32, #tpu.memory_space<vmem>>, vector<1x16xf32>,
        %get3A_1651 = arith.index_cast %add3A_1635 : i32 to index
        %get3A_1652 = arith.constant 16 : index
        %get3A_1653 = tpu.vector_load %arg9[%get3A_1651, %get3A_1652] {strides = array<i32>} : memref<200x64xf32, #tpu.memory_space<vmem>>, vector<1x16xf32>,
        %get3A_1654 = vector.shape_cast %get3A_1653 : vector<1x16xf32> to vector<16xf32>
        %mul3A_1655 = vector.broadcast %squeeze3A_1631 : f32 to vector<16xf32>
        %mul3A_1656 = arith.mulf %get3A_1654, %mul3A_1655 : vector<16xf32>
        %swap3A_1657 = arith.index_cast %add3A_1639 : i32 to index
        %swap3A_1658 = arith.constant 80 : index
        %swap3A_1659 = tpu.vector_load %arg11[%swap3A_1657, %swap3A_1658] {strides = array<i32>} : memref<100x128xf32, #tpu.memory_space<vmem>>, vector<1x16xf32>,
        %swap3A_1660 = vector.shape_cast %swap3A_1659 : vector<1x16xf32> to vector<16xf32>
        %swap3A_1661 = vector.shape_cast %mul3A_1656 : vector<16xf32> to vector<1x16xf32>
        tpu.vector_store %arg11[%swap3A_1657, %swap3A_1658], %swap3A_1661 {strides = array<i32>} : memref<100x128xf32, #tpu.memory_space<vmem>>, vector<1x16xf32>,
        %get3A_1662 = arith.index_cast %add3A_1635 : i32 to index
        %get3A_1663 = arith.constant 32 : index
        %get3A_1664 = tpu.vector_load %arg9[%get3A_1662, %get3A_1663] {strides = array<i32>} : memref<200x64xf32, #tpu.memory_space<vmem>>, vector<1x16xf32>,
        %get3A_1665 = vector.shape_cast %get3A_1664 : vector<1x16xf32> to vector<16xf32>
        %mul3A_1666 = vector.broadcast %squeeze3A_1631 : f32 to vector<16xf32>
        %mul3A_1667 = arith.mulf %get3A_1665, %mul3A_1666 : vector<16xf32>
        %swap3A_1668 = arith.index_cast %add3A_1639 : i32 to index
        %swap3A_1669 = arith.constant 96 : index
        %swap3A_1670 = tpu.vector_load %arg11[%swap3A_1668, %swap3A_1669] {strides = array<i32>} : memref<100x128xf32, #tpu.memory_space<vmem>>, vector<1x16xf32>,
        %swap3A_1671 = vector.shape_cast %swap3A_1670 : vector<1x16xf32> to vector<16xf32>
        %swap3A_1672 = vector.shape_cast %mul3A_1667 : vector<16xf32> to vector<1x16xf32>
        tpu.vector_store %arg11[%swap3A_1668, %swap3A_1669], %swap3A_1672 {strides = array<i32>} : memref<100x128xf32, #tpu.memory_space<vmem>>, vector<1x16xf32>,
        %get3A_1673 = arith.index_cast %add3A_1635 : i32 to index
        %get3A_1674 = arith.constant 48 : index
        %get3A_1675 = tpu.vector_load %arg9[%get3A_1673, %get3A_1674] {strides = array<i32>} : memref<200x64xf32, #tpu.memory_space<vmem>>, vector<1x16xf32>,
        %get3A_1676 = vector.shape_cast %get3A_1675 : vector<1x16xf32> to vector<16xf32>
        %mul3A_1677 = vector.broadcast %squeeze3A_1631 : f32 to vector<16xf32>
        %mul3A_1678 = arith.mulf %get3A_1676, %mul3A_1677 : vector<16xf32>
        %swap3A_1679 = arith.index_cast %add3A_1639 : i32 to index
        %swap3A_1680 = arith.constant 112 : index
        %swap3A_1681 = tpu.vector_load %arg11[%swap3A_1679, %swap3A_1680] {strides = array<i32>} : memref<100x128xf32, #tpu.memory_space<vmem>>, vector<1x16xf32>,
        %swap3A_1682 = vector.shape_cast %swap3A_1681 : vector<1x16xf32> to vector<16xf32>
        %swap3A_1683 = vector.shape_cast %mul3A_1678 : vector<16xf32> to vector<1x16xf32>
        tpu.vector_store %arg11[%swap3A_1679, %swap3A_1680], %swap3A_1683 {strides = array<i32>} : memref<100x128xf32, #tpu.memory_space<vmem>>, vector<1x16xf32>,
        %slice3A_1684 = vector.extract_strided_slice %get3A_1035 {offsets = [12], sizes = [1], strides = [1]} : vector<16xf32> to vector<1xf32>
        %squeeze3A_1685 = vector.extract %slice3A_1684[0] : f32 from vector<1xf32>
        %mul3A_1686 = arith.constant 16 : i32
        %mul3A_1687 = arith.muli %scan3A_1028, %mul3A_1686 : i32
        %add3A_1688 = arith.constant 12 : i32
        %add3A_1689 = arith.addi %mul3A_1687, %add3A_1688 : i32
        %mul3A_1690 = arith.constant 8 : i32
        %mul3A_1691 = arith.muli %scan3A_1028, %mul3A_1690 : i32
        %add3A_1692 = arith.constant 6 : i32
        %add3A_1693 = arith.addi %mul3A_1691, %add3A_1692 : i32
        %get3A_1694 = arith.index_cast %add3A_1689 : i32 to index
        %get3A_1695 = arith.constant 0 : index
        %get3A_1696 = tpu.vector_load %arg9[%get3A_1694, %get3A_1695] {strides = array<i32>} : memref<200x64xf32, #tpu.memory_space<vmem>>, vector<1x16xf32>,
        %get3A_1697 = vector.shape_cast %get3A_1696 : vector<1x16xf32> to vector<16xf32>
        %mul3A_1698 = vector.broadcast %squeeze3A_1685 : f32 to vector<16xf32>
        %mul3A_1699 = arith.mulf %get3A_1697, %mul3A_1698 : vector<16xf32>
        %swap3A_1700 = arith.index_cast %add3A_1693 : i32 to index
        %swap3A_1701 = arith.constant 0 : index
        %swap3A_1702 = tpu.vector_load %arg11[%swap3A_1700, %swap3A_1701] {strides = array<i32>} : memref<100x128xf32, #tpu.memory_space<vmem>>, vector<1x16xf32>,
        %swap3A_1703 = vector.shape_cast %swap3A_1702 : vector<1x16xf32> to vector<16xf32>
        %swap3A_1704 = vector.shape_cast %mul3A_1699 : vector<16xf32> to vector<1x16xf32>
        tpu.vector_store %arg11[%swap3A_1700, %swap3A_1701], %swap3A_1704 {strides = array<i32>} : memref<100x128xf32, #tpu.memory_space<vmem>>, vector<1x16xf32>,
        %get3A_1705 = arith.index_cast %add3A_1689 : i32 to index
        %get3A_1706 = arith.constant 16 : index
        %get3A_1707 = tpu.vector_load %arg9[%get3A_1705, %get3A_1706] {strides = array<i32>} : memref<200x64xf32, #tpu.memory_space<vmem>>, vector<1x16xf32>,
        %get3A_1708 = vector.shape_cast %get3A_1707 : vector<1x16xf32> to vector<16xf32>
        %mul3A_1709 = vector.broadcast %squeeze3A_1685 : f32 to vector<16xf32>
        %mul3A_1710 = arith.mulf %get3A_1708, %mul3A_1709 : vector<16xf32>
        %swap3A_1711 = arith.index_cast %add3A_1693 : i32 to index
        %swap3A_1712 = arith.constant 16 : index
        %swap3A_1713 = tpu.vector_load %arg11[%swap3A_1711, %swap3A_1712] {strides = array<i32>} : memref<100x128xf32, #tpu.memory_space<vmem>>, vector<1x16xf32>,
        %swap3A_1714 = vector.shape_cast %swap3A_1713 : vector<1x16xf32> to vector<16xf32>
        %swap3A_1715 = vector.shape_cast %mul3A_1710 : vector<16xf32> to vector<1x16xf32>
        tpu.vector_store %arg11[%swap3A_1711, %swap3A_1712], %swap3A_1715 {strides = array<i32>} : memref<100x128xf32, #tpu.memory_space<vmem>>, vector<1x16xf32>,
        %get3A_1716 = arith.index_cast %add3A_1689 : i32 to index
        %get3A_1717 = arith.constant 32 : index
        %get3A_1718 = tpu.vector_load %arg9[%get3A_1716, %get3A_1717] {strides = array<i32>} : memref<200x64xf32, #tpu.memory_space<vmem>>, vector<1x16xf32>,
        %get3A_1719 = vector.shape_cast %get3A_1718 : vector<1x16xf32> to vector<16xf32>
        %mul3A_1720 = vector.broadcast %squeeze3A_1685 : f32 to vector<16xf32>
        %mul3A_1721 = arith.mulf %get3A_1719, %mul3A_1720 : vector<16xf32>
        %swap3A_1722 = arith.index_cast %add3A_1693 : i32 to index
        %swap3A_1723 = arith.constant 32 : index
        %swap3A_1724 = tpu.vector_load %arg11[%swap3A_1722, %swap3A_1723] {strides = array<i32>} : memref<100x128xf32, #tpu.memory_space<vmem>>, vector<1x16xf32>,
        %swap3A_1725 = vector.shape_cast %swap3A_1724 : vector<1x16xf32> to vector<16xf32>
        %swap3A_1726 = vector.shape_cast %mul3A_1721 : vector<16xf32> to vector<1x16xf32>
        tpu.vector_store %arg11[%swap3A_1722, %swap3A_1723], %swap3A_1726 {strides = array<i32>} : memref<100x128xf32, #tpu.memory_space<vmem>>, vector<1x16xf32>,
        %get3A_1727 = arith.index_cast %add3A_1689 : i32 to index
        %get3A_1728 = arith.constant 48 : index
        %get3A_1729 = tpu.vector_load %arg9[%get3A_1727, %get3A_1728] {strides = array<i32>} : memref<200x64xf32, #tpu.memory_space<vmem>>, vector<1x16xf32>,
        %get3A_1730 = vector.shape_cast %get3A_1729 : vector<1x16xf32> to vector<16xf32>
        %mul3A_1731 = vector.broadcast %squeeze3A_1685 : f32 to vector<16xf32>
        %mul3A_1732 = arith.mulf %get3A_1730, %mul3A_1731 : vector<16xf32>
        %swap3A_1733 = arith.index_cast %add3A_1693 : i32 to index
        %swap3A_1734 = arith.constant 48 : index
        %swap3A_1735 = tpu.vector_load %arg11[%swap3A_1733, %swap3A_1734] {strides = array<i32>} : memref<100x128xf32, #tpu.memory_space<vmem>>, vector<1x16xf32>,
        %swap3A_1736 = vector.shape_cast %swap3A_1735 : vector<1x16xf32> to vector<16xf32>
        %swap3A_1737 = vector.shape_cast %mul3A_1732 : vector<16xf32> to vector<1x16xf32>
        tpu.vector_store %arg11[%swap3A_1733, %swap3A_1734], %swap3A_1737 {strides = array<i32>} : memref<100x128xf32, #tpu.memory_space<vmem>>, vector<1x16xf32>,
        %slice3A_1738 = vector.extract_strided_slice %get3A_1035 {offsets = [13], sizes = [1], strides = [1]} : vector<16xf32> to vector<1xf32>
        %squeeze3A_1739 = vector.extract %slice3A_1738[0] : f32 from vector<1xf32>
        %mul3A_1740 = arith.constant 16 : i32
        %mul3A_1741 = arith.muli %scan3A_1028, %mul3A_1740 : i32
        %add3A_1742 = arith.constant 13 : i32
        %add3A_1743 = arith.addi %mul3A_1741, %add3A_1742 : i32
        %mul3A_1744 = arith.constant 8 : i32
        %mul3A_1745 = arith.muli %scan3A_1028, %mul3A_1744 : i32
        %add3A_1746 = arith.constant 6 : i32
        %add3A_1747 = arith.addi %mul3A_1745, %add3A_1746 : i32
        %get3A_1748 = arith.index_cast %add3A_1743 : i32 to index
        %get3A_1749 = arith.constant 0 : index
        %get3A_1750 = tpu.vector_load %arg9[%get3A_1748, %get3A_1749] {strides = array<i32>} : memref<200x64xf32, #tpu.memory_space<vmem>>, vector<1x16xf32>,
        %get3A_1751 = vector.shape_cast %get3A_1750 : vector<1x16xf32> to vector<16xf32>
        %mul3A_1752 = vector.broadcast %squeeze3A_1739 : f32 to vector<16xf32>
        %mul3A_1753 = arith.mulf %get3A_1751, %mul3A_1752 : vector<16xf32>
        %swap3A_1754 = arith.index_cast %add3A_1747 : i32 to index
        %swap3A_1755 = arith.constant 64 : index
        %swap3A_1756 = tpu.vector_load %arg11[%swap3A_1754, %swap3A_1755] {strides = array<i32>} : memref<100x128xf32, #tpu.memory_space<vmem>>, vector<1x16xf32>,
        %swap3A_1757 = vector.shape_cast %swap3A_1756 : vector<1x16xf32> to vector<16xf32>
        %swap3A_1758 = vector.shape_cast %mul3A_1753 : vector<16xf32> to vector<1x16xf32>
        tpu.vector_store %arg11[%swap3A_1754, %swap3A_1755], %swap3A_1758 {strides = array<i32>} : memref<100x128xf32, #tpu.memory_space<vmem>>, vector<1x16xf32>,
        %get3A_1759 = arith.index_cast %add3A_1743 : i32 to index
        %get3A_1760 = arith.constant 16 : index
        %get3A_1761 = tpu.vector_load %arg9[%get3A_1759, %get3A_1760] {strides = array<i32>} : memref<200x64xf32, #tpu.memory_space<vmem>>, vector<1x16xf32>,
        %get3A_1762 = vector.shape_cast %get3A_1761 : vector<1x16xf32> to vector<16xf32>
        %mul3A_1763 = vector.broadcast %squeeze3A_1739 : f32 to vector<16xf32>
        %mul3A_1764 = arith.mulf %get3A_1762, %mul3A_1763 : vector<16xf32>
        %swap3A_1765 = arith.index_cast %add3A_1747 : i32 to index
        %swap3A_1766 = arith.constant 80 : index
        %swap3A_1767 = tpu.vector_load %arg11[%swap3A_1765, %swap3A_1766] {strides = array<i32>} : memref<100x128xf32, #tpu.memory_space<vmem>>, vector<1x16xf32>,
        %swap3A_1768 = vector.shape_cast %swap3A_1767 : vector<1x16xf32> to vector<16xf32>
        %swap3A_1769 = vector.shape_cast %mul3A_1764 : vector<16xf32> to vector<1x16xf32>
        tpu.vector_store %arg11[%swap3A_1765, %swap3A_1766], %swap3A_1769 {strides = array<i32>} : memref<100x128xf32, #tpu.memory_space<vmem>>, vector<1x16xf32>,
        %get3A_1770 = arith.index_cast %add3A_1743 : i32 to index
        %get3A_1771 = arith.constant 32 : index
        %get3A_1772 = tpu.vector_load %arg9[%get3A_1770, %get3A_1771] {strides = array<i32>} : memref<200x64xf32, #tpu.memory_space<vmem>>, vector<1x16xf32>,
        %get3A_1773 = vector.shape_cast %get3A_1772 : vector<1x16xf32> to vector<16xf32>
        %mul3A_1774 = vector.broadcast %squeeze3A_1739 : f32 to vector<16xf32>
        %mul3A_1775 = arith.mulf %get3A_1773, %mul3A_1774 : vector<16xf32>
        %swap3A_1776 = arith.index_cast %add3A_1747 : i32 to index
        %swap3A_1777 = arith.constant 96 : index
        %swap3A_1778 = tpu.vector_load %arg11[%swap3A_1776, %swap3A_1777] {strides = array<i32>} : memref<100x128xf32, #tpu.memory_space<vmem>>, vector<1x16xf32>,
        %swap3A_1779 = vector.shape_cast %swap3A_1778 : vector<1x16xf32> to vector<16xf32>
        %swap3A_1780 = vector.shape_cast %mul3A_1775 : vector<16xf32> to vector<1x16xf32>
        tpu.vector_store %arg11[%swap3A_1776, %swap3A_1777], %swap3A_1780 {strides = array<i32>} : memref<100x128xf32, #tpu.memory_space<vmem>>, vector<1x16xf32>,
        %get3A_1781 = arith.index_cast %add3A_1743 : i32 to index
        %get3A_1782 = arith.constant 48 : index
        %get3A_1783 = tpu.vector_load %arg9[%get3A_1781, %get3A_1782] {strides = array<i32>} : memref<200x64xf32, #tpu.memory_space<vmem>>, vector<1x16xf32>,
        %get3A_1784 = vector.shape_cast %get3A_1783 : vector<1x16xf32> to vector<16xf32>
        %mul3A_1785 = vector.broadcast %squeeze3A_1739 : f32 to vector<16xf32>
        %mul3A_1786 = arith.mulf %get3A_1784, %mul3A_1785 : vector<16xf32>
        %swap3A_1787 = arith.index_cast %add3A_1747 : i32 to index
        %swap3A_1788 = arith.constant 112 : index
        %swap3A_1789 = tpu.vector_load %arg11[%swap3A_1787, %swap3A_1788] {strides = array<i32>} : memref<100x128xf32, #tpu.memory_space<vmem>>, vector<1x16xf32>,
        %swap3A_1790 = vector.shape_cast %swap3A_1789 : vector<1x16xf32> to vector<16xf32>
        %swap3A_1791 = vector.shape_cast %mul3A_1786 : vector<16xf32> to vector<1x16xf32>
        tpu.vector_store %arg11[%swap3A_1787, %swap3A_1788], %swap3A_1791 {strides = array<i32>} : memref<100x128xf32, #tpu.memory_space<vmem>>, vector<1x16xf32>,
        %slice3A_1792 = vector.extract_strided_slice %get3A_1035 {offsets = [14], sizes = [1], strides = [1]} : vector<16xf32> to vector<1xf32>
        %squeeze3A_1793 = vector.extract %slice3A_1792[0] : f32 from vector<1xf32>
        %mul3A_1794 = arith.constant 16 : i32
        %mul3A_1795 = arith.muli %scan3A_1028, %mul3A_1794 : i32
        %add3A_1796 = arith.constant 14 : i32
        %add3A_1797 = arith.addi %mul3A_1795, %add3A_1796 : i32
        %mul3A_1798 = arith.constant 8 : i32
        %mul3A_1799 = arith.muli %scan3A_1028, %mul3A_1798 : i32
        %add3A_1800 = arith.constant 7 : i32
        %add3A_1801 = arith.addi %mul3A_1799, %add3A_1800 : i32
        %get3A_1802 = arith.index_cast %add3A_1797 : i32 to index
        %get3A_1803 = arith.constant 0 : index
        %get3A_1804 = tpu.vector_load %arg9[%get3A_1802, %get3A_1803] {strides = array<i32>} : memref<200x64xf32, #tpu.memory_space<vmem>>, vector<1x16xf32>,
        %get3A_1805 = vector.shape_cast %get3A_1804 : vector<1x16xf32> to vector<16xf32>
        %mul3A_1806 = vector.broadcast %squeeze3A_1793 : f32 to vector<16xf32>
        %mul3A_1807 = arith.mulf %get3A_1805, %mul3A_1806 : vector<16xf32>
        %swap3A_1808 = arith.index_cast %add3A_1801 : i32 to index
        %swap3A_1809 = arith.constant 0 : index
        %swap3A_1810 = tpu.vector_load %arg11[%swap3A_1808, %swap3A_1809] {strides = array<i32>} : memref<100x128xf32, #tpu.memory_space<vmem>>, vector<1x16xf32>,
        %swap3A_1811 = vector.shape_cast %swap3A_1810 : vector<1x16xf32> to vector<16xf32>
        %swap3A_1812 = vector.shape_cast %mul3A_1807 : vector<16xf32> to vector<1x16xf32>
        tpu.vector_store %arg11[%swap3A_1808, %swap3A_1809], %swap3A_1812 {strides = array<i32>} : memref<100x128xf32, #tpu.memory_space<vmem>>, vector<1x16xf32>,
        %get3A_1813 = arith.index_cast %add3A_1797 : i32 to index
        %get3A_1814 = arith.constant 16 : index
        %get3A_1815 = tpu.vector_load %arg9[%get3A_1813, %get3A_1814] {strides = array<i32>} : memref<200x64xf32, #tpu.memory_space<vmem>>, vector<1x16xf32>,
        %get3A_1816 = vector.shape_cast %get3A_1815 : vector<1x16xf32> to vector<16xf32>
        %mul3A_1817 = vector.broadcast %squeeze3A_1793 : f32 to vector<16xf32>
        %mul3A_1818 = arith.mulf %get3A_1816, %mul3A_1817 : vector<16xf32>
        %swap3A_1819 = arith.index_cast %add3A_1801 : i32 to index
        %swap3A_1820 = arith.constant 16 : index
        %swap3A_1821 = tpu.vector_load %arg11[%swap3A_1819, %swap3A_1820] {strides = array<i32>} : memref<100x128xf32, #tpu.memory_space<vmem>>, vector<1x16xf32>,
        %swap3A_1822 = vector.shape_cast %swap3A_1821 : vector<1x16xf32> to vector<16xf32>
        %swap3A_1823 = vector.shape_cast %mul3A_1818 : vector<16xf32> to vector<1x16xf32>
        tpu.vector_store %arg11[%swap3A_1819, %swap3A_1820], %swap3A_1823 {strides = array<i32>} : memref<100x128xf32, #tpu.memory_space<vmem>>, vector<1x16xf32>,
        %get3A_1824 = arith.index_cast %add3A_1797 : i32 to index
        %get3A_1825 = arith.constant 32 : index
        %get3A_1826 = tpu.vector_load %arg9[%get3A_1824, %get3A_1825] {strides = array<i32>} : memref<200x64xf32, #tpu.memory_space<vmem>>, vector<1x16xf32>,
        %get3A_1827 = vector.shape_cast %get3A_1826 : vector<1x16xf32> to vector<16xf32>
        %mul3A_1828 = vector.broadcast %squeeze3A_1793 : f32 to vector<16xf32>
        %mul3A_1829 = arith.mulf %get3A_1827, %mul3A_1828 : vector<16xf32>
        %swap3A_1830 = arith.index_cast %add3A_1801 : i32 to index
        %swap3A_1831 = arith.constant 32 : index
        %swap3A_1832 = tpu.vector_load %arg11[%swap3A_1830, %swap3A_1831] {strides = array<i32>} : memref<100x128xf32, #tpu.memory_space<vmem>>, vector<1x16xf32>,
        %swap3A_1833 = vector.shape_cast %swap3A_1832 : vector<1x16xf32> to vector<16xf32>
        %swap3A_1834 = vector.shape_cast %mul3A_1829 : vector<16xf32> to vector<1x16xf32>
        tpu.vector_store %arg11[%swap3A_1830, %swap3A_1831], %swap3A_1834 {strides = array<i32>} : memref<100x128xf32, #tpu.memory_space<vmem>>, vector<1x16xf32>,
        %get3A_1835 = arith.index_cast %add3A_1797 : i32 to index
        %get3A_1836 = arith.constant 48 : index
        %get3A_1837 = tpu.vector_load %arg9[%get3A_1835, %get3A_1836] {strides = array<i32>} : memref<200x64xf32, #tpu.memory_space<vmem>>, vector<1x16xf32>,
        %get3A_1838 = vector.shape_cast %get3A_1837 : vector<1x16xf32> to vector<16xf32>
        %mul3A_1839 = vector.broadcast %squeeze3A_1793 : f32 to vector<16xf32>
        %mul3A_1840 = arith.mulf %get3A_1838, %mul3A_1839 : vector<16xf32>
        %swap3A_1841 = arith.index_cast %add3A_1801 : i32 to index
        %swap3A_1842 = arith.constant 48 : index
        %swap3A_1843 = tpu.vector_load %arg11[%swap3A_1841, %swap3A_1842] {strides = array<i32>} : memref<100x128xf32, #tpu.memory_space<vmem>>, vector<1x16xf32>,
        %swap3A_1844 = vector.shape_cast %swap3A_1843 : vector<1x16xf32> to vector<16xf32>
        %swap3A_1845 = vector.shape_cast %mul3A_1840 : vector<16xf32> to vector<1x16xf32>
        tpu.vector_store %arg11[%swap3A_1841, %swap3A_1842], %swap3A_1845 {strides = array<i32>} : memref<100x128xf32, #tpu.memory_space<vmem>>, vector<1x16xf32>,
        %slice3A_1846 = vector.extract_strided_slice %get3A_1035 {offsets = [15], sizes = [1], strides = [1]} : vector<16xf32> to vector<1xf32>
        %squeeze3A_1847 = vector.extract %slice3A_1846[0] : f32 from vector<1xf32>
        %mul3A_1848 = arith.constant 16 : i32
        %mul3A_1849 = arith.muli %scan3A_1028, %mul3A_1848 : i32
        %add3A_1850 = arith.constant 15 : i32
        %add3A_1851 = arith.addi %mul3A_1849, %add3A_1850 : i32
        %mul3A_1852 = arith.constant 8 : i32
        %mul3A_1853 = arith.muli %scan3A_1028, %mul3A_1852 : i32
        %add3A_1854 = arith.constant 7 : i32
        %add3A_1855 = arith.addi %mul3A_1853, %add3A_1854 : i32
        %get3A_1856 = arith.index_cast %add3A_1851 : i32 to index
        %get3A_1857 = arith.constant 0 : index
        %get3A_1858 = tpu.vector_load %arg9[%get3A_1856, %get3A_1857] {strides = array<i32>} : memref<200x64xf32, #tpu.memory_space<vmem>>, vector<1x16xf32>,
        %get3A_1859 = vector.shape_cast %get3A_1858 : vector<1x16xf32> to vector<16xf32>
        %mul3A_1860 = vector.broadcast %squeeze3A_1847 : f32 to vector<16xf32>
        %mul3A_1861 = arith.mulf %get3A_1859, %mul3A_1860 : vector<16xf32>
        %swap3A_1862 = arith.index_cast %add3A_1855 : i32 to index
        %swap3A_1863 = arith.constant 64 : index
        %swap3A_1864 = tpu.vector_load %arg11[%swap3A_1862, %swap3A_1863] {strides = array<i32>} : memref<100x128xf32, #tpu.memory_space<vmem>>, vector<1x16xf32>,
        %swap3A_1865 = vector.shape_cast %swap3A_1864 : vector<1x16xf32> to vector<16xf32>
        %swap3A_1866 = vector.shape_cast %mul3A_1861 : vector<16xf32> to vector<1x16xf32>
        tpu.vector_store %arg11[%swap3A_1862, %swap3A_1863], %swap3A_1866 {strides = array<i32>} : memref<100x128xf32, #tpu.memory_space<vmem>>, vector<1x16xf32>,
        %get3A_1867 = arith.index_cast %add3A_1851 : i32 to index
        %get3A_1868 = arith.constant 16 : index
        %get3A_1869 = tpu.vector_load %arg9[%get3A_1867, %get3A_1868] {strides = array<i32>} : memref<200x64xf32, #tpu.memory_space<vmem>>, vector<1x16xf32>,
        %get3A_1870 = vector.shape_cast %get3A_1869 : vector<1x16xf32> to vector<16xf32>
        %mul3A_1871 = vector.broadcast %squeeze3A_1847 : f32 to vector<16xf32>
        %mul3A_1872 = arith.mulf %get3A_1870, %mul3A_1871 : vector<16xf32>
        %swap3A_1873 = arith.index_cast %add3A_1855 : i32 to index
        %swap3A_1874 = arith.constant 80 : index
        %swap3A_1875 = tpu.vector_load %arg11[%swap3A_1873, %swap3A_1874] {strides = array<i32>} : memref<100x128xf32, #tpu.memory_space<vmem>>, vector<1x16xf32>,
        %swap3A_1876 = vector.shape_cast %swap3A_1875 : vector<1x16xf32> to vector<16xf32>
        %swap3A_1877 = vector.shape_cast %mul3A_1872 : vector<16xf32> to vector<1x16xf32>
        tpu.vector_store %arg11[%swap3A_1873, %swap3A_1874], %swap3A_1877 {strides = array<i32>} : memref<100x128xf32, #tpu.memory_space<vmem>>, vector<1x16xf32>,
        %get3A_1878 = arith.index_cast %add3A_1851 : i32 to index
        %get3A_1879 = arith.constant 32 : index
        %get3A_1880 = tpu.vector_load %arg9[%get3A_1878, %get3A_1879] {strides = array<i32>} : memref<200x64xf32, #tpu.memory_space<vmem>>, vector<1x16xf32>,
        %get3A_1881 = vector.shape_cast %get3A_1880 : vector<1x16xf32> to vector<16xf32>
        %mul3A_1882 = vector.broadcast %squeeze3A_1847 : f32 to vector<16xf32>
        %mul3A_1883 = arith.mulf %get3A_1881, %mul3A_1882 : vector<16xf32>
        %swap3A_1884 = arith.index_cast %add3A_1855 : i32 to index
        %swap3A_1885 = arith.constant 96 : index
        %swap3A_1886 = tpu.vector_load %arg11[%swap3A_1884, %swap3A_1885] {strides = array<i32>} : memref<100x128xf32, #tpu.memory_space<vmem>>, vector<1x16xf32>,
        %swap3A_1887 = vector.shape_cast %swap3A_1886 : vector<1x16xf32> to vector<16xf32>
        %swap3A_1888 = vector.shape_cast %mul3A_1883 : vector<16xf32> to vector<1x16xf32>
        tpu.vector_store %arg11[%swap3A_1884, %swap3A_1885], %swap3A_1888 {strides = array<i32>} : memref<100x128xf32, #tpu.memory_space<vmem>>, vector<1x16xf32>,
        %get3A_1889 = arith.index_cast %add3A_1851 : i32 to index
        %get3A_1890 = arith.constant 48 : index
        %get3A_1891 = tpu.vector_load %arg9[%get3A_1889, %get3A_1890] {strides = array<i32>} : memref<200x64xf32, #tpu.memory_space<vmem>>, vector<1x16xf32>,
        %get3A_1892 = vector.shape_cast %get3A_1891 : vector<1x16xf32> to vector<16xf32>
        %mul3A_1893 = vector.broadcast %squeeze3A_1847 : f32 to vector<16xf32>
        %mul3A_1894 = arith.mulf %get3A_1892, %mul3A_1893 : vector<16xf32>
        %swap3A_1895 = arith.index_cast %add3A_1855 : i32 to index
        %swap3A_1896 = arith.constant 112 : index
        %swap3A_1897 = tpu.vector_load %arg11[%swap3A_1895, %swap3A_1896] {strides = array<i32>} : memref<100x128xf32, #tpu.memory_space<vmem>>, vector<1x16xf32>,
        %swap3A_1898 = vector.shape_cast %swap3A_1897 : vector<1x16xf32> to vector<16xf32>
        %swap3A_1899 = vector.shape_cast %mul3A_1894 : vector<16xf32> to vector<1x16xf32>
        tpu.vector_store %arg11[%swap3A_1895, %swap3A_1896], %swap3A_1899 {strides = array<i32>} : memref<100x128xf32, #tpu.memory_space<vmem>>, vector<1x16xf32>,
        %scan3A_1900 = arith.constant 0 : i32
        scf.yield %scan3A_1900 : i32
      }
      %scan3A_575 = arith.constant 12 : i32
      %get3A_576 = arith.index_cast %add3A_543 : i32 to index
      %get3A_577 = arith.constant 184 : index
      %get3A_578 = tpu.vector_load %arg7[%get3A_576, %get3A_577] {strides = array<i32>} : memref<128x200xf32, #tpu.memory_space<vmem>>, vector<1x16xf32>,
      %get3A_579 = vector.shape_cast %get3A_578 : vector<1x16xf32> to vector<16xf32>
      %slice3A_580 = vector.extract_strided_slice %get3A_579 {offsets = [8], sizes = [1], strides = [1]} : vector<16xf32> to vector<1xf32>
      %squeeze3A_581 = vector.extract %slice3A_580[0] : f32 from vector<1xf32>
      %get3A_582 = arith.constant 192 : i32
      %get3A_583 = arith.index_cast %get3A_582 : i32 to index
      %get3A_584 = arith.constant 0 : index
      %get3A_585 = tpu.vector_load %arg9[%get3A_583, %get3A_584] {strides = array<i32>} : memref<200x64xf32, #tpu.memory_space<vmem>>, vector<1x16xf32>,
      %get3A_586 = vector.shape_cast %get3A_585 : vector<1x16xf32> to vector<16xf32>
      %mul3A_587 = vector.broadcast %squeeze3A_581 : f32 to vector<16xf32>
      %mul3A_588 = arith.mulf %get3A_586, %mul3A_587 : vector<16xf32>
      %swap3A_589 = arith.constant 96 : i32
      %swap3A_590 = arith.index_cast %swap3A_589 : i32 to index
      %swap3A_591 = arith.constant 0 : index
      %swap3A_592 = tpu.vector_load %arg11[%swap3A_590, %swap3A_591] {strides = array<i32>} : memref<100x128xf32, #tpu.memory_space<vmem>>, vector<1x16xf32>,
      %swap3A_593 = vector.shape_cast %swap3A_592 : vector<1x16xf32> to vector<16xf32>
      %swap3A_594 = vector.shape_cast %mul3A_588 : vector<16xf32> to vector<1x16xf32>
      tpu.vector_store %arg11[%swap3A_590, %swap3A_591], %swap3A_594 {strides = array<i32>} : memref<100x128xf32, #tpu.memory_space<vmem>>, vector<1x16xf32>,
      %get3A_595 = arith.constant 192 : i32
      %get3A_596 = arith.index_cast %get3A_595 : i32 to index
      %get3A_597 = arith.constant 16 : index
      %get3A_598 = tpu.vector_load %arg9[%get3A_596, %get3A_597] {strides = array<i32>} : memref<200x64xf32, #tpu.memory_space<vmem>>, vector<1x16xf32>,
      %get3A_599 = vector.shape_cast %get3A_598 : vector<1x16xf32> to vector<16xf32>
      %mul3A_600 = vector.broadcast %squeeze3A_581 : f32 to vector<16xf32>
      %mul3A_601 = arith.mulf %get3A_599, %mul3A_600 : vector<16xf32>
      %swap3A_602 = arith.constant 96 : i32
      %swap3A_603 = arith.index_cast %swap3A_602 : i32 to index
      %swap3A_604 = arith.constant 16 : index
      %swap3A_605 = tpu.vector_load %arg11[%swap3A_603, %swap3A_604] {strides = array<i32>} : memref<100x128xf32, #tpu.memory_space<vmem>>, vector<1x16xf32>,
      %swap3A_606 = vector.shape_cast %swap3A_605 : vector<1x16xf32> to vector<16xf32>
      %swap3A_607 = vector.shape_cast %mul3A_601 : vector<16xf32> to vector<1x16xf32>
      tpu.vector_store %arg11[%swap3A_603, %swap3A_604], %swap3A_607 {strides = array<i32>} : memref<100x128xf32, #tpu.memory_space<vmem>>, vector<1x16xf32>,
      %get3A_608 = arith.constant 192 : i32
      %get3A_609 = arith.index_cast %get3A_608 : i32 to index
      %get3A_610 = arith.constant 32 : index
      %get3A_611 = tpu.vector_load %arg9[%get3A_609, %get3A_610] {strides = array<i32>} : memref<200x64xf32, #tpu.memory_space<vmem>>, vector<1x16xf32>,
      %get3A_612 = vector.shape_cast %get3A_611 : vector<1x16xf32> to vector<16xf32>
      %mul3A_613 = vector.broadcast %squeeze3A_581 : f32 to vector<16xf32>
      %mul3A_614 = arith.mulf %get3A_612, %mul3A_613 : vector<16xf32>
      %swap3A_615 = arith.constant 96 : i32
      %swap3A_616 = arith.index_cast %swap3A_615 : i32 to index
      %swap3A_617 = arith.constant 32 : index
      %swap3A_618 = tpu.vector_load %arg11[%swap3A_616, %swap3A_617] {strides = array<i32>} : memref<100x128xf32, #tpu.memory_space<vmem>>, vector<1x16xf32>,
      %swap3A_619 = vector.shape_cast %swap3A_618 : vector<1x16xf32> to vector<16xf32>
      %swap3A_620 = vector.shape_cast %mul3A_614 : vector<16xf32> to vector<1x16xf32>
      tpu.vector_store %arg11[%swap3A_616, %swap3A_617], %swap3A_620 {strides = array<i32>} : memref<100x128xf32, #tpu.memory_space<vmem>>, vector<1x16xf32>,
      %get3A_621 = arith.constant 192 : i32
      %get3A_622 = arith.index_cast %get3A_621 : i32 to index
      %get3A_623 = arith.constant 48 : index
      %get3A_624 = tpu.vector_load %arg9[%get3A_622, %get3A_623] {strides = array<i32>} : memref<200x64xf32, #tpu.memory_space<vmem>>, vector<1x16xf32>,
      %get3A_625 = vector.shape_cast %get3A_624 : vector<1x16xf32> to vector<16xf32>
      %mul3A_626 = vector.broadcast %squeeze3A_581 : f32 to vector<16xf32>
      %mul3A_627 = arith.mulf %get3A_625, %mul3A_626 : vector<16xf32>
      %swap3A_628 = arith.constant 96 : i32
      %swap3A_629 = arith.index_cast %swap3A_628 : i32 to index
      %swap3A_630 = arith.constant 48 : index
      %swap3A_631 = tpu.vector_load %arg11[%swap3A_629, %swap3A_630] {strides = array<i32>} : memref<100x128xf32, #tpu.memory_space<vmem>>, vector<1x16xf32>,
      %swap3A_632 = vector.shape_cast %swap3A_631 : vector<1x16xf32> to vector<16xf32>
      %swap3A_633 = vector.shape_cast %mul3A_627 : vector<16xf32> to vector<1x16xf32>
      tpu.vector_store %arg11[%swap3A_629, %swap3A_630], %swap3A_633 {strides = array<i32>} : memref<100x128xf32, #tpu.memory_space<vmem>>, vector<1x16xf32>,
      %slice3A_634 = vector.extract_strided_slice %get3A_579 {offsets = [9], sizes = [1], strides = [1]} : vector<16xf32> to vector<1xf32>
      %squeeze3A_635 = vector.extract %slice3A_634[0] : f32 from vector<1xf32>
      %get3A_636 = arith.constant 193 : i32
      %get3A_637 = arith.index_cast %get3A_636 : i32 to index
      %get3A_638 = arith.constant 0 : index
      %get3A_639 = tpu.vector_load %arg9[%get3A_637, %get3A_638] {strides = array<i32>} : memref<200x64xf32, #tpu.memory_space<vmem>>, vector<1x16xf32>,
      %get3A_640 = vector.shape_cast %get3A_639 : vector<1x16xf32> to vector<16xf32>
      %mul3A_641 = vector.broadcast %squeeze3A_635 : f32 to vector<16xf32>
      %mul3A_642 = arith.mulf %get3A_640, %mul3A_641 : vector<16xf32>
      %swap3A_643 = arith.constant 96 : i32
      %swap3A_644 = arith.index_cast %swap3A_643 : i32 to index
      %swap3A_645 = arith.constant 64 : index
      %swap3A_646 = tpu.vector_load %arg11[%swap3A_644, %swap3A_645] {strides = array<i32>} : memref<100x128xf32, #tpu.memory_space<vmem>>, vector<1x16xf32>,
      %swap3A_647 = vector.shape_cast %swap3A_646 : vector<1x16xf32> to vector<16xf32>
      %swap3A_648 = vector.shape_cast %mul3A_642 : vector<16xf32> to vector<1x16xf32>
      tpu.vector_store %arg11[%swap3A_644, %swap3A_645], %swap3A_648 {strides = array<i32>} : memref<100x128xf32, #tpu.memory_space<vmem>>, vector<1x16xf32>,
      %get3A_649 = arith.constant 193 : i32
      %get3A_650 = arith.index_cast %get3A_649 : i32 to index
      %get3A_651 = arith.constant 16 : index
      %get3A_652 = tpu.vector_load %arg9[%get3A_650, %get3A_651] {strides = array<i32>} : memref<200x64xf32, #tpu.memory_space<vmem>>, vector<1x16xf32>,
      %get3A_653 = vector.shape_cast %get3A_652 : vector<1x16xf32> to vector<16xf32>
      %mul3A_654 = vector.broadcast %squeeze3A_635 : f32 to vector<16xf32>
      %mul3A_655 = arith.mulf %get3A_653, %mul3A_654 : vector<16xf32>
      %swap3A_656 = arith.constant 96 : i32
      %swap3A_657 = arith.index_cast %swap3A_656 : i32 to index
      %swap3A_658 = arith.constant 80 : index
      %swap3A_659 = tpu.vector_load %arg11[%swap3A_657, %swap3A_658] {strides = array<i32>} : memref<100x128xf32, #tpu.memory_space<vmem>>, vector<1x16xf32>,
      %swap3A_660 = vector.shape_cast %swap3A_659 : vector<1x16xf32> to vector<16xf32>
      %swap3A_661 = vector.shape_cast %mul3A_655 : vector<16xf32> to vector<1x16xf32>
      tpu.vector_store %arg11[%swap3A_657, %swap3A_658], %swap3A_661 {strides = array<i32>} : memref<100x128xf32, #tpu.memory_space<vmem>>, vector<1x16xf32>,
      %get3A_662 = arith.constant 193 : i32
      %get3A_663 = arith.index_cast %get3A_662 : i32 to index
      %get3A_664 = arith.constant 32 : index
      %get3A_665 = tpu.vector_load %arg9[%get3A_663, %get3A_664] {strides = array<i32>} : memref<200x64xf32, #tpu.memory_space<vmem>>, vector<1x16xf32>,
      %get3A_666 = vector.shape_cast %get3A_665 : vector<1x16xf32> to vector<16xf32>
      %mul3A_667 = vector.broadcast %squeeze3A_635 : f32 to vector<16xf32>
      %mul3A_668 = arith.mulf %get3A_666, %mul3A_667 : vector<16xf32>
      %swap3A_669 = arith.constant 96 : i32
      %swap3A_670 = arith.index_cast %swap3A_669 : i32 to index
      %swap3A_671 = arith.constant 96 : index
      %swap3A_672 = tpu.vector_load %arg11[%swap3A_670, %swap3A_671] {strides = array<i32>} : memref<100x128xf32, #tpu.memory_space<vmem>>, vector<1x16xf32>,
      %swap3A_673 = vector.shape_cast %swap3A_672 : vector<1x16xf32> to vector<16xf32>
      %swap3A_674 = vector.shape_cast %mul3A_668 : vector<16xf32> to vector<1x16xf32>
      tpu.vector_store %arg11[%swap3A_670, %swap3A_671], %swap3A_674 {strides = array<i32>} : memref<100x128xf32, #tpu.memory_space<vmem>>, vector<1x16xf32>,
      %get3A_675 = arith.constant 193 : i32
      %get3A_676 = arith.index_cast %get3A_675 : i32 to index
      %get3A_677 = arith.constant 48 : index
      %get3A_678 = tpu.vector_load %arg9[%get3A_676, %get3A_677] {strides = array<i32>} : memref<200x64xf32, #tpu.memory_space<vmem>>, vector<1x16xf32>,
      %get3A_679 = vector.shape_cast %get3A_678 : vector<1x16xf32> to vector<16xf32>
      %mul3A_680 = vector.broadcast %squeeze3A_635 : f32 to vector<16xf32>
      %mul3A_681 = arith.mulf %get3A_679, %mul3A_680 : vector<16xf32>
      %swap3A_682 = arith.constant 96 : i32
      %swap3A_683 = arith.index_cast %swap3A_682 : i32 to index
      %swap3A_684 = arith.constant 112 : index
      %swap3A_685 = tpu.vector_load %arg11[%swap3A_683, %swap3A_684] {strides = array<i32>} : memref<100x128xf32, #tpu.memory_space<vmem>>, vector<1x16xf32>,
      %swap3A_686 = vector.shape_cast %swap3A_685 : vector<1x16xf32> to vector<16xf32>
      %swap3A_687 = vector.shape_cast %mul3A_681 : vector<16xf32> to vector<1x16xf32>
      tpu.vector_store %arg11[%swap3A_683, %swap3A_684], %swap3A_687 {strides = array<i32>} : memref<100x128xf32, #tpu.memory_space<vmem>>, vector<1x16xf32>,
      %slice3A_688 = vector.extract_strided_slice %get3A_579 {offsets = [10], sizes = [1], strides = [1]} : vector<16xf32> to vector<1xf32>
      %squeeze3A_689 = vector.extract %slice3A_688[0] : f32 from vector<1xf32>
      %get3A_690 = arith.constant 194 : i32
      %get3A_691 = arith.index_cast %get3A_690 : i32 to index
      %get3A_692 = arith.constant 0 : index
      %get3A_693 = tpu.vector_load %arg9[%get3A_691, %get3A_692] {strides = array<i32>} : memref<200x64xf32, #tpu.memory_space<vmem>>, vector<1x16xf32>,
      %get3A_694 = vector.shape_cast %get3A_693 : vector<1x16xf32> to vector<16xf32>
      %mul3A_695 = vector.broadcast %squeeze3A_689 : f32 to vector<16xf32>
      %mul3A_696 = arith.mulf %get3A_694, %mul3A_695 : vector<16xf32>
      %swap3A_697 = arith.constant 97 : i32
      %swap3A_698 = arith.index_cast %swap3A_697 : i32 to index
      %swap3A_699 = arith.constant 0 : index
      %swap3A_700 = tpu.vector_load %arg11[%swap3A_698, %swap3A_699] {strides = array<i32>} : memref<100x128xf32, #tpu.memory_space<vmem>>, vector<1x16xf32>,
      %swap3A_701 = vector.shape_cast %swap3A_700 : vector<1x16xf32> to vector<16xf32>
      %swap3A_702 = vector.shape_cast %mul3A_696 : vector<16xf32> to vector<1x16xf32>
      tpu.vector_store %arg11[%swap3A_698, %swap3A_699], %swap3A_702 {strides = array<i32>} : memref<100x128xf32, #tpu.memory_space<vmem>>, vector<1x16xf32>,
      %get3A_703 = arith.constant 194 : i32
      %get3A_704 = arith.index_cast %get3A_703 : i32 to index
      %get3A_705 = arith.constant 16 : index
      %get3A_706 = tpu.vector_load %arg9[%get3A_704, %get3A_705] {strides = array<i32>} : memref<200x64xf32, #tpu.memory_space<vmem>>, vector<1x16xf32>,
      %get3A_707 = vector.shape_cast %get3A_706 : vector<1x16xf32> to vector<16xf32>
      %mul3A_708 = vector.broadcast %squeeze3A_689 : f32 to vector<16xf32>
      %mul3A_709 = arith.mulf %get3A_707, %mul3A_708 : vector<16xf32>
      %swap3A_710 = arith.constant 97 : i32
      %swap3A_711 = arith.index_cast %swap3A_710 : i32 to index
      %swap3A_712 = arith.constant 16 : index
      %swap3A_713 = tpu.vector_load %arg11[%swap3A_711, %swap3A_712] {strides = array<i32>} : memref<100x128xf32, #tpu.memory_space<vmem>>, vector<1x16xf32>,
      %swap3A_714 = vector.shape_cast %swap3A_713 : vector<1x16xf32> to vector<16xf32>
      %swap3A_715 = vector.shape_cast %mul3A_709 : vector<16xf32> to vector<1x16xf32>
      tpu.vector_store %arg11[%swap3A_711, %swap3A_712], %swap3A_715 {strides = array<i32>} : memref<100x128xf32, #tpu.memory_space<vmem>>, vector<1x16xf32>,
      %get3A_716 = arith.constant 194 : i32
      %get3A_717 = arith.index_cast %get3A_716 : i32 to index
      %get3A_718 = arith.constant 32 : index
      %get3A_719 = tpu.vector_load %arg9[%get3A_717, %get3A_718] {strides = array<i32>} : memref<200x64xf32, #tpu.memory_space<vmem>>, vector<1x16xf32>,
      %get3A_720 = vector.shape_cast %get3A_719 : vector<1x16xf32> to vector<16xf32>
      %mul3A_721 = vector.broadcast %squeeze3A_689 : f32 to vector<16xf32>
      %mul3A_722 = arith.mulf %get3A_720, %mul3A_721 : vector<16xf32>
      %swap3A_723 = arith.constant 97 : i32
      %swap3A_724 = arith.index_cast %swap3A_723 : i32 to index
      %swap3A_725 = arith.constant 32 : index
      %swap3A_726 = tpu.vector_load %arg11[%swap3A_724, %swap3A_725] {strides = array<i32>} : memref<100x128xf32, #tpu.memory_space<vmem>>, vector<1x16xf32>,
      %swap3A_727 = vector.shape_cast %swap3A_726 : vector<1x16xf32> to vector<16xf32>
      %swap3A_728 = vector.shape_cast %mul3A_722 : vector<16xf32> to vector<1x16xf32>
      tpu.vector_store %arg11[%swap3A_724, %swap3A_725], %swap3A_728 {strides = array<i32>} : memref<100x128xf32, #tpu.memory_space<vmem>>, vector<1x16xf32>,
      %get3A_729 = arith.constant 194 : i32
      %get3A_730 = arith.index_cast %get3A_729 : i32 to index
      %get3A_731 = arith.constant 48 : index
      %get3A_732 = tpu.vector_load %arg9[%get3A_730, %get3A_731] {strides = array<i32>} : memref<200x64xf32, #tpu.memory_space<vmem>>, vector<1x16xf32>,
      %get3A_733 = vector.shape_cast %get3A_732 : vector<1x16xf32> to vector<16xf32>
      %mul3A_734 = vector.broadcast %squeeze3A_689 : f32 to vector<16xf32>
      %mul3A_735 = arith.mulf %get3A_733, %mul3A_734 : vector<16xf32>
      %swap3A_736 = arith.constant 97 : i32
      %swap3A_737 = arith.index_cast %swap3A_736 : i32 to index
      %swap3A_738 = arith.constant 48 : index
      %swap3A_739 = tpu.vector_load %arg11[%swap3A_737, %swap3A_738] {strides = array<i32>} : memref<100x128xf32, #tpu.memory_space<vmem>>, vector<1x16xf32>,
      %swap3A_740 = vector.shape_cast %swap3A_739 : vector<1x16xf32> to vector<16xf32>
      %swap3A_741 = vector.shape_cast %mul3A_735 : vector<16xf32> to vector<1x16xf32>
      tpu.vector_store %arg11[%swap3A_737, %swap3A_738], %swap3A_741 {strides = array<i32>} : memref<100x128xf32, #tpu.memory_space<vmem>>, vector<1x16xf32>,
      %slice3A_742 = vector.extract_strided_slice %get3A_579 {offsets = [11], sizes = [1], strides = [1]} : vector<16xf32> to vector<1xf32>
      %squeeze3A_743 = vector.extract %slice3A_742[0] : f32 from vector<1xf32>
      %get3A_744 = arith.constant 195 : i32
      %get3A_745 = arith.index_cast %get3A_744 : i32 to index
      %get3A_746 = arith.constant 0 : index
      %get3A_747 = tpu.vector_load %arg9[%get3A_745, %get3A_746] {strides = array<i32>} : memref<200x64xf32, #tpu.memory_space<vmem>>, vector<1x16xf32>,
      %get3A_748 = vector.shape_cast %get3A_747 : vector<1x16xf32> to vector<16xf32>
      %mul3A_749 = vector.broadcast %squeeze3A_743 : f32 to vector<16xf32>
      %mul3A_750 = arith.mulf %get3A_748, %mul3A_749 : vector<16xf32>
      %swap3A_751 = arith.constant 97 : i32
      %swap3A_752 = arith.index_cast %swap3A_751 : i32 to index
      %swap3A_753 = arith.constant 64 : index
      %swap3A_754 = tpu.vector_load %arg11[%swap3A_752, %swap3A_753] {strides = array<i32>} : memref<100x128xf32, #tpu.memory_space<vmem>>, vector<1x16xf32>,
      %swap3A_755 = vector.shape_cast %swap3A_754 : vector<1x16xf32> to vector<16xf32>
      %swap3A_756 = vector.shape_cast %mul3A_750 : vector<16xf32> to vector<1x16xf32>
      tpu.vector_store %arg11[%swap3A_752, %swap3A_753], %swap3A_756 {strides = array<i32>} : memref<100x128xf32, #tpu.memory_space<vmem>>, vector<1x16xf32>,
      %get3A_757 = arith.constant 195 : i32
      %get3A_758 = arith.index_cast %get3A_757 : i32 to index
      %get3A_759 = arith.constant 16 : index
      %get3A_760 = tpu.vector_load %arg9[%get3A_758, %get3A_759] {strides = array<i32>} : memref<200x64xf32, #tpu.memory_space<vmem>>, vector<1x16xf32>,
      %get3A_761 = vector.shape_cast %get3A_760 : vector<1x16xf32> to vector<16xf32>
      %mul3A_762 = vector.broadcast %squeeze3A_743 : f32 to vector<16xf32>
      %mul3A_763 = arith.mulf %get3A_761, %mul3A_762 : vector<16xf32>
      %swap3A_764 = arith.constant 97 : i32
      %swap3A_765 = arith.index_cast %swap3A_764 : i32 to index
      %swap3A_766 = arith.constant 80 : index
      %swap3A_767 = tpu.vector_load %arg11[%swap3A_765, %swap3A_766] {strides = array<i32>} : memref<100x128xf32, #tpu.memory_space<vmem>>, vector<1x16xf32>,
      %swap3A_768 = vector.shape_cast %swap3A_767 : vector<1x16xf32> to vector<16xf32>
      %swap3A_769 = vector.shape_cast %mul3A_763 : vector<16xf32> to vector<1x16xf32>
      tpu.vector_store %arg11[%swap3A_765, %swap3A_766], %swap3A_769 {strides = array<i32>} : memref<100x128xf32, #tpu.memory_space<vmem>>, vector<1x16xf32>,
      %get3A_770 = arith.constant 195 : i32
      %get3A_771 = arith.index_cast %get3A_770 : i32 to index
      %get3A_772 = arith.constant 32 : index
      %get3A_773 = tpu.vector_load %arg9[%get3A_771, %get3A_772] {strides = array<i32>} : memref<200x64xf32, #tpu.memory_space<vmem>>, vector<1x16xf32>,
      %get3A_774 = vector.shape_cast %get3A_773 : vector<1x16xf32> to vector<16xf32>
      %mul3A_775 = vector.broadcast %squeeze3A_743 : f32 to vector<16xf32>
      %mul3A_776 = arith.mulf %get3A_774, %mul3A_775 : vector<16xf32>
      %swap3A_777 = arith.constant 97 : i32
      %swap3A_778 = arith.index_cast %swap3A_777 : i32 to index
      %swap3A_779 = arith.constant 96 : index
      %swap3A_780 = tpu.vector_load %arg11[%swap3A_778, %swap3A_779] {strides = array<i32>} : memref<100x128xf32, #tpu.memory_space<vmem>>, vector<1x16xf32>,
      %swap3A_781 = vector.shape_cast %swap3A_780 : vector<1x16xf32> to vector<16xf32>
      %swap3A_782 = vector.shape_cast %mul3A_776 : vector<16xf32> to vector<1x16xf32>
      tpu.vector_store %arg11[%swap3A_778, %swap3A_779], %swap3A_782 {strides = array<i32>} : memref<100x128xf32, #tpu.memory_space<vmem>>, vector<1x16xf32>,
      %get3A_783 = arith.constant 195 : i32
      %get3A_784 = arith.index_cast %get3A_783 : i32 to index
      %get3A_785 = arith.constant 48 : index
      %get3A_786 = tpu.vector_load %arg9[%get3A_784, %get3A_785] {strides = array<i32>} : memref<200x64xf32, #tpu.memory_space<vmem>>, vector<1x16xf32>,
      %get3A_787 = vector.shape_cast %get3A_786 : vector<1x16xf32> to vector<16xf32>
      %mul3A_788 = vector.broadcast %squeeze3A_743 : f32 to vector<16xf32>
      %mul3A_789 = arith.mulf %get3A_787, %mul3A_788 : vector<16xf32>
      %swap3A_790 = arith.constant 97 : i32
      %swap3A_791 = arith.index_cast %swap3A_790 : i32 to index
      %swap3A_792 = arith.constant 112 : index
      %swap3A_793 = tpu.vector_load %arg11[%swap3A_791, %swap3A_792] {strides = array<i32>} : memref<100x128xf32, #tpu.memory_space<vmem>>, vector<1x16xf32>,
      %swap3A_794 = vector.shape_cast %swap3A_793 : vector<1x16xf32> to vector<16xf32>
      %swap3A_795 = vector.shape_cast %mul3A_789 : vector<16xf32> to vector<1x16xf32>
      tpu.vector_store %arg11[%swap3A_791, %swap3A_792], %swap3A_795 {strides = array<i32>} : memref<100x128xf32, #tpu.memory_space<vmem>>, vector<1x16xf32>,
      %slice3A_796 = vector.extract_strided_slice %get3A_579 {offsets = [12], sizes = [1], strides = [1]} : vector<16xf32> to vector<1xf32>
      %squeeze3A_797 = vector.extract %slice3A_796[0] : f32 from vector<1xf32>
      %get3A_798 = arith.constant 196 : i32
      %get3A_799 = arith.index_cast %get3A_798 : i32 to index
      %get3A_800 = arith.constant 0 : index
      %get3A_801 = tpu.vector_load %arg9[%get3A_799, %get3A_800] {strides = array<i32>} : memref<200x64xf32, #tpu.memory_space<vmem>>, vector<1x16xf32>,
      %get3A_802 = vector.shape_cast %get3A_801 : vector<1x16xf32> to vector<16xf32>
      %mul3A_803 = vector.broadcast %squeeze3A_797 : f32 to vector<16xf32>
      %mul3A_804 = arith.mulf %get3A_802, %mul3A_803 : vector<16xf32>
      %swap3A_805 = arith.constant 98 : i32
      %swap3A_806 = arith.index_cast %swap3A_805 : i32 to index
      %swap3A_807 = arith.constant 0 : index
      %swap3A_808 = tpu.vector_load %arg11[%swap3A_806, %swap3A_807] {strides = array<i32>} : memref<100x128xf32, #tpu.memory_space<vmem>>, vector<1x16xf32>,
      %swap3A_809 = vector.shape_cast %swap3A_808 : vector<1x16xf32> to vector<16xf32>
      %swap3A_810 = vector.shape_cast %mul3A_804 : vector<16xf32> to vector<1x16xf32>
      tpu.vector_store %arg11[%swap3A_806, %swap3A_807], %swap3A_810 {strides = array<i32>} : memref<100x128xf32, #tpu.memory_space<vmem>>, vector<1x16xf32>,
      %get3A_811 = arith.constant 196 : i32
      %get3A_812 = arith.index_cast %get3A_811 : i32 to index
      %get3A_813 = arith.constant 16 : index
      %get3A_814 = tpu.vector_load %arg9[%get3A_812, %get3A_813] {strides = array<i32>} : memref<200x64xf32, #tpu.memory_space<vmem>>, vector<1x16xf32>,
      %get3A_815 = vector.shape_cast %get3A_814 : vector<1x16xf32> to vector<16xf32>
      %mul3A_816 = vector.broadcast %squeeze3A_797 : f32 to vector<16xf32>
      %mul3A_817 = arith.mulf %get3A_815, %mul3A_816 : vector<16xf32>
      %swap3A_818 = arith.constant 98 : i32
      %swap3A_819 = arith.index_cast %swap3A_818 : i32 to index
      %swap3A_820 = arith.constant 16 : index
      %swap3A_821 = tpu.vector_load %arg11[%swap3A_819, %swap3A_820] {strides = array<i32>} : memref<100x128xf32, #tpu.memory_space<vmem>>, vector<1x16xf32>,
      %swap3A_822 = vector.shape_cast %swap3A_821 : vector<1x16xf32> to vector<16xf32>
      %swap3A_823 = vector.shape_cast %mul3A_817 : vector<16xf32> to vector<1x16xf32>
      tpu.vector_store %arg11[%swap3A_819, %swap3A_820], %swap3A_823 {strides = array<i32>} : memref<100x128xf32, #tpu.memory_space<vmem>>, vector<1x16xf32>,
      %get3A_824 = arith.constant 196 : i32
      %get3A_825 = arith.index_cast %get3A_824 : i32 to index
      %get3A_826 = arith.constant 32 : index
      %get3A_827 = tpu.vector_load %arg9[%get3A_825, %get3A_826] {strides = array<i32>} : memref<200x64xf32, #tpu.memory_space<vmem>>, vector<1x16xf32>,
      %get3A_828 = vector.shape_cast %get3A_827 : vector<1x16xf32> to vector<16xf32>
      %mul3A_829 = vector.broadcast %squeeze3A_797 : f32 to vector<16xf32>
      %mul3A_830 = arith.mulf %get3A_828, %mul3A_829 : vector<16xf32>
      %swap3A_831 = arith.constant 98 : i32
      %swap3A_832 = arith.index_cast %swap3A_831 : i32 to index
      %swap3A_833 = arith.constant 32 : index
      %swap3A_834 = tpu.vector_load %arg11[%swap3A_832, %swap3A_833] {strides = array<i32>} : memref<100x128xf32, #tpu.memory_space<vmem>>, vector<1x16xf32>,
      %swap3A_835 = vector.shape_cast %swap3A_834 : vector<1x16xf32> to vector<16xf32>
      %swap3A_836 = vector.shape_cast %mul3A_830 : vector<16xf32> to vector<1x16xf32>
      tpu.vector_store %arg11[%swap3A_832, %swap3A_833], %swap3A_836 {strides = array<i32>} : memref<100x128xf32, #tpu.memory_space<vmem>>, vector<1x16xf32>,
      %get3A_837 = arith.constant 196 : i32
      %get3A_838 = arith.index_cast %get3A_837 : i32 to index
      %get3A_839 = arith.constant 48 : index
      %get3A_840 = tpu.vector_load %arg9[%get3A_838, %get3A_839] {strides = array<i32>} : memref<200x64xf32, #tpu.memory_space<vmem>>, vector<1x16xf32>,
      %get3A_841 = vector.shape_cast %get3A_840 : vector<1x16xf32> to vector<16xf32>
      %mul3A_842 = vector.broadcast %squeeze3A_797 : f32 to vector<16xf32>
      %mul3A_843 = arith.mulf %get3A_841, %mul3A_842 : vector<16xf32>
      %swap3A_844 = arith.constant 98 : i32
      %swap3A_845 = arith.index_cast %swap3A_844 : i32 to index
      %swap3A_846 = arith.constant 48 : index
      %swap3A_847 = tpu.vector_load %arg11[%swap3A_845, %swap3A_846] {strides = array<i32>} : memref<100x128xf32, #tpu.memory_space<vmem>>, vector<1x16xf32>,
      %swap3A_848 = vector.shape_cast %swap3A_847 : vector<1x16xf32> to vector<16xf32>
      %swap3A_849 = vector.shape_cast %mul3A_843 : vector<16xf32> to vector<1x16xf32>
      tpu.vector_store %arg11[%swap3A_845, %swap3A_846], %swap3A_849 {strides = array<i32>} : memref<100x128xf32, #tpu.memory_space<vmem>>, vector<1x16xf32>,
      %slice3A_850 = vector.extract_strided_slice %get3A_579 {offsets = [13], sizes = [1], strides = [1]} : vector<16xf32> to vector<1xf32>
      %squeeze3A_851 = vector.extract %slice3A_850[0] : f32 from vector<1xf32>
      %get3A_852 = arith.constant 197 : i32
      %get3A_853 = arith.index_cast %get3A_852 : i32 to index
      %get3A_854 = arith.constant 0 : index
      %get3A_855 = tpu.vector_load %arg9[%get3A_853, %get3A_854] {strides = array<i32>} : memref<200x64xf32, #tpu.memory_space<vmem>>, vector<1x16xf32>,
      %get3A_856 = vector.shape_cast %get3A_855 : vector<1x16xf32> to vector<16xf32>
      %mul3A_857 = vector.broadcast %squeeze3A_851 : f32 to vector<16xf32>
      %mul3A_858 = arith.mulf %get3A_856, %mul3A_857 : vector<16xf32>
      %swap3A_859 = arith.constant 98 : i32
      %swap3A_860 = arith.index_cast %swap3A_859 : i32 to index
      %swap3A_861 = arith.constant 64 : index
      %swap3A_862 = tpu.vector_load %arg11[%swap3A_860, %swap3A_861] {strides = array<i32>} : memref<100x128xf32, #tpu.memory_space<vmem>>, vector<1x16xf32>,
      %swap3A_863 = vector.shape_cast %swap3A_862 : vector<1x16xf32> to vector<16xf32>
      %swap3A_864 = vector.shape_cast %mul3A_858 : vector<16xf32> to vector<1x16xf32>
      tpu.vector_store %arg11[%swap3A_860, %swap3A_861], %swap3A_864 {strides = array<i32>} : memref<100x128xf32, #tpu.memory_space<vmem>>, vector<1x16xf32>,
      %get3A_865 = arith.constant 197 : i32
      %get3A_866 = arith.index_cast %get3A_865 : i32 to index
      %get3A_867 = arith.constant 16 : index
      %get3A_868 = tpu.vector_load %arg9[%get3A_866, %get3A_867] {strides = array<i32>} : memref<200x64xf32, #tpu.memory_space<vmem>>, vector<1x16xf32>,
      %get3A_869 = vector.shape_cast %get3A_868 : vector<1x16xf32> to vector<16xf32>
      %mul3A_870 = vector.broadcast %squeeze3A_851 : f32 to vector<16xf32>
      %mul3A_871 = arith.mulf %get3A_869, %mul3A_870 : vector<16xf32>
      %swap3A_872 = arith.constant 98 : i32
      %swap3A_873 = arith.index_cast %swap3A_872 : i32 to index
      %swap3A_874 = arith.constant 80 : index
      %swap3A_875 = tpu.vector_load %arg11[%swap3A_873, %swap3A_874] {strides = array<i32>} : memref<100x128xf32, #tpu.memory_space<vmem>>, vector<1x16xf32>,
      %swap3A_876 = vector.shape_cast %swap3A_875 : vector<1x16xf32> to vector<16xf32>
      %swap3A_877 = vector.shape_cast %mul3A_871 : vector<16xf32> to vector<1x16xf32>
      tpu.vector_store %arg11[%swap3A_873, %swap3A_874], %swap3A_877 {strides = array<i32>} : memref<100x128xf32, #tpu.memory_space<vmem>>, vector<1x16xf32>,
      %get3A_878 = arith.constant 197 : i32
      %get3A_879 = arith.index_cast %get3A_878 : i32 to index
      %get3A_880 = arith.constant 32 : index
      %get3A_881 = tpu.vector_load %arg9[%get3A_879, %get3A_880] {strides = array<i32>} : memref<200x64xf32, #tpu.memory_space<vmem>>, vector<1x16xf32>,
      %get3A_882 = vector.shape_cast %get3A_881 : vector<1x16xf32> to vector<16xf32>
      %mul3A_883 = vector.broadcast %squeeze3A_851 : f32 to vector<16xf32>
      %mul3A_884 = arith.mulf %get3A_882, %mul3A_883 : vector<16xf32>
      %swap3A_885 = arith.constant 98 : i32
      %swap3A_886 = arith.index_cast %swap3A_885 : i32 to index
      %swap3A_887 = arith.constant 96 : index
      %swap3A_888 = tpu.vector_load %arg11[%swap3A_886, %swap3A_887] {strides = array<i32>} : memref<100x128xf32, #tpu.memory_space<vmem>>, vector<1x16xf32>,
      %swap3A_889 = vector.shape_cast %swap3A_888 : vector<1x16xf32> to vector<16xf32>
      %swap3A_890 = vector.shape_cast %mul3A_884 : vector<16xf32> to vector<1x16xf32>
      tpu.vector_store %arg11[%swap3A_886, %swap3A_887], %swap3A_890 {strides = array<i32>} : memref<100x128xf32, #tpu.memory_space<vmem>>, vector<1x16xf32>,
      %get3A_891 = arith.constant 197 : i32
      %get3A_892 = arith.index_cast %get3A_891 : i32 to index
      %get3A_893 = arith.constant 48 : index
      %get3A_894 = tpu.vector_load %arg9[%get3A_892, %get3A_893] {strides = array<i32>} : memref<200x64xf32, #tpu.memory_space<vmem>>, vector<1x16xf32>,
      %get3A_895 = vector.shape_cast %get3A_894 : vector<1x16xf32> to vector<16xf32>
      %mul3A_896 = vector.broadcast %squeeze3A_851 : f32 to vector<16xf32>
      %mul3A_897 = arith.mulf %get3A_895, %mul3A_896 : vector<16xf32>
      %swap3A_898 = arith.constant 98 : i32
      %swap3A_899 = arith.index_cast %swap3A_898 : i32 to index
      %swap3A_900 = arith.constant 112 : index
      %swap3A_901 = tpu.vector_load %arg11[%swap3A_899, %swap3A_900] {strides = array<i32>} : memref<100x128xf32, #tpu.memory_space<vmem>>, vector<1x16xf32>,
      %swap3A_902 = vector.shape_cast %swap3A_901 : vector<1x16xf32> to vector<16xf32>
      %swap3A_903 = vector.shape_cast %mul3A_897 : vector<16xf32> to vector<1x16xf32>
      tpu.vector_store %arg11[%swap3A_899, %swap3A_900], %swap3A_903 {strides = array<i32>} : memref<100x128xf32, #tpu.memory_space<vmem>>, vector<1x16xf32>,
      %slice3A_904 = vector.extract_strided_slice %get3A_579 {offsets = [14], sizes = [1], strides = [1]} : vector<16xf32> to vector<1xf32>
      %squeeze3A_905 = vector.extract %slice3A_904[0] : f32 from vector<1xf32>
      %get3A_906 = arith.constant 198 : i32
      %get3A_907 = arith.index_cast %get3A_906 : i32 to index
      %get3A_908 = arith.constant 0 : index
      %get3A_909 = tpu.vector_load %arg9[%get3A_907, %get3A_908] {strides = array<i32>} : memref<200x64xf32, #tpu.memory_space<vmem>>, vector<1x16xf32>,
      %get3A_910 = vector.shape_cast %get3A_909 : vector<1x16xf32> to vector<16xf32>
      %mul3A_911 = vector.broadcast %squeeze3A_905 : f32 to vector<16xf32>
      %mul3A_912 = arith.mulf %get3A_910, %mul3A_911 : vector<16xf32>
      %swap3A_913 = arith.constant 99 : i32
      %swap3A_914 = arith.index_cast %swap3A_913 : i32 to index
      %swap3A_915 = arith.constant 0 : index
      %swap3A_916 = tpu.vector_load %arg11[%swap3A_914, %swap3A_915] {strides = array<i32>} : memref<100x128xf32, #tpu.memory_space<vmem>>, vector<1x16xf32>,
      %swap3A_917 = vector.shape_cast %swap3A_916 : vector<1x16xf32> to vector<16xf32>
      %swap3A_918 = vector.shape_cast %mul3A_912 : vector<16xf32> to vector<1x16xf32>
      tpu.vector_store %arg11[%swap3A_914, %swap3A_915], %swap3A_918 {strides = array<i32>} : memref<100x128xf32, #tpu.memory_space<vmem>>, vector<1x16xf32>,
      %get3A_919 = arith.constant 198 : i32
      %get3A_920 = arith.index_cast %get3A_919 : i32 to index
      %get3A_921 = arith.constant 16 : index
      %get3A_922 = tpu.vector_load %arg9[%get3A_920, %get3A_921] {strides = array<i32>} : memref<200x64xf32, #tpu.memory_space<vmem>>, vector<1x16xf32>,
      %get3A_923 = vector.shape_cast %get3A_922 : vector<1x16xf32> to vector<16xf32>
      %mul3A_924 = vector.broadcast %squeeze3A_905 : f32 to vector<16xf32>
      %mul3A_925 = arith.mulf %get3A_923, %mul3A_924 : vector<16xf32>
      %swap3A_926 = arith.constant 99 : i32
      %swap3A_927 = arith.index_cast %swap3A_926 : i32 to index
      %swap3A_928 = arith.constant 16 : index
      %swap3A_929 = tpu.vector_load %arg11[%swap3A_927, %swap3A_928] {strides = array<i32>} : memref<100x128xf32, #tpu.memory_space<vmem>>, vector<1x16xf32>,
      %swap3A_930 = vector.shape_cast %swap3A_929 : vector<1x16xf32> to vector<16xf32>
      %swap3A_931 = vector.shape_cast %mul3A_925 : vector<16xf32> to vector<1x16xf32>
      tpu.vector_store %arg11[%swap3A_927, %swap3A_928], %swap3A_931 {strides = array<i32>} : memref<100x128xf32, #tpu.memory_space<vmem>>, vector<1x16xf32>,
      %get3A_932 = arith.constant 198 : i32
      %get3A_933 = arith.index_cast %get3A_932 : i32 to index
      %get3A_934 = arith.constant 32 : index
      %get3A_935 = tpu.vector_load %arg9[%get3A_933, %get3A_934] {strides = array<i32>} : memref<200x64xf32, #tpu.memory_space<vmem>>, vector<1x16xf32>,
      %get3A_936 = vector.shape_cast %get3A_935 : vector<1x16xf32> to vector<16xf32>
      %mul3A_937 = vector.broadcast %squeeze3A_905 : f32 to vector<16xf32>
      %mul3A_938 = arith.mulf %get3A_936, %mul3A_937 : vector<16xf32>
      %swap3A_939 = arith.constant 99 : i32
      %swap3A_940 = arith.index_cast %swap3A_939 : i32 to index
      %swap3A_941 = arith.constant 32 : index
      %swap3A_942 = tpu.vector_load %arg11[%swap3A_940, %swap3A_941] {strides = array<i32>} : memref<100x128xf32, #tpu.memory_space<vmem>>, vector<1x16xf32>,
      %swap3A_943 = vector.shape_cast %swap3A_942 : vector<1x16xf32> to vector<16xf32>
      %swap3A_944 = vector.shape_cast %mul3A_938 : vector<16xf32> to vector<1x16xf32>
      tpu.vector_store %arg11[%swap3A_940, %swap3A_941], %swap3A_944 {strides = array<i32>} : memref<100x128xf32, #tpu.memory_space<vmem>>, vector<1x16xf32>,
      %get3A_945 = arith.constant 198 : i32
      %get3A_946 = arith.index_cast %get3A_945 : i32 to index
      %get3A_947 = arith.constant 48 : index
      %get3A_948 = tpu.vector_load %arg9[%get3A_946, %get3A_947] {strides = array<i32>} : memref<200x64xf32, #tpu.memory_space<vmem>>, vector<1x16xf32>,
      %get3A_949 = vector.shape_cast %get3A_948 : vector<1x16xf32> to vector<16xf32>
      %mul3A_950 = vector.broadcast %squeeze3A_905 : f32 to vector<16xf32>
      %mul3A_951 = arith.mulf %get3A_949, %mul3A_950 : vector<16xf32>
      %swap3A_952 = arith.constant 99 : i32
      %swap3A_953 = arith.index_cast %swap3A_952 : i32 to index
      %swap3A_954 = arith.constant 48 : index
      %swap3A_955 = tpu.vector_load %arg11[%swap3A_953, %swap3A_954] {strides = array<i32>} : memref<100x128xf32, #tpu.memory_space<vmem>>, vector<1x16xf32>,
      %swap3A_956 = vector.shape_cast %swap3A_955 : vector<1x16xf32> to vector<16xf32>
      %swap3A_957 = vector.shape_cast %mul3A_951 : vector<16xf32> to vector<1x16xf32>
      tpu.vector_store %arg11[%swap3A_953, %swap3A_954], %swap3A_957 {strides = array<i32>} : memref<100x128xf32, #tpu.memory_space<vmem>>, vector<1x16xf32>,
      %slice3A_958 = vector.extract_strided_slice %get3A_579 {offsets = [15], sizes = [1], strides = [1]} : vector<16xf32> to vector<1xf32>
      %squeeze3A_959 = vector.extract %slice3A_958[0] : f32 from vector<1xf32>
      %get3A_960 = arith.constant 199 : i32
      %get3A_961 = arith.index_cast %get3A_960 : i32 to index
      %get3A_962 = arith.constant 0 : index
      %get3A_963 = tpu.vector_load %arg9[%get3A_961, %get3A_962] {strides = array<i32>} : memref<200x64xf32, #tpu.memory_space<vmem>>, vector<1x16xf32>,
      %get3A_964 = vector.shape_cast %get3A_963 : vector<1x16xf32> to vector<16xf32>
      %mul3A_965 = vector.broadcast %squeeze3A_959 : f32 to vector<16xf32>
      %mul3A_966 = arith.mulf %get3A_964, %mul3A_965 : vector<16xf32>
      %swap3A_967 = arith.constant 99 : i32
      %swap3A_968 = arith.index_cast %swap3A_967 : i32 to index
      %swap3A_969 = arith.constant 64 : index
      %swap3A_970 = tpu.vector_load %arg11[%swap3A_968, %swap3A_969] {strides = array<i32>} : memref<100x128xf32, #tpu.memory_space<vmem>>, vector<1x16xf32>,
      %swap3A_971 = vector.shape_cast %swap3A_970 : vector<1x16xf32> to vector<16xf32>
      %swap3A_972 = vector.shape_cast %mul3A_966 : vector<16xf32> to vector<1x16xf32>
      tpu.vector_store %arg11[%swap3A_968, %swap3A_969], %swap3A_972 {strides = array<i32>} : memref<100x128xf32, #tpu.memory_space<vmem>>, vector<1x16xf32>,
      %get3A_973 = arith.constant 199 : i32
      %get3A_974 = arith.index_cast %get3A_973 : i32 to index
      %get3A_975 = arith.constant 16 : index
      %get3A_976 = tpu.vector_load %arg9[%get3A_974, %get3A_975] {strides = array<i32>} : memref<200x64xf32, #tpu.memory_space<vmem>>, vector<1x16xf32>,
      %get3A_977 = vector.shape_cast %get3A_976 : vector<1x16xf32> to vector<16xf32>
      %mul3A_978 = vector.broadcast %squeeze3A_959 : f32 to vector<16xf32>
      %mul3A_979 = arith.mulf %get3A_977, %mul3A_978 : vector<16xf32>
      %swap3A_980 = arith.constant 99 : i32
      %swap3A_981 = arith.index_cast %swap3A_980 : i32 to index
      %swap3A_982 = arith.constant 80 : index
      %swap3A_983 = tpu.vector_load %arg11[%swap3A_981, %swap3A_982] {strides = array<i32>} : memref<100x128xf32, #tpu.memory_space<vmem>>, vector<1x16xf32>,
      %swap3A_984 = vector.shape_cast %swap3A_983 : vector<1x16xf32> to vector<16xf32>
      %swap3A_985 = vector.shape_cast %mul3A_979 : vector<16xf32> to vector<1x16xf32>
      tpu.vector_store %arg11[%swap3A_981, %swap3A_982], %swap3A_985 {strides = array<i32>} : memref<100x128xf32, #tpu.memory_space<vmem>>, vector<1x16xf32>,
      %get3A_986 = arith.constant 199 : i32
      %get3A_987 = arith.index_cast %get3A_986 : i32 to index
      %get3A_988 = arith.constant 32 : index
      %get3A_989 = tpu.vector_load %arg9[%get3A_987, %get3A_988] {strides = array<i32>} : memref<200x64xf32, #tpu.memory_space<vmem>>, vector<1x16xf32>,
      %get3A_990 = vector.shape_cast %get3A_989 : vector<1x16xf32> to vector<16xf32>
      %mul3A_991 = vector.broadcast %squeeze3A_959 : f32 to vector<16xf32>
      %mul3A_992 = arith.mulf %get3A_990, %mul3A_991 : vector<16xf32>
      %swap3A_993 = arith.constant 99 : i32
      %swap3A_994 = arith.index_cast %swap3A_993 : i32 to index
      %swap3A_995 = arith.constant 96 : index
      %swap3A_996 = tpu.vector_load %arg11[%swap3A_994, %swap3A_995] {strides = array<i32>} : memref<100x128xf32, #tpu.memory_space<vmem>>, vector<1x16xf32>,
      %swap3A_997 = vector.shape_cast %swap3A_996 : vector<1x16xf32> to vector<16xf32>
      %swap3A_998 = vector.shape_cast %mul3A_992 : vector<16xf32> to vector<1x16xf32>
      tpu.vector_store %arg11[%swap3A_994, %swap3A_995], %swap3A_998 {strides = array<i32>} : memref<100x128xf32, #tpu.memory_space<vmem>>, vector<1x16xf32>,
      %get3A_999 = arith.constant 199 : i32
      %get3A_1000 = arith.index_cast %get3A_999 : i32 to index
      %get3A_1001 = arith.constant 48 : index
      %get3A_1002 = tpu.vector_load %arg9[%get3A_1000, %get3A_1001] {strides = array<i32>} : memref<200x64xf32, #tpu.memory_space<vmem>>, vector<1x16xf32>,
      %get3A_1003 = vector.shape_cast %get3A_1002 : vector<1x16xf32> to vector<16xf32>
      %mul3A_1004 = vector.broadcast %squeeze3A_959 : f32 to vector<16xf32>
      %mul3A_1005 = arith.mulf %get3A_1003, %mul3A_1004 : vector<16xf32>
      %swap3A_1006 = arith.constant 99 : i32
      %swap3A_1007 = arith.index_cast %swap3A_1006 : i32 to index
      %swap3A_1008 = arith.constant 112 : index
      %swap3A_1009 = tpu.vector_load %arg11[%swap3A_1007, %swap3A_1008] {strides = array<i32>} : memref<100x128xf32, #tpu.memory_space<vmem>>, vector<1x16xf32>,
      %swap3A_1010 = vector.shape_cast %swap3A_1009 : vector<1x16xf32> to vector<16xf32>
      %swap3A_1011 = vector.shape_cast %mul3A_1005 : vector<16xf32> to vector<1x16xf32>
      tpu.vector_store %arg11[%swap3A_1007, %swap3A_1008], %swap3A_1011 {strides = array<i32>} : memref<100x128xf32, #tpu.memory_space<vmem>>, vector<1x16xf32>,
      %add3A_1012 = arith.addi %mul3A_2, %add3A_543 : i32
      %dma_start3A_1013 = arith.constant 0 : i32
      %dma_start3A_1014 = arith.constant 0 : i32
      %dma_start3A_1015 = tpu.memref_slice %arg5[%add3A_1012, %dma_start3A_1013, %dma_start3A_1014] : memref<4096x100x128xf32, #tpu.memory_space<hbm>> -> memref<1x100x128xf32, #tpu.memory_space<hbm>>
      %dma_start3A_1016 = tpu.memref_squeeze %dma_start3A_1015 : memref<1x100x128xf32, #tpu.memory_space<hbm>> -> memref<100x128xf32, #tpu.memory_space<hbm>>
      %dma_start3A_1017 = arith.constant 0 : i32
      %dma_start3A_1018 = arith.constant 0 : i32
      %dma_start3A_1019 = tpu.memref_slice %arg5[%add3A_1012, %dma_start3A_1017, %dma_start3A_1018] : memref<4096x100x128xf32, #tpu.memory_space<hbm>> -> memref<1x100x128xf32, #tpu.memory_space<hbm>>
      %dma_start3A_1020 = tpu.memref_squeeze %dma_start3A_1019 : memref<1x100x128xf32, #tpu.memory_space<hbm>> -> memref<100x128xf32, #tpu.memory_space<hbm>>
      tpu.enqueue_dma source(%arg11 : memref<100x128xf32, #tpu.memory_space<vmem>>) target(%dma_start3A_1020 : memref<100x128xf32, #tpu.memory_space<hbm>>) target_semaphore(%arg15 : memref<!tpu.dma_semaphore, #tpu.memory_space<semaphore_mem>>)
      %add3A_1021 = arith.constant 2 : i32
      %add3A_1022 = arith.addi %add3A_543, %add3A_1021 : i32
      %lt3A_1023 = arith.constant 128 : i32
      %lt3A_1024 = arith.cmpi slt, %add3A_1022, %lt3A_1023 : i32
      %convert_element_type3A_1025 = arith.extui %lt3A_1024 : i1 to i32
      %cond3A_1026 = arith.constant 0 : i32
      %cond3A_1027 = arith.cmpi ne, %convert_element_type3A_1025, %cond3A_1026 : i32
      scf.if %cond3A_1027 {
        %add3A_1028 = arith.constant 2 : i32
        %add3A_1029 = arith.addi %add3A_543, %add3A_1028 : i32
        %mul3A_1030 = arith.constant 200 : i32
        %mul3A_1031 = arith.muli %add3A_1029, %mul3A_1030 : i32
        %mul3A_1032 = arith.constant 200 : i32
        %mul3A_1033 = arith.muli %add3A_1029, %mul3A_1032 : i32
        %add3A_1034 = arith.constant 104 : i32
        %add3A_1035 = arith.addi %mul3A_1033, %add3A_1034 : i32
        %dma_start3A_1036 = arith.constant 0 : i32
        %dma_start3A_1037 = arith.constant 0 : i32
        %dma_start3A_1038 = tpu.memref_slice %arg9[%dma_start3A_1036, %dma_start3A_1037] : memref<200x64xf32, #tpu.memory_space<vmem>> -> memref<104x64xf32, #tpu.memory_space<vmem>>
        %dma_start3A_1039 = tpu.memref_slice %arg6[%mul3A_1031] : memref<25600xi32, #tpu.memory_space<vmem>> -> memref<104xi32, #tpu.memory_space<vmem>>
        %dma_start3A_1040 = arith.constant 0 : i32
        %dma_start3A_1041 = arith.constant 0 : i32
        %dma_start3A_1042 = tpu.memref_slice %arg4[%dma_start3A_1040, %dma_start3A_1041] : memref<100000x64xf32, #tpu.memory_space<hbm>> -> memref<100000x64xf32, #tpu.memory_space<hbm>>
        tpu.enqueue_indirect_dma source(%dma_start3A_1042 : memref<100000x64xf32, #tpu.memory_space<hbm>>) target(%dma_start3A_1038 : memref<104x64xf32, #tpu.memory_space<vmem>>) offsets(%dma_start3A_1039 : memref<104xi32, #tpu.memory_space<vmem>>) semaphore(%arg13 : memref<!tpu.dma_semaphore, #tpu.memory_space<semaphore_mem>>)
        %dma_start3A_1043 = arith.constant 104 : i32
        %dma_start3A_1044 = arith.constant 0 : i32
        %dma_start3A_1045 = tpu.memref_slice %arg9[%dma_start3A_1043, %dma_start3A_1044] : memref<200x64xf32, #tpu.memory_space<vmem>> -> memref<96x64xf32, #tpu.memory_space<vmem>>
        %dma_start3A_1046 = tpu.memref_slice %arg6[%add3A_1035] : memref<25600xi32, #tpu.memory_space<vmem>> -> memref<96xi32, #tpu.memory_space<vmem>>
        %dma_start3A_1047 = arith.constant 0 : i32
        %dma_start3A_1048 = arith.constant 0 : i32
        %dma_start3A_1049 = tpu.memref_slice %arg4[%dma_start3A_1047, %dma_start3A_1048] : memref<100000x64xf32, #tpu.memory_space<hbm>> -> memref<100000x64xf32, #tpu.memory_space<hbm>>
        tpu.enqueue_indirect_dma source(%dma_start3A_1049 : memref<100000x64xf32, #tpu.memory_space<hbm>>) target(%dma_start3A_1045 : memref<96x64xf32, #tpu.memory_space<vmem>>) offsets(%dma_start3A_1046 : memref<96xi32, #tpu.memory_space<vmem>>) semaphore(%arg13 : memref<!tpu.dma_semaphore, #tpu.memory_space<semaphore_mem>>)
      } else {
      }
    }
    %scan3A_39 = arith.constant 64 : i32
    %add3A_40 = arith.constant 126 : i32
    %add3A_41 = arith.addi %mul3A_2, %add3A_40 : i32
    %dma_wait3A = arith.constant 0 : i32
    %dma_wait3A_42 = arith.constant 0 : i32
    %dma_wait3A_43 = tpu.memref_slice %arg5[%add3A_41, %dma_wait3A, %dma_wait3A_42] : memref<4096x100x128xf32, #tpu.memory_space<hbm>> -> memref<1x100x128xf32, #tpu.memory_space<hbm>>
    %dma_wait3A_44 = tpu.memref_squeeze %dma_wait3A_43 : memref<1x100x128xf32, #tpu.memory_space<hbm>> -> memref<100x128xf32, #tpu.memory_space<hbm>>
    %dma_wait3A_45 = arith.constant 0 : i32
    %dma_wait3A_46 = arith.constant 0 : i32
    %dma_wait3A_47 = tpu.memref_slice %arg5[%add3A_41, %dma_wait3A_45, %dma_wait3A_46] : memref<4096x100x128xf32, #tpu.memory_space<hbm>> -> memref<1x100x128xf32, #tpu.memory_space<hbm>>
    %dma_wait3A_48 = tpu.memref_squeeze %dma_wait3A_47 : memref<1x100x128xf32, #tpu.memory_space<hbm>> -> memref<100x128xf32, #tpu.memory_space<hbm>>
    tpu.wait_dma2 semaphore(%arg14 : memref<!tpu.dma_semaphore, #tpu.memory_space<semaphore_mem>>) src(%arg10 : memref<100x128xf32, #tpu.memory_space<vmem>>) dst(%dma_wait3A_48 : memref<100x128xf32, #tpu.memory_space<hbm>>)
    %add3A_49 = arith.constant 127 : i32
    %add3A_50 = arith.addi %mul3A_2, %add3A_49 : i32
    %dma_wait3A_51 = arith.constant 0 : i32
    %dma_wait3A_52 = arith.constant 0 : i32
    %dma_wait3A_53 = tpu.memref_slice %arg5[%add3A_50, %dma_wait3A_51, %dma_wait3A_52] : memref<4096x100x128xf32, #tpu.memory_space<hbm>> -> memref<1x100x128xf32, #tpu.memory_space<hbm>>
    %dma_wait3A_54 = tpu.memref_squeeze %dma_wait3A_53 : memref<1x100x128xf32, #tpu.memory_space<hbm>> -> memref<100x128xf32, #tpu.memory_space<hbm>>
    %dma_wait3A_55 = arith.constant 0 : i32
    %dma_wait3A_56 = arith.constant 0 : i32
    %dma_wait3A_57 = tpu.memref_slice %arg5[%add3A_50, %dma_wait3A_55, %dma_wait3A_56] : memref<4096x100x128xf32, #tpu.memory_space<hbm>> -> memref<1x100x128xf32, #tpu.memory_space<hbm>>
    %dma_wait3A_58 = tpu.memref_squeeze %dma_wait3A_57 : memref<1x100x128xf32, #tpu.memory_space<hbm>> -> memref<100x128xf32, #tpu.memory_space<hbm>>
    tpu.wait_dma2 semaphore(%arg15 : memref<!tpu.dma_semaphore, #tpu.memory_space<semaphore_mem>>) src(%arg11 : memref<100x128xf32, #tpu.memory_space<vmem>>) dst(%dma_wait3A_58 : memref<100x128xf32, #tpu.memory_space<hbm>>)
    return
  }
}

</mosaic_0001>

<sc_bundles>
// kernel: kernel.3.cloned.1.call-start
scs
__scs_entry_jumppad:
0x0: {  	(pc) =	sbr.rel $0x88, $3  }
0x1: {  	(tag) =	ssettag $0x0;
	lr =	simm.s32 $0x1  }
0x2: {  	[smem:$0x3F9E] =	sst lr;
	_ =	strace $0xD0000000  }
0x3: {  	_ = 	snop  }
0x4: {  	_ = 	snop  }
0x5: {  	_ = 	snop  }
0x6: {  	_ = 	snop  }
0x7: {  	_ = 	snop  }
__scs_overlays_trampoline_lowered:
0x8: {  	[smem:$0x3FAD] =	sst s0  }
0x9: {  	[smem:$0x3FAE] =	sst s1  }
0xa: {  	[smem:$0x3FAF] =	sst s2  }
0xb: {  	[smem:$0x3FB0] =	sst s3  }
0xc: {  	[smem:$0x3FB1] =	sst s4  }
0xd: {  	[smem:$0x3FB2] =	sst s5  }
0xe: {  	[smem:$0x3FB3] =	sst s6  }
0xf: {  	[smem:$0x3FB4] =	sst s7  }
0x10: {  	[smem:$0x3FB5] =	sst s8  }
0x11: {  	[smem:$0x3FB6] =	sst s9;
	s0 =	simm.s32 @!p0 $0x0  }
0x12: {  	s1 =	sld [smem:$0x3F9C];
	s0 =	simm.s32 @p0 $0x1  }
0x13: {  	[smem:$0x3FB7] =	sst s0;
	s0 =	simm.s32 @!p1 $0x0  }
0x14: {  	s2 =	sld [smem:$0x3F9B];
	s0 =	simm.s32 @p1 $0x1  }
0x15: {  	[smem:$0x3FB8] =	sst s0;
	s0 =	simm.s32 @!p2 $0x0  }
0x16: {  	s3 =	sld [smem:$0x3FDB];
	s0 =	simm.s32 @p2 $0x1  }
0x17: {  	s4 =	simm.s32 $0x1BF5;
	[smem:$0x3FBA] =	sst s0  }
0x18: {  	s0 =	sld [smem:$0x3F9D];
	_ =	swait.ge [sflag:s4], $0x0  }
0x19: {  	s7 =	sld [smem:$0x3F9E]  }
0x1a: {  	s8 =	sadd.s32 $0xFFFFE003, lr  }
0x1b: {  	s9 =	sadd.s32 $0xFFFFFEF7, lr;
	s5 =	simm.s32 $0xFFFFFFFF;
	p2 =	slt.u32 s8, $0xFFFFF086  }
0x1c: {  	p1 =	slt.u32 s9, $0xF7A;
	s5 =	simm.s32 @!p2 $0x0  }
0x1d: {  	s5 =	simm.s32 @p1 $0x1;
	p0 =	seq.s32 s7, s2  }
0x1e: {  	s7 =	smul.u32 @!p0 $0xF7A, s2;
	p2 =	seq.s32 @!p0 s5, $0x0  }
0x1f: {  	s9 =	smul.u32 $0xF7A, s1;
	s8 =	simm.s32 @!p0 $0x1BF5;
	p2 =	por !p2, p0  }
0x20: {  	[sflag:s8] =	ssyncset.s32 @!p0 $0xFFFFF086;
	s6 =	sadd.s32 @!p0 s3, s7;
	s7 =	simm.s32 @!p0 $0x108  }
0x21: {  	s3 =	sadd.s32 s3, s9;
	s6 =	sadd.s32 @!p0 $0x88, s6;
	s7 =	simm.s32 @p2 $0x1082  }
0x22: {  	[simem:s7], [sflag:s8] =	dma.local @!p0 [hbm:s6], $0xF7A  }
0x23: {  	s9 =	sor.u32 $0xD0000000, s2;
	s6 =	simm.s32 $0x108;
	_ =	swait.ge @!p0 [sflag:s8], $0x0  }
0x24: {  	s3 =	sadd.s32 $0x88, s3;
	s6 =	simm.s32 @!p1 $0x1082;
	[sflag:s4] =	ssyncset.s32 $0xFFFFF086  }
0x25: {  	[simem:s6], [sflag:s4] =	dma.local [hbm:s3], $0xF7A  }
0x26: {  	[smem:$0x3F9E] =	sst s1;
	(tag) =	ssettag s2;
	_ =	strace s9  }
0x27: {  	s1 =	sld [smem:$0x3FAE]  }
0x28: {  	s2 =	sld [smem:$0x3FAF]  }
0x29: {  	s4 =	sld [smem:$0x3FB1]  }
0x2a: {  	p0 =	seq.s32 s5, $0x0;
	s5 =	sld [smem:$0x3FB2]  }
0x2b: {  	s6 =	sld [smem:$0x3FB3]  }
0x2c: {  	s7 =	sld [smem:$0x3FB4]  }
0x2d: {  	s3 =	simm.s32 $0x108;
	s8 =	sld [smem:$0x3FB5]  }
0x2e: {  	s3 =	simm.s32 @!p0 $0x1082;
	s9 =	sld [smem:$0x3FB6]  }
0x2f: {  	lr =	sadd.s32 s0, s3;
	s0 =	sld [smem:$0x3FAD]  }
0x30: {  	s3 =	sld [smem:$0x3FB0]  }
0x31: {  	[smem:$0x3FB9] =	sst s10  }
0x32: {  	s10 =	sld [smem:$0x3FB7];
	_ =	sdelay $0x3  }
0x33: {  	p0 =	seq.s32 s10, $0x1;
	s10 =	sld [smem:$0x3FB9];
	_ =	sdelay $0x3  }
0x34: {  	[smem:$0x3FB9] =	sst s10  }
0x35: {  	s10 =	sld [smem:$0x3FB8];
	_ =	sdelay $0x3  }
0x36: {  	p1 =	seq.s32 s10, $0x1;
	s10 =	sld [smem:$0x3FB9];
	_ =	sdelay $0x3  }
0x37: {  	[smem:$0x3FB9] =	sst s10  }
0x38: {  	s10 =	sld [smem:$0x3FBA]  }
0x39: {  	_ = 	snop;
	(pc) =	sbr.ind lr, $3  }
0x3a: {  	_ = 	snop  }
0x3b: {  	_ = 	snop  }
0x3c: {  	p2 =	seq.s32 s10, $0x1;
	s10 =	sld [smem:$0x3FB9]  }
0x3d: {  	_ =	shalt  }
0x3e: {  	_ =	shalt  }
0x3f: {  	_ =	shalt  }
0x40: {  	_ =	shalt  }
0x41: {  	_ =	shalt  }
0x42: {  	_ =	shalt  }
0x43: {  	_ =	shalt  }
0x44: {  	_ =	shalt  }
0x45: {  	_ =	shalt  }
0x46: {  	_ =	shalt  }
0x47: {  	_ =	shalt  }
0x48: {  	_ =	shalt  }
0x49: {  	_ =	shalt  }
0x4a: {  	_ =	shalt  }
0x4b: {  	_ =	shalt  }
0x4c: {  	_ =	shalt  }
0x4d: {  	_ =	shalt  }
0x4e: {  	_ =	shalt  }
0x4f: {  	_ =	shalt  }
0x50: {  	_ =	shalt  }
0x51: {  	_ =	shalt  }
0x52: {  	_ =	shalt  }
0x53: {  	_ =	shalt  }
0x54: {  	_ =	shalt  }
0x55: {  	_ =	shalt  }
0x56: {  	_ =	shalt  }
0x57: {  	_ =	shalt  }
0x58: {  	_ =	shalt  }
0x59: {  	_ =	shalt  }
0x5a: {  	_ =	shalt  }
0x5b: {  	_ =	shalt  }
0x5c: {  	_ =	shalt  }
0x5d: {  	_ =	shalt  }
0x5e: {  	_ =	shalt  }
0x5f: {  	_ =	shalt  }
0x60: {  	_ =	shalt  }
0x61: {  	_ =	shalt  }
0x62: {  	_ =	shalt  }
0x63: {  	_ =	shalt  }
0x64: {  	_ =	shalt  }
0x65: {  	_ =	shalt  }
0x66: {  	_ =	shalt  }
0x67: {  	_ =	shalt  }
0x68: {  	_ =	shalt  }
0x69: {  	_ =	shalt  }
0x6a: {  	_ =	shalt  }
0x6b: {  	_ =	shalt  }
0x6c: {  	_ =	shalt  }
0x6d: {  	_ =	shalt  }
0x6e: {  	_ =	shalt  }
0x6f: {  	_ =	shalt  }
0x70: {  	_ =	shalt  }
0x71: {  	_ =	shalt  }
0x72: {  	_ =	shalt  }
0x73: {  	_ =	shalt  }
0x74: {  	_ =	shalt  }
0x75: {  	_ =	shalt  }
0x76: {  	_ =	shalt  }
0x77: {  	_ =	shalt  }
0x78: {  	_ =	shalt  }
0x79: {  	_ =	shalt  }
0x7a: {  	_ =	shalt  }
0x7b: {  	_ =	shalt  }
0x7c: {  	_ =	shalt  }
0x7d: {  	_ =	shalt  }
0x7e: {  	_ =	shalt  }
0x7f: {  	_ =	shalt  }
0x80: {  	_ =	shalt  }
0x81: {  	_ =	shalt  }
0x82: {  	_ =	shalt  }
0x83: {  	_ =	shalt  }
0x84: {  	_ =	shalt  }
0x85: {  	_ =	shalt  }
0x86: {  	_ =	shalt  }
0x87: {  	_ =	shalt  }
.Lfunc_end0:
.L_simem_size_0:
called_computation.1_lowered:
.L_overlay_start_0:
0x88: {  	s2 =	sld [smem:$0x3FD9]  }
0x89: {  	s3 =	sld [smem:$0x3FFE];
	_ =	sdelay $0x1  }
0x8a: {  	s1 =	srdreg.scid  }
0x8b: {  	s0 =	sand.u32 $0x1, s1  }
0x8c: {  	s17 =	sshll.u32 s0, $0xA;
	s2 =	sadd.s32 s3, s2  }
0x8d: {  	s2 =	sadd.s32 s2, s17  }
0x8e: {  	[smem:$0x3FC5] =	sst s2  }
0x8f: {  	_ = 	snop  }
0x90: {  	s2 =	sld [smem:$0x3FD0];
	(tm) =	ssettm $0x1  }
0x91: {  	s18 =	sld [smem:$0x3FFB];
	_ =	sdelay $0x3  }
0x92: {  	_ =	strace s18  }
0x93: {  	s3 =	sld [smem:$0x3FFC];
	_ =	sdelay $0x3  }
0x94: {  	_ =	strace s3  }
0x95: {  	s3 =	sld [smem:$0x3FFD];
	_ =	sdelay $0x3  }
0x96: {  	_ =	strace s3  }
0x97: {  	_ =	strace $0x8FFFFFFF  }
0x98: {  	s19 =	sld [smem:$0x3FDB];
	_ =	sdelay $0x1  }
0x99: {  	s4 =	simm.s32 $_scs_section_size  }
0x9a: {  	s5 =	simm.s32 $_size__tile_overlayer_lowered;
	s6 =	simm.s32 $_tile_overlayer_lowered  }
0x9b: {  	s22 =	simm.s32 $0x1BFF;
	s21 =	sshll.u32 s6, $0x1;
	s3 =	sadd.s32 s4, s19  }
0x9c: {  	s7 =	simm.s32 $0x0;
	s20 =	sshll.u32 s5, $0x1;
	s5 =	sadd.s32 s21, s3  }
0x9d: {  	[timem:s7], [sflag:s22] =	dma.local [hbm:s5], s20  }
0x9e: {  	_ =	swait.ge [sflag:s22], s20  }
0x9f: {  	s4 =	ssub.s32 $0x0, s20;
	[sflag:s22] =	ssyncset.done $0x0  }
0xa0: {  	[sflag:s22] =	ssyncadd.s32 s4;
	_ =	sdelay $0x1  }
0xa1: {  	s23 =	simm.s32 $0x1B8B  }
0xa2: {  	_ =	swait.ge [sflag:s23], $0x1  }
0xa3: {  	[sflag:s23] =	ssyncset.done $0x0  }
0xa4: {  	s25 =	simm.s32 $0x1B8E;
	s24 =	sld [smem:$0x3FFE];
	[sflag:s23] =	ssyncadd.s32 $0xFFFFFFFF  }
0xa5: {  	s26 =	simm.s32 $execute0_lowered;
	[smem:$0x3FD2] =	sst s25  }
0xa6: {  	s5 =	sshll.u32 s26, $0x1;
	_ =	strace $0x80000046;
	[dreg:$0x1] =	wrdreg $0xFFFFFFFF  }
0xa7: {  	s28 =	simm.s32 $_size_execute0_lowered;
	s3 =	sadd.s32 s3, s5;
	[dreg:$0x0] =	wrdreg $0x0  }
0xa8: {  	s5 =	sshll.u32 s28, $0x1;
	[dreg:$0x2] =	wrdreg s3  }
0xa9: {  	[dreg:$0x3] =	wrdreg s5  }
0xaa: {  	[dreg:$0x4] =	wrdreg $0xC0  }
0xab: {  	_ =	task [dreg:s7], $0x5FFFF  }
0xac: {  	[dreg:$0x1] =	wrdreg $0xFFFFFFFF  }
0xad: {  	[dreg:$0x0] =	wrdreg $0x60  }
0xae: {  	[dreg:$0x2] =	wrdreg s24  }
0xaf: {  	[dreg:$0x3] =	wrdreg s2  }
0xb0: {  	[dreg:$0x4] =	wrdreg $0x9  }
0xb1: {  	_ =	task.clear_ibuf [dreg:s7], $0x5FFFF;
	_ =	strace $0x90000046  }
0xb2: {  	s29 =	simm.s32 $0x9;
	_ =	strace $0x80000048  }
0xb3: {  	_ =	swait.ge [sflag:s29], $0x1  }
0xb4: {  	[sflag:s29] =	ssyncadd.s32 $0xFFFFFFFF  }
0xb5: {  	_ =	strace $0x90000048  }
0xb6: {  	_ =	sfence  }
0xb7: {  	s30 =	sld [smem:$0x0];
	_ =	sdelay $0x2  }
0xb8: {  	s31 =	sshll.u32 s1, $0xD;
	s1 =	sshrl.u32 s1, $0x2  }
0xb9: {  	s3 =	sand.u32 $0x4000, s31;
	s1 =	sadd.s32 s1, s30  }
0xba: {  	s0 =	sor.u32 s3, s0;
	s1 =	sshll.u32 s1, $0x11  }
0xbb: {  	s0 =	sor.u32 s1, s0  }
0xbc: {  	s0 =	sadd.s32 $0x8F2B, s0  }
0xbd: {  	[sflag:s0] =	ssyncadd.remote.s32 $0x1  }
0xbe: {  	_ =	sfence.sel $0xFFFF  }
0xbf: {  	[dreg:$0x0] =	wrdreg $0xFFFFFFFF;
	(pc) =	sbr.abs _section_cstart, $3  }
0xc0: {  	[dreg:$0x1] =	wrdreg $0xFFFFFFFF  }
0xc1: {  	_ =	task.clear_ibuf [dreg:s7], $0x2FFFF;
	_ =	strace $0x9FFFFFFF  }
0xc2: {  	(tm) =	ssettm $0x7FFFFFFF  }
0xc3: {  	_ =	shalt  }
tec
execute0_lowered:
.L_overlay_start_1:
0x0: {  	(tag) =	ssettag $0x1  }
0x1: {  	s0 =	rddreg [dreg:$0x0];
	s1 =	srdreg.scid  }
0x2: {  	s3 =	stileid.u32;
	s2 =	rddreg [dreg:$0x1];
	s9 =	simm.s32 $0x5  }
0x3: {  	s10 =	simm.s32 $0x68;
	s12 =	simm.s32 $0x60;
	s14 =	simm.s32 $0xC8  }
0x4: {  	s15 =	simm.s32 $0xFA00;
	s16 =	simm.s32 $0x130;
	s17 =	simm.s32 $0x11400  }
0x5: {  	s18 =	simm.s32 $0x1;
	s19 =	simm.s32 $0x12C00;
	s20 =	simm.s32 $0x2  }
0x6: {  	s21 =	simm.s32 $0x15E00;
	s22 =	simm.s32 $0x3;
	s23 =	simm.s32 $0x4  }
0x7: {  	s24 =	simm.s32 $0x0;
	s1 =	sand.u32 $0x1, s1;
	s4 =	sshll.u32 s3, $0x1  }
.Ltmp0:
0x8: {  	s3 =	simm.s32 $0x0;
	s5 =	sor.u32 s1, s4;
	(pc) =	sbr.rel .LBB2_1-.Ltmp0, $4  }
0x9: {  	[smem:$0x7FF] =	sst s3;
	s1 =	ssub.s32 $0x2, s1;
	s4 =	smul.u32 $0xC80, s5  }
0xa: {  	_ =	strace $0x80000047;
	s31 =	sshrl.u32 s1, $0x1;
	s5 =	sshll.u32 s5, $0x7  }
0xb: {  	s7 =	sadd.s32 s4, s0;
	s4 =	sadd.s32 $0x32A00, s0;
	s0 =	ssub.s32 s1, s31  }
0xc: {  	s6 =	sadd.s32 $0xA00, s7;
	s7 =	sadd.s32 $0x19A00, s7;
	s8 =	smax.u32 s0, $0x1  }
.LBB2_8:
0xd: {  	s24 =	sadd.s32 $0x1, s24  }
0xe: {  	_ =	swait.ge [sflag:s22], $0x3200;
	p0 =	sne.s32 s24, s8  }
.Ltmp1:
0xf: {  	[sflag:s22] =	ssyncset.done $0x0;
	(pc) =	sbr.rel @!p0 .LBB2_9-.Ltmp1, $4  }
0x10: {  	[sflag:s22] =	ssyncadd.s32 $0xFFFFCE00  }
0x11: {  	_ =	swait.ge [sflag:s23], $0x3200  }
0x12: {  	[sflag:s23] =	ssyncset.done $0x0  }
0x13: {  	[sflag:s23] =	ssyncadd.s32 $0xFFFFCE00  }
.LBB2_1:
0x14: {  	[tilespmem:s3], [sflag:$0x5] =	stream.linear.gather [hbm4b:s6+s3], $0x6400, $0x38;
	[tilespmem:$0x19000] =	vst v63  }
0x15: {  	_ =	swait.ge [sflag:s9], $0x6400  }
0x16: {  	[sflag:s9] =	ssyncset.done $0x0  }
0x17: {  	s11 =	simm.s32 $0x6400;
	[sflag:s9] =	ssyncadd.s32 $0xFFFF9C00  }
0x18: {  	[tilespmem:s11], [sflag:$0x5] =	stream.linear.gather [hbm4b:s7+s3], $0x6400, $0x38;
	[tilespmem:$0x19000] =	vst v63  }
0x19: {  	_ =	swait.ge [sflag:s9], $0x6400  }
0x1a: {  	[sflag:s9] =	ssyncset.done $0x0  }
0x1b: {  	s0 =	simm.s32 $0xC800;
	[sflag:s9] =	ssyncadd.s32 $0xFFFF9C00  }
0x1c: {  	[tilespmem:s0], [sflag:$0x1] =	stream.indirect.gather [hbm4b:s4+s10], $0x40, s3, s10, $0xb8;
	[tilespmem:$0x19000] =	vst v63  }
0x1d: {  	s31 =	simm.s32 $0xE200  }
0x1e: {  	[tilespmem:s31], [sflag:$0x1] =	stream.indirect.gather [hbm4b:s4+s12], $0x40, s10, s12, $0xb8;
	[tilespmem:$0x19000] =	vst v63  }
0x1f: {  	_ = 	snop  }
0x20: {  	[tilespmem:s15], [sflag:$0x2] =	stream.indirect.gather [hbm4b:s4+s10], $0x40, s14, s10, $0xb8;
	[tilespmem:$0x19000] =	vst v63  }
0x21: {  	s26 =	simm.s32 $0x64C8;
	s28 =	simm.s32 $0x0  }
0x22: {  	[tilespmem:s17], [sflag:$0x2] =	stream.indirect.gather [hbm4b:s4+s12], $0x40, s16, s12, $0xb8;
	[tilespmem:$0x19000] =	vst v63  }
.LBB2_2:
0x23: {  	_ =	swait.ge [sflag:s18], $0x1A00  }
0x24: {  	[sflag:s18] =	ssyncset.done $0x0  }
0x25: {  	[sflag:s18] =	ssyncadd.s32 $0xFFFFE600  }
0x26: {  	_ =	swait.ge [sflag:s18], $0x1800  }
0x27: {  	p0 =	seq.s32 s28, $0x0;
	[sflag:s18] =	ssyncset.done $0x0  }
0x28: {  	s0 =	simm.s32 @!p0 $0x3;
	[sflag:s18] =	ssyncadd.s32 $0xFFFFE800  }
0x29: {  	_ =	swait.ge @!p0 [sflag:s0], $0x3200  }
0x2a: {  	[sflag:s0] =	ssyncset.done @!p0 $0x0  }
0x2b: {  	s1 =	simm.s32 $0x0;
	[sflag:s0] =	ssyncadd.s32 @!p0 $0xFFFFCE00  }
0x2c: {  	v24 =	vld [tilespmem:s1+$0xC800]  }
0x2d: {  	v25 =	vld [tilespmem:s1+$0xC810]  }
0x2e: {  	v23 =	vld [tilespmem:s1+$0xC820]  }
0x2f: {  	v22 =	vld [tilespmem:s1+$0xC830]  }
0x30: {  	v20 =	vld [tilespmem:s1+$0xC840]  }
0x31: {  	v21 =	vld [tilespmem:s1+$0xC850]  }
0x32: {  	v19 =	vld [tilespmem:s1+$0xC860]  }
0x33: {  	v18 =	vld [tilespmem:s1+$0xC870]  }
0x34: {  	v16 =	vld [tilespmem:s1+$0xC880]  }
0x35: {  	v17 =	vld [tilespmem:s1+$0xC890]  }
0x36: {  	v15 =	vld [tilespmem:s1+$0xC8A0]  }
0x37: {  	v14 =	vld [tilespmem:s1+$0xC8B0]  }
0x38: {  	v12 =	vld [tilespmem:s1+$0xC8C0]  }
0x39: {  	v13 =	vld [tilespmem:s1+$0xC8D0]  }
0x3a: {  	v10 =	vld [tilespmem:s1+$0xC8E0]  }
0x3b: {  	v11 =	vld [tilespmem:s1+$0xC8F0]  }
0x3c: {  	v8 =	vld [tilespmem:s1+$0xC900]  }
0x3d: {  	v9 =	vld [tilespmem:s1+$0xC910]  }
0x3e: {  	v7 =	vld [tilespmem:s1+$0xC920]  }
0x3f: {  	v6 =	vld [tilespmem:s1+$0xC930]  }
0x40: {  	v4 =	vld [tilespmem:s1+$0xC940]  }
0x41: {  	v5 =	vld [tilespmem:s1+$0xC950]  }
0x42: {  	v2 =	vld [tilespmem:s1+$0xC960]  }
0x43: {  	s31 =	smul.u32 $0x640, s28;
	v3 =	vld [tilespmem:s1+$0xC970]  }
0x44: {  	s30 =	sshll.u32 s28, $0x1;
	v1 =	vld [tilespmem:s1+$0xC980]  }
0x45: {  	s25 =	smov.u32 s11;
	s29 =	sshra.s32 s31, $0x2;
	s0 =	simm.s32 $0x1000;
	v0 =	vld [tilespmem:s11+$0x0]  }
.LBB2_3:
0x46: {  	p1 =	sne.s32 s0, $0xB000;
	v26 =	vld [tilespmem:s1+$0xC990]  }
0x47: {  	v27 =	vld [tilespmem:s1+$0xC9A0]  }
0x48: {  	v28 =	vld [tilespmem:s1+$0xC9B0]  }
0x49: {  	v29 =	vld [tilespmem:s1+$0xC9C0]  }
0x4a: {  	v30 =	vbroadcast v0, $0x0;
	v31 =	vbroadcast v0, $0x1;
	v32 =	vld [tilespmem:s1+$0xC9D0]  }
0x4b: {  	v33 =	vbroadcast v0, $0x2;
	v34 =	vbroadcast v0, $0x3;
	v35 =	vld [tilespmem:s1+$0xC9E0]  }
0x4c: {  	v24 =	vmul.f32 v30, v24;
	v25 =	vmul.f32 v25, v30;
	v36 =	vld [tilespmem:s1+$0xC9F0]  }
0x4d: {  	v23 =	vmul.f32 v23, v30;
	v22 =	vmul.f32 v22, v30;
	v30 =	vld [tilespmem:s1+$0xCA00]  }
0x4e: {  	v20 =	vmul.f32 v20, v31;
	v21 =	vmul.f32 v21, v31;
	[tilespmem:s1+$0x12C00] =	vst v24;
	v24 =	vld [tilespmem:s1+$0xCA10]  }
0x4f: {  	v19 =	vmul.f32 v19, v31;
	v18 =	vmul.f32 v18, v31;
	[tilespmem:s1+$0x12C10] =	vst v25;
	v25 =	vld [tilespmem:s1+$0xCA20]  }
0x50: {  	v16 =	vmul.f32 v16, v33;
	v17 =	vmul.f32 v17, v33;
	[tilespmem:s1+$0x12C20] =	vst v23;
	v23 =	vld [tilespmem:s1+$0xCA30]  }
0x51: {  	v15 =	vmul.f32 v15, v33;
	v14 =	vmul.f32 v14, v33;
	[tilespmem:s1+$0x12C30] =	vst v22;
	v22 =	vld [tilespmem:s1+$0xCA40]  }
0x52: {  	v12 =	vmul.f32 v12, v34;
	v13 =	vmul.f32 v13, v34;
	[tilespmem:s1+$0x12C40] =	vst v20;
	v20 =	vld [tilespmem:s1+$0xCA50]  }
0x53: {  	v10 =	vmul.f32 v10, v34;
	v11 =	vmul.f32 v11, v34;
	[tilespmem:s1+$0x12C50] =	vst v21;
	v21 =	vld [tilespmem:s1+$0xCA60]  }
0x54: {  	v31 =	vbroadcast v0, $0x5;
	[tilespmem:s1+$0x12C60] =	vst v19;
	v19 =	vbroadcast v0, $0x4;
	v33 =	vld [tilespmem:s1+$0xCA70]  }
0x55: {  	v34 =	vbroadcast v0, $0x7;
	[tilespmem:s1+$0x12C70] =	vst v18;
	v18 =	vbroadcast v0, $0x6;
	v37 =	vld [tilespmem:s1+$0xCA80]  }
0x56: {  	[tilespmem:s1+$0x12C80] =	vst v16;
	v8 =	vmul.f32 v8, v19;
	v9 =	vmul.f32 v9, v19;
	v16 =	vld [tilespmem:s1+$0xCA90]  }
0x57: {  	v7 =	vmul.f32 v7, v19;
	v6 =	vmul.f32 v6, v19;
	[tilespmem:s1+$0x12C90] =	vst v17;
	v17 =	vld [tilespmem:s1+$0xCAA0]  }
0x58: {  	v4 =	vmul.f32 v4, v31;
	v5 =	vmul.f32 v5, v31;
	[tilespmem:s1+$0x12CA0] =	vst v15;
	v15 =	vld [tilespmem:s1+$0xCAB0]  }
0x59: {  	v2 =	vmul.f32 v2, v31;
	v3 =	vmul.f32 v3, v31;
	[tilespmem:s1+$0x12CB0] =	vst v14;
	v14 =	vld [tilespmem:s1+$0xCAC0]  }
0x5a: {  	v1 =	vmul.f32 v1, v18;
	[tilespmem:s1+$0x12CC0] =	vst v12;
	v12 =	vmul.f32 v26, v18;
	v19 =	vld [tilespmem:s1+$0xCAD0]  }
0x5b: {  	[tilespmem:s1+$0x12CD0] =	vst v13;
	v13 =	vmul.f32 v27, v18;
	v18 =	vmul.f32 v28, v18;
	v26 =	vld [tilespmem:s1+$0xCAE0]  }
0x5c: {  	v27 =	vmul.f32 v32, v34;
	[tilespmem:s1+$0x12CE0] =	vst v10;
	v10 =	vmul.f32 v29, v34;
	v28 =	vld [tilespmem:s1+$0xCAF0]  }
0x5d: {  	v29 =	vmul.f32 v36, v34;
	[tilespmem:s1+$0x12CF0] =	vst v11;
	v11 =	vmul.f32 v35, v34;
	v31 =	vld [tilespmem:s1+$0xCB00]  }
0x5e: {  	v32 =	vbroadcast v0, $0x9;
	[tilespmem:s1+$0x12D00] =	vst v8;
	v8 =	vbroadcast v0, $0x8;
	v34 =	vld [tilespmem:s1+$0xCB10]  }
0x5f: {  	v35 =	vbroadcast v0, $0xB;
	[tilespmem:s1+$0x12D10] =	vst v9;
	v9 =	vbroadcast v0, $0xA;
	v36 =	vld [tilespmem:s1+$0xCB20]  }
0x60: {  	[tilespmem:s1+$0x12D20] =	vst v7;
	v7 =	vmul.f32 v30, v8;
	v24 =	vmul.f32 v24, v8;
	v30 =	vld [tilespmem:s1+$0xCB30]  }
0x61: {  	[tilespmem:s1+$0x12D30] =	vst v6;
	v6 =	vmul.f32 v25, v8;
	v8 =	vmul.f32 v23, v8;
	v23 =	vld [tilespmem:s1+$0xCB40]  }
0x62: {  	v20 =	vmul.f32 v20, v32;
	[tilespmem:s1+$0x12D40] =	vst v4;
	v4 =	vmul.f32 v22, v32;
	v22 =	vld [tilespmem:s1+$0xCB50]  }
0x63: {  	[tilespmem:s1+$0x12D50] =	vst v5;
	v5 =	vmul.f32 v21, v32;
	v21 =	vmul.f32 v33, v32;
	v25 =	vld [tilespmem:s1+$0xCB60]  }
0x64: {  	v16 =	vmul.f32 v16, v9;
	[tilespmem:s1+$0x12D60] =	vst v2;
	v2 =	vmul.f32 v37, v9;
	v32 =	vld [tilespmem:s1+$0xCB70]  }
0x65: {  	[tilespmem:s1+$0x12D70] =	vst v3;
	v3 =	vmul.f32 v17, v9;
	v9 =	vmul.f32 v15, v9;
	v15 =	vld [tilespmem:s1+$0xCB80]  }
0x66: {  	[tilespmem:s1+$0x12D80] =	vst v1;
	v1 =	vmul.f32 v14, v35;
	v14 =	vmul.f32 v19, v35;
	v17 =	vld [tilespmem:s1+$0xCB90]  }
0x67: {  	[tilespmem:s1+$0x12D90] =	vst v12;
	v12 =	vmul.f32 v26, v35;
	v26 =	vmul.f32 v28, v35;
	v19 =	vld [tilespmem:s1+$0xCBA0]  }
0x68: {  	v28 =	vbroadcast v0, $0xD;
	[tilespmem:s1+$0x12DA0] =	vst v13;
	v13 =	vbroadcast v0, $0xC;
	v33 =	vld [tilespmem:s1+$0xCBB0]  }
0x69: {  	[tilespmem:s1+$0x12DB0] =	vst v18;
	v18 =	vbroadcast v0, $0xE;
	v35 =	vld [tilespmem:s1+$0xCBC0];
	v0 =	vbroadcast v0, $0xF  }
0x6a: {  	[tilespmem:s1+$0x12DC0] =	vst v10;
	v10 =	vmul.f32 v31, v13;
	v31 =	vmul.f32 v34, v13;
	v34 =	vld [tilespmem:s1+$0xCBD0]  }
0x6b: {  	[tilespmem:s1+$0x12DD0] =	vst v27;
	v27 =	vmul.f32 v36, v13;
	v13 =	vmul.f32 v30, v13;
	v30 =	vld [tilespmem:s1+$0xCBE0]  }
0x6c: {  	v36 =	vmul.f32 v22, v28;
	[tilespmem:s1+$0x12DE0] =	vst v11;
	v11 =	vmul.f32 v23, v28;
	v22 =	vld [tilespmem:s1+$0xCBF0]  }
0x6d: {  	[tilespmem:s1+$0x12DF0] =	vst v29;
	v29 =	vmul.f32 v25, v28;
	v28 =	vmul.f32 v32, v28  }
0x6e: {  	v32 =	vmul.f32 v17, v18;
	[tilespmem:s1+$0x12E00] =	vst v7;
	v7 =	vmul.f32 v15, v18  }
0x6f: {  	v37 =	vmul.f32 v19, v18;
	v33 =	vmul.f32 v33, v18;
	[tilespmem:s1+$0x12E10] =	vst v24  }
0x70: {  	v35 =	vmul.f32 v35, v0;
	v34 =	vmul.f32 v34, v0;
	[tilespmem:s1+$0x12E20] =	vst v6  }
0x71: {  	v30 =	vmul.f32 v30, v0;
	[tilespmem:s1+$0x12E30] =	vst v8;
	v0 =	vmul.f32 v22, v0  }
0x72: {  	[tilespmem:s1+$0x12E40] =	vst v4  }
0x73: {  	[tilespmem:s1+$0x12E50] =	vst v20  }
0x74: {  	s13 =	sshra.s32 s0, $0x2;
	[tilespmem:s1+$0x12E60] =	vst v5  }
0x75: {  	v24 =	vld [tilespmem:s13+$0xC800];
	[tilespmem:s1+$0x12E70] =	vst v21  }
0x76: {  	v25 =	vld [tilespmem:s13+$0xC810];
	[tilespmem:s1+$0x12E80] =	vst v2  }
0x77: {  	v23 =	vld [tilespmem:s13+$0xC820];
	[tilespmem:s1+$0x12E90] =	vst v16  }
0x78: {  	v22 =	vld [tilespmem:s13+$0xC830];
	[tilespmem:s1+$0x12EA0] =	vst v3  }
0x79: {  	v20 =	vld [tilespmem:s13+$0xC840];
	[tilespmem:s1+$0x12EB0] =	vst v9  }
0x7a: {  	v21 =	vld [tilespmem:s13+$0xC850];
	[tilespmem:s1+$0x12EC0] =	vst v1  }
0x7b: {  	v19 =	vld [tilespmem:s13+$0xC860];
	[tilespmem:s1+$0x12ED0] =	vst v14  }
0x7c: {  	v18 =	vld [tilespmem:s13+$0xC870];
	[tilespmem:s1+$0x12EE0] =	vst v12  }
0x7d: {  	v16 =	vld [tilespmem:s13+$0xC880];
	[tilespmem:s1+$0x12EF0] =	vst v26  }
0x7e: {  	v17 =	vld [tilespmem:s13+$0xC890];
	[tilespmem:s1+$0x12F00] =	vst v10  }
0x7f: {  	v15 =	vld [tilespmem:s13+$0xC8A0];
	[tilespmem:s1+$0x12F10] =	vst v31  }
0x80: {  	v14 =	vld [tilespmem:s13+$0xC8B0];
	[tilespmem:s1+$0x12F20] =	vst v27  }
0x81: {  	v12 =	vld [tilespmem:s13+$0xC8C0];
	[tilespmem:s1+$0x12F30] =	vst v13  }
0x82: {  	v13 =	vld [tilespmem:s13+$0xC8D0];
	[tilespmem:s1+$0x12F40] =	vst v11  }
0x83: {  	v10 =	vld [tilespmem:s13+$0xC8E0];
	[tilespmem:s1+$0x12F50] =	vst v36  }
0x84: {  	v11 =	vld [tilespmem:s13+$0xC8F0];
	[tilespmem:s1+$0x12F60] =	vst v29  }
0x85: {  	v8 =	vld [tilespmem:s13+$0xC900];
	[tilespmem:s1+$0x12F70] =	vst v28  }
0x86: {  	v9 =	vld [tilespmem:s13+$0xC910];
	[tilespmem:s1+$0x12F80] =	vst v7  }
0x87: {  	v7 =	vld [tilespmem:s13+$0xC920];
	[tilespmem:s1+$0x12F90] =	vst v32  }
0x88: {  	v6 =	vld [tilespmem:s13+$0xC930];
	[tilespmem:s1+$0x12FA0] =	vst v37  }
0x89: {  	v4 =	vld [tilespmem:s13+$0xC940];
	[tilespmem:s1+$0x12FB0] =	vst v33  }
.Ltmp2:
0x8a: {  	v5 =	vld [tilespmem:s13+$0xC950];
	[tilespmem:s1+$0x12FC0] =	vst v35;
	(pc) =	sbr.rel @p1 .LBB2_3-.Ltmp2, $4  }
0x8b: {  	v2 =	vld [tilespmem:s13+$0xC960];
	[tilespmem:s1+$0x12FD0] =	vst v34  }
0x8c: {  	v3 =	vld [tilespmem:s13+$0xC970];
	[tilespmem:s1+$0x12FE0] =	vst v30  }
0x8d: {  	s25 =	sadd.s32 $0x10, s25;
	v1 =	vld [tilespmem:s13+$0xC980];
	[tilespmem:s1+$0x12FF0] =	vst v0;
	s1 =	smov.u32 s13  }
0x8e: {  	s0 =	sadd.s32 $0x1000, s0;
	v0 =	vld [tilespmem:s25+$0x0]  }
0x8f: {  	_ =	sdelay $0x3  }
0x90: {  	v30 =	vbroadcast v0, $0x0;
	_ =	sdelay $0x1  }
0x91: {  	v24 =	vmul.f32 v30, v24  }
0x92: {  	v25 =	vmul.f32 v25, v30  }
0x93: {  	v35 =	vbroadcast v0, $0x1;
	v23 =	vmul.f32 v23, v30;
	[tilespmem:s1+$0x12C00] =	vst v24  }
0x94: {  	v22 =	vmul.f32 v22, v30;
	[tilespmem:s1+$0x12C10] =	vst v25  }
0x95: {  	v20 =	vmul.f32 v20, v35;
	[tilespmem:s1+$0x12C20] =	vst v23  }
0x96: {  	v21 =	vmul.f32 v21, v35;
	[tilespmem:s1+$0x12C30] =	vst v22  }
0x97: {  	v49 =	vbroadcast v0, $0x2;
	v19 =	vmul.f32 v19, v35;
	[tilespmem:s1+$0x12C40] =	vst v20  }
0x98: {  	v18 =	vmul.f32 v18, v35;
	[tilespmem:s1+$0x12C50] =	vst v21  }
0x99: {  	v16 =	vmul.f32 v16, v49;
	[tilespmem:s1+$0x12C60] =	vst v19  }
0x9a: {  	v17 =	vmul.f32 v17, v49;
	[tilespmem:s1+$0x12C70] =	vst v18  }
0x9b: {  	v50 =	vbroadcast v0, $0x3;
	v15 =	vmul.f32 v15, v49;
	[tilespmem:s1+$0x12C80] =	vst v16  }
0x9c: {  	v14 =	vmul.f32 v14, v49;
	[tilespmem:s1+$0x12C90] =	vst v17  }
0x9d: {  	v12 =	vmul.f32 v12, v50;
	[tilespmem:s1+$0x12CA0] =	vst v15  }
0x9e: {  	v13 =	vmul.f32 v13, v50;
	[tilespmem:s1+$0x12CB0] =	vst v14  }
0x9f: {  	v51 =	vbroadcast v0, $0x4;
	v10 =	vmul.f32 v10, v50;
	[tilespmem:s1+$0x12CC0] =	vst v12  }
0xa0: {  	v11 =	vmul.f32 v11, v50;
	[tilespmem:s1+$0x12CD0] =	vst v13  }
0xa1: {  	v8 =	vmul.f32 v8, v51;
	[tilespmem:s1+$0x12CE0] =	vst v10  }
0xa2: {  	v9 =	vmul.f32 v9, v51;
	[tilespmem:s1+$0x12CF0] =	vst v11  }
0xa3: {  	v52 =	vbroadcast v0, $0x5;
	v7 =	vmul.f32 v7, v51;
	[tilespmem:s1+$0x12D00] =	vst v8  }
0xa4: {  	v6 =	vmul.f32 v6, v51;
	[tilespmem:s1+$0x12D10] =	vst v9  }
0xa5: {  	v26 =	vld [tilespmem:s1+$0xC990];
	v4 =	vmul.f32 v4, v52;
	[tilespmem:s1+$0x12D20] =	vst v7  }
0xa6: {  	v27 =	vld [tilespmem:s1+$0xC9A0];
	v5 =	vmul.f32 v5, v52;
	[tilespmem:s1+$0x12D30] =	vst v6  }
0xa7: {  	v28 =	vld [tilespmem:s1+$0xC9B0];
	v53 =	vbroadcast v0, $0x6;
	v2 =	vmul.f32 v2, v52;
	[tilespmem:s1+$0x12D40] =	vst v4  }
0xa8: {  	v29 =	vld [tilespmem:s1+$0xC9C0];
	v3 =	vmul.f32 v3, v52;
	[tilespmem:s1+$0x12D50] =	vst v5  }
0xa9: {  	v31 =	vld [tilespmem:s1+$0xC9D0];
	v1 =	vmul.f32 v1, v53;
	[tilespmem:s1+$0x12D60] =	vst v2  }
0xaa: {  	v32 =	vld [tilespmem:s1+$0xC9E0];
	v26 =	vmul.f32 v26, v53;
	[tilespmem:s1+$0x12D70] =	vst v3  }
0xab: {  	v33 =	vld [tilespmem:s1+$0xC9F0];
	v54 =	vbroadcast v0, $0x7;
	v27 =	vmul.f32 v27, v53;
	[tilespmem:s1+$0x12D80] =	vst v1  }
0xac: {  	v34 =	vld [tilespmem:s1+$0xCA00];
	v28 =	vmul.f32 v28, v53;
	[tilespmem:s1+$0x12D90] =	vst v26  }
0xad: {  	v29 =	vmul.f32 v29, v54;
	v24 =	vld [tilespmem:s1+$0xCA10];
	[tilespmem:s1+$0x12DA0] =	vst v27  }
0xae: {  	v56 =	vmul.f32 v31, v54;
	v25 =	vld [tilespmem:s1+$0xCA20];
	[tilespmem:s1+$0x12DB0] =	vst v28  }
0xaf: {  	v59 =	vbroadcast v0, $0x8;
	v58 =	vmul.f32 v32, v54;
	v23 =	vld [tilespmem:s1+$0xCA30];
	[tilespmem:s1+$0x12DC0] =	vst v29  }
0xb0: {  	v33 =	vmul.f32 v33, v54;
	v22 =	vld [tilespmem:s1+$0xCA40];
	[tilespmem:s1+$0x12DD0] =	vst v56  }
0xb1: {  	v61 =	vmul.f32 v34, v59;
	v20 =	vld [tilespmem:s1+$0xCA50];
	[tilespmem:s1+$0x12DE0] =	vst v58  }
0xb2: {  	v21 =	vld [tilespmem:s1+$0xCA60];
	[tilespmem:s1+$0x12DF0] =	vst v33;
	v24 =	vmul.f32 v24, v59  }
0xb3: {  	v63 =	vbroadcast v0, $0x9;
	v19 =	vld [tilespmem:s1+$0xCA70];
	[tilespmem:s1+$0x12E00] =	vst v61;
	v25 =	vmul.f32 v25, v59  }
0xb4: {  	v18 =	vld [tilespmem:s1+$0xCA80];
	v23 =	vmul.f32 v23, v59;
	[tilespmem:s1+$0x12E10] =	vst v24  }
0xb5: {  	v16 =	vld [tilespmem:s1+$0xCA90];
	v22 =	vmul.f32 v22, v63;
	[tilespmem:s1+$0x12E20] =	vst v25  }
0xb6: {  	v17 =	vld [tilespmem:s1+$0xCAA0];
	v20 =	vmul.f32 v20, v63;
	[tilespmem:s1+$0x12E30] =	vst v23  }
0xb7: {  	v15 =	vld [tilespmem:s1+$0xCAB0];
	v21 =	vmul.f32 v21, v63;
	v23 =	vbroadcast v0, $0xA;
	[tilespmem:s1+$0x12E40] =	vst v22  }
0xb8: {  	v14 =	vld [tilespmem:s1+$0xCAC0];
	v19 =	vmul.f32 v19, v63;
	[tilespmem:s1+$0x12E50] =	vst v20  }
0xb9: {  	v12 =	vld [tilespmem:s1+$0xCAD0];
	[tilespmem:s1+$0x12E60] =	vst v21;
	v18 =	vmul.f32 v18, v23  }
0xba: {  	v13 =	vld [tilespmem:s1+$0xCAE0];
	[tilespmem:s1+$0x12E70] =	vst v19;
	v16 =	vmul.f32 v16, v23  }
0xbb: {  	v10 =	vld [tilespmem:s1+$0xCAF0];
	v19 =	vbroadcast v0, $0xB;
	v17 =	vmul.f32 v17, v23;
	[tilespmem:s1+$0x12E80] =	vst v18  }
0xbc: {  	v11 =	vld [tilespmem:s1+$0xCB00];
	v15 =	vmul.f32 v15, v23;
	[tilespmem:s1+$0x12E90] =	vst v16  }
0xbd: {  	v8 =	vld [tilespmem:s1+$0xCB10];
	v14 =	vmul.f32 v14, v19;
	[tilespmem:s1+$0x12EA0] =	vst v17  }
0xbe: {  	v9 =	vld [tilespmem:s1+$0xCB20];
	v12 =	vmul.f32 v12, v19;
	[tilespmem:s1+$0x12EB0] =	vst v15  }
0xbf: {  	v7 =	vld [tilespmem:s1+$0xCB30];
	v13 =	vmul.f32 v13, v19;
	v15 =	vbroadcast v0, $0xC;
	[tilespmem:s1+$0x12EC0] =	vst v14  }
0xc0: {  	v6 =	vld [tilespmem:s1+$0xCB40];
	v10 =	vmul.f32 v10, v19;
	[tilespmem:s1+$0x12ED0] =	vst v12  }
0xc1: {  	v4 =	vld [tilespmem:s1+$0xCB50];
	[tilespmem:s1+$0x12EE0] =	vst v13;
	v11 =	vmul.f32 v11, v15  }
0xc2: {  	v5 =	vld [tilespmem:s1+$0xCB60];
	[tilespmem:s1+$0x12EF0] =	vst v10;
	v8 =	vmul.f32 v8, v15  }
0xc3: {  	v2 =	vld [tilespmem:s1+$0xCB70];
	v10 =	vbroadcast v0, $0xD;
	v9 =	vmul.f32 v9, v15;
	[tilespmem:s1+$0x12F00] =	vst v11  }
0xc4: {  	v3 =	vld [tilespmem:s1+$0xCB80];
	v7 =	vmul.f32 v7, v15;
	[tilespmem:s1+$0x12F10] =	vst v8  }
0xc5: {  	v1 =	vld [tilespmem:s1+$0xCB90];
	v6 =	vmul.f32 v6, v10;
	[tilespmem:s1+$0x12F20] =	vst v9  }
0xc6: {  	v26 =	vld [tilespmem:s1+$0xCBA0];
	v4 =	vmul.f32 v4, v10;
	[tilespmem:s1+$0x12F30] =	vst v7  }
0xc7: {  	v27 =	vld [tilespmem:s1+$0xCBB0];
	v5 =	vmul.f32 v5, v10;
	v7 =	vbroadcast v0, $0xE;
	[tilespmem:s1+$0x12F40] =	vst v6  }
0xc8: {  	v55 =	vld [tilespmem:s1+$0xCBC0];
	v2 =	vmul.f32 v2, v10;
	[tilespmem:s1+$0x12F50] =	vst v4  }
0xc9: {  	v57 =	vld [tilespmem:s1+$0xCBD0];
	[tilespmem:s1+$0x12F60] =	vst v5;
	v3 =	vmul.f32 v3, v7  }
0xca: {  	v60 =	vld [tilespmem:s1+$0xCBE0];
	[tilespmem:s1+$0x12F70] =	vst v2;
	v1 =	vmul.f32 v1, v7  }
0xcb: {  	v62 =	vld [tilespmem:s1+$0xCBF0];
	v0 =	vbroadcast v0, $0xF;
	v2 =	vmul.f32 v26, v7;
	[tilespmem:s1+$0x12F80] =	vst v3  }
0xcc: {  	v3 =	vmul.f32 v27, v7;
	[tilespmem:s1+$0x12F90] =	vst v1  }
0xcd: {  	v1 =	vmul.f32 v55, v0;
	[tilespmem:s1+$0x12FA0] =	vst v2  }
0xce: {  	v2 =	vmul.f32 v57, v0;
	[tilespmem:s1+$0x12FB0] =	vst v3  }
0xcf: {  	v3 =	vmul.f32 v60, v0;
	[tilespmem:s1+$0x12FC0] =	vst v1  }
0xd0: {  	v0 =	vmul.f32 v62, v0;
	[tilespmem:s1+$0x12FD0] =	vst v2  }
0xd1: {  	[tilespmem:s1+$0x12FE0] =	vst v3  }
0xd2: {  	[tilespmem:s1+$0x12FF0] =	vst v0  }
0xd3: {  	v0 =	vld [tilespmem:s29+$0x64B8];
	_ =	sdelay $0x1  }
0xd4: {  	v1 =	vld [tilespmem:$0xF800]  }
0xd5: {  	v2 =	vld [tilespmem:$0xF810]  }
0xd6: {  	v3 =	vld [tilespmem:$0xF820]  }
0xd7: {  	v5 =	vld [tilespmem:$0xF830];
	v4 =	vbroadcast v0, $0x8  }
0xd8: {  	v6 =	vld [tilespmem:$0xF840]  }
0xd9: {  	v7 =	vld [tilespmem:$0xF850];
	v1 =	vmul.f32 v4, v1  }
0xda: {  	v8 =	vld [tilespmem:$0xF860];
	v2 =	vmul.f32 v2, v4  }
0xdb: {  	v9 =	vld [tilespmem:$0xF870];
	[tilespmem:$0x15C00] =	vst v1;
	v1 =	vmul.f32 v3, v4;
	v3 =	vbroadcast v0, $0x9  }
0xdc: {  	[tilespmem:$0x15C10] =	vst v2;
	v2 =	vmul.f32 v5, v4;
	v4 =	vld [tilespmem:$0xF880]  }
0xdd: {  	v5 =	vld [tilespmem:$0xF890];
	[tilespmem:$0x15C20] =	vst v1;
	v1 =	vmul.f32 v6, v3  }
0xde: {  	[tilespmem:$0x15C30] =	vst v2;
	v2 =	vmul.f32 v7, v3;
	v6 =	vld [tilespmem:$0xF8A0]  }
0xdf: {  	v7 =	vbroadcast v0, $0xA;
	[tilespmem:$0x15C40] =	vst v1;
	v1 =	vmul.f32 v8, v3;
	v8 =	vld [tilespmem:$0xF8B0]  }
0xe0: {  	[tilespmem:$0x15C50] =	vst v2;
	v2 =	vmul.f32 v9, v3;
	v3 =	vld [tilespmem:$0xF8C0]  }
0xe1: {  	[tilespmem:$0x15C60] =	vst v1;
	v1 =	vmul.f32 v4, v7;
	v4 =	vld [tilespmem:$0xF8D0]  }
0xe2: {  	[tilespmem:$0x15C70] =	vst v2;
	v2 =	vmul.f32 v5, v7;
	v5 =	vld [tilespmem:$0xF8E0]  }
0xe3: {  	v9 =	vld [tilespmem:$0xF8F0];
	[tilespmem:$0x15C80] =	vst v1;
	v1 =	vmul.f32 v6, v7;
	v6 =	vbroadcast v0, $0xB  }
0xe4: {  	[tilespmem:$0x15C90] =	vst v2;
	v2 =	vmul.f32 v8, v7;
	v7 =	vld [tilespmem:$0xF900]  }
0xe5: {  	[tilespmem:$0x15CA0] =	vst v1;
	v1 =	vmul.f32 v3, v6;
	v3 =	vld [tilespmem:$0xF910]  }
0xe6: {  	[tilespmem:$0x15CB0] =	vst v2;
	v2 =	vmul.f32 v4, v6;
	v4 =	vld [tilespmem:$0xF920]  }
0xe7: {  	v8 =	vld [tilespmem:$0xF930];
	[tilespmem:$0x15CC0] =	vst v1;
	v1 =	vmul.f32 v5, v6;
	v5 =	vbroadcast v0, $0xC  }
0xe8: {  	[tilespmem:$0x15CD0] =	vst v2;
	v2 =	vmul.f32 v9, v6;
	v6 =	vld [tilespmem:$0xF940]  }
0xe9: {  	[tilespmem:$0x15CE0] =	vst v1;
	v1 =	vmul.f32 v7, v5;
	v7 =	vld [tilespmem:$0xF950]  }
0xea: {  	[tilespmem:$0x15CF0] =	vst v2;
	v2 =	vmul.f32 v3, v5;
	v3 =	vld [tilespmem:$0xF960]  }
0xeb: {  	v9 =	vld [tilespmem:$0xF970];
	[tilespmem:$0x15D00] =	vst v1;
	v1 =	vmul.f32 v4, v5;
	v4 =	vbroadcast v0, $0xD  }
0xec: {  	[tilespmem:$0x15D10] =	vst v2;
	v2 =	vmul.f32 v8, v5;
	v5 =	vld [tilespmem:$0xF980]  }
0xed: {  	[tilespmem:$0x15D20] =	vst v1;
	v1 =	vmul.f32 v6, v4;
	v6 =	vld [tilespmem:$0xF990]  }
0xee: {  	[tilespmem:$0x15D30] =	vst v2;
	v2 =	vmul.f32 v7, v4;
	v7 =	vld [tilespmem:$0xF9A0]  }
0xef: {  	v8 =	vld [tilespmem:$0xF9B0];
	[tilespmem:$0x15D40] =	vst v1;
	v1 =	vmul.f32 v3, v4;
	v3 =	vbroadcast v0, $0xE  }
0xf0: {  	[tilespmem:$0x15D50] =	vst v2;
	v2 =	vmul.f32 v9, v4;
	v4 =	vld [tilespmem:$0xF9C0]  }
0xf1: {  	[tilespmem:$0x15D60] =	vst v1;
	v1 =	vmul.f32 v5, v3;
	v5 =	vld [tilespmem:$0xF9D0]  }
0xf2: {  	[tilespmem:$0x15D70] =	vst v2;
	v2 =	vmul.f32 v6, v3;
	v6 =	vld [tilespmem:$0xF9E0]  }
0xf3: {  	v0 =	vbroadcast v0, $0xF;
	[tilespmem:$0x15D80] =	vst v1;
	v1 =	vmul.f32 v7, v3;
	v7 =	vld [tilespmem:$0xF9F0]  }
0xf4: {  	[tilespmem:$0x15D90] =	vst v2;
	v2 =	vmul.f32 v8, v3  }
0xf5: {  	[tilespmem:$0x15DA0] =	vst v1;
	v1 =	vmul.f32 v4, v0  }
0xf6: {  	[tilespmem:$0x15DB0] =	vst v2;
	v2 =	vmul.f32 v5, v0  }
0xf7: {  	s0 =	sadd.s32 s5, s30;
	[tilespmem:$0x15DC0] =	vst v1;
	v1 =	vmul.f32 v6, v0  }
0xf8: {  	s0 =	smul.u32 $0x640, s0;
	[tilespmem:$0x15DD0] =	vst v2;
	v0 =	vmul.f32 v7, v0  }
0xf9: {  	[tilespmem:$0x15DE0] =	vst v1  }
0xfa: {  	p1 =	seq.s32 s28, $0x3F;
	s0 =	sadd.s32 s2, s0;
	[tilespmem:$0x15DF0] =	vst v0  }
0xfb: {  	[hbm4b:s0+s3] =	stream.linear.scatter [tilespmem:s19], [sflag:$0x3], $0x3200, $0x38;
	[tilespmem:$0x19000] =	vst v63  }
0xfc: {  	s0 =	sshra.s32 @!p1 s31, $0x2  }
0xfd: {  	s13 =	simm.s32 @!p1 $0x68;
	s25 =	simm.s32 @!p1 $0xC800;
	s1 =	sadd.s32 @!p1 $0x190, s0  }
0xfe: {  	[tilespmem:s25], [sflag:$0x1] =	stream.indirect.gather @!p1 [hbm4b:s4+s13], $0x40, s1, s13, $0xb8;
	[tilespmem:$0x19000] =	vst v63  }
0xff: {  	s0 =	sadd.s32 @!p1 $0x1F8, s0;
	s1 =	simm.s32 @!p1 $0x60;
	s13 =	simm.s32 @!p1 $0xE200  }
0x100: {  	[tilespmem:s13], [sflag:$0x1] =	stream.indirect.gather @!p1 [hbm4b:s4+s1], $0x40, s0, s1, $0xb8;
	[tilespmem:$0x19000] =	vst v63  }
0x101: {  	_ =	swait.ge [sflag:s20], $0x1A00  }
0x102: {  	[sflag:s20] =	ssyncset.done $0x0  }
0x103: {  	[sflag:s20] =	ssyncadd.s32 $0xFFFFE600  }
0x104: {  	_ =	swait.ge [sflag:s20], $0x1800  }
0x105: {  	[sflag:s20] =	ssyncset.done $0x0  }
0x106: {  	s0 =	simm.s32 @!p0 $0x4;
	[sflag:s20] =	ssyncadd.s32 $0xFFFFE800  }
0x107: {  	_ =	swait.ge @!p0 [sflag:s0], $0x3200  }
0x108: {  	[sflag:s0] =	ssyncset.done @!p0 $0x0  }
0x109: {  	s1 =	simm.s32 $0x0;
	[sflag:s0] =	ssyncadd.s32 @!p0 $0xFFFFCE00  }
0x10a: {  	v24 =	vld [tilespmem:s1+$0xFA00]  }
0x10b: {  	v25 =	vld [tilespmem:s1+$0xFA10]  }
0x10c: {  	v23 =	vld [tilespmem:s1+$0xFA20]  }
0x10d: {  	v22 =	vld [tilespmem:s1+$0xFA30]  }
0x10e: {  	v20 =	vld [tilespmem:s1+$0xFA40]  }
0x10f: {  	v21 =	vld [tilespmem:s1+$0xFA50]  }
0x110: {  	v19 =	vld [tilespmem:s1+$0xFA60]  }
0x111: {  	v18 =	vld [tilespmem:s1+$0xFA70]  }
0x112: {  	v16 =	vld [tilespmem:s1+$0xFA80]  }
0x113: {  	v17 =	vld [tilespmem:s1+$0xFA90]  }
0x114: {  	v15 =	vld [tilespmem:s1+$0xFAA0]  }
0x115: {  	v14 =	vld [tilespmem:s1+$0xFAB0]  }
0x116: {  	v12 =	vld [tilespmem:s1+$0xFAC0]  }
0x117: {  	v13 =	vld [tilespmem:s1+$0xFAD0]  }
0x118: {  	v10 =	vld [tilespmem:s1+$0xFAE0]  }
0x119: {  	v11 =	vld [tilespmem:s1+$0xFAF0]  }
0x11a: {  	v8 =	vld [tilespmem:s1+$0xFB00]  }
0x11b: {  	v9 =	vld [tilespmem:s1+$0xFB10]  }
0x11c: {  	v7 =	vld [tilespmem:s1+$0xFB20]  }
0x11d: {  	v6 =	vld [tilespmem:s1+$0xFB30]  }
0x11e: {  	v4 =	vld [tilespmem:s1+$0xFB40]  }
0x11f: {  	v5 =	vld [tilespmem:s1+$0xFB50]  }
0x120: {  	s30 =	sor.u32 $0x1, s30;
	v2 =	vld [tilespmem:s1+$0xFB60]  }
0x121: {  	s25 =	smul.u32 $0x320, s30;
	v3 =	vld [tilespmem:s1+$0xFB70]  }
0x122: {  	v1 =	vld [tilespmem:s1+$0xFB80]  }
0x123: {  	s31 =	sshra.s32 s25, $0x2;
	s25 =	smov.u32 s26;
	s0 =	simm.s32 $0x1000;
	v0 =	vld [tilespmem:s26+$0x0]  }
.LBB2_5:
0x124: {  	p0 =	sne.s32 s0, $0xB000;
	v26 =	vld [tilespmem:s1+$0xFB90]  }
0x125: {  	v27 =	vld [tilespmem:s1+$0xFBA0]  }
0x126: {  	v28 =	vld [tilespmem:s1+$0xFBB0]  }
0x127: {  	v29 =	vld [tilespmem:s1+$0xFBC0]  }
0x128: {  	v30 =	vbroadcast v0, $0x0;
	v31 =	vbroadcast v0, $0x1;
	v32 =	vld [tilespmem:s1+$0xFBD0]  }
0x129: {  	v33 =	vbroadcast v0, $0x2;
	v34 =	vbroadcast v0, $0x3;
	v35 =	vld [tilespmem:s1+$0xFBE0]  }
0x12a: {  	v24 =	vmul.f32 v30, v24;
	v25 =	vmul.f32 v25, v30;
	v36 =	vld [tilespmem:s1+$0xFBF0]  }
0x12b: {  	v23 =	vmul.f32 v23, v30;
	v22 =	vmul.f32 v22, v30;
	v30 =	vld [tilespmem:s1+$0xFC00]  }
0x12c: {  	v20 =	vmul.f32 v20, v31;
	v21 =	vmul.f32 v21, v31;
	[tilespmem:s1+$0x15E00] =	vst v24;
	v24 =	vld [tilespmem:s1+$0xFC10]  }
0x12d: {  	v19 =	vmul.f32 v19, v31;
	v18 =	vmul.f32 v18, v31;
	[tilespmem:s1+$0x15E10] =	vst v25;
	v25 =	vld [tilespmem:s1+$0xFC20]  }
0x12e: {  	v16 =	vmul.f32 v16, v33;
	v17 =	vmul.f32 v17, v33;
	[tilespmem:s1+$0x15E20] =	vst v23;
	v23 =	vld [tilespmem:s1+$0xFC30]  }
0x12f: {  	v15 =	vmul.f32 v15, v33;
	v14 =	vmul.f32 v14, v33;
	[tilespmem:s1+$0x15E30] =	vst v22;
	v22 =	vld [tilespmem:s1+$0xFC40]  }
0x130: {  	v12 =	vmul.f32 v12, v34;
	v13 =	vmul.f32 v13, v34;
	[tilespmem:s1+$0x15E40] =	vst v20;
	v20 =	vld [tilespmem:s1+$0xFC50]  }
0x131: {  	v10 =	vmul.f32 v10, v34;
	v11 =	vmul.f32 v11, v34;
	[tilespmem:s1+$0x15E50] =	vst v21;
	v21 =	vld [tilespmem:s1+$0xFC60]  }
0x132: {  	v31 =	vbroadcast v0, $0x5;
	[tilespmem:s1+$0x15E60] =	vst v19;
	v19 =	vbroadcast v0, $0x4;
	v33 =	vld [tilespmem:s1+$0xFC70]  }
0x133: {  	v34 =	vbroadcast v0, $0x7;
	[tilespmem:s1+$0x15E70] =	vst v18;
	v18 =	vbroadcast v0, $0x6;
	v37 =	vld [tilespmem:s1+$0xFC80]  }
0x134: {  	[tilespmem:s1+$0x15E80] =	vst v16;
	v8 =	vmul.f32 v8, v19;
	v9 =	vmul.f32 v9, v19;
	v16 =	vld [tilespmem:s1+$0xFC90]  }
0x135: {  	v7 =	vmul.f32 v7, v19;
	v6 =	vmul.f32 v6, v19;
	[tilespmem:s1+$0x15E90] =	vst v17;
	v17 =	vld [tilespmem:s1+$0xFCA0]  }
0x136: {  	v4 =	vmul.f32 v4, v31;
	v5 =	vmul.f32 v5, v31;
	[tilespmem:s1+$0x15EA0] =	vst v15;
	v15 =	vld [tilespmem:s1+$0xFCB0]  }
0x137: {  	v2 =	vmul.f32 v2, v31;
	v3 =	vmul.f32 v3, v31;
	[tilespmem:s1+$0x15EB0] =	vst v14;
	v14 =	vld [tilespmem:s1+$0xFCC0]  }
0x138: {  	v1 =	vmul.f32 v1, v18;
	[tilespmem:s1+$0x15EC0] =	vst v12;
	v12 =	vmul.f32 v26, v18;
	v19 =	vld [tilespmem:s1+$0xFCD0]  }
0x139: {  	[tilespmem:s1+$0x15ED0] =	vst v13;
	v13 =	vmul.f32 v27, v18;
	v18 =	vmul.f32 v28, v18;
	v26 =	vld [tilespmem:s1+$0xFCE0]  }
0x13a: {  	v27 =	vmul.f32 v32, v34;
	[tilespmem:s1+$0x15EE0] =	vst v10;
	v10 =	vmul.f32 v29, v34;
	v28 =	vld [tilespmem:s1+$0xFCF0]  }
0x13b: {  	v29 =	vmul.f32 v36, v34;
	[tilespmem:s1+$0x15EF0] =	vst v11;
	v11 =	vmul.f32 v35, v34;
	v31 =	vld [tilespmem:s1+$0xFD00]  }
0x13c: {  	v32 =	vbroadcast v0, $0x9;
	[tilespmem:s1+$0x15F00] =	vst v8;
	v8 =	vbroadcast v0, $0x8;
	v34 =	vld [tilespmem:s1+$0xFD10]  }
0x13d: {  	v35 =	vbroadcast v0, $0xB;
	[tilespmem:s1+$0x15F10] =	vst v9;
	v9 =	vbroadcast v0, $0xA;
	v36 =	vld [tilespmem:s1+$0xFD20]  }
0x13e: {  	[tilespmem:s1+$0x15F20] =	vst v7;
	v7 =	vmul.f32 v30, v8;
	v24 =	vmul.f32 v24, v8;
	v30 =	vld [tilespmem:s1+$0xFD30]  }
0x13f: {  	[tilespmem:s1+$0x15F30] =	vst v6;
	v6 =	vmul.f32 v25, v8;
	v8 =	vmul.f32 v23, v8;
	v23 =	vld [tilespmem:s1+$0xFD40]  }
0x140: {  	v20 =	vmul.f32 v20, v32;
	[tilespmem:s1+$0x15F40] =	vst v4;
	v4 =	vmul.f32 v22, v32;
	v22 =	vld [tilespmem:s1+$0xFD50]  }
0x141: {  	[tilespmem:s1+$0x15F50] =	vst v5;
	v5 =	vmul.f32 v21, v32;
	v21 =	vmul.f32 v33, v32;
	v25 =	vld [tilespmem:s1+$0xFD60]  }
0x142: {  	v16 =	vmul.f32 v16, v9;
	[tilespmem:s1+$0x15F60] =	vst v2;
	v2 =	vmul.f32 v37, v9;
	v32 =	vld [tilespmem:s1+$0xFD70]  }
0x143: {  	[tilespmem:s1+$0x15F70] =	vst v3;
	v3 =	vmul.f32 v17, v9;
	v9 =	vmul.f32 v15, v9;
	v15 =	vld [tilespmem:s1+$0xFD80]  }
0x144: {  	[tilespmem:s1+$0x15F80] =	vst v1;
	v1 =	vmul.f32 v14, v35;
	v14 =	vmul.f32 v19, v35;
	v17 =	vld [tilespmem:s1+$0xFD90]  }
0x145: {  	[tilespmem:s1+$0x15F90] =	vst v12;
	v12 =	vmul.f32 v26, v35;
	v26 =	vmul.f32 v28, v35;
	v19 =	vld [tilespmem:s1+$0xFDA0]  }
0x146: {  	v28 =	vbroadcast v0, $0xD;
	[tilespmem:s1+$0x15FA0] =	vst v13;
	v13 =	vbroadcast v0, $0xC;
	v33 =	vld [tilespmem:s1+$0xFDB0]  }
0x147: {  	[tilespmem:s1+$0x15FB0] =	vst v18;
	v18 =	vbroadcast v0, $0xE;
	v35 =	vld [tilespmem:s1+$0xFDC0];
	v0 =	vbroadcast v0, $0xF  }
0x148: {  	[tilespmem:s1+$0x15FC0] =	vst v10;
	v10 =	vmul.f32 v31, v13;
	v31 =	vmul.f32 v34, v13;
	v34 =	vld [tilespmem:s1+$0xFDD0]  }
0x149: {  	[tilespmem:s1+$0x15FD0] =	vst v27;
	v27 =	vmul.f32 v36, v13;
	v13 =	vmul.f32 v30, v13;
	v30 =	vld [tilespmem:s1+$0xFDE0]  }
0x14a: {  	v36 =	vmul.f32 v22, v28;
	[tilespmem:s1+$0x15FE0] =	vst v11;
	v11 =	vmul.f32 v23, v28;
	v22 =	vld [tilespmem:s1+$0xFDF0]  }
0x14b: {  	[tilespmem:s1+$0x15FF0] =	vst v29;
	v29 =	vmul.f32 v25, v28;
	v28 =	vmul.f32 v32, v28  }
0x14c: {  	v32 =	vmul.f32 v17, v18;
	[tilespmem:s1+$0x16000] =	vst v7;
	v7 =	vmul.f32 v15, v18  }
0x14d: {  	v37 =	vmul.f32 v19, v18;
	v33 =	vmul.f32 v33, v18;
	[tilespmem:s1+$0x16010] =	vst v24  }
0x14e: {  	v35 =	vmul.f32 v35, v0;
	v34 =	vmul.f32 v34, v0;
	[tilespmem:s1+$0x16020] =	vst v6  }
0x14f: {  	v30 =	vmul.f32 v30, v0;
	[tilespmem:s1+$0x16030] =	vst v8;
	v0 =	vmul.f32 v22, v0  }
0x150: {  	[tilespmem:s1+$0x16040] =	vst v4  }
0x151: {  	[tilespmem:s1+$0x16050] =	vst v20  }
0x152: {  	s13 =	sshra.s32 s0, $0x2;
	[tilespmem:s1+$0x16060] =	vst v5  }
0x153: {  	v24 =	vld [tilespmem:s13+$0xFA00];
	[tilespmem:s1+$0x16070] =	vst v21  }
0x154: {  	v25 =	vld [tilespmem:s13+$0xFA10];
	[tilespmem:s1+$0x16080] =	vst v2  }
0x155: {  	v23 =	vld [tilespmem:s13+$0xFA20];
	[tilespmem:s1+$0x16090] =	vst v16  }
0x156: {  	v22 =	vld [tilespmem:s13+$0xFA30];
	[tilespmem:s1+$0x160A0] =	vst v3  }
0x157: {  	v20 =	vld [tilespmem:s13+$0xFA40];
	[tilespmem:s1+$0x160B0] =	vst v9  }
0x158: {  	v21 =	vld [tilespmem:s13+$0xFA50];
	[tilespmem:s1+$0x160C0] =	vst v1  }
0x159: {  	v19 =	vld [tilespmem:s13+$0xFA60];
	[tilespmem:s1+$0x160D0] =	vst v14  }
0x15a: {  	v18 =	vld [tilespmem:s13+$0xFA70];
	[tilespmem:s1+$0x160E0] =	vst v12  }
0x15b: {  	v16 =	vld [tilespmem:s13+$0xFA80];
	[tilespmem:s1+$0x160F0] =	vst v26  }
0x15c: {  	v17 =	vld [tilespmem:s13+$0xFA90];
	[tilespmem:s1+$0x16100] =	vst v10  }
0x15d: {  	v15 =	vld [tilespmem:s13+$0xFAA0];
	[tilespmem:s1+$0x16110] =	vst v31  }
0x15e: {  	v14 =	vld [tilespmem:s13+$0xFAB0];
	[tilespmem:s1+$0x16120] =	vst v27  }
0x15f: {  	v12 =	vld [tilespmem:s13+$0xFAC0];
	[tilespmem:s1+$0x16130] =	vst v13  }
0x160: {  	v13 =	vld [tilespmem:s13+$0xFAD0];
	[tilespmem:s1+$0x16140] =	vst v11  }
0x161: {  	v10 =	vld [tilespmem:s13+$0xFAE0];
	[tilespmem:s1+$0x16150] =	vst v36  }
0x162: {  	v11 =	vld [tilespmem:s13+$0xFAF0];
	[tilespmem:s1+$0x16160] =	vst v29  }
0x163: {  	v8 =	vld [tilespmem:s13+$0xFB00];
	[tilespmem:s1+$0x16170] =	vst v28  }
0x164: {  	v9 =	vld [tilespmem:s13+$0xFB10];
	[tilespmem:s1+$0x16180] =	vst v7  }
0x165: {  	v7 =	vld [tilespmem:s13+$0xFB20];
	[tilespmem:s1+$0x16190] =	vst v32  }
0x166: {  	v6 =	vld [tilespmem:s13+$0xFB30];
	[tilespmem:s1+$0x161A0] =	vst v37  }
0x167: {  	v4 =	vld [tilespmem:s13+$0xFB40];
	[tilespmem:s1+$0x161B0] =	vst v33  }
.Ltmp3:
0x168: {  	v5 =	vld [tilespmem:s13+$0xFB50];
	[tilespmem:s1+$0x161C0] =	vst v35;
	(pc) =	sbr.rel @p0 .LBB2_5-.Ltmp3, $4  }
0x169: {  	v2 =	vld [tilespmem:s13+$0xFB60];
	[tilespmem:s1+$0x161D0] =	vst v34  }
0x16a: {  	v3 =	vld [tilespmem:s13+$0xFB70];
	[tilespmem:s1+$0x161E0] =	vst v30  }
0x16b: {  	s25 =	sadd.s32 $0x10, s25;
	v1 =	vld [tilespmem:s13+$0xFB80];
	[tilespmem:s1+$0x161F0] =	vst v0;
	s1 =	smov.u32 s13  }
0x16c: {  	s0 =	sadd.s32 $0x1000, s0;
	v0 =	vld [tilespmem:s25+$0x0]  }
0x16d: {  	_ =	sdelay $0x3  }
0x16e: {  	v30 =	vbroadcast v0, $0x0;
	_ =	sdelay $0x1  }
0x16f: {  	v24 =	vmul.f32 v30, v24  }
0x170: {  	v25 =	vmul.f32 v25, v30  }
0x171: {  	v35 =	vbroadcast v0, $0x1;
	v23 =	vmul.f32 v23, v30;
	[tilespmem:s1+$0x15E00] =	vst v24  }
0x172: {  	v22 =	vmul.f32 v22, v30;
	[tilespmem:s1+$0x15E10] =	vst v25  }
0x173: {  	v20 =	vmul.f32 v20, v35;
	[tilespmem:s1+$0x15E20] =	vst v23  }
0x174: {  	v21 =	vmul.f32 v21, v35;
	[tilespmem:s1+$0x15E30] =	vst v22  }
0x175: {  	v44 =	vbroadcast v0, $0x2;
	v19 =	vmul.f32 v19, v35;
	[tilespmem:s1+$0x15E40] =	vst v20  }
0x176: {  	v18 =	vmul.f32 v18, v35;
	[tilespmem:s1+$0x15E50] =	vst v21  }
0x177: {  	v16 =	vmul.f32 v16, v44;
	[tilespmem:s1+$0x15E60] =	vst v19  }
0x178: {  	v17 =	vmul.f32 v17, v44;
	[tilespmem:s1+$0x15E70] =	vst v18  }
0x179: {  	v45 =	vbroadcast v0, $0x3;
	v15 =	vmul.f32 v15, v44;
	[tilespmem:s1+$0x15E80] =	vst v16  }
0x17a: {  	v14 =	vmul.f32 v14, v44;
	[tilespmem:s1+$0x15E90] =	vst v17  }
0x17b: {  	v12 =	vmul.f32 v12, v45;
	[tilespmem:s1+$0x15EA0] =	vst v15  }
0x17c: {  	v13 =	vmul.f32 v13, v45;
	[tilespmem:s1+$0x15EB0] =	vst v14  }
0x17d: {  	v46 =	vbroadcast v0, $0x4;
	v10 =	vmul.f32 v10, v45;
	[tilespmem:s1+$0x15EC0] =	vst v12  }
0x17e: {  	v11 =	vmul.f32 v11, v45;
	[tilespmem:s1+$0x15ED0] =	vst v13  }
0x17f: {  	v8 =	vmul.f32 v8, v46;
	[tilespmem:s1+$0x15EE0] =	vst v10  }
0x180: {  	v9 =	vmul.f32 v9, v46;
	[tilespmem:s1+$0x15EF0] =	vst v11  }
0x181: {  	v51 =	vbroadcast v0, $0x5;
	v7 =	vmul.f32 v7, v46;
	[tilespmem:s1+$0x15F00] =	vst v8  }
0x182: {  	v6 =	vmul.f32 v6, v46;
	[tilespmem:s1+$0x15F10] =	vst v9  }
0x183: {  	v26 =	vld [tilespmem:s1+$0xFB90];
	v4 =	vmul.f32 v4, v51;
	[tilespmem:s1+$0x15F20] =	vst v7  }
0x184: {  	v27 =	vld [tilespmem:s1+$0xFBA0];
	v5 =	vmul.f32 v5, v51;
	[tilespmem:s1+$0x15F30] =	vst v6  }
0x185: {  	v28 =	vld [tilespmem:s1+$0xFBB0];
	v56 =	vbroadcast v0, $0x6;
	v2 =	vmul.f32 v2, v51;
	[tilespmem:s1+$0x15F40] =	vst v4  }
0x186: {  	v29 =	vld [tilespmem:s1+$0xFBC0];
	v3 =	vmul.f32 v3, v51;
	[tilespmem:s1+$0x15F50] =	vst v5  }
0x187: {  	v31 =	vld [tilespmem:s1+$0xFBD0];
	v1 =	vmul.f32 v1, v56;
	[tilespmem:s1+$0x15F60] =	vst v2  }
0x188: {  	v32 =	vld [tilespmem:s1+$0xFBE0];
	v26 =	vmul.f32 v26, v56;
	[tilespmem:s1+$0x15F70] =	vst v3  }
0x189: {  	v33 =	vld [tilespmem:s1+$0xFBF0];
	v61 =	vbroadcast v0, $0x7;
	v27 =	vmul.f32 v27, v56;
	[tilespmem:s1+$0x15F80] =	vst v1  }
0x18a: {  	v34 =	vld [tilespmem:s1+$0xFC00];
	v28 =	vmul.f32 v28, v56;
	[tilespmem:s1+$0x15F90] =	vst v26  }
0x18b: {  	v43 =	vld [tilespmem:s1+$0xFC10];
	v29 =	vmul.f32 v29, v61;
	[tilespmem:s1+$0x15FA0] =	vst v27  }
0x18c: {  	v47 =	vld [tilespmem:s1+$0xFCF0];
	v36 =	vmul.f32 v31, v61;
	[tilespmem:s1+$0x15FB0] =	vst v28  }
0x18d: {  	v48 =	vld [tilespmem:s1+$0xFD00];
	v39 =	vbroadcast v0, $0x8;
	v38 =	vmul.f32 v32, v61;
	[tilespmem:s1+$0x15FC0] =	vst v29  }
0x18e: {  	v49 =	vld [tilespmem:s1+$0xFD10];
	v33 =	vmul.f32 v33, v61;
	[tilespmem:s1+$0x15FD0] =	vst v36  }
0x18f: {  	v50 =	vld [tilespmem:s1+$0xFD20];
	v41 =	vmul.f32 v34, v39;
	v45 =	vbroadcast v0, $0xB;
	[tilespmem:s1+$0x15FE0] =	vst v38  }
0x190: {  	v52 =	vld [tilespmem:s1+$0xFD30];
	v46 =	vbroadcast v0, $0xC;
	v24 =	vmul.f32 v43, v39;
	[tilespmem:s1+$0x15FF0] =	vst v33  }
0x191: {  	v53 =	vld [tilespmem:s1+$0xFD40];
	[tilespmem:s1+$0x16000] =	vst v41;
	v10 =	vmul.f32 v47, v45  }
0x192: {  	v54 =	vld [tilespmem:s1+$0xFD50];
	v11 =	vmul.f32 v48, v46;
	[tilespmem:s1+$0x16010] =	vst v24  }
0x193: {  	v55 =	vld [tilespmem:s1+$0xFD60];
	v8 =	vmul.f32 v49, v46;
	[tilespmem:s1+$0x160F0] =	vst v10  }
0x194: {  	v57 =	vld [tilespmem:s1+$0xFD70];
	v47 =	vbroadcast v0, $0xD;
	v9 =	vmul.f32 v50, v46;
	[tilespmem:s1+$0x16100] =	vst v11  }
0x195: {  	v58 =	vld [tilespmem:s1+$0xFD80];
	v7 =	vmul.f32 v52, v46;
	[tilespmem:s1+$0x16110] =	vst v8  }
0x196: {  	v59 =	vld [tilespmem:s1+$0xFD90];
	v6 =	vmul.f32 v53, v47;
	[tilespmem:s1+$0x16120] =	vst v9  }
0x197: {  	v60 =	vld [tilespmem:s1+$0xFDA0];
	v4 =	vmul.f32 v54, v47;
	[tilespmem:s1+$0x16130] =	vst v7  }
0x198: {  	v62 =	vld [tilespmem:s1+$0xFDB0];
	v48 =	vbroadcast v0, $0xE;
	v5 =	vmul.f32 v55, v47;
	[tilespmem:s1+$0x16140] =	vst v6  }
0x199: {  	v63 =	vld [tilespmem:s1+$0xFDC0];
	v2 =	vmul.f32 v57, v47;
	[tilespmem:s1+$0x16150] =	vst v4  }
0x19a: {  	v37 =	vld [tilespmem:s1+$0xFDD0];
	v3 =	vmul.f32 v58, v48;
	[tilespmem:s1+$0x16160] =	vst v5  }
0x19b: {  	v40 =	vld [tilespmem:s1+$0xFDE0];
	v1 =	vmul.f32 v59, v48;
	[tilespmem:s1+$0x16170] =	vst v2  }
0x19c: {  	v42 =	vld [tilespmem:s1+$0xFDF0];
	v49 =	vbroadcast v0, $0xF;
	v50 =	vmul.f32 v60, v48;
	[tilespmem:s1+$0x16180] =	vst v3  }
0x19d: {  	v25 =	vld [tilespmem:s1+$0xFC20];
	v51 =	vmul.f32 v62, v48;
	[tilespmem:s1+$0x16190] =	vst v1  }
0x19e: {  	v23 =	vld [tilespmem:s1+$0xFC30];
	v52 =	vmul.f32 v63, v49;
	[tilespmem:s1+$0x161A0] =	vst v50  }
0x19f: {  	v22 =	vld [tilespmem:s1+$0xFC40];
	v53 =	vmul.f32 v37, v49;
	[tilespmem:s1+$0x161B0] =	vst v51  }
0x1a0: {  	v44 =	vbroadcast v0, $0xA;
	v20 =	vld [tilespmem:s1+$0xFC50];
	v54 =	vmul.f32 v40, v49;
	[tilespmem:s1+$0x161C0] =	vst v52  }
0x1a1: {  	v21 =	vld [tilespmem:s1+$0xFC60];
	v43 =	vbroadcast v0, $0x9;
	v0 =	vmul.f32 v42, v49;
	[tilespmem:s1+$0x161D0] =	vst v53  }
0x1a2: {  	v19 =	vld [tilespmem:s1+$0xFC70];
	[tilespmem:s1+$0x161E0] =	vst v54;
	v25 =	vmul.f32 v25, v39  }
0x1a3: {  	v18 =	vld [tilespmem:s1+$0xFC80];
	[tilespmem:s1+$0x161F0] =	vst v0;
	v23 =	vmul.f32 v23, v39  }
0x1a4: {  	v16 =	vld [tilespmem:s1+$0xFC90];
	v22 =	vmul.f32 v22, v43;
	[tilespmem:s1+$0x16020] =	vst v25  }
0x1a5: {  	v17 =	vld [tilespmem:s1+$0xFCA0];
	v20 =	vmul.f32 v20, v43;
	[tilespmem:s1+$0x16030] =	vst v23  }
0x1a6: {  	v15 =	vld [tilespmem:s1+$0xFCB0];
	v21 =	vmul.f32 v21, v43;
	[tilespmem:s1+$0x16040] =	vst v22  }
0x1a7: {  	v14 =	vld [tilespmem:s1+$0xFCC0];
	v19 =	vmul.f32 v19, v43;
	[tilespmem:s1+$0x16050] =	vst v20  }
0x1a8: {  	v12 =	vld [tilespmem:s1+$0xFCD0];
	v18 =	vmul.f32 v18, v44;
	[tilespmem:s1+$0x16060] =	vst v21  }
0x1a9: {  	v13 =	vld [tilespmem:s1+$0xFCE0];
	v16 =	vmul.f32 v16, v44;
	[tilespmem:s1+$0x16070] =	vst v19  }
0x1aa: {  	v17 =	vmul.f32 v17, v44;
	[tilespmem:s1+$0x16080] =	vst v18  }
0x1ab: {  	v15 =	vmul.f32 v15, v44;
	[tilespmem:s1+$0x16090] =	vst v16  }
0x1ac: {  	v14 =	vmul.f32 v14, v45;
	[tilespmem:s1+$0x160A0] =	vst v17  }
0x1ad: {  	v12 =	vmul.f32 v12, v45;
	[tilespmem:s1+$0x160B0] =	vst v15  }
0x1ae: {  	v13 =	vmul.f32 v13, v45;
	[tilespmem:s1+$0x160C0] =	vst v14  }
0x1af: {  	[tilespmem:s1+$0x160D0] =	vst v12  }
0x1b0: {  	[tilespmem:s1+$0x160E0] =	vst v13  }
0x1b1: {  	v0 =	vld [tilespmem:s31+$0x64B8];
	_ =	sdelay $0x1  }
0x1b2: {  	v1 =	vld [tilespmem:$0x12A00]  }
0x1b3: {  	v2 =	vld [tilespmem:$0x12A10]  }
0x1b4: {  	v3 =	vld [tilespmem:$0x12A20]  }
0x1b5: {  	v5 =	vld [tilespmem:$0x12A30];
	v55 =	vbroadcast v0, $0x8  }
0x1b6: {  	v6 =	vld [tilespmem:$0x12A40]  }
0x1b7: {  	v56 =	vld [tilespmem:$0x12A50];
	v1 =	vmul.f32 v55, v1  }
0x1b8: {  	v8 =	vld [tilespmem:$0x12A60];
	v2 =	vmul.f32 v2, v55  }
0x1b9: {  	v9 =	vld [tilespmem:$0x12A70];
	v58 =	vbroadcast v0, $0x9;
	v57 =	vmul.f32 v3, v55;
	[tilespmem:$0x18E00] =	vst v1  }
0x1ba: {  	v60 =	vld [tilespmem:$0x12A80];
	v59 =	vmul.f32 v5, v55;
	[tilespmem:$0x18E10] =	vst v2  }
0x1bb: {  	v62 =	vld [tilespmem:$0x12A90];
	v61 =	vmul.f32 v6, v58;
	[tilespmem:$0x18E20] =	vst v57  }
0x1bc: {  	v12 =	vld [tilespmem:$0x12AA0];
	v63 =	vmul.f32 v56, v58;
	[tilespmem:$0x18E30] =	vst v59  }
0x1bd: {  	v15 =	vld [tilespmem:$0x12AB0];
	v14 =	vbroadcast v0, $0xA;
	v13 =	vmul.f32 v8, v58;
	[tilespmem:$0x18E40] =	vst v61  }
0x1be: {  	v17 =	vld [tilespmem:$0x12AC0];
	v16 =	vmul.f32 v9, v58;
	[tilespmem:$0x18E50] =	vst v63  }
0x1bf: {  	v19 =	vld [tilespmem:$0x12AD0];
	v18 =	vmul.f32 v60, v14;
	[tilespmem:$0x18E60] =	vst v13  }
0x1c0: {  	v21 =	vld [tilespmem:$0x12AE0];
	v20 =	vmul.f32 v62, v14;
	[tilespmem:$0x18E70] =	vst v16  }
0x1c1: {  	v24 =	vld [tilespmem:$0x12AF0];
	v23 =	vbroadcast v0, $0xB;
	v22 =	vmul.f32 v12, v14;
	[tilespmem:$0x18E80] =	vst v18  }
0x1c2: {  	v26 =	vld [tilespmem:$0x12B00];
	v25 =	vmul.f32 v15, v14;
	[tilespmem:$0x18E90] =	vst v20  }
0x1c3: {  	v28 =	vld [tilespmem:$0x12B10];
	v27 =	vmul.f32 v17, v23;
	[tilespmem:$0x18EA0] =	vst v22  }
0x1c4: {  	v30 =	vld [tilespmem:$0x12B20];
	v29 =	vmul.f32 v19, v23;
	[tilespmem:$0x18EB0] =	vst v25  }
0x1c5: {  	v33 =	vld [tilespmem:$0x12B30];
	v32 =	vbroadcast v0, $0xC;
	v31 =	vmul.f32 v21, v23;
	[tilespmem:$0x18EC0] =	vst v27  }
0x1c6: {  	v35 =	vld [tilespmem:$0x12B40];
	v34 =	vmul.f32 v24, v23;
	[tilespmem:$0x18ED0] =	vst v29  }
0x1c7: {  	v37 =	vld [tilespmem:$0x12B50];
	v36 =	vmul.f32 v26, v32;
	[tilespmem:$0x18EE0] =	vst v31  }
0x1c8: {  	v39 =	vld [tilespmem:$0x12B60];
	v38 =	vmul.f32 v28, v32;
	[tilespmem:$0x18EF0] =	vst v34  }
0x1c9: {  	v42 =	vld [tilespmem:$0x12B70];
	v41 =	vbroadcast v0, $0xD;
	v40 =	vmul.f32 v30, v32;
	[tilespmem:$0x18F00] =	vst v36  }
0x1ca: {  	v44 =	vld [tilespmem:$0x12B80];
	v43 =	vmul.f32 v33, v32;
	[tilespmem:$0x18F10] =	vst v38  }
0x1cb: {  	v46 =	vld [tilespmem:$0x12B90];
	v45 =	vmul.f32 v35, v41;
	[tilespmem:$0x18F20] =	vst v40  }
0x1cc: {  	v48 =	vld [tilespmem:$0x12BA0];
	v47 =	vmul.f32 v37, v41;
	[tilespmem:$0x18F30] =	vst v43  }
0x1cd: {  	v51 =	vld [tilespmem:$0x12BB0];
	v50 =	vbroadcast v0, $0xE;
	v49 =	vmul.f32 v39, v41;
	[tilespmem:$0x18F40] =	vst v45  }
0x1ce: {  	v53 =	vld [tilespmem:$0x12BC0];
	v52 =	vmul.f32 v42, v41;
	[tilespmem:$0x18F50] =	vst v47  }
0x1cf: {  	v54 =	vmul.f32 v44, v50;
	v55 =	vld [tilespmem:$0x12BD0];
	[tilespmem:$0x18F60] =	vst v49  }
0x1d0: {  	v56 =	vmul.f32 v46, v50;
	[tilespmem:$0x18F70] =	vst v52;
	v57 =	vld [tilespmem:$0x12BE0]  }
0x1d1: {  	v0 =	vbroadcast v0, $0xF;
	v58 =	vmul.f32 v48, v50;
	[tilespmem:$0x18F80] =	vst v54;
	v59 =	vld [tilespmem:$0x12BF0]  }
0x1d2: {  	v60 =	vmul.f32 v51, v50;
	[tilespmem:$0x18F90] =	vst v56  }
0x1d3: {  	[tilespmem:$0x18FA0] =	vst v58;
	v61 =	vmul.f32 v53, v0  }
0x1d4: {  	[tilespmem:$0x18FB0] =	vst v60;
	v62 =	vmul.f32 v55, v0  }
.Ltmp4:
0x1d5: {  	s0 =	sadd.s32 s5, s30;
	[tilespmem:$0x18FC0] =	vst v61;
	v63 =	vmul.f32 v57, v0;
	(pc) =	sbr.rel @p1 .LBB2_8-.Ltmp4, $4  }
0x1d6: {  	s0 =	smul.u32 $0x640, s0;
	[tilespmem:$0x18FD0] =	vst v62;
	v0 =	vmul.f32 v59, v0  }
0x1d7: {  	[tilespmem:$0x18FE0] =	vst v63  }
0x1d8: {  	s0 =	sadd.s32 s2, s0;
	[tilespmem:$0x18FF0] =	vst v0  }
0x1d9: {  	[hbm4b:s0+s3] =	stream.linear.scatter [tilespmem:s21], [sflag:$0x4], $0x3200, $0x38;
	[tilespmem:$0x19000] =	vst v63  }
.Ltmp5:
0x1da: {  	(pc) =	sbr.rel .LBB2_2-.Ltmp5, $4  }
0x1db: {  	s0 =	sadd.s32 $0x258, s29;
	s31 =	sadd.s32 $0x2C0, s29  }
0x1dc: {  	[tilespmem:s15], [sflag:$0x2] =	stream.indirect.gather [hbm4b:s4+s10], $0x40, s0, s10, $0xb8;
	[tilespmem:$0x19000] =	vst v63  }
0x1dd: {  	s28 =	sadd.s32 $0x1, s28;
	s11 =	sadd.s32 $0x190, s11;
	s26 =	sadd.s32 $0x190, s26  }
0x1de: {  	[tilespmem:s17], [sflag:$0x2] =	stream.indirect.gather [hbm4b:s4+s12], $0x40, s31, s12, $0xb8;
	[tilespmem:$0x19000] =	vst v63  }
.LBB2_9:
0x1df: {  	_ =	sfence.sel $0x180000  }
0x1e0: {  	[bflag:$0x0] =	sbarrier.arrive $0xFFFF  }
0x1e1: {  	_ =	strace $0x90000047  }
0x1e2: {  	s0 =	stileid.u32;
	[bflag:$0x2] =	sbarrier.arrive $0xFFFF  }
0x1e3: {  	p0 =	sne.s32 s0, $0x0;
	s0 =	rddreg [dreg:$0x2]  }
0x1e4: {  	s0 =	sadd.s32 @!p0 $0x100000, s0  }
0x1e5: {  	[sflag:s0] =	ssyncadd.tile.s32 @!p0 $0x1;
	_ =	shalt  }
.Lfunc_end2:
_tile_overlayer_lowered:
.L_overlay_start_2:
0x1e6: {  	(tag) =	ssettag $0x2  }
0x1e7: {  	s0 =	rddreg [dreg:$0x0];
	s2 =	stileid.u32  }
0x1e8: {  	s1 =	rddreg [dreg:$0x1];
	p0 =	sne.s32 s2, $0x0  }
0x1e9: {  	s3 =	rddreg [dreg:$0x2];
	[bflag:$0x3] =	sbarrier.arrive $0xFFFF;
	s2 =	simm.s32 @!p0 $0x1C05  }
0x1ea: {  	[timem:s3], [sflag:s2] =	dma.local @!p0 [hbm:s0], s1  }
0x1eb: {  	s0 =	simm.s32 @!p0 $0x5  }
0x1ec: {  	_ =	swait.ge @!p0 [sflag:s0], s1  }
0x1ed: {  	s1 =	ssub.s32 @!p0 $0x0, s1;
	[sflag:s0] =	ssyncset.done @!p0 $0x0  }
0x1ee: {  	[sflag:s0] =	ssyncadd.s32 @!p0 s1  }
0x1ef: {  	[bflag:$0x3] =	sbarrier.arrive $0xFFFF  }
0x1f0: {  	_ =	shalt  }

// kernel: sparse-core-data-format-call.cloned.1.call-start
scs
called_computation_lowered:
.L_overlay_start_0:
0x0: {  	s2 =	sld [smem:$0x3FD9]  }
0x1: {  	s3 =	sld [smem:$0x3FFE];
	_ =	sdelay $0x1  }
0x2: {  	s1 =	srdreg.scid  }
0x3: {  	s0 =	sand.u32 $0x1, s1  }
0x4: {  	s18 =	sshll.u32 s0, $0xA;
	s2 =	sadd.s32 s3, s2  }
0x5: {  	s2 =	sadd.s32 s2, s18  }
0x6: {  	[smem:$0x3FC5] =	sst s2  }
0x7: {  	_ = 	snop  }
0x8: {  	s2 =	sld [smem:$0x3FD0];
	(tm) =	ssettm $0x1  }
0x9: {  	s19 =	sld [smem:$0x3FFB];
	_ =	sdelay $0x3  }
0xa: {  	_ =	strace s19  }
0xb: {  	s3 =	sld [smem:$0x3FFC];
	_ =	sdelay $0x3  }
0xc: {  	_ =	strace s3  }
0xd: {  	s3 =	sld [smem:$0x3FFD];
	_ =	sdelay $0x3  }
0xe: {  	_ =	strace s3  }
0xf: {  	_ =	strace $0x8FFFFFFF  }
0x10: {  	s20 =	sld [smem:$0x3FDB];
	_ =	sdelay $0x1  }
0x11: {  	s4 =	simm.s32 $_scs_section_size  }
0x12: {  	s5 =	simm.s32 $_size__tile_overlayer_lowered;
	s6 =	simm.s32 $_tile_overlayer_lowered  }
0x13: {  	s23 =	simm.s32 $0x1BFF;
	s22 =	sshll.u32 s6, $0x1;
	s3 =	sadd.s32 s4, s20  }
0x14: {  	s7 =	simm.s32 $0x0;
	s21 =	sshll.u32 s5, $0x1;
	s5 =	sadd.s32 s22, s3  }
0x15: {  	[timem:s7], [sflag:s23] =	dma.local [hbm:s5], s21  }
0x16: {  	_ =	swait.ge [sflag:s23], s21  }
0x17: {  	s4 =	ssub.s32 $0x0, s21;
	[sflag:s23] =	ssyncset.done $0x0  }
0x18: {  	[sflag:s23] =	ssyncadd.s32 s4;
	_ =	sdelay $0x1  }
0x19: {  	s24 =	simm.s32 $0x1B8B  }
0x1a: {  	_ =	swait.ge [sflag:s24], $0x1  }
0x1b: {  	[sflag:s24] =	ssyncset.done $0x0  }
0x1c: {  	s26 =	simm.s32 $0x1B8E;
	s25 =	sld [smem:$0x3FFE];
	[sflag:s24] =	ssyncadd.s32 $0xFFFFFFFF  }
0x1d: {  	s27 =	simm.s32 $execute0_lowered;
	[smem:$0x3FD2] =	sst s26  }
0x1e: {  	s5 =	sshll.u32 s27, $0x1;
	_ =	strace $0x80000049;
	[dreg:$0x1] =	wrdreg $0xFFFFFFFF  }
0x1f: {  	s28 =	simm.s32 $_size_execute0_lowered;
	s3 =	sadd.s32 s3, s5;
	[dreg:$0x0] =	wrdreg $0x0  }
0x20: {  	s5 =	sshll.u32 s28, $0x1;
	[dreg:$0x2] =	wrdreg s3  }
0x21: {  	[dreg:$0x3] =	wrdreg s5  }
0x22: {  	[dreg:$0x4] =	wrdreg $0xC0  }
0x23: {  	_ =	task [dreg:s7], $0x5FFFF  }
0x24: {  	[dreg:$0x1] =	wrdreg $0xFFFFFFFF  }
0x25: {  	[dreg:$0x0] =	wrdreg $0x60  }
0x26: {  	[dreg:$0x2] =	wrdreg s25  }
0x27: {  	[dreg:$0x3] =	wrdreg s2  }
0x28: {  	[dreg:$0x4] =	wrdreg $0x9  }
0x29: {  	_ =	task.clear_ibuf [dreg:s7], $0x5FFFF;
	_ =	strace $0x90000049  }
0x2a: {  	s29 =	simm.s32 $0x9;
	_ =	strace $0x8000004B  }
0x2b: {  	_ =	swait.ge [sflag:s29], $0x1  }
0x2c: {  	[sflag:s29] =	ssyncadd.s32 $0xFFFFFFFF  }
0x2d: {  	_ =	strace $0x9000004B  }
0x2e: {  	_ =	sfence  }
0x2f: {  	s30 =	sld [smem:$0x0];
	_ =	sdelay $0x2  }
0x30: {  	s31 =	sshll.u32 s1, $0xD;
	s1 =	sshrl.u32 s1, $0x2  }
0x31: {  	s3 =	sand.u32 $0x4000, s31;
	s1 =	sadd.s32 s1, s30  }
0x32: {  	s0 =	sor.u32 s3, s0;
	s1 =	sshll.u32 s1, $0x11  }
0x33: {  	s0 =	sor.u32 s1, s0  }
0x34: {  	s0 =	sadd.s32 $0x8F2B, s0  }
0x35: {  	[sflag:s0] =	ssyncadd.remote.s32 $0x1  }
0x36: {  	_ =	sfence.sel $0xFFFF  }
0x37: {  	[dreg:$0x0] =	wrdreg $0xFFFFFFFF;
	(pc) =	sbr.abs _section_cstart, $3  }
0x38: {  	[dreg:$0x1] =	wrdreg $0xFFFFFFFF  }
0x39: {  	_ =	task.clear_ibuf [dreg:s7], $0x2FFFF;
	_ =	strace $0x9FFFFFFF  }
0x3a: {  	(tm) =	ssettm $0x7FFFFFFF  }
0x3b: {  	_ =	shalt  }
tec
execute0_lowered:
.L_overlay_start_1:
0x0: {  	(tag) =	ssettag $0x1  }
0x1: {  	s0 =	srdreg.scid  }
0x2: {  	s1 =	sshll.u32 s0, $0x4  }
0x3: {  	s0 =	stileid.u32;
	s1 =	sand.u32 $0x10, s1  }
0x4: {  	s1 =	sor.u32 s0, s1  }
0x5: {  	s6 =	rddreg [dreg:$0x0];
	s4 =	simm.s32 $0x1;
	s2 =	sshll.u32 s1, $0x7  }
0x6: {  	s7 =	simm.s32 $0x2;
	s12 =	simm.s32 $0x0;
	s1 =	ssub.s32 $0x1000, s2  }
0x7: {  	s8 =	simm.s32 $0x8000;
	s13 =	simm.s32 $0x0;
	s3 =	sand.u32 $0xF80, s1  }
0x8: {  	s9 =	simm.s32 $0x0;
	s5 =	sshrl.u32 s1, $0xC;
	p0 =	sne.s32 s3, $0x0  }
.Ltmp0:
0x9: {  	s1 =	rddreg [dreg:$0x2];
	s4 =	simm.s32 @!p0 $0x0;
	(pc) =	sbr.rel .LBB1_1-.Ltmp0, $4  }
0xa: {  	s11 =	simm.s32 $0x0;
	s3 =	rddreg [dreg:$0x1];
	s5 =	sadd.s32 s4, s5  }
0xb: {  	_ =	strace $0x8000004A;
	s4 =	simm.s32 $0x1;
	s5 =	smul.u32 $0x64, s5  }
0xc: {  	s6 =	sadd.s32 $0xA00, s6;
	s10 =	smov.u32 s2;
	[sflag:s4] =	ssyncpa.u1 $0x0  }
0xd: {  	p0 =	por $0x0, $0x0;
	[sflag:s7] =	ssyncpa.u1 $0x0;
	s7 =	sor.u32 $0x1, s5  }
.LBB1_4:
0xe: {  	v5 =	vld [tilespmem:s17+$0xFFFFFFD0];
	[tilespmem:s16+$0x2040 ss:$0x81] =	vst.msk $0xffff, v1  }
0xf: {  	v58 =	vld [tilespmem:s17+$0xFFFFFFE0];
	[tilespmem:s16+$0x2850 ss:$0x81] =	vst.msk $0xffff, v2  }
0x10: {  	s18 =	sshra.s32 s18, $0x2;
	v59 =	vld [tilespmem:s17+$0xFFFFFFF0];
	[tilespmem:s16+$0x3060 ss:$0x81] =	vst.msk $0xffff, v3  }
0x11: {  	v60 =	vld [tilespmem:s17+$0x0];
	[tilespmem:s16+$0x0 ss:$0x81] =	vst.msk $0xffff, v0;
	s15 =	sadd.s32 s18, s15  }
0x12: {  	v61 =	vld [tilespmem:s17+$0x10];
	[tilespmem:s15+$0x3870 ss:$0x81] =	vst.msk $0xffff, v4  }
0x13: {  	v62 =	vld [tilespmem:s17+$0x20];
	[tilespmem:s15+$0x810 ss:$0x81] =	vst.msk $0xffff, v5  }
0x14: {  	v63 =	vld [tilespmem:s17+$0xFFFFFFC0];
	[tilespmem:s15+$0x1020 ss:$0x81] =	vst.msk $0xffff, v58  }
0x15: {  	s28 =	sshll.u32 s13, $0x3;
	s29 =	sand.u32 $0x78, s13;
	[tilespmem:s15+$0x1830 ss:$0x81] =	vst.msk $0xffff, v59  }
0x16: {  	s30 =	sand.u32 $0xFE00, s13;
	s12 =	sshll.u32 s12, $0x10;
	s16 =	sand.u32 $0xC00, s28;
	[tilespmem:s15+$0x2040 ss:$0x81] =	vst.msk $0xffff, v60  }
0x17: {  	s31 =	sand.u32 $0x7, s13;
	s17 =	sadd.s32 s3, s30;
	s16 =	sor.u32 s29, s16;
	[tilespmem:s15+$0x2850 ss:$0x81] =	vst.msk $0xffff, v61  }
0x18: {  	s13 =	sshll.u32 s31, $0x12;
	s12 =	sadd.s32 s12, s17;
	s16 =	sshrl.u32 s16, $0x3;
	[tilespmem:s15+$0x3060 ss:$0x81] =	vst.msk $0xffff, v62  }
0x19: {  	s13 =	sor.u32 $0x400, s13;
	s12 =	sadd.s32 s16, s12;
	[tilespmem:s15+$0x0 ss:$0x81] =	vst.msk $0xffff, v63  }
0x1a: {  	[hbm4b:s12+s13] =	stream.strided.scatter [tilespmem:s14], [sflag:$0x2], $0x4000, s8, s13, $0x20;
	[tilespmem:$0x10100] =	vst v63  }
.LBB1_5:
0x1b: {  	s14 =	sadd.s32 $0x1, s9  }
0x1c: {  	s12 =	sadd.s32 $0x1000, s10;
	s16 =	smov.u32 s10;
	p2 =	sgt.s32 s14, $0x63  }
0x1d: {  	s16 =	smov.u32 @p2 s12  }
0x1e: {  	s14 =	simm.s32 @p2 $0x0;
	p2 =	sgt.s32 s16, $0xFFF  }
0x1f: {  	s16 =	smov.u32 @p2 s2;
	p2 =	sne.s32 s11, s7  }
.Ltmp1:
0x20: {  	p1 =	slt.u32 s11, $0x2;
	(pc) =	sbr.rel @!p2 .LBB1_6-.Ltmp1, $4  }
0x21: {  	s15 =	simm.s32 @!p1 $0x2  }
0x22: {  	s13 =	smov.u32 s10;
	p0 =	por !p0, !p0;
	_ =	swait.ge @!p1 [sflag:s15], $0x4000  }
0x23: {  	s12 =	smov.u32 s9;
	[sflag:s15] =	ssyncset.done @!p1 $0x0;
	s9 =	smov.u32 s14  }
0x24: {  	s11 =	sadd.s32 $0x1, s11;
	[sflag:s15] =	ssyncadd.s32 @!p1 $0xFFFFC000;
	s10 =	smov.u32 s16  }
.LBB1_1:
0x25: {  	p1 =	sge.u32 s11, s5  }
0x26: {  	s14 =	sand.u32 @!p1 $0x1FFFFFF, s9  }
0x27: {  	s15 =	smulhi.u32 @!p1 $0x2762763, s14;
	_ =	sdelay $0x1  }
0x28: {  	s15 =	smul.u32 @!p1 $0x68, s15  }
0x29: {  	s16 =	sxor.u32 @!p1 $0xFFFFFFFF, s11;
	s17 =	smul.u32 @!p1 $0x680, s10  }
0x2a: {  	s31 =	sadd.s32 $0xFFFFFFFF, s11;
	s16 =	sshll.u32 @!p1 s16, $0xE;
	s14 =	ssub.s32 @!p1 s14, s15  }
0x2b: {  	s15 =	sand.u32 @!p1 $0x4000, s16;
	s16 =	sadd.s32 @!p1 s6, s17;
	s14 =	sshll.u32 @!p1 s14, $0x4  }
0x2c: {  	s17 =	simm.s32 @!p1 $0x3400;
	s14 =	sadd.s32 @!p1 s14, s16;
	s16 =	simm.s32 @!p1 $0x80  }
0x2d: {  	[tilespmem:s15], [sflag:$0x1] =	stream.strided.gather @!p1 [hbm4b:s14+s16], $0x4000, s17, s16, $0x38;
	[tilespmem:$0x10100] =	vst v63  }
0x2e: {  	p1 =	sge.u32 s31, s5  }
.Ltmp2:
0x2f: {  	_ = 	snop;
	(pc) =	sbr.rel @p1 .LBB1_5-.Ltmp2, $1  }
0x30: {  	_ =	sdelay $0x3  }
0x31: {  	s14 =	simm.s32 $0x1  }
0x32: {  	_ =	swait.ge [sflag:s4], $0x4000;
	s14 =	simm.s32 @!p0 $0x0  }
0x33: {  	[sflag:s4] =	ssyncset.done $0x0;
	s15 =	sshll.u32 s14, $0xE  }
0x34: {  	[sflag:s4] =	ssyncadd.s32 $0xFFFFC000;
	s17 =	sor.u32 $0x40, s15  }
0x35: {  	s14 =	smul.u32 $0x10200, s14;
	v0 =	vld [tilespmem:s17+$0x30]  }
0x36: {  	v3 =	vld [tilespmem:s17+$0xFFFFFFD0]  }
0x37: {  	s14 =	sshrl.u32 s14, $0x2;
	v4 =	vld [tilespmem:s17+$0xFFFFFFE0]  }
0x38: {  	v5 =	vld [tilespmem:s17+$0xFFFFFFF0];
	s15 =	sor.u32 $0x8000, s14  }
0x39: {  	s31 =	sand.u32 $0x1, s11;
	v1 =	vld [tilespmem:s17+$0x0];
	s16 =	sadd.s32 $0x0, s15  }
0x3a: {  	v2 =	vld [tilespmem:s17+$0x10];
	s14 =	smul.u32 $0x10200, s31;
	[tilespmem:s16+$0x3870 ss:$0x81] =	vst.msk $0xffff, v0  }
0x3b: {  	[tilespmem:s16+$0x810 ss:$0x81] =	vst.msk $0xffff, v3;
	v3 =	vld [tilespmem:s17+$0x20]  }
0x3c: {  	s14 =	sshrl.u32 s14, $0x2;
	v0 =	vld [tilespmem:s17+$0xFFFFFFC0];
	[tilespmem:s16+$0x1020 ss:$0x81] =	vst.msk $0xffff, v4;
	s17 =	sadd.s32 $0x80, s17  }
0x3d: {  	s18 =	simm.s32 $0x4;
	s19 =	simm.s32 $0x8;
	s14 =	sor.u32 $0x8000, s14;
	[tilespmem:s16+$0x1830 ss:$0x81] =	vst.msk $0xffff, v5;
	v4 =	vld [tilespmem:s17+$0x30]  }
.LBB1_3:
0x3e: {  	p1 =	sne.s32 s19, $0x1FC;
	v5 =	vld [tilespmem:s17+$0xFFFFFFD0];
	[tilespmem:s16+$0x2040 ss:$0x81] =	vst.msk $0xffff, v1  }
0x3f: {  	v6 =	vld [tilespmem:s17+$0xFFFFFFE0];
	[tilespmem:s16+$0x2850 ss:$0x81] =	vst.msk $0xffff, v2  }
0x40: {  	s20 =	sshra.s32 s18, $0x2;
	s18 =	smov.u32 s19;
	v7 =	vld [tilespmem:s17+$0xFFFFFFF0];
	[tilespmem:s16+$0x3060 ss:$0x81] =	vst.msk $0xffff, v3  }
.Ltmp3:
0x41: {  	v1 =	vld [tilespmem:s17+$0x0];
	[tilespmem:s16+$0x0 ss:$0x81] =	vst.msk $0xffff, v0;
	s16 =	sadd.s32 s20, s15;
	(pc) =	sbr.rel @p1 .LBB1_3-.Ltmp3, $4  }
0x42: {  	v2 =	vld [tilespmem:s17+$0x10];
	[tilespmem:s16+$0x3870 ss:$0x81] =	vst.msk $0xffff, v4  }
0x43: {  	[tilespmem:s16+$0x810 ss:$0x81] =	vst.msk $0xffff, v5;
	v3 =	vld [tilespmem:s17+$0x20]  }
0x44: {  	v0 =	vld [tilespmem:s17+$0xFFFFFFC0];
	[tilespmem:s16+$0x1020 ss:$0x81] =	vst.msk $0xffff, v6;
	s17 =	sadd.s32 $0x80, s17  }
0x45: {  	s19 =	sadd.s32 $0x4, s19;
	v4 =	vld [tilespmem:s17+$0x30];
	[tilespmem:s16+$0x1830 ss:$0x81] =	vst.msk $0xffff, v7  }
.Ltmp4:
0x46: {  	_ = 	snop;
	(pc) =	sbr.rel .LBB1_4-.Ltmp4, $1  }
0x47: {  	_ =	sdelay $0x3  }
.LBB1_6:
0x48: {  	_ =	sfence.sel $0x180000  }
0x49: {  	s2 =	simm.s32 $0x1;
	[bflag:$0x0] =	sbarrier.arrive $0xFFFF  }
0x4a: {  	s31 =	simm.s32 $0x2;
	[sflag:s2] =	ssyncpa.u1 $0x1  }
0x4b: {  	[sflag:s31] =	ssyncpa.u1 $0x1  }
0x4c: {  	p0 =	sne.s32 s0, $0x0;
	_ =	strace $0x9000004A  }
0x4d: {  	s0 =	sadd.s32 @!p0 $0x100000, s1;
	[bflag:$0x2] =	sbarrier.arrive $0xFFFF  }
0x4e: {  	[sflag:s0] =	ssyncadd.tile.s32 @!p0 $0x1;
	_ =	shalt  }
.Lfunc_end1:
_tile_overlayer_lowered:
.L_overlay_start_2:
0x4f: {  	(tag) =	ssettag $0x2  }
0x50: {  	s0 =	rddreg [dreg:$0x0];
	s2 =	stileid.u32  }
0x51: {  	s1 =	rddreg [dreg:$0x1];
	p0 =	sne.s32 s2, $0x0  }
0x52: {  	s3 =	rddreg [dreg:$0x2];
	[bflag:$0x3] =	sbarrier.arrive $0xFFFF;
	s2 =	simm.s32 @!p0 $0x1C01  }
0x53: {  	[timem:s3], [sflag:s2] =	dma.local @!p0 [hbm:s0], s1  }
0x54: {  	s0 =	simm.s32 @!p0 $0x1  }
0x55: {  	_ =	swait.ge @!p0 [sflag:s0], s1  }
0x56: {  	s1 =	ssub.s32 @!p0 $0x0, s1;
	[sflag:s0] =	ssyncset.done @!p0 $0x0  }
0x57: {  	[sflag:s0] =	ssyncadd.s32 @!p0 s1  }
0x58: {  	[bflag:$0x3] =	sbarrier.arrive $0xFFFF  }
0x59: {  	_ =	shalt  }

</sc_bundles>
